<compile_context>
chip_gen: v7x
topology: tpu7x:2x2x1
jax: 0.10.2.dev20260603
libtpu: 0.0.44.dev20260713+nightly
codegen_flags: <defaults>
</compile_context>

<pallas_src>
import functools

import jax
import jax.numpy as jnp
from jax import lax
from jax.experimental import pallas as pl
from jax.experimental.pallas import tpu as pltpu
from jax.experimental.pallas import tpu_sc as plsc

N_NODES = 10000
D_IN = 256
D_OUT = 256

NC = 2
NT = 16
G = 128
HALF = 128
NP = 10112
SCRAP = 10016
GRP = 8
ROWS_PT = NP // NT


def _sc_aggregate(ep, xcat, src2, dst2):
    ept = ep // NT
    chunks = ept // G
    ngroups = chunks // GRP

    mesh = plsc.VectorSubcoreMesh(core_axis_name="c", subcore_axis_name="s")

    @functools.partial(
        pl.kernel,
        out_type=jax.ShapeDtypeStruct((NC, NP, HALF), jnp.float32),
        mesh=mesh,
        scratch_types=[
            pltpu.VMEM((ept,), jnp.int32),
            [pltpu.VMEM((GRP, G), jnp.int32)] * 2,
            [pltpu.VMEM((G, HALF), jnp.float32)] * 2,
            pltpu.VMEM_SHARED((NP, HALF), jnp.float32),
            [pltpu.SemaphoreType.DMA] * 2,
            [pltpu.SemaphoreType.DMA] * 2,
            [pltpu.SemaphoreType.DMA] * 2,
            pltpu.SemaphoreType.DMA,
        ],
    )
    def kernel_fn(xcat_hbm, src_hbm, dst_hbm, out_hbm,
                  src_v, dring, bufs, acc,
                  gsem, ssem, dsem, sem_i):
        c = lax.axis_index("c")
        t = lax.axis_index("s")

        cp_src = pltpu.async_copy(
            src_hbm.at[c, pl.ds(t * ept, ept)], src_v, sem_i)
        pltpu.async_copy(
            dst_hbm.at[pl.ds(t * chunks, GRP)], dring[0], dsem[0])

        z = jnp.zeros((16,), jnp.float32)

        @pl.loop(0, G)
        def _(r):
            row = bufs[0].at[r]
            for qq in range(HALF // 16):
                row[pl.ds(qq * 16, 16)] = z

        for k in range(ROWS_PT // G):
            pltpu.sync_copy(bufs[0], acc.at[pl.ds(t * ROWS_PT + k * G, G)])
        rem = ROWS_PT % G
        if rem:
            pltpu.sync_copy(
                bufs[0].at[pl.ds(0, rem)],
                acc.at[pl.ds(t * ROWS_PT + (ROWS_PT // G) * G, rem)])

        cp_src.wait()
        plsc.subcore_barrier()

        pltpu.async_copy(
            xcat_hbm.at[src_v.at[pl.ds(0, G)]], bufs[0], gsem[0])

        @pl.loop(0, ngroups // 2)
        def _(gi):
            for gg in range(2):
                for u in range(GRP):
                    j = (gi * 2 + gg) * GRP + u
                    k = (u + gg * GRP) % 2
                    kn = (k + 1) % 2

                    @pl.when(j >= 1)
                    def _():
                        pltpu.make_async_copy(
                            bufs[kn], acc.at[dring[gg].at[0]],
                            ssem[kn]).wait()

                    if u == 0:
                        pltpu.make_async_copy(
                            dst_hbm.at[pl.ds(0, GRP)], dring[gg],
                            dsem[gg]).wait()
                        g_cur = gi * 2 + gg

                        @pl.when(g_cur + 1 < ngroups)
                        def _():
                            pltpu.async_copy(
                                dst_hbm.at[
                                    pl.ds(t * chunks + (g_cur + 1) * GRP,
                                          GRP)],
                                dring[1 - gg], dsem[1 - gg])

                    @pl.when(j + 1 < chunks)
                    def _():
                        for q in range(4):
                            pltpu.async_copy(
                                xcat_hbm.at[
                                    src_v.at[pl.ds((j + 1) * G + q * 32, 32)]],
                                bufs[kn].at[pl.ds(q * 32, 32)], gsem[kn])

                    for q in range(4):
                        pltpu.make_async_copy(
                            xcat_hbm.at[src_v.at[pl.ds(j * G + q * 32, 32)]],
                            bufs[k].at[pl.ds(q * 32, 32)], gsem[k]).wait()
                    pltpu.async_copy(bufs[k], acc.at[dring[gg].at[u]],
                                     ssem[k], add=True)

        pltpu.make_async_copy(
            bufs[(chunks - 1) % 2], acc.at[dring[1].at[GRP - 1]],
            ssem[(chunks - 1) % 2]).wait()

        plsc.subcore_barrier()

        pltpu.sync_copy(
            acc.at[pl.ds(t * ROWS_PT, ROWS_PT)],
            out_hbm.at[c, pl.ds(t * ROWS_PT, ROWS_PT)],
        )

    return kernel_fn(xcat, src2, dst2)


def _tc_linear(hpair, wt, b2):
    bm = 400
    grid = (N_NODES // bm,)

    def body(hl_ref, hr_ref, wt_ref, b_ref, o_ref):
        acc = jnp.dot(hl_ref[0], wt_ref[:HALF, :],
                      preferred_element_type=jnp.float32)
        acc = acc + jnp.dot(hr_ref[0], wt_ref[HALF:, :],
                            preferred_element_type=jnp.float32)
        o_ref[...] = jnp.maximum(acc + b_ref[...], 0.0)

    return pl.pallas_call(
        body,
        grid=grid,
        in_specs=[
            pl.BlockSpec((1, bm, HALF), lambda i: (0, i, 0)),
            pl.BlockSpec((1, bm, HALF), lambda i: (1, i, 0)),
            pl.BlockSpec((D_IN, D_OUT), lambda i: (0, 0)),
            pl.BlockSpec((1, D_OUT), lambda i: (0, 0)),
        ],
        out_specs=pl.BlockSpec((bm, D_OUT), lambda i: (i, 0)),
        out_shape=jax.ShapeDtypeStruct((N_NODES, D_OUT), jnp.float32),
    )(hpair, hpair, wt, b2)


@jax.jit
def kernel(x, edge_index, W, b):
    e = edge_index.shape[1]
    quantum = NT * G * 2 * GRP
    ep = ((e + quantum - 1) // quantum) * quantum

    src = edge_index[0]
    dst = edge_index[1]
    src_p = jnp.concatenate([src, jnp.zeros((ep - e,), jnp.int32)])
    dst_p = jnp.concatenate(
        [dst, jnp.full((ep - e,), SCRAP, jnp.int32)])
    src2 = jnp.stack([2 * src_p, 2 * src_p + 1])
    dst2 = dst_p.reshape(ep // G, G)
    xcat = x.reshape(2 * N_NODES, HALF)

    hpair = _sc_aggregate(ep, xcat, src2, dst2)

    return _tc_linear(hpair, W.T, b.reshape(1, D_OUT))

# --- scband reference (transcript-rebuilt; emitter-appended) ---
"""Pipeline reference for scband-gcn-31095563223153 (READ-ONLY COPY).

The authoritative reference and input builder live on the scoring server;
editing this copy changes nothing except your own understanding.
"""

import jax, jax.numpy as jnp
import numpy as np

N_NODES = 10000
N_EDGES = 160000
D_IN = 256
D_OUT = 256


def setup_inputs(seed: int = 0) -> dict:
    key = jax.random.key(seed)
    k1, k2, k3, k4 = jax.random.split(key, 4)
    x = jax.random.normal(k1, (N_NODES, D_IN), dtype=jnp.float32)
    edge_index = jax.random.randint(k2, (2, N_EDGES), 0, N_NODES, dtype=jnp.int32)
    # Linear layer params (nn.Linear(in_feats, out_feats)): W [out, in], b [out]
    bound = 1.0 / np.sqrt(D_IN)
    W = jax.random.uniform(k3, (D_OUT, D_IN), dtype=jnp.float32, minval=-bound, maxval=bound)
    b = jax.random.uniform(k4, (D_OUT,), dtype=jnp.float32, minval=-bound, maxval=bound)
    return {"x": x, "edge_index": edge_index, "W": W, "b": b}


def reference(x, edge_index, W, b):
    # DGL GCN layer:
    # 1) update_all(copy_src('h'), sum): aggregate source features into destination nodes
    # 2) apply_nodes: linear + activation (relu)
    # batchnorm=False, so BN is skipped.
    src = edge_index[0]
    dst = edge_index[1]
    messages = jnp.take(x, src, axis=0)              # copy_src -> gather [E, D_IN]
    h = jax.ops.segment_sum(messages, dst, num_segments=N_NODES)  # sum reduce [N, D_IN]
    out = h @ W.T + b                                # linear
    out = jax.nn.relu(out)                           # activation
    return out

if __name__ == "__main__":
    import jax
    _d = setup_inputs()
    print(jax.jit(kernel)(*tuple(_d.values())))

</pallas_src>

<mosaic_0001>
#map = affine_map<(d0, d1) -> (0, 0)>
#map1 = affine_map<(d0, d1) -> (0, 0, 0)>
module attributes {stable_mosaic.version = 14 : i64} {
  func.func @kernel_fn(%arg0: i32, %arg1: i32, %arg2: memref<20000x128xf32, #tpu.memory_space<hbm>>, %arg3: memref<2x163840xi32, #tpu.memory_space<hbm>>, %arg4: memref<1280x128xi32, #tpu.memory_space<hbm>>, %arg5: memref<2x10112x128xf32, #tpu.memory_space<hbm>>, %arg6: memref<10240xi32, #tpu.memory_space<vmem>>, %arg7: memref<8x128xi32, #tpu.memory_space<vmem>>, %arg8: memref<8x128xi32, #tpu.memory_space<vmem>>, %arg9: memref<128x128xf32, #tpu.memory_space<vmem>>, %arg10: memref<128x128xf32, #tpu.memory_space<vmem>>, %arg11: memref<10112x128xf32, #tpu.memory_space<vmem_shared>>, %arg12: memref<!tpu.dma_semaphore, #tpu.memory_space<semaphore_mem>>, %arg13: memref<!tpu.dma_semaphore, #tpu.memory_space<semaphore_mem>>, %arg14: memref<!tpu.dma_semaphore, #tpu.memory_space<semaphore_mem>>, %arg15: memref<!tpu.dma_semaphore, #tpu.memory_space<semaphore_mem>>, %arg16: memref<!tpu.dma_semaphore, #tpu.memory_space<semaphore_mem>>, %arg17: memref<!tpu.dma_semaphore, #tpu.memory_space<semaphore_mem>>, %arg18: memref<!tpu.dma_semaphore, #tpu.memory_space<semaphore_mem>>) attributes {dimension_semantics = [#tpu.dimension_semantics<core_parallel>, #tpu.dimension_semantics<subcore_parallel>], iteration_bounds = array<i64: 2, 16>, scalar_prefetch = 0 : i64, scratch_operands = 13 : i64, tpu.core_type = #tpu.core_type<sc_vector_subcore>, window_params = [{transform_indices = #map}, {transform_indices = #map}, {transform_indices = #map}, {transform_indices = #map1}]} {
    %mul3A = arith.constant 10240 : i32
    %mul3A_0 = arith.muli %arg1, %mul3A : i32
    %dma_start3A = tpu.memref_slice %arg3[%arg0, %mul3A_0] : memref<2x163840xi32, #tpu.memory_space<hbm>> -> memref<1x10240xi32, #tpu.memory_space<hbm>>
    %dma_start3A_1 = tpu.memref_squeeze %dma_start3A : memref<1x10240xi32, #tpu.memory_space<hbm>> -> memref<10240xi32, #tpu.memory_space<hbm>>
    %dma_start3A_2 = tpu.memref_slice %arg3[%arg0, %mul3A_0] : memref<2x163840xi32, #tpu.memory_space<hbm>> -> memref<1x10240xi32, #tpu.memory_space<hbm>>
    %dma_start3A_3 = tpu.memref_squeeze %dma_start3A_2 : memref<1x10240xi32, #tpu.memory_space<hbm>> -> memref<10240xi32, #tpu.memory_space<hbm>>
    tpu.enqueue_dma source(%dma_start3A_3 : memref<10240xi32, #tpu.memory_space<hbm>>) target(%arg6 : memref<10240xi32, #tpu.memory_space<vmem>>) target_semaphore(%arg18 : memref<!tpu.dma_semaphore, #tpu.memory_space<semaphore_mem>>)
    %mul3A_4 = arith.constant 80 : i32
    %mul3A_5 = arith.muli %arg1, %mul3A_4 : i32
    %dma_start3A_6 = arith.constant 0 : i32
    %dma_start3A_7 = tpu.memref_slice %arg4[%mul3A_5, %dma_start3A_6] : memref<1280x128xi32, #tpu.memory_space<hbm>> -> memref<8x128xi32, #tpu.memory_space<hbm>>
    %dma_start3A_8 = arith.constant 0 : i32
    %dma_start3A_9 = tpu.memref_slice %arg4[%mul3A_5, %dma_start3A_8] : memref<1280x128xi32, #tpu.memory_space<hbm>> -> memref<8x128xi32, #tpu.memory_space<hbm>>
    tpu.enqueue_dma source(%dma_start3A_9 : memref<8x128xi32, #tpu.memory_space<hbm>>) target(%arg7 : memref<8x128xi32, #tpu.memory_space<vmem>>) target_semaphore(%arg16 : memref<!tpu.dma_semaphore, #tpu.memory_space<semaphore_mem>>)
    %broadcast_in_dim3A = arith.constant 0.000000e+00 : f32
    %broadcast_in_dim3A_10 = vector.broadcast %broadcast_in_dim3A : f32 to vector<16xf32>
    %scan3A = arith.constant 0 : i32
    %scan3A_11 = arith.constant 128 : i32
    %scan3A_12 = arith.addi %scan3A, %scan3A_11 : i32
    %scan3A_13 = arith.constant 1 : i32
    scf.for %scan3A_59 = %scan3A to %scan3A_12 step %scan3A_13  : i32 {
      %mul3A_60 = arith.constant 1 : i32
      %mul3A_61 = arith.muli %scan3A_59, %mul3A_60 : i32
      %add3A_62 = arith.constant 0 : i32
      %add3A_63 = arith.addi %add3A_62, %mul3A_61 : i32
      %swap3A = arith.constant 0 : i32
      %swap3A_64 = tpu.memref_slice %arg9[%add3A_63, %swap3A] : memref<128x128xf32, #tpu.memory_space<vmem>> -> memref<1x128xf32, #tpu.memory_space<vmem>>
      %swap3A_65 = tpu.memref_squeeze %swap3A_64 : memref<1x128xf32, #tpu.memory_space<vmem>> -> memref<128xf32, #tpu.memory_space<vmem>>
      %swap3A_66 = arith.constant 0 : index
      %swap3A_67 = tpu.vector_load %swap3A_65[%swap3A_66] {strides = array<i32>} : memref<128xf32, #tpu.memory_space<vmem>>, vector<16xf32>,
      %swap3A_68 = vector.shape_cast %swap3A_67 : vector<16xf32> to vector<16xf32>
      %swap3A_69 = vector.shape_cast %broadcast_in_dim3A_10 : vector<16xf32> to vector<16xf32>
      tpu.vector_store %swap3A_65[%swap3A_66], %swap3A_69 {strides = array<i32>} : memref<128xf32, #tpu.memory_space<vmem>>, vector<16xf32>,
      %swap3A_70 = arith.constant 0 : i32
      %swap3A_71 = tpu.memref_slice %arg9[%add3A_63, %swap3A_70] : memref<128x128xf32, #tpu.memory_space<vmem>> -> memref<1x128xf32, #tpu.memory_space<vmem>>
      %swap3A_72 = tpu.memref_squeeze %swap3A_71 : memref<1x128xf32, #tpu.memory_space<vmem>> -> memref<128xf32, #tpu.memory_space<vmem>>
      %swap3A_73 = arith.constant 16 : index
      %swap3A_74 = tpu.vector_load %swap3A_72[%swap3A_73] {strides = array<i32>} : memref<128xf32, #tpu.memory_space<vmem>>, vector<16xf32>,
      %swap3A_75 = vector.shape_cast %swap3A_74 : vector<16xf32> to vector<16xf32>
      %swap3A_76 = vector.shape_cast %broadcast_in_dim3A_10 : vector<16xf32> to vector<16xf32>
      tpu.vector_store %swap3A_72[%swap3A_73], %swap3A_76 {strides = array<i32>} : memref<128xf32, #tpu.memory_space<vmem>>, vector<16xf32>,
      %swap3A_77 = arith.constant 0 : i32
      %swap3A_78 = tpu.memref_slice %arg9[%add3A_63, %swap3A_77] : memref<128x128xf32, #tpu.memory_space<vmem>> -> memref<1x128xf32, #tpu.memory_space<vmem>>
      %swap3A_79 = tpu.memref_squeeze %swap3A_78 : memref<1x128xf32, #tpu.memory_space<vmem>> -> memref<128xf32, #tpu.memory_space<vmem>>
      %swap3A_80 = arith.constant 32 : index
      %swap3A_81 = tpu.vector_load %swap3A_79[%swap3A_80] {strides = array<i32>} : memref<128xf32, #tpu.memory_space<vmem>>, vector<16xf32>,
      %swap3A_82 = vector.shape_cast %swap3A_81 : vector<16xf32> to vector<16xf32>
      %swap3A_83 = vector.shape_cast %broadcast_in_dim3A_10 : vector<16xf32> to vector<16xf32>
      tpu.vector_store %swap3A_79[%swap3A_80], %swap3A_83 {strides = array<i32>} : memref<128xf32, #tpu.memory_space<vmem>>, vector<16xf32>,
      %swap3A_84 = arith.constant 0 : i32
      %swap3A_85 = tpu.memref_slice %arg9[%add3A_63, %swap3A_84] : memref<128x128xf32, #tpu.memory_space<vmem>> -> memref<1x128xf32, #tpu.memory_space<vmem>>
      %swap3A_86 = tpu.memref_squeeze %swap3A_85 : memref<1x128xf32, #tpu.memory_space<vmem>> -> memref<128xf32, #tpu.memory_space<vmem>>
      %swap3A_87 = arith.constant 48 : index
      %swap3A_88 = tpu.vector_load %swap3A_86[%swap3A_87] {strides = array<i32>} : memref<128xf32, #tpu.memory_space<vmem>>, vector<16xf32>,
      %swap3A_89 = vector.shape_cast %swap3A_88 : vector<16xf32> to vector<16xf32>
      %swap3A_90 = vector.shape_cast %broadcast_in_dim3A_10 : vector<16xf32> to vector<16xf32>
      tpu.vector_store %swap3A_86[%swap3A_87], %swap3A_90 {strides = array<i32>} : memref<128xf32, #tpu.memory_space<vmem>>, vector<16xf32>,
      %swap3A_91 = arith.constant 0 : i32
      %swap3A_92 = tpu.memref_slice %arg9[%add3A_63, %swap3A_91] : memref<128x128xf32, #tpu.memory_space<vmem>> -> memref<1x128xf32, #tpu.memory_space<vmem>>
      %swap3A_93 = tpu.memref_squeeze %swap3A_92 : memref<1x128xf32, #tpu.memory_space<vmem>> -> memref<128xf32, #tpu.memory_space<vmem>>
      %swap3A_94 = arith.constant 64 : index
      %swap3A_95 = tpu.vector_load %swap3A_93[%swap3A_94] {strides = array<i32>} : memref<128xf32, #tpu.memory_space<vmem>>, vector<16xf32>,
      %swap3A_96 = vector.shape_cast %swap3A_95 : vector<16xf32> to vector<16xf32>
      %swap3A_97 = vector.shape_cast %broadcast_in_dim3A_10 : vector<16xf32> to vector<16xf32>
      tpu.vector_store %swap3A_93[%swap3A_94], %swap3A_97 {strides = array<i32>} : memref<128xf32, #tpu.memory_space<vmem>>, vector<16xf32>,
      %swap3A_98 = arith.constant 0 : i32
      %swap3A_99 = tpu.memref_slice %arg9[%add3A_63, %swap3A_98] : memref<128x128xf32, #tpu.memory_space<vmem>> -> memref<1x128xf32, #tpu.memory_space<vmem>>
      %swap3A_100 = tpu.memref_squeeze %swap3A_99 : memref<1x128xf32, #tpu.memory_space<vmem>> -> memref<128xf32, #tpu.memory_space<vmem>>
      %swap3A_101 = arith.constant 80 : index
      %swap3A_102 = tpu.vector_load %swap3A_100[%swap3A_101] {strides = array<i32>} : memref<128xf32, #tpu.memory_space<vmem>>, vector<16xf32>,
      %swap3A_103 = vector.shape_cast %swap3A_102 : vector<16xf32> to vector<16xf32>
      %swap3A_104 = vector.shape_cast %broadcast_in_dim3A_10 : vector<16xf32> to vector<16xf32>
      tpu.vector_store %swap3A_100[%swap3A_101], %swap3A_104 {strides = array<i32>} : memref<128xf32, #tpu.memory_space<vmem>>, vector<16xf32>,
      %swap3A_105 = arith.constant 0 : i32
      %swap3A_106 = tpu.memref_slice %arg9[%add3A_63, %swap3A_105] : memref<128x128xf32, #tpu.memory_space<vmem>> -> memref<1x128xf32, #tpu.memory_space<vmem>>
      %swap3A_107 = tpu.memref_squeeze %swap3A_106 : memref<1x128xf32, #tpu.memory_space<vmem>> -> memref<128xf32, #tpu.memory_space<vmem>>
      %swap3A_108 = arith.constant 96 : index
      %swap3A_109 = tpu.vector_load %swap3A_107[%swap3A_108] {strides = array<i32>} : memref<128xf32, #tpu.memory_space<vmem>>, vector<16xf32>,
      %swap3A_110 = vector.shape_cast %swap3A_109 : vector<16xf32> to vector<16xf32>
      %swap3A_111 = vector.shape_cast %broadcast_in_dim3A_10 : vector<16xf32> to vector<16xf32>
      tpu.vector_store %swap3A_107[%swap3A_108], %swap3A_111 {strides = array<i32>} : memref<128xf32, #tpu.memory_space<vmem>>, vector<16xf32>,
      %swap3A_112 = arith.constant 0 : i32
      %swap3A_113 = tpu.memref_slice %arg9[%add3A_63, %swap3A_112] : memref<128x128xf32, #tpu.memory_space<vmem>> -> memref<1x128xf32, #tpu.memory_space<vmem>>
      %swap3A_114 = tpu.memref_squeeze %swap3A_113 : memref<1x128xf32, #tpu.memory_space<vmem>> -> memref<128xf32, #tpu.memory_space<vmem>>
      %swap3A_115 = arith.constant 112 : index
      %swap3A_116 = tpu.vector_load %swap3A_114[%swap3A_115] {strides = array<i32>} : memref<128xf32, #tpu.memory_space<vmem>>, vector<16xf32>,
      %swap3A_117 = vector.shape_cast %swap3A_116 : vector<16xf32> to vector<16xf32>
      %swap3A_118 = vector.shape_cast %broadcast_in_dim3A_10 : vector<16xf32> to vector<16xf32>
      tpu.vector_store %swap3A_114[%swap3A_115], %swap3A_118 {strides = array<i32>} : memref<128xf32, #tpu.memory_space<vmem>>, vector<16xf32>,
    }
    %scan3A_14 = arith.constant 128 : i32
    %mul3A_15 = arith.constant 632 : i32
    %mul3A_16 = arith.muli %arg1, %mul3A_15 : i32
    %add3A = arith.constant 0 : i32
    %add3A_17 = arith.addi %mul3A_16, %add3A : i32
    "tpu.region"() ({
      %run_scoped3A = tpu.sem_alloc : memref<!tpu.dma_semaphore, #tpu.memory_space<semaphore_mem>>
      %dma_start3A_59 = arith.constant 0 : i32
      %dma_start3A_60 = tpu.memref_slice %arg11[%add3A_17, %dma_start3A_59] : memref<10112x128xf32, #tpu.memory_space<vmem_shared>> -> memref<128x128xf32, #tpu.memory_space<vmem_shared>>
      %dma_start3A_61 = arith.constant 0 : i32
      %dma_start3A_62 = tpu.memref_slice %arg11[%add3A_17, %dma_start3A_61] : memref<10112x128xf32, #tpu.memory_space<vmem_shared>> -> memref<128x128xf32, #tpu.memory_space<vmem_shared>>
      tpu.enqueue_dma source(%arg9 : memref<128x128xf32, #tpu.memory_space<vmem>>) target(%dma_start3A_62 : memref<128x128xf32, #tpu.memory_space<vmem_shared>>) target_semaphore(%run_scoped3A : memref<!tpu.dma_semaphore, #tpu.memory_space<semaphore_mem>>)
      %dma_wait3A_63 = arith.constant 0 : i32
      %dma_wait3A_64 = tpu.memref_slice %arg11[%add3A_17, %dma_wait3A_63] : memref<10112x128xf32, #tpu.memory_space<vmem_shared>> -> memref<128x128xf32, #tpu.memory_space<vmem_shared>>
      %dma_wait3A_65 = arith.constant 0 : i32
      %dma_wait3A_66 = tpu.memref_slice %arg11[%add3A_17, %dma_wait3A_65] : memref<10112x128xf32, #tpu.memory_space<vmem_shared>> -> memref<128x128xf32, #tpu.memory_space<vmem_shared>>
      tpu.wait_dma2 semaphore(%run_scoped3A : memref<!tpu.dma_semaphore, #tpu.memory_space<semaphore_mem>>) src(%arg9 : memref<128x128xf32, #tpu.memory_space<vmem>>) dst(%dma_wait3A_66 : memref<128x128xf32, #tpu.memory_space<vmem_shared>>)
      tpu.yield
    }) : () -> ()
    %mul3A_18 = arith.constant 632 : i32
    %mul3A_19 = arith.muli %arg1, %mul3A_18 : i32
    %add3A_20 = arith.constant 128 : i32
    %add3A_21 = arith.addi %mul3A_19, %add3A_20 : i32
    "tpu.region"() ({
      %run_scoped3A = tpu.sem_alloc : memref<!tpu.dma_semaphore, #tpu.memory_space<semaphore_mem>>
      %dma_start3A_59 = arith.constant 0 : i32
      %dma_start3A_60 = tpu.memref_slice %arg11[%add3A_21, %dma_start3A_59] : memref<10112x128xf32, #tpu.memory_space<vmem_shared>> -> memref<128x128xf32, #tpu.memory_space<vmem_shared>>
      %dma_start3A_61 = arith.constant 0 : i32
      %dma_start3A_62 = tpu.memref_slice %arg11[%add3A_21, %dma_start3A_61] : memref<10112x128xf32, #tpu.memory_space<vmem_shared>> -> memref<128x128xf32, #tpu.memory_space<vmem_shared>>
      tpu.enqueue_dma source(%arg9 : memref<128x128xf32, #tpu.memory_space<vmem>>) target(%dma_start3A_62 : memref<128x128xf32, #tpu.memory_space<vmem_shared>>) target_semaphore(%run_scoped3A : memref<!tpu.dma_semaphore, #tpu.memory_space<semaphore_mem>>)
      %dma_wait3A_63 = arith.constant 0 : i32
      %dma_wait3A_64 = tpu.memref_slice %arg11[%add3A_21, %dma_wait3A_63] : memref<10112x128xf32, #tpu.memory_space<vmem_shared>> -> memref<128x128xf32, #tpu.memory_space<vmem_shared>>
      %dma_wait3A_65 = arith.constant 0 : i32
      %dma_wait3A_66 = tpu.memref_slice %arg11[%add3A_21, %dma_wait3A_65] : memref<10112x128xf32, #tpu.memory_space<vmem_shared>> -> memref<128x128xf32, #tpu.memory_space<vmem_shared>>
      tpu.wait_dma2 semaphore(%run_scoped3A : memref<!tpu.dma_semaphore, #tpu.memory_space<semaphore_mem>>) src(%arg9 : memref<128x128xf32, #tpu.memory_space<vmem>>) dst(%dma_wait3A_66 : memref<128x128xf32, #tpu.memory_space<vmem_shared>>)
      tpu.yield
    }) : () -> ()
    %mul3A_22 = arith.constant 632 : i32
    %mul3A_23 = arith.muli %arg1, %mul3A_22 : i32
    %add3A_24 = arith.constant 256 : i32
    %add3A_25 = arith.addi %mul3A_23, %add3A_24 : i32
    "tpu.region"() ({
      %run_scoped3A = tpu.sem_alloc : memref<!tpu.dma_semaphore, #tpu.memory_space<semaphore_mem>>
      %dma_start3A_59 = arith.constant 0 : i32
      %dma_start3A_60 = tpu.memref_slice %arg11[%add3A_25, %dma_start3A_59] : memref<10112x128xf32, #tpu.memory_space<vmem_shared>> -> memref<128x128xf32, #tpu.memory_space<vmem_shared>>
      %dma_start3A_61 = arith.constant 0 : i32
      %dma_start3A_62 = tpu.memref_slice %arg11[%add3A_25, %dma_start3A_61] : memref<10112x128xf32, #tpu.memory_space<vmem_shared>> -> memref<128x128xf32, #tpu.memory_space<vmem_shared>>
      tpu.enqueue_dma source(%arg9 : memref<128x128xf32, #tpu.memory_space<vmem>>) target(%dma_start3A_62 : memref<128x128xf32, #tpu.memory_space<vmem_shared>>) target_semaphore(%run_scoped3A : memref<!tpu.dma_semaphore, #tpu.memory_space<semaphore_mem>>)
      %dma_wait3A_63 = arith.constant 0 : i32
      %dma_wait3A_64 = tpu.memref_slice %arg11[%add3A_25, %dma_wait3A_63] : memref<10112x128xf32, #tpu.memory_space<vmem_shared>> -> memref<128x128xf32, #tpu.memory_space<vmem_shared>>
      %dma_wait3A_65 = arith.constant 0 : i32
      %dma_wait3A_66 = tpu.memref_slice %arg11[%add3A_25, %dma_wait3A_65] : memref<10112x128xf32, #tpu.memory_space<vmem_shared>> -> memref<128x128xf32, #tpu.memory_space<vmem_shared>>
      tpu.wait_dma2 semaphore(%run_scoped3A : memref<!tpu.dma_semaphore, #tpu.memory_space<semaphore_mem>>) src(%arg9 : memref<128x128xf32, #tpu.memory_space<vmem>>) dst(%dma_wait3A_66 : memref<128x128xf32, #tpu.memory_space<vmem_shared>>)
      tpu.yield
    }) : () -> ()
    %mul3A_26 = arith.constant 632 : i32
    %mul3A_27 = arith.muli %arg1, %mul3A_26 : i32
    %add3A_28 = arith.constant 384 : i32
    %add3A_29 = arith.addi %mul3A_27, %add3A_28 : i32
    "tpu.region"() ({
      %run_scoped3A = tpu.sem_alloc : memref<!tpu.dma_semaphore, #tpu.memory_space<semaphore_mem>>
      %dma_start3A_59 = arith.constant 0 : i32
      %dma_start3A_60 = tpu.memref_slice %arg11[%add3A_29, %dma_start3A_59] : memref<10112x128xf32, #tpu.memory_space<vmem_shared>> -> memref<128x128xf32, #tpu.memory_space<vmem_shared>>
      %dma_start3A_61 = arith.constant 0 : i32
      %dma_start3A_62 = tpu.memref_slice %arg11[%add3A_29, %dma_start3A_61] : memref<10112x128xf32, #tpu.memory_space<vmem_shared>> -> memref<128x128xf32, #tpu.memory_space<vmem_shared>>
      tpu.enqueue_dma source(%arg9 : memref<128x128xf32, #tpu.memory_space<vmem>>) target(%dma_start3A_62 : memref<128x128xf32, #tpu.memory_space<vmem_shared>>) target_semaphore(%run_scoped3A : memref<!tpu.dma_semaphore, #tpu.memory_space<semaphore_mem>>)
      %dma_wait3A_63 = arith.constant 0 : i32
      %dma_wait3A_64 = tpu.memref_slice %arg11[%add3A_29, %dma_wait3A_63] : memref<10112x128xf32, #tpu.memory_space<vmem_shared>> -> memref<128x128xf32, #tpu.memory_space<vmem_shared>>
      %dma_wait3A_65 = arith.constant 0 : i32
      %dma_wait3A_66 = tpu.memref_slice %arg11[%add3A_29, %dma_wait3A_65] : memref<10112x128xf32, #tpu.memory_space<vmem_shared>> -> memref<128x128xf32, #tpu.memory_space<vmem_shared>>
      tpu.wait_dma2 semaphore(%run_scoped3A : memref<!tpu.dma_semaphore, #tpu.memory_space<semaphore_mem>>) src(%arg9 : memref<128x128xf32, #tpu.memory_space<vmem>>) dst(%dma_wait3A_66 : memref<128x128xf32, #tpu.memory_space<vmem_shared>>)
      tpu.yield
    }) : () -> ()
    %mul3A_30 = arith.constant 632 : i32
    %mul3A_31 = arith.muli %arg1, %mul3A_30 : i32
    %add3A_32 = arith.constant 512 : i32
    %add3A_33 = arith.addi %mul3A_31, %add3A_32 : i32
    "tpu.region"() ({
      %run_scoped3A = tpu.sem_alloc : memref<!tpu.dma_semaphore, #tpu.memory_space<semaphore_mem>>
      %dma_start3A_59 = arith.constant 0 : i32
      %dma_start3A_60 = arith.constant 0 : i32
      %dma_start3A_61 = tpu.memref_slice %arg9[%dma_start3A_59, %dma_start3A_60] : memref<128x128xf32, #tpu.memory_space<vmem>> -> memref<120x128xf32, #tpu.memory_space<vmem>>
      %dma_start3A_62 = arith.constant 0 : i32
      %dma_start3A_63 = tpu.memref_slice %arg11[%add3A_33, %dma_start3A_62] : memref<10112x128xf32, #tpu.memory_space<vmem_shared>> -> memref<120x128xf32, #tpu.memory_space<vmem_shared>>
      %dma_start3A_64 = arith.constant 0 : i32
      %dma_start3A_65 = tpu.memref_slice %arg11[%add3A_33, %dma_start3A_64] : memref<10112x128xf32, #tpu.memory_space<vmem_shared>> -> memref<120x128xf32, #tpu.memory_space<vmem_shared>>
      %dma_start3A_66 = arith.constant 0 : i32
      %dma_start3A_67 = arith.constant 0 : i32
      %dma_start3A_68 = tpu.memref_slice %arg9[%dma_start3A_66, %dma_start3A_67] : memref<128x128xf32, #tpu.memory_space<vmem>> -> memref<120x128xf32, #tpu.memory_space<vmem>>
      tpu.enqueue_dma source(%dma_start3A_68 : memref<120x128xf32, #tpu.memory_space<vmem>>) target(%dma_start3A_65 : memref<120x128xf32, #tpu.memory_space<vmem_shared>>) target_semaphore(%run_scoped3A : memref<!tpu.dma_semaphore, #tpu.memory_space<semaphore_mem>>)
      %dma_wait3A_69 = arith.constant 0 : i32
      %dma_wait3A_70 = arith.constant 0 : i32
      %dma_wait3A_71 = tpu.memref_slice %arg9[%dma_wait3A_69, %dma_wait3A_70] : memref<128x128xf32, #tpu.memory_space<vmem>> -> memref<120x128xf32, #tpu.memory_space<vmem>>
      %dma_wait3A_72 = arith.constant 0 : i32
      %dma_wait3A_73 = tpu.memref_slice %arg11[%add3A_33, %dma_wait3A_72] : memref<10112x128xf32, #tpu.memory_space<vmem_shared>> -> memref<120x128xf32, #tpu.memory_space<vmem_shared>>
      %dma_wait3A_74 = arith.constant 0 : i32
      %dma_wait3A_75 = tpu.memref_slice %arg11[%add3A_33, %dma_wait3A_74] : memref<10112x128xf32, #tpu.memory_space<vmem_shared>> -> memref<120x128xf32, #tpu.memory_space<vmem_shared>>
      %dma_wait3A_76 = arith.constant 0 : i32
      %dma_wait3A_77 = arith.constant 0 : i32
      %dma_wait3A_78 = tpu.memref_slice %arg9[%dma_wait3A_76, %dma_wait3A_77] : memref<128x128xf32, #tpu.memory_space<vmem>> -> memref<120x128xf32, #tpu.memory_space<vmem>>
      tpu.wait_dma2 semaphore(%run_scoped3A : memref<!tpu.dma_semaphore, #tpu.memory_space<semaphore_mem>>) src(%dma_wait3A_78 : memref<120x128xf32, #tpu.memory_space<vmem>>) dst(%dma_wait3A_75 : memref<120x128xf32, #tpu.memory_space<vmem_shared>>)
      tpu.yield
    }) : () -> ()
    %dma_wait3A = tpu.memref_slice %arg3[%arg0, %mul3A_0] : memref<2x163840xi32, #tpu.memory_space<hbm>> -> memref<1x10240xi32, #tpu.memory_space<hbm>>
    %dma_wait3A_34 = tpu.memref_squeeze %dma_wait3A : memref<1x10240xi32, #tpu.memory_space<hbm>> -> memref<10240xi32, #tpu.memory_space<hbm>>
    %dma_wait3A_35 = tpu.memref_slice %arg3[%arg0, %mul3A_0] : memref<2x163840xi32, #tpu.memory_space<hbm>> -> memref<1x10240xi32, #tpu.memory_space<hbm>>
    %dma_wait3A_36 = tpu.memref_squeeze %dma_wait3A_35 : memref<1x10240xi32, #tpu.memory_space<hbm>> -> memref<10240xi32, #tpu.memory_space<hbm>>
    tpu.wait_dma2 semaphore(%arg18 : memref<!tpu.dma_semaphore, #tpu.memory_space<semaphore_mem>>) src(%dma_wait3A_36 : memref<10240xi32, #tpu.memory_space<hbm>>) dst(%arg6 : memref<10240xi32, #tpu.memory_space<vmem>>)
    %barrier3A = arith.constant 0 : index
    tpu.barrier barrier_id(%barrier3A)
    %dma_start3A_37 = arith.constant 0 : i32
    %dma_start3A_38 = tpu.memref_slice %arg6[%dma_start3A_37] : memref<10240xi32, #tpu.memory_space<vmem>> -> memref<128xi32, #tpu.memory_space<vmem>>
    %dma_start3A_39 = arith.constant 0 : i32
    %dma_start3A_40 = arith.constant 0 : i32
    %dma_start3A_41 = tpu.memref_slice %arg2[%dma_start3A_39, %dma_start3A_40] : memref<20000x128xf32, #tpu.memory_space<hbm>> -> memref<20000x128xf32, #tpu.memory_space<hbm>>
    tpu.enqueue_indirect_dma source(%dma_start3A_41 : memref<20000x128xf32, #tpu.memory_space<hbm>>) target(%arg9 : memref<128x128xf32, #tpu.memory_space<vmem>>) offsets(%dma_start3A_38 : memref<128xi32, #tpu.memory_space<vmem>>) semaphore(%arg12 : memref<!tpu.dma_semaphore, #tpu.memory_space<semaphore_mem>>)
    %scan3A_42 = arith.constant 0 : i32
    %scan3A_43 = arith.constant 5 : i32
    %scan3A_44 = arith.addi %scan3A_42, %scan3A_43 : i32
    %scan3A_45 = arith.constant 1 : i32
    scf.for %scan3A_59 = %scan3A_42 to %scan3A_44 step %scan3A_45  : i32 {
      %mul3A_60 = arith.constant 1 : i32
      %mul3A_61 = arith.muli %scan3A_59, %mul3A_60 : i32
      %add3A_62 = arith.constant 0 : i32
      %add3A_63 = arith.addi %add3A_62, %mul3A_61 : i32
      %mul3A_64 = arith.constant 2 : i32
      %mul3A_65 = arith.muli %add3A_63, %mul3A_64 : i32
      %add3A_66 = arith.constant 0 : i32
      %add3A_67 = arith.addi %mul3A_65, %add3A_66 : i32
      %mul3A_68 = arith.constant 8 : i32
      %mul3A_69 = arith.muli %add3A_67, %mul3A_68 : i32
      %add3A_70 = arith.constant 0 : i32
      %add3A_71 = arith.addi %mul3A_69, %add3A_70 : i32
      %ge3A = arith.constant 1 : i32
      %ge3A_72 = arith.cmpi sge, %add3A_71, %ge3A : i32
      %convert_element_type3A = arith.extui %ge3A_72 : i1 to i32
      %cond3A = arith.constant 0 : i32
      %cond3A_73 = arith.cmpi ne, %convert_element_type3A, %cond3A : i32
      scf.if %cond3A_73 {
        %dma_wait3A_1230 = arith.constant 0 : i32
        %dma_wait3A_1231 = arith.constant 0 : i32
        %dma_wait3A_1232 = tpu.memref_slice %arg7[%dma_wait3A_1230, %dma_wait3A_1231] : memref<8x128xi32, #tpu.memory_space<vmem>> -> memref<1x128xi32, #tpu.memory_space<vmem>>
        %dma_wait3A_1233 = tpu.memref_squeeze %dma_wait3A_1232 : memref<1x128xi32, #tpu.memory_space<vmem>> -> memref<128xi32, #tpu.memory_space<vmem>>
        %dma_wait3A_1234 = arith.constant 0 : i32
        %dma_wait3A_1235 = arith.constant 0 : i32
        %dma_wait3A_1236 = tpu.memref_slice %arg11[%dma_wait3A_1234, %dma_wait3A_1235] : memref<10112x128xf32, #tpu.memory_space<vmem_shared>> -> memref<10112x128xf32, #tpu.memory_space<vmem_shared>>
        tpu.wait_indirect_dma semaphore(%arg15 : memref<!tpu.dma_semaphore, #tpu.memory_space<semaphore_mem>>) src(%arg10 : memref<128x128xf32, #tpu.memory_space<vmem>>) dst(%dma_wait3A_1236 : memref<10112x128xf32, #tpu.memory_space<vmem_shared>>)
      } else {
      }
      %dma_wait3A_74 = arith.constant 0 : i32
      %dma_wait3A_75 = arith.constant 0 : i32
      %dma_wait3A_76 = tpu.memref_slice %arg4[%dma_wait3A_74, %dma_wait3A_75] : memref<1280x128xi32, #tpu.memory_space<hbm>> -> memref<8x128xi32, #tpu.memory_space<hbm>>
      %dma_wait3A_77 = arith.constant 0 : i32
      %dma_wait3A_78 = arith.constant 0 : i32
      %dma_wait3A_79 = tpu.memref_slice %arg4[%dma_wait3A_77, %dma_wait3A_78] : memref<1280x128xi32, #tpu.memory_space<hbm>> -> memref<8x128xi32, #tpu.memory_space<hbm>>
      tpu.wait_dma2 semaphore(%arg16 : memref<!tpu.dma_semaphore, #tpu.memory_space<semaphore_mem>>) src(%dma_wait3A_79 : memref<8x128xi32, #tpu.memory_space<hbm>>) dst(%arg7 : memref<8x128xi32, #tpu.memory_space<vmem>>)
      %mul3A_80 = arith.constant 2 : i32
      %mul3A_81 = arith.muli %add3A_63, %mul3A_80 : i32
      %add3A_82 = arith.constant 0 : i32
      %add3A_83 = arith.addi %mul3A_81, %add3A_82 : i32
      %add3A_84 = arith.constant 1 : i32
      %add3A_85 = arith.addi %add3A_83, %add3A_84 : i32
      %lt3A = arith.constant 10 : i32
      %lt3A_86 = arith.cmpi slt, %add3A_85, %lt3A : i32
      %convert_element_type3A_87 = arith.extui %lt3A_86 : i1 to i32
      %cond3A_88 = arith.constant 0 : i32
      %cond3A_89 = arith.cmpi ne, %convert_element_type3A_87, %cond3A_88 : i32
      scf.if %cond3A_89 {
        %mul3A_1230 = arith.constant 80 : i32
        %mul3A_1231 = arith.muli %arg1, %mul3A_1230 : i32
        %add3A_1232 = arith.constant 1 : i32
        %add3A_1233 = arith.addi %add3A_83, %add3A_1232 : i32
        %mul3A_1234 = arith.constant 8 : i32
        %mul3A_1235 = arith.muli %add3A_1233, %mul3A_1234 : i32
        %add3A_1236 = arith.addi %mul3A_1231, %mul3A_1235 : i32
        %dma_start3A_1237 = arith.constant 0 : i32
        %dma_start3A_1238 = tpu.memref_slice %arg4[%add3A_1236, %dma_start3A_1237] : memref<1280x128xi32, #tpu.memory_space<hbm>> -> memref<8x128xi32, #tpu.memory_space<hbm>>
        %dma_start3A_1239 = arith.constant 0 : i32
        %dma_start3A_1240 = tpu.memref_slice %arg4[%add3A_1236, %dma_start3A_1239] : memref<1280x128xi32, #tpu.memory_space<hbm>> -> memref<8x128xi32, #tpu.memory_space<hbm>>
        tpu.enqueue_dma source(%dma_start3A_1240 : memref<8x128xi32, #tpu.memory_space<hbm>>) target(%arg8 : memref<8x128xi32, #tpu.memory_space<vmem>>) target_semaphore(%arg17 : memref<!tpu.dma_semaphore, #tpu.memory_space<semaphore_mem>>)
      } else {
      }
      %add3A_90 = arith.constant 1 : i32
      %add3A_91 = arith.addi %add3A_71, %add3A_90 : i32
      %lt3A_92 = arith.constant 80 : i32
      %lt3A_93 = arith.cmpi slt, %add3A_91, %lt3A_92 : i32
      %convert_element_type3A_94 = arith.extui %lt3A_93 : i1 to i32
      %cond3A_95 = arith.constant 0 : i32
      %cond3A_96 = arith.cmpi ne, %convert_element_type3A_94, %cond3A_95 : i32
      scf.if %cond3A_96 {
        %add3A_1230 = arith.constant 1 : i32
        %add3A_1231 = arith.addi %add3A_71, %add3A_1230 : i32
        %mul3A_1232 = arith.constant 128 : i32
        %mul3A_1233 = arith.muli %add3A_1231, %mul3A_1232 : i32
        %add3A_1234 = arith.constant 0 : i32
        %add3A_1235 = arith.addi %mul3A_1233, %add3A_1234 : i32
        %dma_start3A_1236 = arith.constant 0 : i32
        %dma_start3A_1237 = arith.constant 0 : i32
        %dma_start3A_1238 = tpu.memref_slice %arg10[%dma_start3A_1236, %dma_start3A_1237] : memref<128x128xf32, #tpu.memory_space<vmem>> -> memref<32x128xf32, #tpu.memory_space<vmem>>
        %dma_start3A_1239 = tpu.memref_slice %arg6[%add3A_1235] : memref<10240xi32, #tpu.memory_space<vmem>> -> memref<32xi32, #tpu.memory_space<vmem>>
        %dma_start3A_1240 = arith.constant 0 : i32
        %dma_start3A_1241 = arith.constant 0 : i32
        %dma_start3A_1242 = tpu.memref_slice %arg2[%dma_start3A_1240, %dma_start3A_1241] : memref<20000x128xf32, #tpu.memory_space<hbm>> -> memref<20000x128xf32, #tpu.memory_space<hbm>>
        tpu.enqueue_indirect_dma source(%dma_start3A_1242 : memref<20000x128xf32, #tpu.memory_space<hbm>>) target(%dma_start3A_1238 : memref<32x128xf32, #tpu.memory_space<vmem>>) offsets(%dma_start3A_1239 : memref<32xi32, #tpu.memory_space<vmem>>) semaphore(%arg13 : memref<!tpu.dma_semaphore, #tpu.memory_space<semaphore_mem>>)
        %add3A_1243 = arith.constant 1 : i32
        %add3A_1244 = arith.addi %add3A_71, %add3A_1243 : i32
        %mul3A_1245 = arith.constant 128 : i32
        %mul3A_1246 = arith.muli %add3A_1244, %mul3A_1245 : i32
        %add3A_1247 = arith.constant 32 : i32
        %add3A_1248 = arith.addi %mul3A_1246, %add3A_1247 : i32
        %dma_start3A_1249 = arith.constant 32 : i32
        %dma_start3A_1250 = arith.constant 0 : i32
        %dma_start3A_1251 = tpu.memref_slice %arg10[%dma_start3A_1249, %dma_start3A_1250] : memref<128x128xf32, #tpu.memory_space<vmem>> -> memref<32x128xf32, #tpu.memory_space<vmem>>
        %dma_start3A_1252 = tpu.memref_slice %arg6[%add3A_1248] : memref<10240xi32, #tpu.memory_space<vmem>> -> memref<32xi32, #tpu.memory_space<vmem>>
        %dma_start3A_1253 = arith.constant 0 : i32
        %dma_start3A_1254 = arith.constant 0 : i32
        %dma_start3A_1255 = tpu.memref_slice %arg2[%dma_start3A_1253, %dma_start3A_1254] : memref<20000x128xf32, #tpu.memory_space<hbm>> -> memref<20000x128xf32, #tpu.memory_space<hbm>>
        tpu.enqueue_indirect_dma source(%dma_start3A_1255 : memref<20000x128xf32, #tpu.memory_space<hbm>>) target(%dma_start3A_1251 : memref<32x128xf32, #tpu.memory_space<vmem>>) offsets(%dma_start3A_1252 : memref<32xi32, #tpu.memory_space<vmem>>) semaphore(%arg13 : memref<!tpu.dma_semaphore, #tpu.memory_space<semaphore_mem>>)
        %add3A_1256 = arith.constant 1 : i32
        %add3A_1257 = arith.addi %add3A_71, %add3A_1256 : i32
        %mul3A_1258 = arith.constant 128 : i32
        %mul3A_1259 = arith.muli %add3A_1257, %mul3A_1258 : i32
        %add3A_1260 = arith.constant 64 : i32
        %add3A_1261 = arith.addi %mul3A_1259, %add3A_1260 : i32
        %dma_start3A_1262 = arith.constant 64 : i32
        %dma_start3A_1263 = arith.constant 0 : i32
        %dma_start3A_1264 = tpu.memref_slice %arg10[%dma_start3A_1262, %dma_start3A_1263] : memref<128x128xf32, #tpu.memory_space<vmem>> -> memref<32x128xf32, #tpu.memory_space<vmem>>
        %dma_start3A_1265 = tpu.memref_slice %arg6[%add3A_1261] : memref<10240xi32, #tpu.memory_space<vmem>> -> memref<32xi32, #tpu.memory_space<vmem>>
        %dma_start3A_1266 = arith.constant 0 : i32
        %dma_start3A_1267 = arith.constant 0 : i32
        %dma_start3A_1268 = tpu.memref_slice %arg2[%dma_start3A_1266, %dma_start3A_1267] : memref<20000x128xf32, #tpu.memory_space<hbm>> -> memref<20000x128xf32, #tpu.memory_space<hbm>>
        tpu.enqueue_indirect_dma source(%dma_start3A_1268 : memref<20000x128xf32, #tpu.memory_space<hbm>>) target(%dma_start3A_1264 : memref<32x128xf32, #tpu.memory_space<vmem>>) offsets(%dma_start3A_1265 : memref<32xi32, #tpu.memory_space<vmem>>) semaphore(%arg13 : memref<!tpu.dma_semaphore, #tpu.memory_space<semaphore_mem>>)
        %add3A_1269 = arith.constant 1 : i32
        %add3A_1270 = arith.addi %add3A_71, %add3A_1269 : i32
        %mul3A_1271 = arith.constant 128 : i32
        %mul3A_1272 = arith.muli %add3A_1270, %mul3A_1271 : i32
        %add3A_1273 = arith.constant 96 : i32
        %add3A_1274 = arith.addi %mul3A_1272, %add3A_1273 : i32
        %dma_start3A_1275 = arith.constant 96 : i32
        %dma_start3A_1276 = arith.constant 0 : i32
        %dma_start3A_1277 = tpu.memref_slice %arg10[%dma_start3A_1275, %dma_start3A_1276] : memref<128x128xf32, #tpu.memory_space<vmem>> -> memref<32x128xf32, #tpu.memory_space<vmem>>
        %dma_start3A_1278 = tpu.memref_slice %arg6[%add3A_1274] : memref<10240xi32, #tpu.memory_space<vmem>> -> memref<32xi32, #tpu.memory_space<vmem>>
        %dma_start3A_1279 = arith.constant 0 : i32
        %dma_start3A_1280 = arith.constant 0 : i32
        %dma_start3A_1281 = tpu.memref_slice %arg2[%dma_start3A_1279, %dma_start3A_1280] : memref<20000x128xf32, #tpu.memory_space<hbm>> -> memref<20000x128xf32, #tpu.memory_space<hbm>>
        tpu.enqueue_indirect_dma source(%dma_start3A_1281 : memref<20000x128xf32, #tpu.memory_space<hbm>>) target(%dma_start3A_1277 : memref<32x128xf32, #tpu.memory_space<vmem>>) offsets(%dma_start3A_1278 : memref<32xi32, #tpu.memory_space<vmem>>) semaphore(%arg13 : memref<!tpu.dma_semaphore, #tpu.memory_space<semaphore_mem>>)
      } else {
      }
      %mul3A_97 = arith.constant 128 : i32
      %mul3A_98 = arith.muli %add3A_71, %mul3A_97 : i32
      %add3A_99 = arith.constant 0 : i32
      %add3A_100 = arith.addi %mul3A_98, %add3A_99 : i32
      %dma_wait3A_101 = arith.constant 0 : i32
      %dma_wait3A_102 = arith.constant 0 : i32
      %dma_wait3A_103 = tpu.memref_slice %arg9[%dma_wait3A_101, %dma_wait3A_102] : memref<128x128xf32, #tpu.memory_space<vmem>> -> memref<32x128xf32, #tpu.memory_space<vmem>>
      %dma_wait3A_104 = tpu.memref_slice %arg6[%add3A_100] : memref<10240xi32, #tpu.memory_space<vmem>> -> memref<32xi32, #tpu.memory_space<vmem>>
      %dma_wait3A_105 = arith.constant 0 : i32
      %dma_wait3A_106 = arith.constant 0 : i32
      %dma_wait3A_107 = tpu.memref_slice %arg2[%dma_wait3A_105, %dma_wait3A_106] : memref<20000x128xf32, #tpu.memory_space<hbm>> -> memref<20000x128xf32, #tpu.memory_space<hbm>>
      tpu.wait_indirect_dma semaphore(%arg12 : memref<!tpu.dma_semaphore, #tpu.memory_space<semaphore_mem>>) src(%dma_wait3A_107 : memref<20000x128xf32, #tpu.memory_space<hbm>>) dst(%dma_wait3A_103 : memref<32x128xf32, #tpu.memory_space<vmem>>)
      %mul3A_108 = arith.constant 128 : i32
      %mul3A_109 = arith.muli %add3A_71, %mul3A_108 : i32
      %add3A_110 = arith.constant 32 : i32
      %add3A_111 = arith.addi %mul3A_109, %add3A_110 : i32
      %dma_wait3A_112 = arith.constant 32 : i32
      %dma_wait3A_113 = arith.constant 0 : i32
      %dma_wait3A_114 = tpu.memref_slice %arg9[%dma_wait3A_112, %dma_wait3A_113] : memref<128x128xf32, #tpu.memory_space<vmem>> -> memref<32x128xf32, #tpu.memory_space<vmem>>
      %dma_wait3A_115 = tpu.memref_slice %arg6[%add3A_111] : memref<10240xi32, #tpu.memory_space<vmem>> -> memref<32xi32, #tpu.memory_space<vmem>>
      %dma_wait3A_116 = arith.constant 0 : i32
      %dma_wait3A_117 = arith.constant 0 : i32
      %dma_wait3A_118 = tpu.memref_slice %arg2[%dma_wait3A_116, %dma_wait3A_117] : memref<20000x128xf32, #tpu.memory_space<hbm>> -> memref<20000x128xf32, #tpu.memory_space<hbm>>
      tpu.wait_indirect_dma semaphore(%arg12 : memref<!tpu.dma_semaphore, #tpu.memory_space<semaphore_mem>>) src(%dma_wait3A_118 : memref<20000x128xf32, #tpu.memory_space<hbm>>) dst(%dma_wait3A_114 : memref<32x128xf32, #tpu.memory_space<vmem>>)
      %mul3A_119 = arith.constant 128 : i32
      %mul3A_120 = arith.muli %add3A_71, %mul3A_119 : i32
      %add3A_121 = arith.constant 64 : i32
      %add3A_122 = arith.addi %mul3A_120, %add3A_121 : i32
      %dma_wait3A_123 = arith.constant 64 : i32
      %dma_wait3A_124 = arith.constant 0 : i32
      %dma_wait3A_125 = tpu.memref_slice %arg9[%dma_wait3A_123, %dma_wait3A_124] : memref<128x128xf32, #tpu.memory_space<vmem>> -> memref<32x128xf32, #tpu.memory_space<vmem>>
      %dma_wait3A_126 = tpu.memref_slice %arg6[%add3A_122] : memref<10240xi32, #tpu.memory_space<vmem>> -> memref<32xi32, #tpu.memory_space<vmem>>
      %dma_wait3A_127 = arith.constant 0 : i32
      %dma_wait3A_128 = arith.constant 0 : i32
      %dma_wait3A_129 = tpu.memref_slice %arg2[%dma_wait3A_127, %dma_wait3A_128] : memref<20000x128xf32, #tpu.memory_space<hbm>> -> memref<20000x128xf32, #tpu.memory_space<hbm>>
      tpu.wait_indirect_dma semaphore(%arg12 : memref<!tpu.dma_semaphore, #tpu.memory_space<semaphore_mem>>) src(%dma_wait3A_129 : memref<20000x128xf32, #tpu.memory_space<hbm>>) dst(%dma_wait3A_125 : memref<32x128xf32, #tpu.memory_space<vmem>>)
      %mul3A_130 = arith.constant 128 : i32
      %mul3A_131 = arith.muli %add3A_71, %mul3A_130 : i32
      %add3A_132 = arith.constant 96 : i32
      %add3A_133 = arith.addi %mul3A_131, %add3A_132 : i32
      %dma_wait3A_134 = arith.constant 96 : i32
      %dma_wait3A_135 = arith.constant 0 : i32
      %dma_wait3A_136 = tpu.memref_slice %arg9[%dma_wait3A_134, %dma_wait3A_135] : memref<128x128xf32, #tpu.memory_space<vmem>> -> memref<32x128xf32, #tpu.memory_space<vmem>>
      %dma_wait3A_137 = tpu.memref_slice %arg6[%add3A_133] : memref<10240xi32, #tpu.memory_space<vmem>> -> memref<32xi32, #tpu.memory_space<vmem>>
      %dma_wait3A_138 = arith.constant 0 : i32
      %dma_wait3A_139 = arith.constant 0 : i32
      %dma_wait3A_140 = tpu.memref_slice %arg2[%dma_wait3A_138, %dma_wait3A_139] : memref<20000x128xf32, #tpu.memory_space<hbm>> -> memref<20000x128xf32, #tpu.memory_space<hbm>>
      tpu.wait_indirect_dma semaphore(%arg12 : memref<!tpu.dma_semaphore, #tpu.memory_space<semaphore_mem>>) src(%dma_wait3A_140 : memref<20000x128xf32, #tpu.memory_space<hbm>>) dst(%dma_wait3A_136 : memref<32x128xf32, #tpu.memory_space<vmem>>)
      %dma_start3A_141 = arith.constant 0 : i32
      %dma_start3A_142 = arith.constant 0 : i32
      %dma_start3A_143 = tpu.memref_slice %arg7[%dma_start3A_141, %dma_start3A_142] : memref<8x128xi32, #tpu.memory_space<vmem>> -> memref<1x128xi32, #tpu.memory_space<vmem>>
      %dma_start3A_144 = tpu.memref_squeeze %dma_start3A_143 : memref<1x128xi32, #tpu.memory_space<vmem>> -> memref<128xi32, #tpu.memory_space<vmem>>
      %dma_start3A_145 = arith.constant 0 : i32
      %dma_start3A_146 = arith.constant 0 : i32
      %dma_start3A_147 = tpu.memref_slice %arg11[%dma_start3A_145, %dma_start3A_146] : memref<10112x128xf32, #tpu.memory_space<vmem_shared>> -> memref<10112x128xf32, #tpu.memory_space<vmem_shared>>
      tpu.enqueue_indirect_dma source(%arg9 : memref<128x128xf32, #tpu.memory_space<vmem>>) target(%dma_start3A_147 : memref<10112x128xf32, #tpu.memory_space<vmem_shared>>) offsets(%dma_start3A_144 : memref<128xi32, #tpu.memory_space<vmem>>) semaphore(%arg14 : memref<!tpu.dma_semaphore, #tpu.memory_space<semaphore_mem>>) {add = true}
      %mul3A_148 = arith.constant 2 : i32
      %mul3A_149 = arith.muli %add3A_63, %mul3A_148 : i32
      %add3A_150 = arith.constant 0 : i32
      %add3A_151 = arith.addi %mul3A_149, %add3A_150 : i32
      %mul3A_152 = arith.constant 8 : i32
      %mul3A_153 = arith.muli %add3A_151, %mul3A_152 : i32
      %add3A_154 = arith.constant 1 : i32
      %add3A_155 = arith.addi %mul3A_153, %add3A_154 : i32
      %ge3A_156 = arith.constant 1 : i32
      %ge3A_157 = arith.cmpi sge, %add3A_155, %ge3A_156 : i32
      %convert_element_type3A_158 = arith.extui %ge3A_157 : i1 to i32
      %cond3A_159 = arith.constant 0 : i32
      %cond3A_160 = arith.cmpi ne, %convert_element_type3A_158, %cond3A_159 : i32
      scf.if %cond3A_160 {
        %dma_wait3A_1230 = arith.constant 0 : i32
        %dma_wait3A_1231 = arith.constant 0 : i32
        %dma_wait3A_1232 = tpu.memref_slice %arg7[%dma_wait3A_1230, %dma_wait3A_1231] : memref<8x128xi32, #tpu.memory_space<vmem>> -> memref<1x128xi32, #tpu.memory_space<vmem>>
        %dma_wait3A_1233 = tpu.memref_squeeze %dma_wait3A_1232 : memref<1x128xi32, #tpu.memory_space<vmem>> -> memref<128xi32, #tpu.memory_space<vmem>>
        %dma_wait3A_1234 = arith.constant 0 : i32
        %dma_wait3A_1235 = arith.constant 0 : i32
        %dma_wait3A_1236 = tpu.memref_slice %arg11[%dma_wait3A_1234, %dma_wait3A_1235] : memref<10112x128xf32, #tpu.memory_space<vmem_shared>> -> memref<10112x128xf32, #tpu.memory_space<vmem_shared>>
        tpu.wait_indirect_dma semaphore(%arg14 : memref<!tpu.dma_semaphore, #tpu.memory_space<semaphore_mem>>) src(%arg9 : memref<128x128xf32, #tpu.memory_space<vmem>>) dst(%dma_wait3A_1236 : memref<10112x128xf32, #tpu.memory_space<vmem_shared>>)
      } else {
      }
      %add3A_161 = arith.constant 1 : i32
      %add3A_162 = arith.addi %add3A_155, %add3A_161 : i32
      %lt3A_163 = arith.constant 80 : i32
      %lt3A_164 = arith.cmpi slt, %add3A_162, %lt3A_163 : i32
      %convert_element_type3A_165 = arith.extui %lt3A_164 : i1 to i32
      %cond3A_166 = arith.constant 0 : i32
      %cond3A_167 = arith.cmpi ne, %convert_element_type3A_165, %cond3A_166 : i32
      scf.if %cond3A_167 {
        %add3A_1230 = arith.constant 1 : i32
        %add3A_1231 = arith.addi %add3A_155, %add3A_1230 : i32
        %mul3A_1232 = arith.constant 128 : i32
        %mul3A_1233 = arith.muli %add3A_1231, %mul3A_1232 : i32
        %add3A_1234 = arith.constant 0 : i32
        %add3A_1235 = arith.addi %mul3A_1233, %add3A_1234 : i32
        %dma_start3A_1236 = arith.constant 0 : i32
        %dma_start3A_1237 = arith.constant 0 : i32
        %dma_start3A_1238 = tpu.memref_slice %arg9[%dma_start3A_1236, %dma_start3A_1237] : memref<128x128xf32, #tpu.memory_space<vmem>> -> memref<32x128xf32, #tpu.memory_space<vmem>>
        %dma_start3A_1239 = tpu.memref_slice %arg6[%add3A_1235] : memref<10240xi32, #tpu.memory_space<vmem>> -> memref<32xi32, #tpu.memory_space<vmem>>
        %dma_start3A_1240 = arith.constant 0 : i32
        %dma_start3A_1241 = arith.constant 0 : i32
        %dma_start3A_1242 = tpu.memref_slice %arg2[%dma_start3A_1240, %dma_start3A_1241] : memref<20000x128xf32, #tpu.memory_space<hbm>> -> memref<20000x128xf32, #tpu.memory_space<hbm>>
        tpu.enqueue_indirect_dma source(%dma_start3A_1242 : memref<20000x128xf32, #tpu.memory_space<hbm>>) target(%dma_start3A_1238 : memref<32x128xf32, #tpu.memory_space<vmem>>) offsets(%dma_start3A_1239 : memref<32xi32, #tpu.memory_space<vmem>>) semaphore(%arg12 : memref<!tpu.dma_semaphore, #tpu.memory_space<semaphore_mem>>)
        %add3A_1243 = arith.constant 1 : i32
        %add3A_1244 = arith.addi %add3A_155, %add3A_1243 : i32
        %mul3A_1245 = arith.constant 128 : i32
        %mul3A_1246 = arith.muli %add3A_1244, %mul3A_1245 : i32
        %add3A_1247 = arith.constant 32 : i32
        %add3A_1248 = arith.addi %mul3A_1246, %add3A_1247 : i32
        %dma_start3A_1249 = arith.constant 32 : i32
        %dma_start3A_1250 = arith.constant 0 : i32
        %dma_start3A_1251 = tpu.memref_slice %arg9[%dma_start3A_1249, %dma_start3A_1250] : memref<128x128xf32, #tpu.memory_space<vmem>> -> memref<32x128xf32, #tpu.memory_space<vmem>>
        %dma_start3A_1252 = tpu.memref_slice %arg6[%add3A_1248] : memref<10240xi32, #tpu.memory_space<vmem>> -> memref<32xi32, #tpu.memory_space<vmem>>
        %dma_start3A_1253 = arith.constant 0 : i32
        %dma_start3A_1254 = arith.constant 0 : i32
        %dma_start3A_1255 = tpu.memref_slice %arg2[%dma_start3A_1253, %dma_start3A_1254] : memref<20000x128xf32, #tpu.memory_space<hbm>> -> memref<20000x128xf32, #tpu.memory_space<hbm>>
        tpu.enqueue_indirect_dma source(%dma_start3A_1255 : memref<20000x128xf32, #tpu.memory_space<hbm>>) target(%dma_start3A_1251 : memref<32x128xf32, #tpu.memory_space<vmem>>) offsets(%dma_start3A_1252 : memref<32xi32, #tpu.memory_space<vmem>>) semaphore(%arg12 : memref<!tpu.dma_semaphore, #tpu.memory_space<semaphore_mem>>)
        %add3A_1256 = arith.constant 1 : i32
        %add3A_1257 = arith.addi %add3A_155, %add3A_1256 : i32
        %mul3A_1258 = arith.constant 128 : i32
        %mul3A_1259 = arith.muli %add3A_1257, %mul3A_1258 : i32
        %add3A_1260 = arith.constant 64 : i32
        %add3A_1261 = arith.addi %mul3A_1259, %add3A_1260 : i32
        %dma_start3A_1262 = arith.constant 64 : i32
        %dma_start3A_1263 = arith.constant 0 : i32
        %dma_start3A_1264 = tpu.memref_slice %arg9[%dma_start3A_1262, %dma_start3A_1263] : memref<128x128xf32, #tpu.memory_space<vmem>> -> memref<32x128xf32, #tpu.memory_space<vmem>>
        %dma_start3A_1265 = tpu.memref_slice %arg6[%add3A_1261] : memref<10240xi32, #tpu.memory_space<vmem>> -> memref<32xi32, #tpu.memory_space<vmem>>
        %dma_start3A_1266 = arith.constant 0 : i32
        %dma_start3A_1267 = arith.constant 0 : i32
        %dma_start3A_1268 = tpu.memref_slice %arg2[%dma_start3A_1266, %dma_start3A_1267] : memref<20000x128xf32, #tpu.memory_space<hbm>> -> memref<20000x128xf32, #tpu.memory_space<hbm>>
        tpu.enqueue_indirect_dma source(%dma_start3A_1268 : memref<20000x128xf32, #tpu.memory_space<hbm>>) target(%dma_start3A_1264 : memref<32x128xf32, #tpu.memory_space<vmem>>) offsets(%dma_start3A_1265 : memref<32xi32, #tpu.memory_space<vmem>>) semaphore(%arg12 : memref<!tpu.dma_semaphore, #tpu.memory_space<semaphore_mem>>)
        %add3A_1269 = arith.constant 1 : i32
        %add3A_1270 = arith.addi %add3A_155, %add3A_1269 : i32
        %mul3A_1271 = arith.constant 128 : i32
        %mul3A_1272 = arith.muli %add3A_1270, %mul3A_1271 : i32
        %add3A_1273 = arith.constant 96 : i32
        %add3A_1274 = arith.addi %mul3A_1272, %add3A_1273 : i32
        %dma_start3A_1275 = arith.constant 96 : i32
        %dma_start3A_1276 = arith.constant 0 : i32
        %dma_start3A_1277 = tpu.memref_slice %arg9[%dma_start3A_1275, %dma_start3A_1276] : memref<128x128xf32, #tpu.memory_space<vmem>> -> memref<32x128xf32, #tpu.memory_space<vmem>>
        %dma_start3A_1278 = tpu.memref_slice %arg6[%add3A_1274] : memref<10240xi32, #tpu.memory_space<vmem>> -> memref<32xi32, #tpu.memory_space<vmem>>
        %dma_start3A_1279 = arith.constant 0 : i32
        %dma_start3A_1280 = arith.constant 0 : i32
        %dma_start3A_1281 = tpu.memref_slice %arg2[%dma_start3A_1279, %dma_start3A_1280] : memref<20000x128xf32, #tpu.memory_space<hbm>> -> memref<20000x128xf32, #tpu.memory_space<hbm>>
        tpu.enqueue_indirect_dma source(%dma_start3A_1281 : memref<20000x128xf32, #tpu.memory_space<hbm>>) target(%dma_start3A_1277 : memref<32x128xf32, #tpu.memory_space<vmem>>) offsets(%dma_start3A_1278 : memref<32xi32, #tpu.memory_space<vmem>>) semaphore(%arg12 : memref<!tpu.dma_semaphore, #tpu.memory_space<semaphore_mem>>)
      } else {
      }
      %mul3A_168 = arith.constant 128 : i32
      %mul3A_169 = arith.muli %add3A_155, %mul3A_168 : i32
      %add3A_170 = arith.constant 0 : i32
      %add3A_171 = arith.addi %mul3A_169, %add3A_170 : i32
      %dma_wait3A_172 = arith.constant 0 : i32
      %dma_wait3A_173 = arith.constant 0 : i32
      %dma_wait3A_174 = tpu.memref_slice %arg10[%dma_wait3A_172, %dma_wait3A_173] : memref<128x128xf32, #tpu.memory_space<vmem>> -> memref<32x128xf32, #tpu.memory_space<vmem>>
      %dma_wait3A_175 = tpu.memref_slice %arg6[%add3A_171] : memref<10240xi32, #tpu.memory_space<vmem>> -> memref<32xi32, #tpu.memory_space<vmem>>
      %dma_wait3A_176 = arith.constant 0 : i32
      %dma_wait3A_177 = arith.constant 0 : i32
      %dma_wait3A_178 = tpu.memref_slice %arg2[%dma_wait3A_176, %dma_wait3A_177] : memref<20000x128xf32, #tpu.memory_space<hbm>> -> memref<20000x128xf32, #tpu.memory_space<hbm>>
      tpu.wait_indirect_dma semaphore(%arg13 : memref<!tpu.dma_semaphore, #tpu.memory_space<semaphore_mem>>) src(%dma_wait3A_178 : memref<20000x128xf32, #tpu.memory_space<hbm>>) dst(%dma_wait3A_174 : memref<32x128xf32, #tpu.memory_space<vmem>>)
      %mul3A_179 = arith.constant 128 : i32
      %mul3A_180 = arith.muli %add3A_155, %mul3A_179 : i32
      %add3A_181 = arith.constant 32 : i32
      %add3A_182 = arith.addi %mul3A_180, %add3A_181 : i32
      %dma_wait3A_183 = arith.constant 32 : i32
      %dma_wait3A_184 = arith.constant 0 : i32
      %dma_wait3A_185 = tpu.memref_slice %arg10[%dma_wait3A_183, %dma_wait3A_184] : memref<128x128xf32, #tpu.memory_space<vmem>> -> memref<32x128xf32, #tpu.memory_space<vmem>>
      %dma_wait3A_186 = tpu.memref_slice %arg6[%add3A_182] : memref<10240xi32, #tpu.memory_space<vmem>> -> memref<32xi32, #tpu.memory_space<vmem>>
      %dma_wait3A_187 = arith.constant 0 : i32
      %dma_wait3A_188 = arith.constant 0 : i32
      %dma_wait3A_189 = tpu.memref_slice %arg2[%dma_wait3A_187, %dma_wait3A_188] : memref<20000x128xf32, #tpu.memory_space<hbm>> -> memref<20000x128xf32, #tpu.memory_space<hbm>>
      tpu.wait_indirect_dma semaphore(%arg13 : memref<!tpu.dma_semaphore, #tpu.memory_space<semaphore_mem>>) src(%dma_wait3A_189 : memref<20000x128xf32, #tpu.memory_space<hbm>>) dst(%dma_wait3A_185 : memref<32x128xf32, #tpu.memory_space<vmem>>)
      %mul3A_190 = arith.constant 128 : i32
      %mul3A_191 = arith.muli %add3A_155, %mul3A_190 : i32
      %add3A_192 = arith.constant 64 : i32
      %add3A_193 = arith.addi %mul3A_191, %add3A_192 : i32
      %dma_wait3A_194 = arith.constant 64 : i32
      %dma_wait3A_195 = arith.constant 0 : i32
      %dma_wait3A_196 = tpu.memref_slice %arg10[%dma_wait3A_194, %dma_wait3A_195] : memref<128x128xf32, #tpu.memory_space<vmem>> -> memref<32x128xf32, #tpu.memory_space<vmem>>
      %dma_wait3A_197 = tpu.memref_slice %arg6[%add3A_193] : memref<10240xi32, #tpu.memory_space<vmem>> -> memref<32xi32, #tpu.memory_space<vmem>>
      %dma_wait3A_198 = arith.constant 0 : i32
      %dma_wait3A_199 = arith.constant 0 : i32
      %dma_wait3A_200 = tpu.memref_slice %arg2[%dma_wait3A_198, %dma_wait3A_199] : memref<20000x128xf32, #tpu.memory_space<hbm>> -> memref<20000x128xf32, #tpu.memory_space<hbm>>
      tpu.wait_indirect_dma semaphore(%arg13 : memref<!tpu.dma_semaphore, #tpu.memory_space<semaphore_mem>>) src(%dma_wait3A_200 : memref<20000x128xf32, #tpu.memory_space<hbm>>) dst(%dma_wait3A_196 : memref<32x128xf32, #tpu.memory_space<vmem>>)
      %mul3A_201 = arith.constant 128 : i32
      %mul3A_202 = arith.muli %add3A_155, %mul3A_201 : i32
      %add3A_203 = arith.constant 96 : i32
      %add3A_204 = arith.addi %mul3A_202, %add3A_203 : i32
      %dma_wait3A_205 = arith.constant 96 : i32
      %dma_wait3A_206 = arith.constant 0 : i32
      %dma_wait3A_207 = tpu.memref_slice %arg10[%dma_wait3A_205, %dma_wait3A_206] : memref<128x128xf32, #tpu.memory_space<vmem>> -> memref<32x128xf32, #tpu.memory_space<vmem>>
      %dma_wait3A_208 = tpu.memref_slice %arg6[%add3A_204] : memref<10240xi32, #tpu.memory_space<vmem>> -> memref<32xi32, #tpu.memory_space<vmem>>
      %dma_wait3A_209 = arith.constant 0 : i32
      %dma_wait3A_210 = arith.constant 0 : i32
      %dma_wait3A_211 = tpu.memref_slice %arg2[%dma_wait3A_209, %dma_wait3A_210] : memref<20000x128xf32, #tpu.memory_space<hbm>> -> memref<20000x128xf32, #tpu.memory_space<hbm>>
      tpu.wait_indirect_dma semaphore(%arg13 : memref<!tpu.dma_semaphore, #tpu.memory_space<semaphore_mem>>) src(%dma_wait3A_211 : memref<20000x128xf32, #tpu.memory_space<hbm>>) dst(%dma_wait3A_207 : memref<32x128xf32, #tpu.memory_space<vmem>>)
      %dma_start3A_212 = arith.constant 1 : i32
      %dma_start3A_213 = arith.constant 0 : i32
      %dma_start3A_214 = tpu.memref_slice %arg7[%dma_start3A_212, %dma_start3A_213] : memref<8x128xi32, #tpu.memory_space<vmem>> -> memref<1x128xi32, #tpu.memory_space<vmem>>
      %dma_start3A_215 = tpu.memref_squeeze %dma_start3A_214 : memref<1x128xi32, #tpu.memory_space<vmem>> -> memref<128xi32, #tpu.memory_space<vmem>>
      %dma_start3A_216 = arith.constant 0 : i32
      %dma_start3A_217 = arith.constant 0 : i32
      %dma_start3A_218 = tpu.memref_slice %arg11[%dma_start3A_216, %dma_start3A_217] : memref<10112x128xf32, #tpu.memory_space<vmem_shared>> -> memref<10112x128xf32, #tpu.memory_space<vmem_shared>>
      tpu.enqueue_indirect_dma source(%arg10 : memref<128x128xf32, #tpu.memory_space<vmem>>) target(%dma_start3A_218 : memref<10112x128xf32, #tpu.memory_space<vmem_shared>>) offsets(%dma_start3A_215 : memref<128xi32, #tpu.memory_space<vmem>>) semaphore(%arg15 : memref<!tpu.dma_semaphore, #tpu.memory_space<semaphore_mem>>) {add = true}
      %mul3A_219 = arith.constant 2 : i32
      %mul3A_220 = arith.muli %add3A_63, %mul3A_219 : i32
      %add3A_221 = arith.constant 0 : i32
      %add3A_222 = arith.addi %mul3A_220, %add3A_221 : i32
      %mul3A_223 = arith.constant 8 : i32
      %mul3A_224 = arith.muli %add3A_222, %mul3A_223 : i32
      %add3A_225 = arith.constant 2 : i32
      %add3A_226 = arith.addi %mul3A_224, %add3A_225 : i32
      %ge3A_227 = arith.constant 1 : i32
      %ge3A_228 = arith.cmpi sge, %add3A_226, %ge3A_227 : i32
      %convert_element_type3A_229 = arith.extui %ge3A_228 : i1 to i32
      %cond3A_230 = arith.constant 0 : i32
      %cond3A_231 = arith.cmpi ne, %convert_element_type3A_229, %cond3A_230 : i32
      scf.if %cond3A_231 {
        %dma_wait3A_1230 = arith.constant 0 : i32
        %dma_wait3A_1231 = arith.constant 0 : i32
        %dma_wait3A_1232 = tpu.memref_slice %arg7[%dma_wait3A_1230, %dma_wait3A_1231] : memref<8x128xi32, #tpu.memory_space<vmem>> -> memref<1x128xi32, #tpu.memory_space<vmem>>
        %dma_wait3A_1233 = tpu.memref_squeeze %dma_wait3A_1232 : memref<1x128xi32, #tpu.memory_space<vmem>> -> memref<128xi32, #tpu.memory_space<vmem>>
        %dma_wait3A_1234 = arith.constant 0 : i32
        %dma_wait3A_1235 = arith.constant 0 : i32
        %dma_wait3A_1236 = tpu.memref_slice %arg11[%dma_wait3A_1234, %dma_wait3A_1235] : memref<10112x128xf32, #tpu.memory_space<vmem_shared>> -> memref<10112x128xf32, #tpu.memory_space<vmem_shared>>
        tpu.wait_indirect_dma semaphore(%arg15 : memref<!tpu.dma_semaphore, #tpu.memory_space<semaphore_mem>>) src(%arg10 : memref<128x128xf32, #tpu.memory_space<vmem>>) dst(%dma_wait3A_1236 : memref<10112x128xf32, #tpu.memory_space<vmem_shared>>)
      } else {
      }
      %add3A_232 = arith.constant 1 : i32
      %add3A_233 = arith.addi %add3A_226, %add3A_232 : i32
      %lt3A_234 = arith.constant 80 : i32
      %lt3A_235 = arith.cmpi slt, %add3A_233, %lt3A_234 : i32
      %convert_element_type3A_236 = arith.extui %lt3A_235 : i1 to i32
      %cond3A_237 = arith.constant 0 : i32
      %cond3A_238 = arith.cmpi ne, %convert_element_type3A_236, %cond3A_237 : i32
      scf.if %cond3A_238 {
        %add3A_1230 = arith.constant 1 : i32
        %add3A_1231 = arith.addi %add3A_226, %add3A_1230 : i32
        %mul3A_1232 = arith.constant 128 : i32
        %mul3A_1233 = arith.muli %add3A_1231, %mul3A_1232 : i32
        %add3A_1234 = arith.constant 0 : i32
        %add3A_1235 = arith.addi %mul3A_1233, %add3A_1234 : i32
        %dma_start3A_1236 = arith.constant 0 : i32
        %dma_start3A_1237 = arith.constant 0 : i32
        %dma_start3A_1238 = tpu.memref_slice %arg10[%dma_start3A_1236, %dma_start3A_1237] : memref<128x128xf32, #tpu.memory_space<vmem>> -> memref<32x128xf32, #tpu.memory_space<vmem>>
        %dma_start3A_1239 = tpu.memref_slice %arg6[%add3A_1235] : memref<10240xi32, #tpu.memory_space<vmem>> -> memref<32xi32, #tpu.memory_space<vmem>>
        %dma_start3A_1240 = arith.constant 0 : i32
        %dma_start3A_1241 = arith.constant 0 : i32
        %dma_start3A_1242 = tpu.memref_slice %arg2[%dma_start3A_1240, %dma_start3A_1241] : memref<20000x128xf32, #tpu.memory_space<hbm>> -> memref<20000x128xf32, #tpu.memory_space<hbm>>
        tpu.enqueue_indirect_dma source(%dma_start3A_1242 : memref<20000x128xf32, #tpu.memory_space<hbm>>) target(%dma_start3A_1238 : memref<32x128xf32, #tpu.memory_space<vmem>>) offsets(%dma_start3A_1239 : memref<32xi32, #tpu.memory_space<vmem>>) semaphore(%arg13 : memref<!tpu.dma_semaphore, #tpu.memory_space<semaphore_mem>>)
        %add3A_1243 = arith.constant 1 : i32
        %add3A_1244 = arith.addi %add3A_226, %add3A_1243 : i32
        %mul3A_1245 = arith.constant 128 : i32
        %mul3A_1246 = arith.muli %add3A_1244, %mul3A_1245 : i32
        %add3A_1247 = arith.constant 32 : i32
        %add3A_1248 = arith.addi %mul3A_1246, %add3A_1247 : i32
        %dma_start3A_1249 = arith.constant 32 : i32
        %dma_start3A_1250 = arith.constant 0 : i32
        %dma_start3A_1251 = tpu.memref_slice %arg10[%dma_start3A_1249, %dma_start3A_1250] : memref<128x128xf32, #tpu.memory_space<vmem>> -> memref<32x128xf32, #tpu.memory_space<vmem>>
        %dma_start3A_1252 = tpu.memref_slice %arg6[%add3A_1248] : memref<10240xi32, #tpu.memory_space<vmem>> -> memref<32xi32, #tpu.memory_space<vmem>>
        %dma_start3A_1253 = arith.constant 0 : i32
        %dma_start3A_1254 = arith.constant 0 : i32
        %dma_start3A_1255 = tpu.memref_slice %arg2[%dma_start3A_1253, %dma_start3A_1254] : memref<20000x128xf32, #tpu.memory_space<hbm>> -> memref<20000x128xf32, #tpu.memory_space<hbm>>
        tpu.enqueue_indirect_dma source(%dma_start3A_1255 : memref<20000x128xf32, #tpu.memory_space<hbm>>) target(%dma_start3A_1251 : memref<32x128xf32, #tpu.memory_space<vmem>>) offsets(%dma_start3A_1252 : memref<32xi32, #tpu.memory_space<vmem>>) semaphore(%arg13 : memref<!tpu.dma_semaphore, #tpu.memory_space<semaphore_mem>>)
        %add3A_1256 = arith.constant 1 : i32
        %add3A_1257 = arith.addi %add3A_226, %add3A_1256 : i32
        %mul3A_1258 = arith.constant 128 : i32
        %mul3A_1259 = arith.muli %add3A_1257, %mul3A_1258 : i32
        %add3A_1260 = arith.constant 64 : i32
        %add3A_1261 = arith.addi %mul3A_1259, %add3A_1260 : i32
        %dma_start3A_1262 = arith.constant 64 : i32
        %dma_start3A_1263 = arith.constant 0 : i32
        %dma_start3A_1264 = tpu.memref_slice %arg10[%dma_start3A_1262, %dma_start3A_1263] : memref<128x128xf32, #tpu.memory_space<vmem>> -> memref<32x128xf32, #tpu.memory_space<vmem>>
        %dma_start3A_1265 = tpu.memref_slice %arg6[%add3A_1261] : memref<10240xi32, #tpu.memory_space<vmem>> -> memref<32xi32, #tpu.memory_space<vmem>>
        %dma_start3A_1266 = arith.constant 0 : i32
        %dma_start3A_1267 = arith.constant 0 : i32
        %dma_start3A_1268 = tpu.memref_slice %arg2[%dma_start3A_1266, %dma_start3A_1267] : memref<20000x128xf32, #tpu.memory_space<hbm>> -> memref<20000x128xf32, #tpu.memory_space<hbm>>
        tpu.enqueue_indirect_dma source(%dma_start3A_1268 : memref<20000x128xf32, #tpu.memory_space<hbm>>) target(%dma_start3A_1264 : memref<32x128xf32, #tpu.memory_space<vmem>>) offsets(%dma_start3A_1265 : memref<32xi32, #tpu.memory_space<vmem>>) semaphore(%arg13 : memref<!tpu.dma_semaphore, #tpu.memory_space<semaphore_mem>>)
        %add3A_1269 = arith.constant 1 : i32
        %add3A_1270 = arith.addi %add3A_226, %add3A_1269 : i32
        %mul3A_1271 = arith.constant 128 : i32
        %mul3A_1272 = arith.muli %add3A_1270, %mul3A_1271 : i32
        %add3A_1273 = arith.constant 96 : i32
        %add3A_1274 = arith.addi %mul3A_1272, %add3A_1273 : i32
        %dma_start3A_1275 = arith.constant 96 : i32
        %dma_start3A_1276 = arith.constant 0 : i32
        %dma_start3A_1277 = tpu.memref_slice %arg10[%dma_start3A_1275, %dma_start3A_1276] : memref<128x128xf32, #tpu.memory_space<vmem>> -> memref<32x128xf32, #tpu.memory_space<vmem>>
        %dma_start3A_1278 = tpu.memref_slice %arg6[%add3A_1274] : memref<10240xi32, #tpu.memory_space<vmem>> -> memref<32xi32, #tpu.memory_space<vmem>>
        %dma_start3A_1279 = arith.constant 0 : i32
        %dma_start3A_1280 = arith.constant 0 : i32
        %dma_start3A_1281 = tpu.memref_slice %arg2[%dma_start3A_1279, %dma_start3A_1280] : memref<20000x128xf32, #tpu.memory_space<hbm>> -> memref<20000x128xf32, #tpu.memory_space<hbm>>
        tpu.enqueue_indirect_dma source(%dma_start3A_1281 : memref<20000x128xf32, #tpu.memory_space<hbm>>) target(%dma_start3A_1277 : memref<32x128xf32, #tpu.memory_space<vmem>>) offsets(%dma_start3A_1278 : memref<32xi32, #tpu.memory_space<vmem>>) semaphore(%arg13 : memref<!tpu.dma_semaphore, #tpu.memory_space<semaphore_mem>>)
      } else {
      }
      %mul3A_239 = arith.constant 128 : i32
      %mul3A_240 = arith.muli %add3A_226, %mul3A_239 : i32
      %add3A_241 = arith.constant 0 : i32
      %add3A_242 = arith.addi %mul3A_240, %add3A_241 : i32
      %dma_wait3A_243 = arith.constant 0 : i32
      %dma_wait3A_244 = arith.constant 0 : i32
      %dma_wait3A_245 = tpu.memref_slice %arg9[%dma_wait3A_243, %dma_wait3A_244] : memref<128x128xf32, #tpu.memory_space<vmem>> -> memref<32x128xf32, #tpu.memory_space<vmem>>
      %dma_wait3A_246 = tpu.memref_slice %arg6[%add3A_242] : memref<10240xi32, #tpu.memory_space<vmem>> -> memref<32xi32, #tpu.memory_space<vmem>>
      %dma_wait3A_247 = arith.constant 0 : i32
      %dma_wait3A_248 = arith.constant 0 : i32
      %dma_wait3A_249 = tpu.memref_slice %arg2[%dma_wait3A_247, %dma_wait3A_248] : memref<20000x128xf32, #tpu.memory_space<hbm>> -> memref<20000x128xf32, #tpu.memory_space<hbm>>
      tpu.wait_indirect_dma semaphore(%arg12 : memref<!tpu.dma_semaphore, #tpu.memory_space<semaphore_mem>>) src(%dma_wait3A_249 : memref<20000x128xf32, #tpu.memory_space<hbm>>) dst(%dma_wait3A_245 : memref<32x128xf32, #tpu.memory_space<vmem>>)
      %mul3A_250 = arith.constant 128 : i32
      %mul3A_251 = arith.muli %add3A_226, %mul3A_250 : i32
      %add3A_252 = arith.constant 32 : i32
      %add3A_253 = arith.addi %mul3A_251, %add3A_252 : i32
      %dma_wait3A_254 = arith.constant 32 : i32
      %dma_wait3A_255 = arith.constant 0 : i32
      %dma_wait3A_256 = tpu.memref_slice %arg9[%dma_wait3A_254, %dma_wait3A_255] : memref<128x128xf32, #tpu.memory_space<vmem>> -> memref<32x128xf32, #tpu.memory_space<vmem>>
      %dma_wait3A_257 = tpu.memref_slice %arg6[%add3A_253] : memref<10240xi32, #tpu.memory_space<vmem>> -> memref<32xi32, #tpu.memory_space<vmem>>
      %dma_wait3A_258 = arith.constant 0 : i32
      %dma_wait3A_259 = arith.constant 0 : i32
      %dma_wait3A_260 = tpu.memref_slice %arg2[%dma_wait3A_258, %dma_wait3A_259] : memref<20000x128xf32, #tpu.memory_space<hbm>> -> memref<20000x128xf32, #tpu.memory_space<hbm>>
      tpu.wait_indirect_dma semaphore(%arg12 : memref<!tpu.dma_semaphore, #tpu.memory_space<semaphore_mem>>) src(%dma_wait3A_260 : memref<20000x128xf32, #tpu.memory_space<hbm>>) dst(%dma_wait3A_256 : memref<32x128xf32, #tpu.memory_space<vmem>>)
      %mul3A_261 = arith.constant 128 : i32
      %mul3A_262 = arith.muli %add3A_226, %mul3A_261 : i32
      %add3A_263 = arith.constant 64 : i32
      %add3A_264 = arith.addi %mul3A_262, %add3A_263 : i32
      %dma_wait3A_265 = arith.constant 64 : i32
      %dma_wait3A_266 = arith.constant 0 : i32
      %dma_wait3A_267 = tpu.memref_slice %arg9[%dma_wait3A_265, %dma_wait3A_266] : memref<128x128xf32, #tpu.memory_space<vmem>> -> memref<32x128xf32, #tpu.memory_space<vmem>>
      %dma_wait3A_268 = tpu.memref_slice %arg6[%add3A_264] : memref<10240xi32, #tpu.memory_space<vmem>> -> memref<32xi32, #tpu.memory_space<vmem>>
      %dma_wait3A_269 = arith.constant 0 : i32
      %dma_wait3A_270 = arith.constant 0 : i32
      %dma_wait3A_271 = tpu.memref_slice %arg2[%dma_wait3A_269, %dma_wait3A_270] : memref<20000x128xf32, #tpu.memory_space<hbm>> -> memref<20000x128xf32, #tpu.memory_space<hbm>>
      tpu.wait_indirect_dma semaphore(%arg12 : memref<!tpu.dma_semaphore, #tpu.memory_space<semaphore_mem>>) src(%dma_wait3A_271 : memref<20000x128xf32, #tpu.memory_space<hbm>>) dst(%dma_wait3A_267 : memref<32x128xf32, #tpu.memory_space<vmem>>)
      %mul3A_272 = arith.constant 128 : i32
      %mul3A_273 = arith.muli %add3A_226, %mul3A_272 : i32
      %add3A_274 = arith.constant 96 : i32
      %add3A_275 = arith.addi %mul3A_273, %add3A_274 : i32
      %dma_wait3A_276 = arith.constant 96 : i32
      %dma_wait3A_277 = arith.constant 0 : i32
      %dma_wait3A_278 = tpu.memref_slice %arg9[%dma_wait3A_276, %dma_wait3A_277] : memref<128x128xf32, #tpu.memory_space<vmem>> -> memref<32x128xf32, #tpu.memory_space<vmem>>
      %dma_wait3A_279 = tpu.memref_slice %arg6[%add3A_275] : memref<10240xi32, #tpu.memory_space<vmem>> -> memref<32xi32, #tpu.memory_space<vmem>>
      %dma_wait3A_280 = arith.constant 0 : i32
      %dma_wait3A_281 = arith.constant 0 : i32
      %dma_wait3A_282 = tpu.memref_slice %arg2[%dma_wait3A_280, %dma_wait3A_281] : memref<20000x128xf32, #tpu.memory_space<hbm>> -> memref<20000x128xf32, #tpu.memory_space<hbm>>
      tpu.wait_indirect_dma semaphore(%arg12 : memref<!tpu.dma_semaphore, #tpu.memory_space<semaphore_mem>>) src(%dma_wait3A_282 : memref<20000x128xf32, #tpu.memory_space<hbm>>) dst(%dma_wait3A_278 : memref<32x128xf32, #tpu.memory_space<vmem>>)
      %dma_start3A_283 = arith.constant 2 : i32
      %dma_start3A_284 = arith.constant 0 : i32
      %dma_start3A_285 = tpu.memref_slice %arg7[%dma_start3A_283, %dma_start3A_284] : memref<8x128xi32, #tpu.memory_space<vmem>> -> memref<1x128xi32, #tpu.memory_space<vmem>>
      %dma_start3A_286 = tpu.memref_squeeze %dma_start3A_285 : memref<1x128xi32, #tpu.memory_space<vmem>> -> memref<128xi32, #tpu.memory_space<vmem>>
      %dma_start3A_287 = arith.constant 0 : i32
      %dma_start3A_288 = arith.constant 0 : i32
      %dma_start3A_289 = tpu.memref_slice %arg11[%dma_start3A_287, %dma_start3A_288] : memref<10112x128xf32, #tpu.memory_space<vmem_shared>> -> memref<10112x128xf32, #tpu.memory_space<vmem_shared>>
      tpu.enqueue_indirect_dma source(%arg9 : memref<128x128xf32, #tpu.memory_space<vmem>>) target(%dma_start3A_289 : memref<10112x128xf32, #tpu.memory_space<vmem_shared>>) offsets(%dma_start3A_286 : memref<128xi32, #tpu.memory_space<vmem>>) semaphore(%arg14 : memref<!tpu.dma_semaphore, #tpu.memory_space<semaphore_mem>>) {add = true}
      %mul3A_290 = arith.constant 2 : i32
      %mul3A_291 = arith.muli %add3A_63, %mul3A_290 : i32
      %add3A_292 = arith.constant 0 : i32
      %add3A_293 = arith.addi %mul3A_291, %add3A_292 : i32
      %mul3A_294 = arith.constant 8 : i32
      %mul3A_295 = arith.muli %add3A_293, %mul3A_294 : i32
      %add3A_296 = arith.constant 3 : i32
      %add3A_297 = arith.addi %mul3A_295, %add3A_296 : i32
      %ge3A_298 = arith.constant 1 : i32
      %ge3A_299 = arith.cmpi sge, %add3A_297, %ge3A_298 : i32
      %convert_element_type3A_300 = arith.extui %ge3A_299 : i1 to i32
      %cond3A_301 = arith.constant 0 : i32
      %cond3A_302 = arith.cmpi ne, %convert_element_type3A_300, %cond3A_301 : i32
      scf.if %cond3A_302 {
        %dma_wait3A_1230 = arith.constant 0 : i32
        %dma_wait3A_1231 = arith.constant 0 : i32
        %dma_wait3A_1232 = tpu.memref_slice %arg7[%dma_wait3A_1230, %dma_wait3A_1231] : memref<8x128xi32, #tpu.memory_space<vmem>> -> memref<1x128xi32, #tpu.memory_space<vmem>>
        %dma_wait3A_1233 = tpu.memref_squeeze %dma_wait3A_1232 : memref<1x128xi32, #tpu.memory_space<vmem>> -> memref<128xi32, #tpu.memory_space<vmem>>
        %dma_wait3A_1234 = arith.constant 0 : i32
        %dma_wait3A_1235 = arith.constant 0 : i32
        %dma_wait3A_1236 = tpu.memref_slice %arg11[%dma_wait3A_1234, %dma_wait3A_1235] : memref<10112x128xf32, #tpu.memory_space<vmem_shared>> -> memref<10112x128xf32, #tpu.memory_space<vmem_shared>>
        tpu.wait_indirect_dma semaphore(%arg14 : memref<!tpu.dma_semaphore, #tpu.memory_space<semaphore_mem>>) src(%arg9 : memref<128x128xf32, #tpu.memory_space<vmem>>) dst(%dma_wait3A_1236 : memref<10112x128xf32, #tpu.memory_space<vmem_shared>>)
      } else {
      }
      %add3A_303 = arith.constant 1 : i32
      %add3A_304 = arith.addi %add3A_297, %add3A_303 : i32
      %lt3A_305 = arith.constant 80 : i32
      %lt3A_306 = arith.cmpi slt, %add3A_304, %lt3A_305 : i32
      %convert_element_type3A_307 = arith.extui %lt3A_306 : i1 to i32
      %cond3A_308 = arith.constant 0 : i32
      %cond3A_309 = arith.cmpi ne, %convert_element_type3A_307, %cond3A_308 : i32
      scf.if %cond3A_309 {
        %add3A_1230 = arith.constant 1 : i32
        %add3A_1231 = arith.addi %add3A_297, %add3A_1230 : i32
        %mul3A_1232 = arith.constant 128 : i32
        %mul3A_1233 = arith.muli %add3A_1231, %mul3A_1232 : i32
        %add3A_1234 = arith.constant 0 : i32
        %add3A_1235 = arith.addi %mul3A_1233, %add3A_1234 : i32
        %dma_start3A_1236 = arith.constant 0 : i32
        %dma_start3A_1237 = arith.constant 0 : i32
        %dma_start3A_1238 = tpu.memref_slice %arg9[%dma_start3A_1236, %dma_start3A_1237] : memref<128x128xf32, #tpu.memory_space<vmem>> -> memref<32x128xf32, #tpu.memory_space<vmem>>
        %dma_start3A_1239 = tpu.memref_slice %arg6[%add3A_1235] : memref<10240xi32, #tpu.memory_space<vmem>> -> memref<32xi32, #tpu.memory_space<vmem>>
        %dma_start3A_1240 = arith.constant 0 : i32
        %dma_start3A_1241 = arith.constant 0 : i32
        %dma_start3A_1242 = tpu.memref_slice %arg2[%dma_start3A_1240, %dma_start3A_1241] : memref<20000x128xf32, #tpu.memory_space<hbm>> -> memref<20000x128xf32, #tpu.memory_space<hbm>>
        tpu.enqueue_indirect_dma source(%dma_start3A_1242 : memref<20000x128xf32, #tpu.memory_space<hbm>>) target(%dma_start3A_1238 : memref<32x128xf32, #tpu.memory_space<vmem>>) offsets(%dma_start3A_1239 : memref<32xi32, #tpu.memory_space<vmem>>) semaphore(%arg12 : memref<!tpu.dma_semaphore, #tpu.memory_space<semaphore_mem>>)
        %add3A_1243 = arith.constant 1 : i32
        %add3A_1244 = arith.addi %add3A_297, %add3A_1243 : i32
        %mul3A_1245 = arith.constant 128 : i32
        %mul3A_1246 = arith.muli %add3A_1244, %mul3A_1245 : i32
        %add3A_1247 = arith.constant 32 : i32
        %add3A_1248 = arith.addi %mul3A_1246, %add3A_1247 : i32
        %dma_start3A_1249 = arith.constant 32 : i32
        %dma_start3A_1250 = arith.constant 0 : i32
        %dma_start3A_1251 = tpu.memref_slice %arg9[%dma_start3A_1249, %dma_start3A_1250] : memref<128x128xf32, #tpu.memory_space<vmem>> -> memref<32x128xf32, #tpu.memory_space<vmem>>
        %dma_start3A_1252 = tpu.memref_slice %arg6[%add3A_1248] : memref<10240xi32, #tpu.memory_space<vmem>> -> memref<32xi32, #tpu.memory_space<vmem>>
        %dma_start3A_1253 = arith.constant 0 : i32
        %dma_start3A_1254 = arith.constant 0 : i32
        %dma_start3A_1255 = tpu.memref_slice %arg2[%dma_start3A_1253, %dma_start3A_1254] : memref<20000x128xf32, #tpu.memory_space<hbm>> -> memref<20000x128xf32, #tpu.memory_space<hbm>>
        tpu.enqueue_indirect_dma source(%dma_start3A_1255 : memref<20000x128xf32, #tpu.memory_space<hbm>>) target(%dma_start3A_1251 : memref<32x128xf32, #tpu.memory_space<vmem>>) offsets(%dma_start3A_1252 : memref<32xi32, #tpu.memory_space<vmem>>) semaphore(%arg12 : memref<!tpu.dma_semaphore, #tpu.memory_space<semaphore_mem>>)
        %add3A_1256 = arith.constant 1 : i32
        %add3A_1257 = arith.addi %add3A_297, %add3A_1256 : i32
        %mul3A_1258 = arith.constant 128 : i32
        %mul3A_1259 = arith.muli %add3A_1257, %mul3A_1258 : i32
        %add3A_1260 = arith.constant 64 : i32
        %add3A_1261 = arith.addi %mul3A_1259, %add3A_1260 : i32
        %dma_start3A_1262 = arith.constant 64 : i32
        %dma_start3A_1263 = arith.constant 0 : i32
        %dma_start3A_1264 = tpu.memref_slice %arg9[%dma_start3A_1262, %dma_start3A_1263] : memref<128x128xf32, #tpu.memory_space<vmem>> -> memref<32x128xf32, #tpu.memory_space<vmem>>
        %dma_start3A_1265 = tpu.memref_slice %arg6[%add3A_1261] : memref<10240xi32, #tpu.memory_space<vmem>> -> memref<32xi32, #tpu.memory_space<vmem>>
        %dma_start3A_1266 = arith.constant 0 : i32
        %dma_start3A_1267 = arith.constant 0 : i32
        %dma_start3A_1268 = tpu.memref_slice %arg2[%dma_start3A_1266, %dma_start3A_1267] : memref<20000x128xf32, #tpu.memory_space<hbm>> -> memref<20000x128xf32, #tpu.memory_space<hbm>>
        tpu.enqueue_indirect_dma source(%dma_start3A_1268 : memref<20000x128xf32, #tpu.memory_space<hbm>>) target(%dma_start3A_1264 : memref<32x128xf32, #tpu.memory_space<vmem>>) offsets(%dma_start3A_1265 : memref<32xi32, #tpu.memory_space<vmem>>) semaphore(%arg12 : memref<!tpu.dma_semaphore, #tpu.memory_space<semaphore_mem>>)
        %add3A_1269 = arith.constant 1 : i32
        %add3A_1270 = arith.addi %add3A_297, %add3A_1269 : i32
        %mul3A_1271 = arith.constant 128 : i32
        %mul3A_1272 = arith.muli %add3A_1270, %mul3A_1271 : i32
        %add3A_1273 = arith.constant 96 : i32
        %add3A_1274 = arith.addi %mul3A_1272, %add3A_1273 : i32
        %dma_start3A_1275 = arith.constant 96 : i32
        %dma_start3A_1276 = arith.constant 0 : i32
        %dma_start3A_1277 = tpu.memref_slice %arg9[%dma_start3A_1275, %dma_start3A_1276] : memref<128x128xf32, #tpu.memory_space<vmem>> -> memref<32x128xf32, #tpu.memory_space<vmem>>
        %dma_start3A_1278 = tpu.memref_slice %arg6[%add3A_1274] : memref<10240xi32, #tpu.memory_space<vmem>> -> memref<32xi32, #tpu.memory_space<vmem>>
        %dma_start3A_1279 = arith.constant 0 : i32
        %dma_start3A_1280 = arith.constant 0 : i32
        %dma_start3A_1281 = tpu.memref_slice %arg2[%dma_start3A_1279, %dma_start3A_1280] : memref<20000x128xf32, #tpu.memory_space<hbm>> -> memref<20000x128xf32, #tpu.memory_space<hbm>>
        tpu.enqueue_indirect_dma source(%dma_start3A_1281 : memref<20000x128xf32, #tpu.memory_space<hbm>>) target(%dma_start3A_1277 : memref<32x128xf32, #tpu.memory_space<vmem>>) offsets(%dma_start3A_1278 : memref<32xi32, #tpu.memory_space<vmem>>) semaphore(%arg12 : memref<!tpu.dma_semaphore, #tpu.memory_space<semaphore_mem>>)
      } else {
      }
      %mul3A_310 = arith.constant 128 : i32
      %mul3A_311 = arith.muli %add3A_297, %mul3A_310 : i32
      %add3A_312 = arith.constant 0 : i32
      %add3A_313 = arith.addi %mul3A_311, %add3A_312 : i32
      %dma_wait3A_314 = arith.constant 0 : i32
      %dma_wait3A_315 = arith.constant 0 : i32
      %dma_wait3A_316 = tpu.memref_slice %arg10[%dma_wait3A_314, %dma_wait3A_315] : memref<128x128xf32, #tpu.memory_space<vmem>> -> memref<32x128xf32, #tpu.memory_space<vmem>>
      %dma_wait3A_317 = tpu.memref_slice %arg6[%add3A_313] : memref<10240xi32, #tpu.memory_space<vmem>> -> memref<32xi32, #tpu.memory_space<vmem>>
      %dma_wait3A_318 = arith.constant 0 : i32
      %dma_wait3A_319 = arith.constant 0 : i32
      %dma_wait3A_320 = tpu.memref_slice %arg2[%dma_wait3A_318, %dma_wait3A_319] : memref<20000x128xf32, #tpu.memory_space<hbm>> -> memref<20000x128xf32, #tpu.memory_space<hbm>>
      tpu.wait_indirect_dma semaphore(%arg13 : memref<!tpu.dma_semaphore, #tpu.memory_space<semaphore_mem>>) src(%dma_wait3A_320 : memref<20000x128xf32, #tpu.memory_space<hbm>>) dst(%dma_wait3A_316 : memref<32x128xf32, #tpu.memory_space<vmem>>)
      %mul3A_321 = arith.constant 128 : i32
      %mul3A_322 = arith.muli %add3A_297, %mul3A_321 : i32
      %add3A_323 = arith.constant 32 : i32
      %add3A_324 = arith.addi %mul3A_322, %add3A_323 : i32
      %dma_wait3A_325 = arith.constant 32 : i32
      %dma_wait3A_326 = arith.constant 0 : i32
      %dma_wait3A_327 = tpu.memref_slice %arg10[%dma_wait3A_325, %dma_wait3A_326] : memref<128x128xf32, #tpu.memory_space<vmem>> -> memref<32x128xf32, #tpu.memory_space<vmem>>
      %dma_wait3A_328 = tpu.memref_slice %arg6[%add3A_324] : memref<10240xi32, #tpu.memory_space<vmem>> -> memref<32xi32, #tpu.memory_space<vmem>>
      %dma_wait3A_329 = arith.constant 0 : i32
      %dma_wait3A_330 = arith.constant 0 : i32
      %dma_wait3A_331 = tpu.memref_slice %arg2[%dma_wait3A_329, %dma_wait3A_330] : memref<20000x128xf32, #tpu.memory_space<hbm>> -> memref<20000x128xf32, #tpu.memory_space<hbm>>
      tpu.wait_indirect_dma semaphore(%arg13 : memref<!tpu.dma_semaphore, #tpu.memory_space<semaphore_mem>>) src(%dma_wait3A_331 : memref<20000x128xf32, #tpu.memory_space<hbm>>) dst(%dma_wait3A_327 : memref<32x128xf32, #tpu.memory_space<vmem>>)
      %mul3A_332 = arith.constant 128 : i32
      %mul3A_333 = arith.muli %add3A_297, %mul3A_332 : i32
      %add3A_334 = arith.constant 64 : i32
      %add3A_335 = arith.addi %mul3A_333, %add3A_334 : i32
      %dma_wait3A_336 = arith.constant 64 : i32
      %dma_wait3A_337 = arith.constant 0 : i32
      %dma_wait3A_338 = tpu.memref_slice %arg10[%dma_wait3A_336, %dma_wait3A_337] : memref<128x128xf32, #tpu.memory_space<vmem>> -> memref<32x128xf32, #tpu.memory_space<vmem>>
      %dma_wait3A_339 = tpu.memref_slice %arg6[%add3A_335] : memref<10240xi32, #tpu.memory_space<vmem>> -> memref<32xi32, #tpu.memory_space<vmem>>
      %dma_wait3A_340 = arith.constant 0 : i32
      %dma_wait3A_341 = arith.constant 0 : i32
      %dma_wait3A_342 = tpu.memref_slice %arg2[%dma_wait3A_340, %dma_wait3A_341] : memref<20000x128xf32, #tpu.memory_space<hbm>> -> memref<20000x128xf32, #tpu.memory_space<hbm>>
      tpu.wait_indirect_dma semaphore(%arg13 : memref<!tpu.dma_semaphore, #tpu.memory_space<semaphore_mem>>) src(%dma_wait3A_342 : memref<20000x128xf32, #tpu.memory_space<hbm>>) dst(%dma_wait3A_338 : memref<32x128xf32, #tpu.memory_space<vmem>>)
      %mul3A_343 = arith.constant 128 : i32
      %mul3A_344 = arith.muli %add3A_297, %mul3A_343 : i32
      %add3A_345 = arith.constant 96 : i32
      %add3A_346 = arith.addi %mul3A_344, %add3A_345 : i32
      %dma_wait3A_347 = arith.constant 96 : i32
      %dma_wait3A_348 = arith.constant 0 : i32
      %dma_wait3A_349 = tpu.memref_slice %arg10[%dma_wait3A_347, %dma_wait3A_348] : memref<128x128xf32, #tpu.memory_space<vmem>> -> memref<32x128xf32, #tpu.memory_space<vmem>>
      %dma_wait3A_350 = tpu.memref_slice %arg6[%add3A_346] : memref<10240xi32, #tpu.memory_space<vmem>> -> memref<32xi32, #tpu.memory_space<vmem>>
      %dma_wait3A_351 = arith.constant 0 : i32
      %dma_wait3A_352 = arith.constant 0 : i32
      %dma_wait3A_353 = tpu.memref_slice %arg2[%dma_wait3A_351, %dma_wait3A_352] : memref<20000x128xf32, #tpu.memory_space<hbm>> -> memref<20000x128xf32, #tpu.memory_space<hbm>>
      tpu.wait_indirect_dma semaphore(%arg13 : memref<!tpu.dma_semaphore, #tpu.memory_space<semaphore_mem>>) src(%dma_wait3A_353 : memref<20000x128xf32, #tpu.memory_space<hbm>>) dst(%dma_wait3A_349 : memref<32x128xf32, #tpu.memory_space<vmem>>)
      %dma_start3A_354 = arith.constant 3 : i32
      %dma_start3A_355 = arith.constant 0 : i32
      %dma_start3A_356 = tpu.memref_slice %arg7[%dma_start3A_354, %dma_start3A_355] : memref<8x128xi32, #tpu.memory_space<vmem>> -> memref<1x128xi32, #tpu.memory_space<vmem>>
      %dma_start3A_357 = tpu.memref_squeeze %dma_start3A_356 : memref<1x128xi32, #tpu.memory_space<vmem>> -> memref<128xi32, #tpu.memory_space<vmem>>
      %dma_start3A_358 = arith.constant 0 : i32
      %dma_start3A_359 = arith.constant 0 : i32
      %dma_start3A_360 = tpu.memref_slice %arg11[%dma_start3A_358, %dma_start3A_359] : memref<10112x128xf32, #tpu.memory_space<vmem_shared>> -> memref<10112x128xf32, #tpu.memory_space<vmem_shared>>
      tpu.enqueue_indirect_dma source(%arg10 : memref<128x128xf32, #tpu.memory_space<vmem>>) target(%dma_start3A_360 : memref<10112x128xf32, #tpu.memory_space<vmem_shared>>) offsets(%dma_start3A_357 : memref<128xi32, #tpu.memory_space<vmem>>) semaphore(%arg15 : memref<!tpu.dma_semaphore, #tpu.memory_space<semaphore_mem>>) {add = true}
      %mul3A_361 = arith.constant 2 : i32
      %mul3A_362 = arith.muli %add3A_63, %mul3A_361 : i32
      %add3A_363 = arith.constant 0 : i32
      %add3A_364 = arith.addi %mul3A_362, %add3A_363 : i32
      %mul3A_365 = arith.constant 8 : i32
      %mul3A_366 = arith.muli %add3A_364, %mul3A_365 : i32
      %add3A_367 = arith.constant 4 : i32
      %add3A_368 = arith.addi %mul3A_366, %add3A_367 : i32
      %ge3A_369 = arith.constant 1 : i32
      %ge3A_370 = arith.cmpi sge, %add3A_368, %ge3A_369 : i32
      %convert_element_type3A_371 = arith.extui %ge3A_370 : i1 to i32
      %cond3A_372 = arith.constant 0 : i32
      %cond3A_373 = arith.cmpi ne, %convert_element_type3A_371, %cond3A_372 : i32
      scf.if %cond3A_373 {
        %dma_wait3A_1230 = arith.constant 0 : i32
        %dma_wait3A_1231 = arith.constant 0 : i32
        %dma_wait3A_1232 = tpu.memref_slice %arg7[%dma_wait3A_1230, %dma_wait3A_1231] : memref<8x128xi32, #tpu.memory_space<vmem>> -> memref<1x128xi32, #tpu.memory_space<vmem>>
        %dma_wait3A_1233 = tpu.memref_squeeze %dma_wait3A_1232 : memref<1x128xi32, #tpu.memory_space<vmem>> -> memref<128xi32, #tpu.memory_space<vmem>>
        %dma_wait3A_1234 = arith.constant 0 : i32
        %dma_wait3A_1235 = arith.constant 0 : i32
        %dma_wait3A_1236 = tpu.memref_slice %arg11[%dma_wait3A_1234, %dma_wait3A_1235] : memref<10112x128xf32, #tpu.memory_space<vmem_shared>> -> memref<10112x128xf32, #tpu.memory_space<vmem_shared>>
        tpu.wait_indirect_dma semaphore(%arg15 : memref<!tpu.dma_semaphore, #tpu.memory_space<semaphore_mem>>) src(%arg10 : memref<128x128xf32, #tpu.memory_space<vmem>>) dst(%dma_wait3A_1236 : memref<10112x128xf32, #tpu.memory_space<vmem_shared>>)
      } else {
      }
      %add3A_374 = arith.constant 1 : i32
      %add3A_375 = arith.addi %add3A_368, %add3A_374 : i32
      %lt3A_376 = arith.constant 80 : i32
      %lt3A_377 = arith.cmpi slt, %add3A_375, %lt3A_376 : i32
      %convert_element_type3A_378 = arith.extui %lt3A_377 : i1 to i32
      %cond3A_379 = arith.constant 0 : i32
      %cond3A_380 = arith.cmpi ne, %convert_element_type3A_378, %cond3A_379 : i32
      scf.if %cond3A_380 {
        %add3A_1230 = arith.constant 1 : i32
        %add3A_1231 = arith.addi %add3A_368, %add3A_1230 : i32
        %mul3A_1232 = arith.constant 128 : i32
        %mul3A_1233 = arith.muli %add3A_1231, %mul3A_1232 : i32
        %add3A_1234 = arith.constant 0 : i32
        %add3A_1235 = arith.addi %mul3A_1233, %add3A_1234 : i32
        %dma_start3A_1236 = arith.constant 0 : i32
        %dma_start3A_1237 = arith.constant 0 : i32
        %dma_start3A_1238 = tpu.memref_slice %arg10[%dma_start3A_1236, %dma_start3A_1237] : memref<128x128xf32, #tpu.memory_space<vmem>> -> memref<32x128xf32, #tpu.memory_space<vmem>>
        %dma_start3A_1239 = tpu.memref_slice %arg6[%add3A_1235] : memref<10240xi32, #tpu.memory_space<vmem>> -> memref<32xi32, #tpu.memory_space<vmem>>
        %dma_start3A_1240 = arith.constant 0 : i32
        %dma_start3A_1241 = arith.constant 0 : i32
        %dma_start3A_1242 = tpu.memref_slice %arg2[%dma_start3A_1240, %dma_start3A_1241] : memref<20000x128xf32, #tpu.memory_space<hbm>> -> memref<20000x128xf32, #tpu.memory_space<hbm>>
        tpu.enqueue_indirect_dma source(%dma_start3A_1242 : memref<20000x128xf32, #tpu.memory_space<hbm>>) target(%dma_start3A_1238 : memref<32x128xf32, #tpu.memory_space<vmem>>) offsets(%dma_start3A_1239 : memref<32xi32, #tpu.memory_space<vmem>>) semaphore(%arg13 : memref<!tpu.dma_semaphore, #tpu.memory_space<semaphore_mem>>)
        %add3A_1243 = arith.constant 1 : i32
        %add3A_1244 = arith.addi %add3A_368, %add3A_1243 : i32
        %mul3A_1245 = arith.constant 128 : i32
        %mul3A_1246 = arith.muli %add3A_1244, %mul3A_1245 : i32
        %add3A_1247 = arith.constant 32 : i32
        %add3A_1248 = arith.addi %mul3A_1246, %add3A_1247 : i32
        %dma_start3A_1249 = arith.constant 32 : i32
        %dma_start3A_1250 = arith.constant 0 : i32
        %dma_start3A_1251 = tpu.memref_slice %arg10[%dma_start3A_1249, %dma_start3A_1250] : memref<128x128xf32, #tpu.memory_space<vmem>> -> memref<32x128xf32, #tpu.memory_space<vmem>>
        %dma_start3A_1252 = tpu.memref_slice %arg6[%add3A_1248] : memref<10240xi32, #tpu.memory_space<vmem>> -> memref<32xi32, #tpu.memory_space<vmem>>
        %dma_start3A_1253 = arith.constant 0 : i32
        %dma_start3A_1254 = arith.constant 0 : i32
        %dma_start3A_1255 = tpu.memref_slice %arg2[%dma_start3A_1253, %dma_start3A_1254] : memref<20000x128xf32, #tpu.memory_space<hbm>> -> memref<20000x128xf32, #tpu.memory_space<hbm>>
        tpu.enqueue_indirect_dma source(%dma_start3A_1255 : memref<20000x128xf32, #tpu.memory_space<hbm>>) target(%dma_start3A_1251 : memref<32x128xf32, #tpu.memory_space<vmem>>) offsets(%dma_start3A_1252 : memref<32xi32, #tpu.memory_space<vmem>>) semaphore(%arg13 : memref<!tpu.dma_semaphore, #tpu.memory_space<semaphore_mem>>)
        %add3A_1256 = arith.constant 1 : i32
        %add3A_1257 = arith.addi %add3A_368, %add3A_1256 : i32
        %mul3A_1258 = arith.constant 128 : i32
        %mul3A_1259 = arith.muli %add3A_1257, %mul3A_1258 : i32
        %add3A_1260 = arith.constant 64 : i32
        %add3A_1261 = arith.addi %mul3A_1259, %add3A_1260 : i32
        %dma_start3A_1262 = arith.constant 64 : i32
        %dma_start3A_1263 = arith.constant 0 : i32
        %dma_start3A_1264 = tpu.memref_slice %arg10[%dma_start3A_1262, %dma_start3A_1263] : memref<128x128xf32, #tpu.memory_space<vmem>> -> memref<32x128xf32, #tpu.memory_space<vmem>>
        %dma_start3A_1265 = tpu.memref_slice %arg6[%add3A_1261] : memref<10240xi32, #tpu.memory_space<vmem>> -> memref<32xi32, #tpu.memory_space<vmem>>
        %dma_start3A_1266 = arith.constant 0 : i32
        %dma_start3A_1267 = arith.constant 0 : i32
        %dma_start3A_1268 = tpu.memref_slice %arg2[%dma_start3A_1266, %dma_start3A_1267] : memref<20000x128xf32, #tpu.memory_space<hbm>> -> memref<20000x128xf32, #tpu.memory_space<hbm>>
        tpu.enqueue_indirect_dma source(%dma_start3A_1268 : memref<20000x128xf32, #tpu.memory_space<hbm>>) target(%dma_start3A_1264 : memref<32x128xf32, #tpu.memory_space<vmem>>) offsets(%dma_start3A_1265 : memref<32xi32, #tpu.memory_space<vmem>>) semaphore(%arg13 : memref<!tpu.dma_semaphore, #tpu.memory_space<semaphore_mem>>)
        %add3A_1269 = arith.constant 1 : i32
        %add3A_1270 = arith.addi %add3A_368, %add3A_1269 : i32
        %mul3A_1271 = arith.constant 128 : i32
        %mul3A_1272 = arith.muli %add3A_1270, %mul3A_1271 : i32
        %add3A_1273 = arith.constant 96 : i32
        %add3A_1274 = arith.addi %mul3A_1272, %add3A_1273 : i32
        %dma_start3A_1275 = arith.constant 96 : i32
        %dma_start3A_1276 = arith.constant 0 : i32
        %dma_start3A_1277 = tpu.memref_slice %arg10[%dma_start3A_1275, %dma_start3A_1276] : memref<128x128xf32, #tpu.memory_space<vmem>> -> memref<32x128xf32, #tpu.memory_space<vmem>>
        %dma_start3A_1278 = tpu.memref_slice %arg6[%add3A_1274] : memref<10240xi32, #tpu.memory_space<vmem>> -> memref<32xi32, #tpu.memory_space<vmem>>
        %dma_start3A_1279 = arith.constant 0 : i32
        %dma_start3A_1280 = arith.constant 0 : i32
        %dma_start3A_1281 = tpu.memref_slice %arg2[%dma_start3A_1279, %dma_start3A_1280] : memref<20000x128xf32, #tpu.memory_space<hbm>> -> memref<20000x128xf32, #tpu.memory_space<hbm>>
        tpu.enqueue_indirect_dma source(%dma_start3A_1281 : memref<20000x128xf32, #tpu.memory_space<hbm>>) target(%dma_start3A_1277 : memref<32x128xf32, #tpu.memory_space<vmem>>) offsets(%dma_start3A_1278 : memref<32xi32, #tpu.memory_space<vmem>>) semaphore(%arg13 : memref<!tpu.dma_semaphore, #tpu.memory_space<semaphore_mem>>)
      } else {
      }
      %mul3A_381 = arith.constant 128 : i32
      %mul3A_382 = arith.muli %add3A_368, %mul3A_381 : i32
      %add3A_383 = arith.constant 0 : i32
      %add3A_384 = arith.addi %mul3A_382, %add3A_383 : i32
      %dma_wait3A_385 = arith.constant 0 : i32
      %dma_wait3A_386 = arith.constant 0 : i32
      %dma_wait3A_387 = tpu.memref_slice %arg9[%dma_wait3A_385, %dma_wait3A_386] : memref<128x128xf32, #tpu.memory_space<vmem>> -> memref<32x128xf32, #tpu.memory_space<vmem>>
      %dma_wait3A_388 = tpu.memref_slice %arg6[%add3A_384] : memref<10240xi32, #tpu.memory_space<vmem>> -> memref<32xi32, #tpu.memory_space<vmem>>
      %dma_wait3A_389 = arith.constant 0 : i32
      %dma_wait3A_390 = arith.constant 0 : i32
      %dma_wait3A_391 = tpu.memref_slice %arg2[%dma_wait3A_389, %dma_wait3A_390] : memref<20000x128xf32, #tpu.memory_space<hbm>> -> memref<20000x128xf32, #tpu.memory_space<hbm>>
      tpu.wait_indirect_dma semaphore(%arg12 : memref<!tpu.dma_semaphore, #tpu.memory_space<semaphore_mem>>) src(%dma_wait3A_391 : memref<20000x128xf32, #tpu.memory_space<hbm>>) dst(%dma_wait3A_387 : memref<32x128xf32, #tpu.memory_space<vmem>>)
      %mul3A_392 = arith.constant 128 : i32
      %mul3A_393 = arith.muli %add3A_368, %mul3A_392 : i32
      %add3A_394 = arith.constant 32 : i32
      %add3A_395 = arith.addi %mul3A_393, %add3A_394 : i32
      %dma_wait3A_396 = arith.constant 32 : i32
      %dma_wait3A_397 = arith.constant 0 : i32
      %dma_wait3A_398 = tpu.memref_slice %arg9[%dma_wait3A_396, %dma_wait3A_397] : memref<128x128xf32, #tpu.memory_space<vmem>> -> memref<32x128xf32, #tpu.memory_space<vmem>>
      %dma_wait3A_399 = tpu.memref_slice %arg6[%add3A_395] : memref<10240xi32, #tpu.memory_space<vmem>> -> memref<32xi32, #tpu.memory_space<vmem>>
      %dma_wait3A_400 = arith.constant 0 : i32
      %dma_wait3A_401 = arith.constant 0 : i32
      %dma_wait3A_402 = tpu.memref_slice %arg2[%dma_wait3A_400, %dma_wait3A_401] : memref<20000x128xf32, #tpu.memory_space<hbm>> -> memref<20000x128xf32, #tpu.memory_space<hbm>>
      tpu.wait_indirect_dma semaphore(%arg12 : memref<!tpu.dma_semaphore, #tpu.memory_space<semaphore_mem>>) src(%dma_wait3A_402 : memref<20000x128xf32, #tpu.memory_space<hbm>>) dst(%dma_wait3A_398 : memref<32x128xf32, #tpu.memory_space<vmem>>)
      %mul3A_403 = arith.constant 128 : i32
      %mul3A_404 = arith.muli %add3A_368, %mul3A_403 : i32
      %add3A_405 = arith.constant 64 : i32
      %add3A_406 = arith.addi %mul3A_404, %add3A_405 : i32
      %dma_wait3A_407 = arith.constant 64 : i32
      %dma_wait3A_408 = arith.constant 0 : i32
      %dma_wait3A_409 = tpu.memref_slice %arg9[%dma_wait3A_407, %dma_wait3A_408] : memref<128x128xf32, #tpu.memory_space<vmem>> -> memref<32x128xf32, #tpu.memory_space<vmem>>
      %dma_wait3A_410 = tpu.memref_slice %arg6[%add3A_406] : memref<10240xi32, #tpu.memory_space<vmem>> -> memref<32xi32, #tpu.memory_space<vmem>>
      %dma_wait3A_411 = arith.constant 0 : i32
      %dma_wait3A_412 = arith.constant 0 : i32
      %dma_wait3A_413 = tpu.memref_slice %arg2[%dma_wait3A_411, %dma_wait3A_412] : memref<20000x128xf32, #tpu.memory_space<hbm>> -> memref<20000x128xf32, #tpu.memory_space<hbm>>
      tpu.wait_indirect_dma semaphore(%arg12 : memref<!tpu.dma_semaphore, #tpu.memory_space<semaphore_mem>>) src(%dma_wait3A_413 : memref<20000x128xf32, #tpu.memory_space<hbm>>) dst(%dma_wait3A_409 : memref<32x128xf32, #tpu.memory_space<vmem>>)
      %mul3A_414 = arith.constant 128 : i32
      %mul3A_415 = arith.muli %add3A_368, %mul3A_414 : i32
      %add3A_416 = arith.constant 96 : i32
      %add3A_417 = arith.addi %mul3A_415, %add3A_416 : i32
      %dma_wait3A_418 = arith.constant 96 : i32
      %dma_wait3A_419 = arith.constant 0 : i32
      %dma_wait3A_420 = tpu.memref_slice %arg9[%dma_wait3A_418, %dma_wait3A_419] : memref<128x128xf32, #tpu.memory_space<vmem>> -> memref<32x128xf32, #tpu.memory_space<vmem>>
      %dma_wait3A_421 = tpu.memref_slice %arg6[%add3A_417] : memref<10240xi32, #tpu.memory_space<vmem>> -> memref<32xi32, #tpu.memory_space<vmem>>
      %dma_wait3A_422 = arith.constant 0 : i32
      %dma_wait3A_423 = arith.constant 0 : i32
      %dma_wait3A_424 = tpu.memref_slice %arg2[%dma_wait3A_422, %dma_wait3A_423] : memref<20000x128xf32, #tpu.memory_space<hbm>> -> memref<20000x128xf32, #tpu.memory_space<hbm>>
      tpu.wait_indirect_dma semaphore(%arg12 : memref<!tpu.dma_semaphore, #tpu.memory_space<semaphore_mem>>) src(%dma_wait3A_424 : memref<20000x128xf32, #tpu.memory_space<hbm>>) dst(%dma_wait3A_420 : memref<32x128xf32, #tpu.memory_space<vmem>>)
      %dma_start3A_425 = arith.constant 4 : i32
      %dma_start3A_426 = arith.constant 0 : i32
      %dma_start3A_427 = tpu.memref_slice %arg7[%dma_start3A_425, %dma_start3A_426] : memref<8x128xi32, #tpu.memory_space<vmem>> -> memref<1x128xi32, #tpu.memory_space<vmem>>
      %dma_start3A_428 = tpu.memref_squeeze %dma_start3A_427 : memref<1x128xi32, #tpu.memory_space<vmem>> -> memref<128xi32, #tpu.memory_space<vmem>>
      %dma_start3A_429 = arith.constant 0 : i32
      %dma_start3A_430 = arith.constant 0 : i32
      %dma_start3A_431 = tpu.memref_slice %arg11[%dma_start3A_429, %dma_start3A_430] : memref<10112x128xf32, #tpu.memory_space<vmem_shared>> -> memref<10112x128xf32, #tpu.memory_space<vmem_shared>>
      tpu.enqueue_indirect_dma source(%arg9 : memref<128x128xf32, #tpu.memory_space<vmem>>) target(%dma_start3A_431 : memref<10112x128xf32, #tpu.memory_space<vmem_shared>>) offsets(%dma_start3A_428 : memref<128xi32, #tpu.memory_space<vmem>>) semaphore(%arg14 : memref<!tpu.dma_semaphore, #tpu.memory_space<semaphore_mem>>) {add = true}
      %mul3A_432 = arith.constant 2 : i32
      %mul3A_433 = arith.muli %add3A_63, %mul3A_432 : i32
      %add3A_434 = arith.constant 0 : i32
      %add3A_435 = arith.addi %mul3A_433, %add3A_434 : i32
      %mul3A_436 = arith.constant 8 : i32
      %mul3A_437 = arith.muli %add3A_435, %mul3A_436 : i32
      %add3A_438 = arith.constant 5 : i32
      %add3A_439 = arith.addi %mul3A_437, %add3A_438 : i32
      %ge3A_440 = arith.constant 1 : i32
      %ge3A_441 = arith.cmpi sge, %add3A_439, %ge3A_440 : i32
      %convert_element_type3A_442 = arith.extui %ge3A_441 : i1 to i32
      %cond3A_443 = arith.constant 0 : i32
      %cond3A_444 = arith.cmpi ne, %convert_element_type3A_442, %cond3A_443 : i32
      scf.if %cond3A_444 {
        %dma_wait3A_1230 = arith.constant 0 : i32
        %dma_wait3A_1231 = arith.constant 0 : i32
        %dma_wait3A_1232 = tpu.memref_slice %arg7[%dma_wait3A_1230, %dma_wait3A_1231] : memref<8x128xi32, #tpu.memory_space<vmem>> -> memref<1x128xi32, #tpu.memory_space<vmem>>
        %dma_wait3A_1233 = tpu.memref_squeeze %dma_wait3A_1232 : memref<1x128xi32, #tpu.memory_space<vmem>> -> memref<128xi32, #tpu.memory_space<vmem>>
        %dma_wait3A_1234 = arith.constant 0 : i32
        %dma_wait3A_1235 = arith.constant 0 : i32
        %dma_wait3A_1236 = tpu.memref_slice %arg11[%dma_wait3A_1234, %dma_wait3A_1235] : memref<10112x128xf32, #tpu.memory_space<vmem_shared>> -> memref<10112x128xf32, #tpu.memory_space<vmem_shared>>
        tpu.wait_indirect_dma semaphore(%arg14 : memref<!tpu.dma_semaphore, #tpu.memory_space<semaphore_mem>>) src(%arg9 : memref<128x128xf32, #tpu.memory_space<vmem>>) dst(%dma_wait3A_1236 : memref<10112x128xf32, #tpu.memory_space<vmem_shared>>)
      } else {
      }
      %add3A_445 = arith.constant 1 : i32
      %add3A_446 = arith.addi %add3A_439, %add3A_445 : i32
      %lt3A_447 = arith.constant 80 : i32
      %lt3A_448 = arith.cmpi slt, %add3A_446, %lt3A_447 : i32
      %convert_element_type3A_449 = arith.extui %lt3A_448 : i1 to i32
      %cond3A_450 = arith.constant 0 : i32
      %cond3A_451 = arith.cmpi ne, %convert_element_type3A_449, %cond3A_450 : i32
      scf.if %cond3A_451 {
        %add3A_1230 = arith.constant 1 : i32
        %add3A_1231 = arith.addi %add3A_439, %add3A_1230 : i32
        %mul3A_1232 = arith.constant 128 : i32
        %mul3A_1233 = arith.muli %add3A_1231, %mul3A_1232 : i32
        %add3A_1234 = arith.constant 0 : i32
        %add3A_1235 = arith.addi %mul3A_1233, %add3A_1234 : i32
        %dma_start3A_1236 = arith.constant 0 : i32
        %dma_start3A_1237 = arith.constant 0 : i32
        %dma_start3A_1238 = tpu.memref_slice %arg9[%dma_start3A_1236, %dma_start3A_1237] : memref<128x128xf32, #tpu.memory_space<vmem>> -> memref<32x128xf32, #tpu.memory_space<vmem>>
        %dma_start3A_1239 = tpu.memref_slice %arg6[%add3A_1235] : memref<10240xi32, #tpu.memory_space<vmem>> -> memref<32xi32, #tpu.memory_space<vmem>>
        %dma_start3A_1240 = arith.constant 0 : i32
        %dma_start3A_1241 = arith.constant 0 : i32
        %dma_start3A_1242 = tpu.memref_slice %arg2[%dma_start3A_1240, %dma_start3A_1241] : memref<20000x128xf32, #tpu.memory_space<hbm>> -> memref<20000x128xf32, #tpu.memory_space<hbm>>
        tpu.enqueue_indirect_dma source(%dma_start3A_1242 : memref<20000x128xf32, #tpu.memory_space<hbm>>) target(%dma_start3A_1238 : memref<32x128xf32, #tpu.memory_space<vmem>>) offsets(%dma_start3A_1239 : memref<32xi32, #tpu.memory_space<vmem>>) semaphore(%arg12 : memref<!tpu.dma_semaphore, #tpu.memory_space<semaphore_mem>>)
        %add3A_1243 = arith.constant 1 : i32
        %add3A_1244 = arith.addi %add3A_439, %add3A_1243 : i32
        %mul3A_1245 = arith.constant 128 : i32
        %mul3A_1246 = arith.muli %add3A_1244, %mul3A_1245 : i32
        %add3A_1247 = arith.constant 32 : i32
        %add3A_1248 = arith.addi %mul3A_1246, %add3A_1247 : i32
        %dma_start3A_1249 = arith.constant 32 : i32
        %dma_start3A_1250 = arith.constant 0 : i32
        %dma_start3A_1251 = tpu.memref_slice %arg9[%dma_start3A_1249, %dma_start3A_1250] : memref<128x128xf32, #tpu.memory_space<vmem>> -> memref<32x128xf32, #tpu.memory_space<vmem>>
        %dma_start3A_1252 = tpu.memref_slice %arg6[%add3A_1248] : memref<10240xi32, #tpu.memory_space<vmem>> -> memref<32xi32, #tpu.memory_space<vmem>>
        %dma_start3A_1253 = arith.constant 0 : i32
        %dma_start3A_1254 = arith.constant 0 : i32
        %dma_start3A_1255 = tpu.memref_slice %arg2[%dma_start3A_1253, %dma_start3A_1254] : memref<20000x128xf32, #tpu.memory_space<hbm>> -> memref<20000x128xf32, #tpu.memory_space<hbm>>
        tpu.enqueue_indirect_dma source(%dma_start3A_1255 : memref<20000x128xf32, #tpu.memory_space<hbm>>) target(%dma_start3A_1251 : memref<32x128xf32, #tpu.memory_space<vmem>>) offsets(%dma_start3A_1252 : memref<32xi32, #tpu.memory_space<vmem>>) semaphore(%arg12 : memref<!tpu.dma_semaphore, #tpu.memory_space<semaphore_mem>>)
        %add3A_1256 = arith.constant 1 : i32
        %add3A_1257 = arith.addi %add3A_439, %add3A_1256 : i32
        %mul3A_1258 = arith.constant 128 : i32
        %mul3A_1259 = arith.muli %add3A_1257, %mul3A_1258 : i32
        %add3A_1260 = arith.constant 64 : i32
        %add3A_1261 = arith.addi %mul3A_1259, %add3A_1260 : i32
        %dma_start3A_1262 = arith.constant 64 : i32
        %dma_start3A_1263 = arith.constant 0 : i32
        %dma_start3A_1264 = tpu.memref_slice %arg9[%dma_start3A_1262, %dma_start3A_1263] : memref<128x128xf32, #tpu.memory_space<vmem>> -> memref<32x128xf32, #tpu.memory_space<vmem>>
        %dma_start3A_1265 = tpu.memref_slice %arg6[%add3A_1261] : memref<10240xi32, #tpu.memory_space<vmem>> -> memref<32xi32, #tpu.memory_space<vmem>>
        %dma_start3A_1266 = arith.constant 0 : i32
        %dma_start3A_1267 = arith.constant 0 : i32
        %dma_start3A_1268 = tpu.memref_slice %arg2[%dma_start3A_1266, %dma_start3A_1267] : memref<20000x128xf32, #tpu.memory_space<hbm>> -> memref<20000x128xf32, #tpu.memory_space<hbm>>
        tpu.enqueue_indirect_dma source(%dma_start3A_1268 : memref<20000x128xf32, #tpu.memory_space<hbm>>) target(%dma_start3A_1264 : memref<32x128xf32, #tpu.memory_space<vmem>>) offsets(%dma_start3A_1265 : memref<32xi32, #tpu.memory_space<vmem>>) semaphore(%arg12 : memref<!tpu.dma_semaphore, #tpu.memory_space<semaphore_mem>>)
        %add3A_1269 = arith.constant 1 : i32
        %add3A_1270 = arith.addi %add3A_439, %add3A_1269 : i32
        %mul3A_1271 = arith.constant 128 : i32
        %mul3A_1272 = arith.muli %add3A_1270, %mul3A_1271 : i32
        %add3A_1273 = arith.constant 96 : i32
        %add3A_1274 = arith.addi %mul3A_1272, %add3A_1273 : i32
        %dma_start3A_1275 = arith.constant 96 : i32
        %dma_start3A_1276 = arith.constant 0 : i32
        %dma_start3A_1277 = tpu.memref_slice %arg9[%dma_start3A_1275, %dma_start3A_1276] : memref<128x128xf32, #tpu.memory_space<vmem>> -> memref<32x128xf32, #tpu.memory_space<vmem>>
        %dma_start3A_1278 = tpu.memref_slice %arg6[%add3A_1274] : memref<10240xi32, #tpu.memory_space<vmem>> -> memref<32xi32, #tpu.memory_space<vmem>>
        %dma_start3A_1279 = arith.constant 0 : i32
        %dma_start3A_1280 = arith.constant 0 : i32
        %dma_start3A_1281 = tpu.memref_slice %arg2[%dma_start3A_1279, %dma_start3A_1280] : memref<20000x128xf32, #tpu.memory_space<hbm>> -> memref<20000x128xf32, #tpu.memory_space<hbm>>
        tpu.enqueue_indirect_dma source(%dma_start3A_1281 : memref<20000x128xf32, #tpu.memory_space<hbm>>) target(%dma_start3A_1277 : memref<32x128xf32, #tpu.memory_space<vmem>>) offsets(%dma_start3A_1278 : memref<32xi32, #tpu.memory_space<vmem>>) semaphore(%arg12 : memref<!tpu.dma_semaphore, #tpu.memory_space<semaphore_mem>>)
      } else {
      }
      %mul3A_452 = arith.constant 128 : i32
      %mul3A_453 = arith.muli %add3A_439, %mul3A_452 : i32
      %add3A_454 = arith.constant 0 : i32
      %add3A_455 = arith.addi %mul3A_453, %add3A_454 : i32
      %dma_wait3A_456 = arith.constant 0 : i32
      %dma_wait3A_457 = arith.constant 0 : i32
      %dma_wait3A_458 = tpu.memref_slice %arg10[%dma_wait3A_456, %dma_wait3A_457] : memref<128x128xf32, #tpu.memory_space<vmem>> -> memref<32x128xf32, #tpu.memory_space<vmem>>
      %dma_wait3A_459 = tpu.memref_slice %arg6[%add3A_455] : memref<10240xi32, #tpu.memory_space<vmem>> -> memref<32xi32, #tpu.memory_space<vmem>>
      %dma_wait3A_460 = arith.constant 0 : i32
      %dma_wait3A_461 = arith.constant 0 : i32
      %dma_wait3A_462 = tpu.memref_slice %arg2[%dma_wait3A_460, %dma_wait3A_461] : memref<20000x128xf32, #tpu.memory_space<hbm>> -> memref<20000x128xf32, #tpu.memory_space<hbm>>
      tpu.wait_indirect_dma semaphore(%arg13 : memref<!tpu.dma_semaphore, #tpu.memory_space<semaphore_mem>>) src(%dma_wait3A_462 : memref<20000x128xf32, #tpu.memory_space<hbm>>) dst(%dma_wait3A_458 : memref<32x128xf32, #tpu.memory_space<vmem>>)
      %mul3A_463 = arith.constant 128 : i32
      %mul3A_464 = arith.muli %add3A_439, %mul3A_463 : i32
      %add3A_465 = arith.constant 32 : i32
      %add3A_466 = arith.addi %mul3A_464, %add3A_465 : i32
      %dma_wait3A_467 = arith.constant 32 : i32
      %dma_wait3A_468 = arith.constant 0 : i32
      %dma_wait3A_469 = tpu.memref_slice %arg10[%dma_wait3A_467, %dma_wait3A_468] : memref<128x128xf32, #tpu.memory_space<vmem>> -> memref<32x128xf32, #tpu.memory_space<vmem>>
      %dma_wait3A_470 = tpu.memref_slice %arg6[%add3A_466] : memref<10240xi32, #tpu.memory_space<vmem>> -> memref<32xi32, #tpu.memory_space<vmem>>
      %dma_wait3A_471 = arith.constant 0 : i32
      %dma_wait3A_472 = arith.constant 0 : i32
      %dma_wait3A_473 = tpu.memref_slice %arg2[%dma_wait3A_471, %dma_wait3A_472] : memref<20000x128xf32, #tpu.memory_space<hbm>> -> memref<20000x128xf32, #tpu.memory_space<hbm>>
      tpu.wait_indirect_dma semaphore(%arg13 : memref<!tpu.dma_semaphore, #tpu.memory_space<semaphore_mem>>) src(%dma_wait3A_473 : memref<20000x128xf32, #tpu.memory_space<hbm>>) dst(%dma_wait3A_469 : memref<32x128xf32, #tpu.memory_space<vmem>>)
      %mul3A_474 = arith.constant 128 : i32
      %mul3A_475 = arith.muli %add3A_439, %mul3A_474 : i32
      %add3A_476 = arith.constant 64 : i32
      %add3A_477 = arith.addi %mul3A_475, %add3A_476 : i32
      %dma_wait3A_478 = arith.constant 64 : i32
      %dma_wait3A_479 = arith.constant 0 : i32
      %dma_wait3A_480 = tpu.memref_slice %arg10[%dma_wait3A_478, %dma_wait3A_479] : memref<128x128xf32, #tpu.memory_space<vmem>> -> memref<32x128xf32, #tpu.memory_space<vmem>>
      %dma_wait3A_481 = tpu.memref_slice %arg6[%add3A_477] : memref<10240xi32, #tpu.memory_space<vmem>> -> memref<32xi32, #tpu.memory_space<vmem>>
      %dma_wait3A_482 = arith.constant 0 : i32
      %dma_wait3A_483 = arith.constant 0 : i32
      %dma_wait3A_484 = tpu.memref_slice %arg2[%dma_wait3A_482, %dma_wait3A_483] : memref<20000x128xf32, #tpu.memory_space<hbm>> -> memref<20000x128xf32, #tpu.memory_space<hbm>>
      tpu.wait_indirect_dma semaphore(%arg13 : memref<!tpu.dma_semaphore, #tpu.memory_space<semaphore_mem>>) src(%dma_wait3A_484 : memref<20000x128xf32, #tpu.memory_space<hbm>>) dst(%dma_wait3A_480 : memref<32x128xf32, #tpu.memory_space<vmem>>)
      %mul3A_485 = arith.constant 128 : i32
      %mul3A_486 = arith.muli %add3A_439, %mul3A_485 : i32
      %add3A_487 = arith.constant 96 : i32
      %add3A_488 = arith.addi %mul3A_486, %add3A_487 : i32
      %dma_wait3A_489 = arith.constant 96 : i32
      %dma_wait3A_490 = arith.constant 0 : i32
      %dma_wait3A_491 = tpu.memref_slice %arg10[%dma_wait3A_489, %dma_wait3A_490] : memref<128x128xf32, #tpu.memory_space<vmem>> -> memref<32x128xf32, #tpu.memory_space<vmem>>
      %dma_wait3A_492 = tpu.memref_slice %arg6[%add3A_488] : memref<10240xi32, #tpu.memory_space<vmem>> -> memref<32xi32, #tpu.memory_space<vmem>>
      %dma_wait3A_493 = arith.constant 0 : i32
      %dma_wait3A_494 = arith.constant 0 : i32
      %dma_wait3A_495 = tpu.memref_slice %arg2[%dma_wait3A_493, %dma_wait3A_494] : memref<20000x128xf32, #tpu.memory_space<hbm>> -> memref<20000x128xf32, #tpu.memory_space<hbm>>
      tpu.wait_indirect_dma semaphore(%arg13 : memref<!tpu.dma_semaphore, #tpu.memory_space<semaphore_mem>>) src(%dma_wait3A_495 : memref<20000x128xf32, #tpu.memory_space<hbm>>) dst(%dma_wait3A_491 : memref<32x128xf32, #tpu.memory_space<vmem>>)
      %dma_start3A_496 = arith.constant 5 : i32
      %dma_start3A_497 = arith.constant 0 : i32
      %dma_start3A_498 = tpu.memref_slice %arg7[%dma_start3A_496, %dma_start3A_497] : memref<8x128xi32, #tpu.memory_space<vmem>> -> memref<1x128xi32, #tpu.memory_space<vmem>>
      %dma_start3A_499 = tpu.memref_squeeze %dma_start3A_498 : memref<1x128xi32, #tpu.memory_space<vmem>> -> memref<128xi32, #tpu.memory_space<vmem>>
      %dma_start3A_500 = arith.constant 0 : i32
      %dma_start3A_501 = arith.constant 0 : i32
      %dma_start3A_502 = tpu.memref_slice %arg11[%dma_start3A_500, %dma_start3A_501] : memref<10112x128xf32, #tpu.memory_space<vmem_shared>> -> memref<10112x128xf32, #tpu.memory_space<vmem_shared>>
      tpu.enqueue_indirect_dma source(%arg10 : memref<128x128xf32, #tpu.memory_space<vmem>>) target(%dma_start3A_502 : memref<10112x128xf32, #tpu.memory_space<vmem_shared>>) offsets(%dma_start3A_499 : memref<128xi32, #tpu.memory_space<vmem>>) semaphore(%arg15 : memref<!tpu.dma_semaphore, #tpu.memory_space<semaphore_mem>>) {add = true}
      %mul3A_503 = arith.constant 2 : i32
      %mul3A_504 = arith.muli %add3A_63, %mul3A_503 : i32
      %add3A_505 = arith.constant 0 : i32
      %add3A_506 = arith.addi %mul3A_504, %add3A_505 : i32
      %mul3A_507 = arith.constant 8 : i32
      %mul3A_508 = arith.muli %add3A_506, %mul3A_507 : i32
      %add3A_509 = arith.constant 6 : i32
      %add3A_510 = arith.addi %mul3A_508, %add3A_509 : i32
      %ge3A_511 = arith.constant 1 : i32
      %ge3A_512 = arith.cmpi sge, %add3A_510, %ge3A_511 : i32
      %convert_element_type3A_513 = arith.extui %ge3A_512 : i1 to i32
      %cond3A_514 = arith.constant 0 : i32
      %cond3A_515 = arith.cmpi ne, %convert_element_type3A_513, %cond3A_514 : i32
      scf.if %cond3A_515 {
        %dma_wait3A_1230 = arith.constant 0 : i32
        %dma_wait3A_1231 = arith.constant 0 : i32
        %dma_wait3A_1232 = tpu.memref_slice %arg7[%dma_wait3A_1230, %dma_wait3A_1231] : memref<8x128xi32, #tpu.memory_space<vmem>> -> memref<1x128xi32, #tpu.memory_space<vmem>>
        %dma_wait3A_1233 = tpu.memref_squeeze %dma_wait3A_1232 : memref<1x128xi32, #tpu.memory_space<vmem>> -> memref<128xi32, #tpu.memory_space<vmem>>
        %dma_wait3A_1234 = arith.constant 0 : i32
        %dma_wait3A_1235 = arith.constant 0 : i32
        %dma_wait3A_1236 = tpu.memref_slice %arg11[%dma_wait3A_1234, %dma_wait3A_1235] : memref<10112x128xf32, #tpu.memory_space<vmem_shared>> -> memref<10112x128xf32, #tpu.memory_space<vmem_shared>>
        tpu.wait_indirect_dma semaphore(%arg15 : memref<!tpu.dma_semaphore, #tpu.memory_space<semaphore_mem>>) src(%arg10 : memref<128x128xf32, #tpu.memory_space<vmem>>) dst(%dma_wait3A_1236 : memref<10112x128xf32, #tpu.memory_space<vmem_shared>>)
      } else {
      }
      %add3A_516 = arith.constant 1 : i32
      %add3A_517 = arith.addi %add3A_510, %add3A_516 : i32
      %lt3A_518 = arith.constant 80 : i32
      %lt3A_519 = arith.cmpi slt, %add3A_517, %lt3A_518 : i32
      %convert_element_type3A_520 = arith.extui %lt3A_519 : i1 to i32
      %cond3A_521 = arith.constant 0 : i32
      %cond3A_522 = arith.cmpi ne, %convert_element_type3A_520, %cond3A_521 : i32
      scf.if %cond3A_522 {
        %add3A_1230 = arith.constant 1 : i32
        %add3A_1231 = arith.addi %add3A_510, %add3A_1230 : i32
        %mul3A_1232 = arith.constant 128 : i32
        %mul3A_1233 = arith.muli %add3A_1231, %mul3A_1232 : i32
        %add3A_1234 = arith.constant 0 : i32
        %add3A_1235 = arith.addi %mul3A_1233, %add3A_1234 : i32
        %dma_start3A_1236 = arith.constant 0 : i32
        %dma_start3A_1237 = arith.constant 0 : i32
        %dma_start3A_1238 = tpu.memref_slice %arg10[%dma_start3A_1236, %dma_start3A_1237] : memref<128x128xf32, #tpu.memory_space<vmem>> -> memref<32x128xf32, #tpu.memory_space<vmem>>
        %dma_start3A_1239 = tpu.memref_slice %arg6[%add3A_1235] : memref<10240xi32, #tpu.memory_space<vmem>> -> memref<32xi32, #tpu.memory_space<vmem>>
        %dma_start3A_1240 = arith.constant 0 : i32
        %dma_start3A_1241 = arith.constant 0 : i32
        %dma_start3A_1242 = tpu.memref_slice %arg2[%dma_start3A_1240, %dma_start3A_1241] : memref<20000x128xf32, #tpu.memory_space<hbm>> -> memref<20000x128xf32, #tpu.memory_space<hbm>>
        tpu.enqueue_indirect_dma source(%dma_start3A_1242 : memref<20000x128xf32, #tpu.memory_space<hbm>>) target(%dma_start3A_1238 : memref<32x128xf32, #tpu.memory_space<vmem>>) offsets(%dma_start3A_1239 : memref<32xi32, #tpu.memory_space<vmem>>) semaphore(%arg13 : memref<!tpu.dma_semaphore, #tpu.memory_space<semaphore_mem>>)
        %add3A_1243 = arith.constant 1 : i32
        %add3A_1244 = arith.addi %add3A_510, %add3A_1243 : i32
        %mul3A_1245 = arith.constant 128 : i32
        %mul3A_1246 = arith.muli %add3A_1244, %mul3A_1245 : i32
        %add3A_1247 = arith.constant 32 : i32
        %add3A_1248 = arith.addi %mul3A_1246, %add3A_1247 : i32
        %dma_start3A_1249 = arith.constant 32 : i32
        %dma_start3A_1250 = arith.constant 0 : i32
        %dma_start3A_1251 = tpu.memref_slice %arg10[%dma_start3A_1249, %dma_start3A_1250] : memref<128x128xf32, #tpu.memory_space<vmem>> -> memref<32x128xf32, #tpu.memory_space<vmem>>
        %dma_start3A_1252 = tpu.memref_slice %arg6[%add3A_1248] : memref<10240xi32, #tpu.memory_space<vmem>> -> memref<32xi32, #tpu.memory_space<vmem>>
        %dma_start3A_1253 = arith.constant 0 : i32
        %dma_start3A_1254 = arith.constant 0 : i32
        %dma_start3A_1255 = tpu.memref_slice %arg2[%dma_start3A_1253, %dma_start3A_1254] : memref<20000x128xf32, #tpu.memory_space<hbm>> -> memref<20000x128xf32, #tpu.memory_space<hbm>>
        tpu.enqueue_indirect_dma source(%dma_start3A_1255 : memref<20000x128xf32, #tpu.memory_space<hbm>>) target(%dma_start3A_1251 : memref<32x128xf32, #tpu.memory_space<vmem>>) offsets(%dma_start3A_1252 : memref<32xi32, #tpu.memory_space<vmem>>) semaphore(%arg13 : memref<!tpu.dma_semaphore, #tpu.memory_space<semaphore_mem>>)
        %add3A_1256 = arith.constant 1 : i32
        %add3A_1257 = arith.addi %add3A_510, %add3A_1256 : i32
        %mul3A_1258 = arith.constant 128 : i32
        %mul3A_1259 = arith.muli %add3A_1257, %mul3A_1258 : i32
        %add3A_1260 = arith.constant 64 : i32
        %add3A_1261 = arith.addi %mul3A_1259, %add3A_1260 : i32
        %dma_start3A_1262 = arith.constant 64 : i32
        %dma_start3A_1263 = arith.constant 0 : i32
        %dma_start3A_1264 = tpu.memref_slice %arg10[%dma_start3A_1262, %dma_start3A_1263] : memref<128x128xf32, #tpu.memory_space<vmem>> -> memref<32x128xf32, #tpu.memory_space<vmem>>
        %dma_start3A_1265 = tpu.memref_slice %arg6[%add3A_1261] : memref<10240xi32, #tpu.memory_space<vmem>> -> memref<32xi32, #tpu.memory_space<vmem>>
        %dma_start3A_1266 = arith.constant 0 : i32
        %dma_start3A_1267 = arith.constant 0 : i32
        %dma_start3A_1268 = tpu.memref_slice %arg2[%dma_start3A_1266, %dma_start3A_1267] : memref<20000x128xf32, #tpu.memory_space<hbm>> -> memref<20000x128xf32, #tpu.memory_space<hbm>>
        tpu.enqueue_indirect_dma source(%dma_start3A_1268 : memref<20000x128xf32, #tpu.memory_space<hbm>>) target(%dma_start3A_1264 : memref<32x128xf32, #tpu.memory_space<vmem>>) offsets(%dma_start3A_1265 : memref<32xi32, #tpu.memory_space<vmem>>) semaphore(%arg13 : memref<!tpu.dma_semaphore, #tpu.memory_space<semaphore_mem>>)
        %add3A_1269 = arith.constant 1 : i32
        %add3A_1270 = arith.addi %add3A_510, %add3A_1269 : i32
        %mul3A_1271 = arith.constant 128 : i32
        %mul3A_1272 = arith.muli %add3A_1270, %mul3A_1271 : i32
        %add3A_1273 = arith.constant 96 : i32
        %add3A_1274 = arith.addi %mul3A_1272, %add3A_1273 : i32
        %dma_start3A_1275 = arith.constant 96 : i32
        %dma_start3A_1276 = arith.constant 0 : i32
        %dma_start3A_1277 = tpu.memref_slice %arg10[%dma_start3A_1275, %dma_start3A_1276] : memref<128x128xf32, #tpu.memory_space<vmem>> -> memref<32x128xf32, #tpu.memory_space<vmem>>
        %dma_start3A_1278 = tpu.memref_slice %arg6[%add3A_1274] : memref<10240xi32, #tpu.memory_space<vmem>> -> memref<32xi32, #tpu.memory_space<vmem>>
        %dma_start3A_1279 = arith.constant 0 : i32
        %dma_start3A_1280 = arith.constant 0 : i32
        %dma_start3A_1281 = tpu.memref_slice %arg2[%dma_start3A_1279, %dma_start3A_1280] : memref<20000x128xf32, #tpu.memory_space<hbm>> -> memref<20000x128xf32, #tpu.memory_space<hbm>>
        tpu.enqueue_indirect_dma source(%dma_start3A_1281 : memref<20000x128xf32, #tpu.memory_space<hbm>>) target(%dma_start3A_1277 : memref<32x128xf32, #tpu.memory_space<vmem>>) offsets(%dma_start3A_1278 : memref<32xi32, #tpu.memory_space<vmem>>) semaphore(%arg13 : memref<!tpu.dma_semaphore, #tpu.memory_space<semaphore_mem>>)
      } else {
      }
      %mul3A_523 = arith.constant 128 : i32
      %mul3A_524 = arith.muli %add3A_510, %mul3A_523 : i32
      %add3A_525 = arith.constant 0 : i32
      %add3A_526 = arith.addi %mul3A_524, %add3A_525 : i32
      %dma_wait3A_527 = arith.constant 0 : i32
      %dma_wait3A_528 = arith.constant 0 : i32
      %dma_wait3A_529 = tpu.memref_slice %arg9[%dma_wait3A_527, %dma_wait3A_528] : memref<128x128xf32, #tpu.memory_space<vmem>> -> memref<32x128xf32, #tpu.memory_space<vmem>>
      %dma_wait3A_530 = tpu.memref_slice %arg6[%add3A_526] : memref<10240xi32, #tpu.memory_space<vmem>> -> memref<32xi32, #tpu.memory_space<vmem>>
      %dma_wait3A_531 = arith.constant 0 : i32
      %dma_wait3A_532 = arith.constant 0 : i32
      %dma_wait3A_533 = tpu.memref_slice %arg2[%dma_wait3A_531, %dma_wait3A_532] : memref<20000x128xf32, #tpu.memory_space<hbm>> -> memref<20000x128xf32, #tpu.memory_space<hbm>>
      tpu.wait_indirect_dma semaphore(%arg12 : memref<!tpu.dma_semaphore, #tpu.memory_space<semaphore_mem>>) src(%dma_wait3A_533 : memref<20000x128xf32, #tpu.memory_space<hbm>>) dst(%dma_wait3A_529 : memref<32x128xf32, #tpu.memory_space<vmem>>)
      %mul3A_534 = arith.constant 128 : i32
      %mul3A_535 = arith.muli %add3A_510, %mul3A_534 : i32
      %add3A_536 = arith.constant 32 : i32
      %add3A_537 = arith.addi %mul3A_535, %add3A_536 : i32
      %dma_wait3A_538 = arith.constant 32 : i32
      %dma_wait3A_539 = arith.constant 0 : i32
      %dma_wait3A_540 = tpu.memref_slice %arg9[%dma_wait3A_538, %dma_wait3A_539] : memref<128x128xf32, #tpu.memory_space<vmem>> -> memref<32x128xf32, #tpu.memory_space<vmem>>
      %dma_wait3A_541 = tpu.memref_slice %arg6[%add3A_537] : memref<10240xi32, #tpu.memory_space<vmem>> -> memref<32xi32, #tpu.memory_space<vmem>>
      %dma_wait3A_542 = arith.constant 0 : i32
      %dma_wait3A_543 = arith.constant 0 : i32
      %dma_wait3A_544 = tpu.memref_slice %arg2[%dma_wait3A_542, %dma_wait3A_543] : memref<20000x128xf32, #tpu.memory_space<hbm>> -> memref<20000x128xf32, #tpu.memory_space<hbm>>
      tpu.wait_indirect_dma semaphore(%arg12 : memref<!tpu.dma_semaphore, #tpu.memory_space<semaphore_mem>>) src(%dma_wait3A_544 : memref<20000x128xf32, #tpu.memory_space<hbm>>) dst(%dma_wait3A_540 : memref<32x128xf32, #tpu.memory_space<vmem>>)
      %mul3A_545 = arith.constant 128 : i32
      %mul3A_546 = arith.muli %add3A_510, %mul3A_545 : i32
      %add3A_547 = arith.constant 64 : i32
      %add3A_548 = arith.addi %mul3A_546, %add3A_547 : i32
      %dma_wait3A_549 = arith.constant 64 : i32
      %dma_wait3A_550 = arith.constant 0 : i32
      %dma_wait3A_551 = tpu.memref_slice %arg9[%dma_wait3A_549, %dma_wait3A_550] : memref<128x128xf32, #tpu.memory_space<vmem>> -> memref<32x128xf32, #tpu.memory_space<vmem>>
      %dma_wait3A_552 = tpu.memref_slice %arg6[%add3A_548] : memref<10240xi32, #tpu.memory_space<vmem>> -> memref<32xi32, #tpu.memory_space<vmem>>
      %dma_wait3A_553 = arith.constant 0 : i32
      %dma_wait3A_554 = arith.constant 0 : i32
      %dma_wait3A_555 = tpu.memref_slice %arg2[%dma_wait3A_553, %dma_wait3A_554] : memref<20000x128xf32, #tpu.memory_space<hbm>> -> memref<20000x128xf32, #tpu.memory_space<hbm>>
      tpu.wait_indirect_dma semaphore(%arg12 : memref<!tpu.dma_semaphore, #tpu.memory_space<semaphore_mem>>) src(%dma_wait3A_555 : memref<20000x128xf32, #tpu.memory_space<hbm>>) dst(%dma_wait3A_551 : memref<32x128xf32, #tpu.memory_space<vmem>>)
      %mul3A_556 = arith.constant 128 : i32
      %mul3A_557 = arith.muli %add3A_510, %mul3A_556 : i32
      %add3A_558 = arith.constant 96 : i32
      %add3A_559 = arith.addi %mul3A_557, %add3A_558 : i32
      %dma_wait3A_560 = arith.constant 96 : i32
      %dma_wait3A_561 = arith.constant 0 : i32
      %dma_wait3A_562 = tpu.memref_slice %arg9[%dma_wait3A_560, %dma_wait3A_561] : memref<128x128xf32, #tpu.memory_space<vmem>> -> memref<32x128xf32, #tpu.memory_space<vmem>>
      %dma_wait3A_563 = tpu.memref_slice %arg6[%add3A_559] : memref<10240xi32, #tpu.memory_space<vmem>> -> memref<32xi32, #tpu.memory_space<vmem>>
      %dma_wait3A_564 = arith.constant 0 : i32
      %dma_wait3A_565 = arith.constant 0 : i32
      %dma_wait3A_566 = tpu.memref_slice %arg2[%dma_wait3A_564, %dma_wait3A_565] : memref<20000x128xf32, #tpu.memory_space<hbm>> -> memref<20000x128xf32, #tpu.memory_space<hbm>>
      tpu.wait_indirect_dma semaphore(%arg12 : memref<!tpu.dma_semaphore, #tpu.memory_space<semaphore_mem>>) src(%dma_wait3A_566 : memref<20000x128xf32, #tpu.memory_space<hbm>>) dst(%dma_wait3A_562 : memref<32x128xf32, #tpu.memory_space<vmem>>)
      %dma_start3A_567 = arith.constant 6 : i32
      %dma_start3A_568 = arith.constant 0 : i32
      %dma_start3A_569 = tpu.memref_slice %arg7[%dma_start3A_567, %dma_start3A_568] : memref<8x128xi32, #tpu.memory_space<vmem>> -> memref<1x128xi32, #tpu.memory_space<vmem>>
      %dma_start3A_570 = tpu.memref_squeeze %dma_start3A_569 : memref<1x128xi32, #tpu.memory_space<vmem>> -> memref<128xi32, #tpu.memory_space<vmem>>
      %dma_start3A_571 = arith.constant 0 : i32
      %dma_start3A_572 = arith.constant 0 : i32
      %dma_start3A_573 = tpu.memref_slice %arg11[%dma_start3A_571, %dma_start3A_572] : memref<10112x128xf32, #tpu.memory_space<vmem_shared>> -> memref<10112x128xf32, #tpu.memory_space<vmem_shared>>
      tpu.enqueue_indirect_dma source(%arg9 : memref<128x128xf32, #tpu.memory_space<vmem>>) target(%dma_start3A_573 : memref<10112x128xf32, #tpu.memory_space<vmem_shared>>) offsets(%dma_start3A_570 : memref<128xi32, #tpu.memory_space<vmem>>) semaphore(%arg14 : memref<!tpu.dma_semaphore, #tpu.memory_space<semaphore_mem>>) {add = true}
      %mul3A_574 = arith.constant 2 : i32
      %mul3A_575 = arith.muli %add3A_63, %mul3A_574 : i32
      %add3A_576 = arith.constant 0 : i32
      %add3A_577 = arith.addi %mul3A_575, %add3A_576 : i32
      %mul3A_578 = arith.constant 8 : i32
      %mul3A_579 = arith.muli %add3A_577, %mul3A_578 : i32
      %add3A_580 = arith.constant 7 : i32
      %add3A_581 = arith.addi %mul3A_579, %add3A_580 : i32
      %ge3A_582 = arith.constant 1 : i32
      %ge3A_583 = arith.cmpi sge, %add3A_581, %ge3A_582 : i32
      %convert_element_type3A_584 = arith.extui %ge3A_583 : i1 to i32
      %cond3A_585 = arith.constant 0 : i32
      %cond3A_586 = arith.cmpi ne, %convert_element_type3A_584, %cond3A_585 : i32
      scf.if %cond3A_586 {
        %dma_wait3A_1230 = arith.constant 0 : i32
        %dma_wait3A_1231 = arith.constant 0 : i32
        %dma_wait3A_1232 = tpu.memref_slice %arg7[%dma_wait3A_1230, %dma_wait3A_1231] : memref<8x128xi32, #tpu.memory_space<vmem>> -> memref<1x128xi32, #tpu.memory_space<vmem>>
        %dma_wait3A_1233 = tpu.memref_squeeze %dma_wait3A_1232 : memref<1x128xi32, #tpu.memory_space<vmem>> -> memref<128xi32, #tpu.memory_space<vmem>>
        %dma_wait3A_1234 = arith.constant 0 : i32
        %dma_wait3A_1235 = arith.constant 0 : i32
        %dma_wait3A_1236 = tpu.memref_slice %arg11[%dma_wait3A_1234, %dma_wait3A_1235] : memref<10112x128xf32, #tpu.memory_space<vmem_shared>> -> memref<10112x128xf32, #tpu.memory_space<vmem_shared>>
        tpu.wait_indirect_dma semaphore(%arg14 : memref<!tpu.dma_semaphore, #tpu.memory_space<semaphore_mem>>) src(%arg9 : memref<128x128xf32, #tpu.memory_space<vmem>>) dst(%dma_wait3A_1236 : memref<10112x128xf32, #tpu.memory_space<vmem_shared>>)
      } else {
      }
      %add3A_587 = arith.constant 1 : i32
      %add3A_588 = arith.addi %add3A_581, %add3A_587 : i32
      %lt3A_589 = arith.constant 80 : i32
      %lt3A_590 = arith.cmpi slt, %add3A_588, %lt3A_589 : i32
      %convert_element_type3A_591 = arith.extui %lt3A_590 : i1 to i32
      %cond3A_592 = arith.constant 0 : i32
      %cond3A_593 = arith.cmpi ne, %convert_element_type3A_591, %cond3A_592 : i32
      scf.if %cond3A_593 {
        %add3A_1230 = arith.constant 1 : i32
        %add3A_1231 = arith.addi %add3A_581, %add3A_1230 : i32
        %mul3A_1232 = arith.constant 128 : i32
        %mul3A_1233 = arith.muli %add3A_1231, %mul3A_1232 : i32
        %add3A_1234 = arith.constant 0 : i32
        %add3A_1235 = arith.addi %mul3A_1233, %add3A_1234 : i32
        %dma_start3A_1236 = arith.constant 0 : i32
        %dma_start3A_1237 = arith.constant 0 : i32
        %dma_start3A_1238 = tpu.memref_slice %arg9[%dma_start3A_1236, %dma_start3A_1237] : memref<128x128xf32, #tpu.memory_space<vmem>> -> memref<32x128xf32, #tpu.memory_space<vmem>>
        %dma_start3A_1239 = tpu.memref_slice %arg6[%add3A_1235] : memref<10240xi32, #tpu.memory_space<vmem>> -> memref<32xi32, #tpu.memory_space<vmem>>
        %dma_start3A_1240 = arith.constant 0 : i32
        %dma_start3A_1241 = arith.constant 0 : i32
        %dma_start3A_1242 = tpu.memref_slice %arg2[%dma_start3A_1240, %dma_start3A_1241] : memref<20000x128xf32, #tpu.memory_space<hbm>> -> memref<20000x128xf32, #tpu.memory_space<hbm>>
        tpu.enqueue_indirect_dma source(%dma_start3A_1242 : memref<20000x128xf32, #tpu.memory_space<hbm>>) target(%dma_start3A_1238 : memref<32x128xf32, #tpu.memory_space<vmem>>) offsets(%dma_start3A_1239 : memref<32xi32, #tpu.memory_space<vmem>>) semaphore(%arg12 : memref<!tpu.dma_semaphore, #tpu.memory_space<semaphore_mem>>)
        %add3A_1243 = arith.constant 1 : i32
        %add3A_1244 = arith.addi %add3A_581, %add3A_1243 : i32
        %mul3A_1245 = arith.constant 128 : i32
        %mul3A_1246 = arith.muli %add3A_1244, %mul3A_1245 : i32
        %add3A_1247 = arith.constant 32 : i32
        %add3A_1248 = arith.addi %mul3A_1246, %add3A_1247 : i32
        %dma_start3A_1249 = arith.constant 32 : i32
        %dma_start3A_1250 = arith.constant 0 : i32
        %dma_start3A_1251 = tpu.memref_slice %arg9[%dma_start3A_1249, %dma_start3A_1250] : memref<128x128xf32, #tpu.memory_space<vmem>> -> memref<32x128xf32, #tpu.memory_space<vmem>>
        %dma_start3A_1252 = tpu.memref_slice %arg6[%add3A_1248] : memref<10240xi32, #tpu.memory_space<vmem>> -> memref<32xi32, #tpu.memory_space<vmem>>
        %dma_start3A_1253 = arith.constant 0 : i32
        %dma_start3A_1254 = arith.constant 0 : i32
        %dma_start3A_1255 = tpu.memref_slice %arg2[%dma_start3A_1253, %dma_start3A_1254] : memref<20000x128xf32, #tpu.memory_space<hbm>> -> memref<20000x128xf32, #tpu.memory_space<hbm>>
        tpu.enqueue_indirect_dma source(%dma_start3A_1255 : memref<20000x128xf32, #tpu.memory_space<hbm>>) target(%dma_start3A_1251 : memref<32x128xf32, #tpu.memory_space<vmem>>) offsets(%dma_start3A_1252 : memref<32xi32, #tpu.memory_space<vmem>>) semaphore(%arg12 : memref<!tpu.dma_semaphore, #tpu.memory_space<semaphore_mem>>)
        %add3A_1256 = arith.constant 1 : i32
        %add3A_1257 = arith.addi %add3A_581, %add3A_1256 : i32
        %mul3A_1258 = arith.constant 128 : i32
        %mul3A_1259 = arith.muli %add3A_1257, %mul3A_1258 : i32
        %add3A_1260 = arith.constant 64 : i32
        %add3A_1261 = arith.addi %mul3A_1259, %add3A_1260 : i32
        %dma_start3A_1262 = arith.constant 64 : i32
        %dma_start3A_1263 = arith.constant 0 : i32
        %dma_start3A_1264 = tpu.memref_slice %arg9[%dma_start3A_1262, %dma_start3A_1263] : memref<128x128xf32, #tpu.memory_space<vmem>> -> memref<32x128xf32, #tpu.memory_space<vmem>>
        %dma_start3A_1265 = tpu.memref_slice %arg6[%add3A_1261] : memref<10240xi32, #tpu.memory_space<vmem>> -> memref<32xi32, #tpu.memory_space<vmem>>
        %dma_start3A_1266 = arith.constant 0 : i32
        %dma_start3A_1267 = arith.constant 0 : i32
        %dma_start3A_1268 = tpu.memref_slice %arg2[%dma_start3A_1266, %dma_start3A_1267] : memref<20000x128xf32, #tpu.memory_space<hbm>> -> memref<20000x128xf32, #tpu.memory_space<hbm>>
        tpu.enqueue_indirect_dma source(%dma_start3A_1268 : memref<20000x128xf32, #tpu.memory_space<hbm>>) target(%dma_start3A_1264 : memref<32x128xf32, #tpu.memory_space<vmem>>) offsets(%dma_start3A_1265 : memref<32xi32, #tpu.memory_space<vmem>>) semaphore(%arg12 : memref<!tpu.dma_semaphore, #tpu.memory_space<semaphore_mem>>)
        %add3A_1269 = arith.constant 1 : i32
        %add3A_1270 = arith.addi %add3A_581, %add3A_1269 : i32
        %mul3A_1271 = arith.constant 128 : i32
        %mul3A_1272 = arith.muli %add3A_1270, %mul3A_1271 : i32
        %add3A_1273 = arith.constant 96 : i32
        %add3A_1274 = arith.addi %mul3A_1272, %add3A_1273 : i32
        %dma_start3A_1275 = arith.constant 96 : i32
        %dma_start3A_1276 = arith.constant 0 : i32
        %dma_start3A_1277 = tpu.memref_slice %arg9[%dma_start3A_1275, %dma_start3A_1276] : memref<128x128xf32, #tpu.memory_space<vmem>> -> memref<32x128xf32, #tpu.memory_space<vmem>>
        %dma_start3A_1278 = tpu.memref_slice %arg6[%add3A_1274] : memref<10240xi32, #tpu.memory_space<vmem>> -> memref<32xi32, #tpu.memory_space<vmem>>
        %dma_start3A_1279 = arith.constant 0 : i32
        %dma_start3A_1280 = arith.constant 0 : i32
        %dma_start3A_1281 = tpu.memref_slice %arg2[%dma_start3A_1279, %dma_start3A_1280] : memref<20000x128xf32, #tpu.memory_space<hbm>> -> memref<20000x128xf32, #tpu.memory_space<hbm>>
        tpu.enqueue_indirect_dma source(%dma_start3A_1281 : memref<20000x128xf32, #tpu.memory_space<hbm>>) target(%dma_start3A_1277 : memref<32x128xf32, #tpu.memory_space<vmem>>) offsets(%dma_start3A_1278 : memref<32xi32, #tpu.memory_space<vmem>>) semaphore(%arg12 : memref<!tpu.dma_semaphore, #tpu.memory_space<semaphore_mem>>)
      } else {
      }
      %mul3A_594 = arith.constant 128 : i32
      %mul3A_595 = arith.muli %add3A_581, %mul3A_594 : i32
      %add3A_596 = arith.constant 0 : i32
      %add3A_597 = arith.addi %mul3A_595, %add3A_596 : i32
      %dma_wait3A_598 = arith.constant 0 : i32
      %dma_wait3A_599 = arith.constant 0 : i32
      %dma_wait3A_600 = tpu.memref_slice %arg10[%dma_wait3A_598, %dma_wait3A_599] : memref<128x128xf32, #tpu.memory_space<vmem>> -> memref<32x128xf32, #tpu.memory_space<vmem>>
      %dma_wait3A_601 = tpu.memref_slice %arg6[%add3A_597] : memref<10240xi32, #tpu.memory_space<vmem>> -> memref<32xi32, #tpu.memory_space<vmem>>
      %dma_wait3A_602 = arith.constant 0 : i32
      %dma_wait3A_603 = arith.constant 0 : i32
      %dma_wait3A_604 = tpu.memref_slice %arg2[%dma_wait3A_602, %dma_wait3A_603] : memref<20000x128xf32, #tpu.memory_space<hbm>> -> memref<20000x128xf32, #tpu.memory_space<hbm>>
      tpu.wait_indirect_dma semaphore(%arg13 : memref<!tpu.dma_semaphore, #tpu.memory_space<semaphore_mem>>) src(%dma_wait3A_604 : memref<20000x128xf32, #tpu.memory_space<hbm>>) dst(%dma_wait3A_600 : memref<32x128xf32, #tpu.memory_space<vmem>>)
      %mul3A_605 = arith.constant 128 : i32
      %mul3A_606 = arith.muli %add3A_581, %mul3A_605 : i32
      %add3A_607 = arith.constant 32 : i32
      %add3A_608 = arith.addi %mul3A_606, %add3A_607 : i32
      %dma_wait3A_609 = arith.constant 32 : i32
      %dma_wait3A_610 = arith.constant 0 : i32
      %dma_wait3A_611 = tpu.memref_slice %arg10[%dma_wait3A_609, %dma_wait3A_610] : memref<128x128xf32, #tpu.memory_space<vmem>> -> memref<32x128xf32, #tpu.memory_space<vmem>>
      %dma_wait3A_612 = tpu.memref_slice %arg6[%add3A_608] : memref<10240xi32, #tpu.memory_space<vmem>> -> memref<32xi32, #tpu.memory_space<vmem>>
      %dma_wait3A_613 = arith.constant 0 : i32
      %dma_wait3A_614 = arith.constant 0 : i32
      %dma_wait3A_615 = tpu.memref_slice %arg2[%dma_wait3A_613, %dma_wait3A_614] : memref<20000x128xf32, #tpu.memory_space<hbm>> -> memref<20000x128xf32, #tpu.memory_space<hbm>>
      tpu.wait_indirect_dma semaphore(%arg13 : memref<!tpu.dma_semaphore, #tpu.memory_space<semaphore_mem>>) src(%dma_wait3A_615 : memref<20000x128xf32, #tpu.memory_space<hbm>>) dst(%dma_wait3A_611 : memref<32x128xf32, #tpu.memory_space<vmem>>)
      %mul3A_616 = arith.constant 128 : i32
      %mul3A_617 = arith.muli %add3A_581, %mul3A_616 : i32
      %add3A_618 = arith.constant 64 : i32
      %add3A_619 = arith.addi %mul3A_617, %add3A_618 : i32
      %dma_wait3A_620 = arith.constant 64 : i32
      %dma_wait3A_621 = arith.constant 0 : i32
      %dma_wait3A_622 = tpu.memref_slice %arg10[%dma_wait3A_620, %dma_wait3A_621] : memref<128x128xf32, #tpu.memory_space<vmem>> -> memref<32x128xf32, #tpu.memory_space<vmem>>
      %dma_wait3A_623 = tpu.memref_slice %arg6[%add3A_619] : memref<10240xi32, #tpu.memory_space<vmem>> -> memref<32xi32, #tpu.memory_space<vmem>>
      %dma_wait3A_624 = arith.constant 0 : i32
      %dma_wait3A_625 = arith.constant 0 : i32
      %dma_wait3A_626 = tpu.memref_slice %arg2[%dma_wait3A_624, %dma_wait3A_625] : memref<20000x128xf32, #tpu.memory_space<hbm>> -> memref<20000x128xf32, #tpu.memory_space<hbm>>
      tpu.wait_indirect_dma semaphore(%arg13 : memref<!tpu.dma_semaphore, #tpu.memory_space<semaphore_mem>>) src(%dma_wait3A_626 : memref<20000x128xf32, #tpu.memory_space<hbm>>) dst(%dma_wait3A_622 : memref<32x128xf32, #tpu.memory_space<vmem>>)
      %mul3A_627 = arith.constant 128 : i32
      %mul3A_628 = arith.muli %add3A_581, %mul3A_627 : i32
      %add3A_629 = arith.constant 96 : i32
      %add3A_630 = arith.addi %mul3A_628, %add3A_629 : i32
      %dma_wait3A_631 = arith.constant 96 : i32
      %dma_wait3A_632 = arith.constant 0 : i32
      %dma_wait3A_633 = tpu.memref_slice %arg10[%dma_wait3A_631, %dma_wait3A_632] : memref<128x128xf32, #tpu.memory_space<vmem>> -> memref<32x128xf32, #tpu.memory_space<vmem>>
      %dma_wait3A_634 = tpu.memref_slice %arg6[%add3A_630] : memref<10240xi32, #tpu.memory_space<vmem>> -> memref<32xi32, #tpu.memory_space<vmem>>
      %dma_wait3A_635 = arith.constant 0 : i32
      %dma_wait3A_636 = arith.constant 0 : i32
      %dma_wait3A_637 = tpu.memref_slice %arg2[%dma_wait3A_635, %dma_wait3A_636] : memref<20000x128xf32, #tpu.memory_space<hbm>> -> memref<20000x128xf32, #tpu.memory_space<hbm>>
      tpu.wait_indirect_dma semaphore(%arg13 : memref<!tpu.dma_semaphore, #tpu.memory_space<semaphore_mem>>) src(%dma_wait3A_637 : memref<20000x128xf32, #tpu.memory_space<hbm>>) dst(%dma_wait3A_633 : memref<32x128xf32, #tpu.memory_space<vmem>>)
      %dma_start3A_638 = arith.constant 7 : i32
      %dma_start3A_639 = arith.constant 0 : i32
      %dma_start3A_640 = tpu.memref_slice %arg7[%dma_start3A_638, %dma_start3A_639] : memref<8x128xi32, #tpu.memory_space<vmem>> -> memref<1x128xi32, #tpu.memory_space<vmem>>
      %dma_start3A_641 = tpu.memref_squeeze %dma_start3A_640 : memref<1x128xi32, #tpu.memory_space<vmem>> -> memref<128xi32, #tpu.memory_space<vmem>>
      %dma_start3A_642 = arith.constant 0 : i32
      %dma_start3A_643 = arith.constant 0 : i32
      %dma_start3A_644 = tpu.memref_slice %arg11[%dma_start3A_642, %dma_start3A_643] : memref<10112x128xf32, #tpu.memory_space<vmem_shared>> -> memref<10112x128xf32, #tpu.memory_space<vmem_shared>>
      tpu.enqueue_indirect_dma source(%arg10 : memref<128x128xf32, #tpu.memory_space<vmem>>) target(%dma_start3A_644 : memref<10112x128xf32, #tpu.memory_space<vmem_shared>>) offsets(%dma_start3A_641 : memref<128xi32, #tpu.memory_space<vmem>>) semaphore(%arg15 : memref<!tpu.dma_semaphore, #tpu.memory_space<semaphore_mem>>) {add = true}
      %mul3A_645 = arith.constant 2 : i32
      %mul3A_646 = arith.muli %add3A_63, %mul3A_645 : i32
      %add3A_647 = arith.constant 1 : i32
      %add3A_648 = arith.addi %mul3A_646, %add3A_647 : i32
      %mul3A_649 = arith.constant 8 : i32
      %mul3A_650 = arith.muli %add3A_648, %mul3A_649 : i32
      %add3A_651 = arith.constant 0 : i32
      %add3A_652 = arith.addi %mul3A_650, %add3A_651 : i32
      %ge3A_653 = arith.constant 1 : i32
      %ge3A_654 = arith.cmpi sge, %add3A_652, %ge3A_653 : i32
      %convert_element_type3A_655 = arith.extui %ge3A_654 : i1 to i32
      %cond3A_656 = arith.constant 0 : i32
      %cond3A_657 = arith.cmpi ne, %convert_element_type3A_655, %cond3A_656 : i32
      scf.if %cond3A_657 {
        %dma_wait3A_1230 = arith.constant 0 : i32
        %dma_wait3A_1231 = arith.constant 0 : i32
        %dma_wait3A_1232 = tpu.memref_slice %arg8[%dma_wait3A_1230, %dma_wait3A_1231] : memref<8x128xi32, #tpu.memory_space<vmem>> -> memref<1x128xi32, #tpu.memory_space<vmem>>
        %dma_wait3A_1233 = tpu.memref_squeeze %dma_wait3A_1232 : memref<1x128xi32, #tpu.memory_space<vmem>> -> memref<128xi32, #tpu.memory_space<vmem>>
        %dma_wait3A_1234 = arith.constant 0 : i32
        %dma_wait3A_1235 = arith.constant 0 : i32
        %dma_wait3A_1236 = tpu.memref_slice %arg11[%dma_wait3A_1234, %dma_wait3A_1235] : memref<10112x128xf32, #tpu.memory_space<vmem_shared>> -> memref<10112x128xf32, #tpu.memory_space<vmem_shared>>
        tpu.wait_indirect_dma semaphore(%arg15 : memref<!tpu.dma_semaphore, #tpu.memory_space<semaphore_mem>>) src(%arg10 : memref<128x128xf32, #tpu.memory_space<vmem>>) dst(%dma_wait3A_1236 : memref<10112x128xf32, #tpu.memory_space<vmem_shared>>)
      } else {
      }
      %dma_wait3A_658 = arith.constant 0 : i32
      %dma_wait3A_659 = arith.constant 0 : i32
      %dma_wait3A_660 = tpu.memref_slice %arg4[%dma_wait3A_658, %dma_wait3A_659] : memref<1280x128xi32, #tpu.memory_space<hbm>> -> memref<8x128xi32, #tpu.memory_space<hbm>>
      %dma_wait3A_661 = arith.constant 0 : i32
      %dma_wait3A_662 = arith.constant 0 : i32
      %dma_wait3A_663 = tpu.memref_slice %arg4[%dma_wait3A_661, %dma_wait3A_662] : memref<1280x128xi32, #tpu.memory_space<hbm>> -> memref<8x128xi32, #tpu.memory_space<hbm>>
      tpu.wait_dma2 semaphore(%arg17 : memref<!tpu.dma_semaphore, #tpu.memory_space<semaphore_mem>>) src(%dma_wait3A_663 : memref<8x128xi32, #tpu.memory_space<hbm>>) dst(%arg8 : memref<8x128xi32, #tpu.memory_space<vmem>>)
      %mul3A_664 = arith.constant 2 : i32
      %mul3A_665 = arith.muli %add3A_63, %mul3A_664 : i32
      %add3A_666 = arith.constant 1 : i32
      %add3A_667 = arith.addi %mul3A_665, %add3A_666 : i32
      %add3A_668 = arith.constant 1 : i32
      %add3A_669 = arith.addi %add3A_667, %add3A_668 : i32
      %lt3A_670 = arith.constant 10 : i32
      %lt3A_671 = arith.cmpi slt, %add3A_669, %lt3A_670 : i32
      %convert_element_type3A_672 = arith.extui %lt3A_671 : i1 to i32
      %cond3A_673 = arith.constant 0 : i32
      %cond3A_674 = arith.cmpi ne, %convert_element_type3A_672, %cond3A_673 : i32
      scf.if %cond3A_674 {
        %mul3A_1230 = arith.constant 80 : i32
        %mul3A_1231 = arith.muli %arg1, %mul3A_1230 : i32
        %add3A_1232 = arith.constant 1 : i32
        %add3A_1233 = arith.addi %add3A_667, %add3A_1232 : i32
        %mul3A_1234 = arith.constant 8 : i32
        %mul3A_1235 = arith.muli %add3A_1233, %mul3A_1234 : i32
        %add3A_1236 = arith.addi %mul3A_1231, %mul3A_1235 : i32
        %dma_start3A_1237 = arith.constant 0 : i32
        %dma_start3A_1238 = tpu.memref_slice %arg4[%add3A_1236, %dma_start3A_1237] : memref<1280x128xi32, #tpu.memory_space<hbm>> -> memref<8x128xi32, #tpu.memory_space<hbm>>
        %dma_start3A_1239 = arith.constant 0 : i32
        %dma_start3A_1240 = tpu.memref_slice %arg4[%add3A_1236, %dma_start3A_1239] : memref<1280x128xi32, #tpu.memory_space<hbm>> -> memref<8x128xi32, #tpu.memory_space<hbm>>
        tpu.enqueue_dma source(%dma_start3A_1240 : memref<8x128xi32, #tpu.memory_space<hbm>>) target(%arg7 : memref<8x128xi32, #tpu.memory_space<vmem>>) target_semaphore(%arg16 : memref<!tpu.dma_semaphore, #tpu.memory_space<semaphore_mem>>)
      } else {
      }
      %add3A_675 = arith.constant 1 : i32
      %add3A_676 = arith.addi %add3A_652, %add3A_675 : i32
      %lt3A_677 = arith.constant 80 : i32
      %lt3A_678 = arith.cmpi slt, %add3A_676, %lt3A_677 : i32
      %convert_element_type3A_679 = arith.extui %lt3A_678 : i1 to i32
      %cond3A_680 = arith.constant 0 : i32
      %cond3A_681 = arith.cmpi ne, %convert_element_type3A_679, %cond3A_680 : i32
      scf.if %cond3A_681 {
        %add3A_1230 = arith.constant 1 : i32
        %add3A_1231 = arith.addi %add3A_652, %add3A_1230 : i32
        %mul3A_1232 = arith.constant 128 : i32
        %mul3A_1233 = arith.muli %add3A_1231, %mul3A_1232 : i32
        %add3A_1234 = arith.constant 0 : i32
        %add3A_1235 = arith.addi %mul3A_1233, %add3A_1234 : i32
        %dma_start3A_1236 = arith.constant 0 : i32
        %dma_start3A_1237 = arith.constant 0 : i32
        %dma_start3A_1238 = tpu.memref_slice %arg10[%dma_start3A_1236, %dma_start3A_1237] : memref<128x128xf32, #tpu.memory_space<vmem>> -> memref<32x128xf32, #tpu.memory_space<vmem>>
        %dma_start3A_1239 = tpu.memref_slice %arg6[%add3A_1235] : memref<10240xi32, #tpu.memory_space<vmem>> -> memref<32xi32, #tpu.memory_space<vmem>>
        %dma_start3A_1240 = arith.constant 0 : i32
        %dma_start3A_1241 = arith.constant 0 : i32
        %dma_start3A_1242 = tpu.memref_slice %arg2[%dma_start3A_1240, %dma_start3A_1241] : memref<20000x128xf32, #tpu.memory_space<hbm>> -> memref<20000x128xf32, #tpu.memory_space<hbm>>
        tpu.enqueue_indirect_dma source(%dma_start3A_1242 : memref<20000x128xf32, #tpu.memory_space<hbm>>) target(%dma_start3A_1238 : memref<32x128xf32, #tpu.memory_space<vmem>>) offsets(%dma_start3A_1239 : memref<32xi32, #tpu.memory_space<vmem>>) semaphore(%arg13 : memref<!tpu.dma_semaphore, #tpu.memory_space<semaphore_mem>>)
        %add3A_1243 = arith.constant 1 : i32
        %add3A_1244 = arith.addi %add3A_652, %add3A_1243 : i32
        %mul3A_1245 = arith.constant 128 : i32
        %mul3A_1246 = arith.muli %add3A_1244, %mul3A_1245 : i32
        %add3A_1247 = arith.constant 32 : i32
        %add3A_1248 = arith.addi %mul3A_1246, %add3A_1247 : i32
        %dma_start3A_1249 = arith.constant 32 : i32
        %dma_start3A_1250 = arith.constant 0 : i32
        %dma_start3A_1251 = tpu.memref_slice %arg10[%dma_start3A_1249, %dma_start3A_1250] : memref<128x128xf32, #tpu.memory_space<vmem>> -> memref<32x128xf32, #tpu.memory_space<vmem>>
        %dma_start3A_1252 = tpu.memref_slice %arg6[%add3A_1248] : memref<10240xi32, #tpu.memory_space<vmem>> -> memref<32xi32, #tpu.memory_space<vmem>>
        %dma_start3A_1253 = arith.constant 0 : i32
        %dma_start3A_1254 = arith.constant 0 : i32
        %dma_start3A_1255 = tpu.memref_slice %arg2[%dma_start3A_1253, %dma_start3A_1254] : memref<20000x128xf32, #tpu.memory_space<hbm>> -> memref<20000x128xf32, #tpu.memory_space<hbm>>
        tpu.enqueue_indirect_dma source(%dma_start3A_1255 : memref<20000x128xf32, #tpu.memory_space<hbm>>) target(%dma_start3A_1251 : memref<32x128xf32, #tpu.memory_space<vmem>>) offsets(%dma_start3A_1252 : memref<32xi32, #tpu.memory_space<vmem>>) semaphore(%arg13 : memref<!tpu.dma_semaphore, #tpu.memory_space<semaphore_mem>>)
        %add3A_1256 = arith.constant 1 : i32
        %add3A_1257 = arith.addi %add3A_652, %add3A_1256 : i32
        %mul3A_1258 = arith.constant 128 : i32
        %mul3A_1259 = arith.muli %add3A_1257, %mul3A_1258 : i32
        %add3A_1260 = arith.constant 64 : i32
        %add3A_1261 = arith.addi %mul3A_1259, %add3A_1260 : i32
        %dma_start3A_1262 = arith.constant 64 : i32
        %dma_start3A_1263 = arith.constant 0 : i32
        %dma_start3A_1264 = tpu.memref_slice %arg10[%dma_start3A_1262, %dma_start3A_1263] : memref<128x128xf32, #tpu.memory_space<vmem>> -> memref<32x128xf32, #tpu.memory_space<vmem>>
        %dma_start3A_1265 = tpu.memref_slice %arg6[%add3A_1261] : memref<10240xi32, #tpu.memory_space<vmem>> -> memref<32xi32, #tpu.memory_space<vmem>>
        %dma_start3A_1266 = arith.constant 0 : i32
        %dma_start3A_1267 = arith.constant 0 : i32
        %dma_start3A_1268 = tpu.memref_slice %arg2[%dma_start3A_1266, %dma_start3A_1267] : memref<20000x128xf32, #tpu.memory_space<hbm>> -> memref<20000x128xf32, #tpu.memory_space<hbm>>
        tpu.enqueue_indirect_dma source(%dma_start3A_1268 : memref<20000x128xf32, #tpu.memory_space<hbm>>) target(%dma_start3A_1264 : memref<32x128xf32, #tpu.memory_space<vmem>>) offsets(%dma_start3A_1265 : memref<32xi32, #tpu.memory_space<vmem>>) semaphore(%arg13 : memref<!tpu.dma_semaphore, #tpu.memory_space<semaphore_mem>>)
        %add3A_1269 = arith.constant 1 : i32
        %add3A_1270 = arith.addi %add3A_652, %add3A_1269 : i32
        %mul3A_1271 = arith.constant 128 : i32
        %mul3A_1272 = arith.muli %add3A_1270, %mul3A_1271 : i32
        %add3A_1273 = arith.constant 96 : i32
        %add3A_1274 = arith.addi %mul3A_1272, %add3A_1273 : i32
        %dma_start3A_1275 = arith.constant 96 : i32
        %dma_start3A_1276 = arith.constant 0 : i32
        %dma_start3A_1277 = tpu.memref_slice %arg10[%dma_start3A_1275, %dma_start3A_1276] : memref<128x128xf32, #tpu.memory_space<vmem>> -> memref<32x128xf32, #tpu.memory_space<vmem>>
        %dma_start3A_1278 = tpu.memref_slice %arg6[%add3A_1274] : memref<10240xi32, #tpu.memory_space<vmem>> -> memref<32xi32, #tpu.memory_space<vmem>>
        %dma_start3A_1279 = arith.constant 0 : i32
        %dma_start3A_1280 = arith.constant 0 : i32
        %dma_start3A_1281 = tpu.memref_slice %arg2[%dma_start3A_1279, %dma_start3A_1280] : memref<20000x128xf32, #tpu.memory_space<hbm>> -> memref<20000x128xf32, #tpu.memory_space<hbm>>
        tpu.enqueue_indirect_dma source(%dma_start3A_1281 : memref<20000x128xf32, #tpu.memory_space<hbm>>) target(%dma_start3A_1277 : memref<32x128xf32, #tpu.memory_space<vmem>>) offsets(%dma_start3A_1278 : memref<32xi32, #tpu.memory_space<vmem>>) semaphore(%arg13 : memref<!tpu.dma_semaphore, #tpu.memory_space<semaphore_mem>>)
      } else {
      }
      %mul3A_682 = arith.constant 128 : i32
      %mul3A_683 = arith.muli %add3A_652, %mul3A_682 : i32
      %add3A_684 = arith.constant 0 : i32
      %add3A_685 = arith.addi %mul3A_683, %add3A_684 : i32
      %dma_wait3A_686 = arith.constant 0 : i32
      %dma_wait3A_687 = arith.constant 0 : i32
      %dma_wait3A_688 = tpu.memref_slice %arg9[%dma_wait3A_686, %dma_wait3A_687] : memref<128x128xf32, #tpu.memory_space<vmem>> -> memref<32x128xf32, #tpu.memory_space<vmem>>
      %dma_wait3A_689 = tpu.memref_slice %arg6[%add3A_685] : memref<10240xi32, #tpu.memory_space<vmem>> -> memref<32xi32, #tpu.memory_space<vmem>>
      %dma_wait3A_690 = arith.constant 0 : i32
      %dma_wait3A_691 = arith.constant 0 : i32
      %dma_wait3A_692 = tpu.memref_slice %arg2[%dma_wait3A_690, %dma_wait3A_691] : memref<20000x128xf32, #tpu.memory_space<hbm>> -> memref<20000x128xf32, #tpu.memory_space<hbm>>
      tpu.wait_indirect_dma semaphore(%arg12 : memref<!tpu.dma_semaphore, #tpu.memory_space<semaphore_mem>>) src(%dma_wait3A_692 : memref<20000x128xf32, #tpu.memory_space<hbm>>) dst(%dma_wait3A_688 : memref<32x128xf32, #tpu.memory_space<vmem>>)
      %mul3A_693 = arith.constant 128 : i32
      %mul3A_694 = arith.muli %add3A_652, %mul3A_693 : i32
      %add3A_695 = arith.constant 32 : i32
      %add3A_696 = arith.addi %mul3A_694, %add3A_695 : i32
      %dma_wait3A_697 = arith.constant 32 : i32
      %dma_wait3A_698 = arith.constant 0 : i32
      %dma_wait3A_699 = tpu.memref_slice %arg9[%dma_wait3A_697, %dma_wait3A_698] : memref<128x128xf32, #tpu.memory_space<vmem>> -> memref<32x128xf32, #tpu.memory_space<vmem>>
      %dma_wait3A_700 = tpu.memref_slice %arg6[%add3A_696] : memref<10240xi32, #tpu.memory_space<vmem>> -> memref<32xi32, #tpu.memory_space<vmem>>
      %dma_wait3A_701 = arith.constant 0 : i32
      %dma_wait3A_702 = arith.constant 0 : i32
      %dma_wait3A_703 = tpu.memref_slice %arg2[%dma_wait3A_701, %dma_wait3A_702] : memref<20000x128xf32, #tpu.memory_space<hbm>> -> memref<20000x128xf32, #tpu.memory_space<hbm>>
      tpu.wait_indirect_dma semaphore(%arg12 : memref<!tpu.dma_semaphore, #tpu.memory_space<semaphore_mem>>) src(%dma_wait3A_703 : memref<20000x128xf32, #tpu.memory_space<hbm>>) dst(%dma_wait3A_699 : memref<32x128xf32, #tpu.memory_space<vmem>>)
      %mul3A_704 = arith.constant 128 : i32
      %mul3A_705 = arith.muli %add3A_652, %mul3A_704 : i32
      %add3A_706 = arith.constant 64 : i32
      %add3A_707 = arith.addi %mul3A_705, %add3A_706 : i32
      %dma_wait3A_708 = arith.constant 64 : i32
      %dma_wait3A_709 = arith.constant 0 : i32
      %dma_wait3A_710 = tpu.memref_slice %arg9[%dma_wait3A_708, %dma_wait3A_709] : memref<128x128xf32, #tpu.memory_space<vmem>> -> memref<32x128xf32, #tpu.memory_space<vmem>>
      %dma_wait3A_711 = tpu.memref_slice %arg6[%add3A_707] : memref<10240xi32, #tpu.memory_space<vmem>> -> memref<32xi32, #tpu.memory_space<vmem>>
      %dma_wait3A_712 = arith.constant 0 : i32
      %dma_wait3A_713 = arith.constant 0 : i32
      %dma_wait3A_714 = tpu.memref_slice %arg2[%dma_wait3A_712, %dma_wait3A_713] : memref<20000x128xf32, #tpu.memory_space<hbm>> -> memref<20000x128xf32, #tpu.memory_space<hbm>>
      tpu.wait_indirect_dma semaphore(%arg12 : memref<!tpu.dma_semaphore, #tpu.memory_space<semaphore_mem>>) src(%dma_wait3A_714 : memref<20000x128xf32, #tpu.memory_space<hbm>>) dst(%dma_wait3A_710 : memref<32x128xf32, #tpu.memory_space<vmem>>)
      %mul3A_715 = arith.constant 128 : i32
      %mul3A_716 = arith.muli %add3A_652, %mul3A_715 : i32
      %add3A_717 = arith.constant 96 : i32
      %add3A_718 = arith.addi %mul3A_716, %add3A_717 : i32
      %dma_wait3A_719 = arith.constant 96 : i32
      %dma_wait3A_720 = arith.constant 0 : i32
      %dma_wait3A_721 = tpu.memref_slice %arg9[%dma_wait3A_719, %dma_wait3A_720] : memref<128x128xf32, #tpu.memory_space<vmem>> -> memref<32x128xf32, #tpu.memory_space<vmem>>
      %dma_wait3A_722 = tpu.memref_slice %arg6[%add3A_718] : memref<10240xi32, #tpu.memory_space<vmem>> -> memref<32xi32, #tpu.memory_space<vmem>>
      %dma_wait3A_723 = arith.constant 0 : i32
      %dma_wait3A_724 = arith.constant 0 : i32
      %dma_wait3A_725 = tpu.memref_slice %arg2[%dma_wait3A_723, %dma_wait3A_724] : memref<20000x128xf32, #tpu.memory_space<hbm>> -> memref<20000x128xf32, #tpu.memory_space<hbm>>
      tpu.wait_indirect_dma semaphore(%arg12 : memref<!tpu.dma_semaphore, #tpu.memory_space<semaphore_mem>>) src(%dma_wait3A_725 : memref<20000x128xf32, #tpu.memory_space<hbm>>) dst(%dma_wait3A_721 : memref<32x128xf32, #tpu.memory_space<vmem>>)
      %dma_start3A_726 = arith.constant 0 : i32
      %dma_start3A_727 = arith.constant 0 : i32
      %dma_start3A_728 = tpu.memref_slice %arg8[%dma_start3A_726, %dma_start3A_727] : memref<8x128xi32, #tpu.memory_space<vmem>> -> memref<1x128xi32, #tpu.memory_space<vmem>>
      %dma_start3A_729 = tpu.memref_squeeze %dma_start3A_728 : memref<1x128xi32, #tpu.memory_space<vmem>> -> memref<128xi32, #tpu.memory_space<vmem>>
      %dma_start3A_730 = arith.constant 0 : i32
      %dma_start3A_731 = arith.constant 0 : i32
      %dma_start3A_732 = tpu.memref_slice %arg11[%dma_start3A_730, %dma_start3A_731] : memref<10112x128xf32, #tpu.memory_space<vmem_shared>> -> memref<10112x128xf32, #tpu.memory_space<vmem_shared>>
      tpu.enqueue_indirect_dma source(%arg9 : memref<128x128xf32, #tpu.memory_space<vmem>>) target(%dma_start3A_732 : memref<10112x128xf32, #tpu.memory_space<vmem_shared>>) offsets(%dma_start3A_729 : memref<128xi32, #tpu.memory_space<vmem>>) semaphore(%arg14 : memref<!tpu.dma_semaphore, #tpu.memory_space<semaphore_mem>>) {add = true}
      %mul3A_733 = arith.constant 2 : i32
      %mul3A_734 = arith.muli %add3A_63, %mul3A_733 : i32
      %add3A_735 = arith.constant 1 : i32
      %add3A_736 = arith.addi %mul3A_734, %add3A_735 : i32
      %mul3A_737 = arith.constant 8 : i32
      %mul3A_738 = arith.muli %add3A_736, %mul3A_737 : i32
      %add3A_739 = arith.constant 1 : i32
      %add3A_740 = arith.addi %mul3A_738, %add3A_739 : i32
      %ge3A_741 = arith.constant 1 : i32
      %ge3A_742 = arith.cmpi sge, %add3A_740, %ge3A_741 : i32
      %convert_element_type3A_743 = arith.extui %ge3A_742 : i1 to i32
      %cond3A_744 = arith.constant 0 : i32
      %cond3A_745 = arith.cmpi ne, %convert_element_type3A_743, %cond3A_744 : i32
      scf.if %cond3A_745 {
        %dma_wait3A_1230 = arith.constant 0 : i32
        %dma_wait3A_1231 = arith.constant 0 : i32
        %dma_wait3A_1232 = tpu.memref_slice %arg8[%dma_wait3A_1230, %dma_wait3A_1231] : memref<8x128xi32, #tpu.memory_space<vmem>> -> memref<1x128xi32, #tpu.memory_space<vmem>>
        %dma_wait3A_1233 = tpu.memref_squeeze %dma_wait3A_1232 : memref<1x128xi32, #tpu.memory_space<vmem>> -> memref<128xi32, #tpu.memory_space<vmem>>
        %dma_wait3A_1234 = arith.constant 0 : i32
        %dma_wait3A_1235 = arith.constant 0 : i32
        %dma_wait3A_1236 = tpu.memref_slice %arg11[%dma_wait3A_1234, %dma_wait3A_1235] : memref<10112x128xf32, #tpu.memory_space<vmem_shared>> -> memref<10112x128xf32, #tpu.memory_space<vmem_shared>>
        tpu.wait_indirect_dma semaphore(%arg14 : memref<!tpu.dma_semaphore, #tpu.memory_space<semaphore_mem>>) src(%arg9 : memref<128x128xf32, #tpu.memory_space<vmem>>) dst(%dma_wait3A_1236 : memref<10112x128xf32, #tpu.memory_space<vmem_shared>>)
      } else {
      }
      %add3A_746 = arith.constant 1 : i32
      %add3A_747 = arith.addi %add3A_740, %add3A_746 : i32
      %lt3A_748 = arith.constant 80 : i32
      %lt3A_749 = arith.cmpi slt, %add3A_747, %lt3A_748 : i32
      %convert_element_type3A_750 = arith.extui %lt3A_749 : i1 to i32
      %cond3A_751 = arith.constant 0 : i32
      %cond3A_752 = arith.cmpi ne, %convert_element_type3A_750, %cond3A_751 : i32
      scf.if %cond3A_752 {
        %add3A_1230 = arith.constant 1 : i32
        %add3A_1231 = arith.addi %add3A_740, %add3A_1230 : i32
        %mul3A_1232 = arith.constant 128 : i32
        %mul3A_1233 = arith.muli %add3A_1231, %mul3A_1232 : i32
        %add3A_1234 = arith.constant 0 : i32
        %add3A_1235 = arith.addi %mul3A_1233, %add3A_1234 : i32
        %dma_start3A_1236 = arith.constant 0 : i32
        %dma_start3A_1237 = arith.constant 0 : i32
        %dma_start3A_1238 = tpu.memref_slice %arg9[%dma_start3A_1236, %dma_start3A_1237] : memref<128x128xf32, #tpu.memory_space<vmem>> -> memref<32x128xf32, #tpu.memory_space<vmem>>
        %dma_start3A_1239 = tpu.memref_slice %arg6[%add3A_1235] : memref<10240xi32, #tpu.memory_space<vmem>> -> memref<32xi32, #tpu.memory_space<vmem>>
        %dma_start3A_1240 = arith.constant 0 : i32
        %dma_start3A_1241 = arith.constant 0 : i32
        %dma_start3A_1242 = tpu.memref_slice %arg2[%dma_start3A_1240, %dma_start3A_1241] : memref<20000x128xf32, #tpu.memory_space<hbm>> -> memref<20000x128xf32, #tpu.memory_space<hbm>>
        tpu.enqueue_indirect_dma source(%dma_start3A_1242 : memref<20000x128xf32, #tpu.memory_space<hbm>>) target(%dma_start3A_1238 : memref<32x128xf32, #tpu.memory_space<vmem>>) offsets(%dma_start3A_1239 : memref<32xi32, #tpu.memory_space<vmem>>) semaphore(%arg12 : memref<!tpu.dma_semaphore, #tpu.memory_space<semaphore_mem>>)
        %add3A_1243 = arith.constant 1 : i32
        %add3A_1244 = arith.addi %add3A_740, %add3A_1243 : i32
        %mul3A_1245 = arith.constant 128 : i32
        %mul3A_1246 = arith.muli %add3A_1244, %mul3A_1245 : i32
        %add3A_1247 = arith.constant 32 : i32
        %add3A_1248 = arith.addi %mul3A_1246, %add3A_1247 : i32
        %dma_start3A_1249 = arith.constant 32 : i32
        %dma_start3A_1250 = arith.constant 0 : i32
        %dma_start3A_1251 = tpu.memref_slice %arg9[%dma_start3A_1249, %dma_start3A_1250] : memref<128x128xf32, #tpu.memory_space<vmem>> -> memref<32x128xf32, #tpu.memory_space<vmem>>
        %dma_start3A_1252 = tpu.memref_slice %arg6[%add3A_1248] : memref<10240xi32, #tpu.memory_space<vmem>> -> memref<32xi32, #tpu.memory_space<vmem>>
        %dma_start3A_1253 = arith.constant 0 : i32
        %dma_start3A_1254 = arith.constant 0 : i32
        %dma_start3A_1255 = tpu.memref_slice %arg2[%dma_start3A_1253, %dma_start3A_1254] : memref<20000x128xf32, #tpu.memory_space<hbm>> -> memref<20000x128xf32, #tpu.memory_space<hbm>>
        tpu.enqueue_indirect_dma source(%dma_start3A_1255 : memref<20000x128xf32, #tpu.memory_space<hbm>>) target(%dma_start3A_1251 : memref<32x128xf32, #tpu.memory_space<vmem>>) offsets(%dma_start3A_1252 : memref<32xi32, #tpu.memory_space<vmem>>) semaphore(%arg12 : memref<!tpu.dma_semaphore, #tpu.memory_space<semaphore_mem>>)
        %add3A_1256 = arith.constant 1 : i32
        %add3A_1257 = arith.addi %add3A_740, %add3A_1256 : i32
        %mul3A_1258 = arith.constant 128 : i32
        %mul3A_1259 = arith.muli %add3A_1257, %mul3A_1258 : i32
        %add3A_1260 = arith.constant 64 : i32
        %add3A_1261 = arith.addi %mul3A_1259, %add3A_1260 : i32
        %dma_start3A_1262 = arith.constant 64 : i32
        %dma_start3A_1263 = arith.constant 0 : i32
        %dma_start3A_1264 = tpu.memref_slice %arg9[%dma_start3A_1262, %dma_start3A_1263] : memref<128x128xf32, #tpu.memory_space<vmem>> -> memref<32x128xf32, #tpu.memory_space<vmem>>
        %dma_start3A_1265 = tpu.memref_slice %arg6[%add3A_1261] : memref<10240xi32, #tpu.memory_space<vmem>> -> memref<32xi32, #tpu.memory_space<vmem>>
        %dma_start3A_1266 = arith.constant 0 : i32
        %dma_start3A_1267 = arith.constant 0 : i32
        %dma_start3A_1268 = tpu.memref_slice %arg2[%dma_start3A_1266, %dma_start3A_1267] : memref<20000x128xf32, #tpu.memory_space<hbm>> -> memref<20000x128xf32, #tpu.memory_space<hbm>>
        tpu.enqueue_indirect_dma source(%dma_start3A_1268 : memref<20000x128xf32, #tpu.memory_space<hbm>>) target(%dma_start3A_1264 : memref<32x128xf32, #tpu.memory_space<vmem>>) offsets(%dma_start3A_1265 : memref<32xi32, #tpu.memory_space<vmem>>) semaphore(%arg12 : memref<!tpu.dma_semaphore, #tpu.memory_space<semaphore_mem>>)
        %add3A_1269 = arith.constant 1 : i32
        %add3A_1270 = arith.addi %add3A_740, %add3A_1269 : i32
        %mul3A_1271 = arith.constant 128 : i32
        %mul3A_1272 = arith.muli %add3A_1270, %mul3A_1271 : i32
        %add3A_1273 = arith.constant 96 : i32
        %add3A_1274 = arith.addi %mul3A_1272, %add3A_1273 : i32
        %dma_start3A_1275 = arith.constant 96 : i32
        %dma_start3A_1276 = arith.constant 0 : i32
        %dma_start3A_1277 = tpu.memref_slice %arg9[%dma_start3A_1275, %dma_start3A_1276] : memref<128x128xf32, #tpu.memory_space<vmem>> -> memref<32x128xf32, #tpu.memory_space<vmem>>
        %dma_start3A_1278 = tpu.memref_slice %arg6[%add3A_1274] : memref<10240xi32, #tpu.memory_space<vmem>> -> memref<32xi32, #tpu.memory_space<vmem>>
        %dma_start3A_1279 = arith.constant 0 : i32
        %dma_start3A_1280 = arith.constant 0 : i32
        %dma_start3A_1281 = tpu.memref_slice %arg2[%dma_start3A_1279, %dma_start3A_1280] : memref<20000x128xf32, #tpu.memory_space<hbm>> -> memref<20000x128xf32, #tpu.memory_space<hbm>>
        tpu.enqueue_indirect_dma source(%dma_start3A_1281 : memref<20000x128xf32, #tpu.memory_space<hbm>>) target(%dma_start3A_1277 : memref<32x128xf32, #tpu.memory_space<vmem>>) offsets(%dma_start3A_1278 : memref<32xi32, #tpu.memory_space<vmem>>) semaphore(%arg12 : memref<!tpu.dma_semaphore, #tpu.memory_space<semaphore_mem>>)
      } else {
      }
      %mul3A_753 = arith.constant 128 : i32
      %mul3A_754 = arith.muli %add3A_740, %mul3A_753 : i32
      %add3A_755 = arith.constant 0 : i32
      %add3A_756 = arith.addi %mul3A_754, %add3A_755 : i32
      %dma_wait3A_757 = arith.constant 0 : i32
      %dma_wait3A_758 = arith.constant 0 : i32
      %dma_wait3A_759 = tpu.memref_slice %arg10[%dma_wait3A_757, %dma_wait3A_758] : memref<128x128xf32, #tpu.memory_space<vmem>> -> memref<32x128xf32, #tpu.memory_space<vmem>>
      %dma_wait3A_760 = tpu.memref_slice %arg6[%add3A_756] : memref<10240xi32, #tpu.memory_space<vmem>> -> memref<32xi32, #tpu.memory_space<vmem>>
      %dma_wait3A_761 = arith.constant 0 : i32
      %dma_wait3A_762 = arith.constant 0 : i32
      %dma_wait3A_763 = tpu.memref_slice %arg2[%dma_wait3A_761, %dma_wait3A_762] : memref<20000x128xf32, #tpu.memory_space<hbm>> -> memref<20000x128xf32, #tpu.memory_space<hbm>>
      tpu.wait_indirect_dma semaphore(%arg13 : memref<!tpu.dma_semaphore, #tpu.memory_space<semaphore_mem>>) src(%dma_wait3A_763 : memref<20000x128xf32, #tpu.memory_space<hbm>>) dst(%dma_wait3A_759 : memref<32x128xf32, #tpu.memory_space<vmem>>)
      %mul3A_764 = arith.constant 128 : i32
      %mul3A_765 = arith.muli %add3A_740, %mul3A_764 : i32
      %add3A_766 = arith.constant 32 : i32
      %add3A_767 = arith.addi %mul3A_765, %add3A_766 : i32
      %dma_wait3A_768 = arith.constant 32 : i32
      %dma_wait3A_769 = arith.constant 0 : i32
      %dma_wait3A_770 = tpu.memref_slice %arg10[%dma_wait3A_768, %dma_wait3A_769] : memref<128x128xf32, #tpu.memory_space<vmem>> -> memref<32x128xf32, #tpu.memory_space<vmem>>
      %dma_wait3A_771 = tpu.memref_slice %arg6[%add3A_767] : memref<10240xi32, #tpu.memory_space<vmem>> -> memref<32xi32, #tpu.memory_space<vmem>>
      %dma_wait3A_772 = arith.constant 0 : i32
      %dma_wait3A_773 = arith.constant 0 : i32
      %dma_wait3A_774 = tpu.memref_slice %arg2[%dma_wait3A_772, %dma_wait3A_773] : memref<20000x128xf32, #tpu.memory_space<hbm>> -> memref<20000x128xf32, #tpu.memory_space<hbm>>
      tpu.wait_indirect_dma semaphore(%arg13 : memref<!tpu.dma_semaphore, #tpu.memory_space<semaphore_mem>>) src(%dma_wait3A_774 : memref<20000x128xf32, #tpu.memory_space<hbm>>) dst(%dma_wait3A_770 : memref<32x128xf32, #tpu.memory_space<vmem>>)
      %mul3A_775 = arith.constant 128 : i32
      %mul3A_776 = arith.muli %add3A_740, %mul3A_775 : i32
      %add3A_777 = arith.constant 64 : i32
      %add3A_778 = arith.addi %mul3A_776, %add3A_777 : i32
      %dma_wait3A_779 = arith.constant 64 : i32
      %dma_wait3A_780 = arith.constant 0 : i32
      %dma_wait3A_781 = tpu.memref_slice %arg10[%dma_wait3A_779, %dma_wait3A_780] : memref<128x128xf32, #tpu.memory_space<vmem>> -> memref<32x128xf32, #tpu.memory_space<vmem>>
      %dma_wait3A_782 = tpu.memref_slice %arg6[%add3A_778] : memref<10240xi32, #tpu.memory_space<vmem>> -> memref<32xi32, #tpu.memory_space<vmem>>
      %dma_wait3A_783 = arith.constant 0 : i32
      %dma_wait3A_784 = arith.constant 0 : i32
      %dma_wait3A_785 = tpu.memref_slice %arg2[%dma_wait3A_783, %dma_wait3A_784] : memref<20000x128xf32, #tpu.memory_space<hbm>> -> memref<20000x128xf32, #tpu.memory_space<hbm>>
      tpu.wait_indirect_dma semaphore(%arg13 : memref<!tpu.dma_semaphore, #tpu.memory_space<semaphore_mem>>) src(%dma_wait3A_785 : memref<20000x128xf32, #tpu.memory_space<hbm>>) dst(%dma_wait3A_781 : memref<32x128xf32, #tpu.memory_space<vmem>>)
      %mul3A_786 = arith.constant 128 : i32
      %mul3A_787 = arith.muli %add3A_740, %mul3A_786 : i32
      %add3A_788 = arith.constant 96 : i32
      %add3A_789 = arith.addi %mul3A_787, %add3A_788 : i32
      %dma_wait3A_790 = arith.constant 96 : i32
      %dma_wait3A_791 = arith.constant 0 : i32
      %dma_wait3A_792 = tpu.memref_slice %arg10[%dma_wait3A_790, %dma_wait3A_791] : memref<128x128xf32, #tpu.memory_space<vmem>> -> memref<32x128xf32, #tpu.memory_space<vmem>>
      %dma_wait3A_793 = tpu.memref_slice %arg6[%add3A_789] : memref<10240xi32, #tpu.memory_space<vmem>> -> memref<32xi32, #tpu.memory_space<vmem>>
      %dma_wait3A_794 = arith.constant 0 : i32
      %dma_wait3A_795 = arith.constant 0 : i32
      %dma_wait3A_796 = tpu.memref_slice %arg2[%dma_wait3A_794, %dma_wait3A_795] : memref<20000x128xf32, #tpu.memory_space<hbm>> -> memref<20000x128xf32, #tpu.memory_space<hbm>>
      tpu.wait_indirect_dma semaphore(%arg13 : memref<!tpu.dma_semaphore, #tpu.memory_space<semaphore_mem>>) src(%dma_wait3A_796 : memref<20000x128xf32, #tpu.memory_space<hbm>>) dst(%dma_wait3A_792 : memref<32x128xf32, #tpu.memory_space<vmem>>)
      %dma_start3A_797 = arith.constant 1 : i32
      %dma_start3A_798 = arith.constant 0 : i32
      %dma_start3A_799 = tpu.memref_slice %arg8[%dma_start3A_797, %dma_start3A_798] : memref<8x128xi32, #tpu.memory_space<vmem>> -> memref<1x128xi32, #tpu.memory_space<vmem>>
      %dma_start3A_800 = tpu.memref_squeeze %dma_start3A_799 : memref<1x128xi32, #tpu.memory_space<vmem>> -> memref<128xi32, #tpu.memory_space<vmem>>
      %dma_start3A_801 = arith.constant 0 : i32
      %dma_start3A_802 = arith.constant 0 : i32
      %dma_start3A_803 = tpu.memref_slice %arg11[%dma_start3A_801, %dma_start3A_802] : memref<10112x128xf32, #tpu.memory_space<vmem_shared>> -> memref<10112x128xf32, #tpu.memory_space<vmem_shared>>
      tpu.enqueue_indirect_dma source(%arg10 : memref<128x128xf32, #tpu.memory_space<vmem>>) target(%dma_start3A_803 : memref<10112x128xf32, #tpu.memory_space<vmem_shared>>) offsets(%dma_start3A_800 : memref<128xi32, #tpu.memory_space<vmem>>) semaphore(%arg15 : memref<!tpu.dma_semaphore, #tpu.memory_space<semaphore_mem>>) {add = true}
      %mul3A_804 = arith.constant 2 : i32
      %mul3A_805 = arith.muli %add3A_63, %mul3A_804 : i32
      %add3A_806 = arith.constant 1 : i32
      %add3A_807 = arith.addi %mul3A_805, %add3A_806 : i32
      %mul3A_808 = arith.constant 8 : i32
      %mul3A_809 = arith.muli %add3A_807, %mul3A_808 : i32
      %add3A_810 = arith.constant 2 : i32
      %add3A_811 = arith.addi %mul3A_809, %add3A_810 : i32
      %ge3A_812 = arith.constant 1 : i32
      %ge3A_813 = arith.cmpi sge, %add3A_811, %ge3A_812 : i32
      %convert_element_type3A_814 = arith.extui %ge3A_813 : i1 to i32
      %cond3A_815 = arith.constant 0 : i32
      %cond3A_816 = arith.cmpi ne, %convert_element_type3A_814, %cond3A_815 : i32
      scf.if %cond3A_816 {
        %dma_wait3A_1230 = arith.constant 0 : i32
        %dma_wait3A_1231 = arith.constant 0 : i32
        %dma_wait3A_1232 = tpu.memref_slice %arg8[%dma_wait3A_1230, %dma_wait3A_1231] : memref<8x128xi32, #tpu.memory_space<vmem>> -> memref<1x128xi32, #tpu.memory_space<vmem>>
        %dma_wait3A_1233 = tpu.memref_squeeze %dma_wait3A_1232 : memref<1x128xi32, #tpu.memory_space<vmem>> -> memref<128xi32, #tpu.memory_space<vmem>>
        %dma_wait3A_1234 = arith.constant 0 : i32
        %dma_wait3A_1235 = arith.constant 0 : i32
        %dma_wait3A_1236 = tpu.memref_slice %arg11[%dma_wait3A_1234, %dma_wait3A_1235] : memref<10112x128xf32, #tpu.memory_space<vmem_shared>> -> memref<10112x128xf32, #tpu.memory_space<vmem_shared>>
        tpu.wait_indirect_dma semaphore(%arg15 : memref<!tpu.dma_semaphore, #tpu.memory_space<semaphore_mem>>) src(%arg10 : memref<128x128xf32, #tpu.memory_space<vmem>>) dst(%dma_wait3A_1236 : memref<10112x128xf32, #tpu.memory_space<vmem_shared>>)
      } else {
      }
      %add3A_817 = arith.constant 1 : i32
      %add3A_818 = arith.addi %add3A_811, %add3A_817 : i32
      %lt3A_819 = arith.constant 80 : i32
      %lt3A_820 = arith.cmpi slt, %add3A_818, %lt3A_819 : i32
      %convert_element_type3A_821 = arith.extui %lt3A_820 : i1 to i32
      %cond3A_822 = arith.constant 0 : i32
      %cond3A_823 = arith.cmpi ne, %convert_element_type3A_821, %cond3A_822 : i32
      scf.if %cond3A_823 {
        %add3A_1230 = arith.constant 1 : i32
        %add3A_1231 = arith.addi %add3A_811, %add3A_1230 : i32
        %mul3A_1232 = arith.constant 128 : i32
        %mul3A_1233 = arith.muli %add3A_1231, %mul3A_1232 : i32
        %add3A_1234 = arith.constant 0 : i32
        %add3A_1235 = arith.addi %mul3A_1233, %add3A_1234 : i32
        %dma_start3A_1236 = arith.constant 0 : i32
        %dma_start3A_1237 = arith.constant 0 : i32
        %dma_start3A_1238 = tpu.memref_slice %arg10[%dma_start3A_1236, %dma_start3A_1237] : memref<128x128xf32, #tpu.memory_space<vmem>> -> memref<32x128xf32, #tpu.memory_space<vmem>>
        %dma_start3A_1239 = tpu.memref_slice %arg6[%add3A_1235] : memref<10240xi32, #tpu.memory_space<vmem>> -> memref<32xi32, #tpu.memory_space<vmem>>
        %dma_start3A_1240 = arith.constant 0 : i32
        %dma_start3A_1241 = arith.constant 0 : i32
        %dma_start3A_1242 = tpu.memref_slice %arg2[%dma_start3A_1240, %dma_start3A_1241] : memref<20000x128xf32, #tpu.memory_space<hbm>> -> memref<20000x128xf32, #tpu.memory_space<hbm>>
        tpu.enqueue_indirect_dma source(%dma_start3A_1242 : memref<20000x128xf32, #tpu.memory_space<hbm>>) target(%dma_start3A_1238 : memref<32x128xf32, #tpu.memory_space<vmem>>) offsets(%dma_start3A_1239 : memref<32xi32, #tpu.memory_space<vmem>>) semaphore(%arg13 : memref<!tpu.dma_semaphore, #tpu.memory_space<semaphore_mem>>)
        %add3A_1243 = arith.constant 1 : i32
        %add3A_1244 = arith.addi %add3A_811, %add3A_1243 : i32
        %mul3A_1245 = arith.constant 128 : i32
        %mul3A_1246 = arith.muli %add3A_1244, %mul3A_1245 : i32
        %add3A_1247 = arith.constant 32 : i32
        %add3A_1248 = arith.addi %mul3A_1246, %add3A_1247 : i32
        %dma_start3A_1249 = arith.constant 32 : i32
        %dma_start3A_1250 = arith.constant 0 : i32
        %dma_start3A_1251 = tpu.memref_slice %arg10[%dma_start3A_1249, %dma_start3A_1250] : memref<128x128xf32, #tpu.memory_space<vmem>> -> memref<32x128xf32, #tpu.memory_space<vmem>>
        %dma_start3A_1252 = tpu.memref_slice %arg6[%add3A_1248] : memref<10240xi32, #tpu.memory_space<vmem>> -> memref<32xi32, #tpu.memory_space<vmem>>
        %dma_start3A_1253 = arith.constant 0 : i32
        %dma_start3A_1254 = arith.constant 0 : i32
        %dma_start3A_1255 = tpu.memref_slice %arg2[%dma_start3A_1253, %dma_start3A_1254] : memref<20000x128xf32, #tpu.memory_space<hbm>> -> memref<20000x128xf32, #tpu.memory_space<hbm>>
        tpu.enqueue_indirect_dma source(%dma_start3A_1255 : memref<20000x128xf32, #tpu.memory_space<hbm>>) target(%dma_start3A_1251 : memref<32x128xf32, #tpu.memory_space<vmem>>) offsets(%dma_start3A_1252 : memref<32xi32, #tpu.memory_space<vmem>>) semaphore(%arg13 : memref<!tpu.dma_semaphore, #tpu.memory_space<semaphore_mem>>)
        %add3A_1256 = arith.constant 1 : i32
        %add3A_1257 = arith.addi %add3A_811, %add3A_1256 : i32
        %mul3A_1258 = arith.constant 128 : i32
        %mul3A_1259 = arith.muli %add3A_1257, %mul3A_1258 : i32
        %add3A_1260 = arith.constant 64 : i32
        %add3A_1261 = arith.addi %mul3A_1259, %add3A_1260 : i32
        %dma_start3A_1262 = arith.constant 64 : i32
        %dma_start3A_1263 = arith.constant 0 : i32
        %dma_start3A_1264 = tpu.memref_slice %arg10[%dma_start3A_1262, %dma_start3A_1263] : memref<128x128xf32, #tpu.memory_space<vmem>> -> memref<32x128xf32, #tpu.memory_space<vmem>>
        %dma_start3A_1265 = tpu.memref_slice %arg6[%add3A_1261] : memref<10240xi32, #tpu.memory_space<vmem>> -> memref<32xi32, #tpu.memory_space<vmem>>
        %dma_start3A_1266 = arith.constant 0 : i32
        %dma_start3A_1267 = arith.constant 0 : i32
        %dma_start3A_1268 = tpu.memref_slice %arg2[%dma_start3A_1266, %dma_start3A_1267] : memref<20000x128xf32, #tpu.memory_space<hbm>> -> memref<20000x128xf32, #tpu.memory_space<hbm>>
        tpu.enqueue_indirect_dma source(%dma_start3A_1268 : memref<20000x128xf32, #tpu.memory_space<hbm>>) target(%dma_start3A_1264 : memref<32x128xf32, #tpu.memory_space<vmem>>) offsets(%dma_start3A_1265 : memref<32xi32, #tpu.memory_space<vmem>>) semaphore(%arg13 : memref<!tpu.dma_semaphore, #tpu.memory_space<semaphore_mem>>)
        %add3A_1269 = arith.constant 1 : i32
        %add3A_1270 = arith.addi %add3A_811, %add3A_1269 : i32
        %mul3A_1271 = arith.constant 128 : i32
        %mul3A_1272 = arith.muli %add3A_1270, %mul3A_1271 : i32
        %add3A_1273 = arith.constant 96 : i32
        %add3A_1274 = arith.addi %mul3A_1272, %add3A_1273 : i32
        %dma_start3A_1275 = arith.constant 96 : i32
        %dma_start3A_1276 = arith.constant 0 : i32
        %dma_start3A_1277 = tpu.memref_slice %arg10[%dma_start3A_1275, %dma_start3A_1276] : memref<128x128xf32, #tpu.memory_space<vmem>> -> memref<32x128xf32, #tpu.memory_space<vmem>>
        %dma_start3A_1278 = tpu.memref_slice %arg6[%add3A_1274] : memref<10240xi32, #tpu.memory_space<vmem>> -> memref<32xi32, #tpu.memory_space<vmem>>
        %dma_start3A_1279 = arith.constant 0 : i32
        %dma_start3A_1280 = arith.constant 0 : i32
        %dma_start3A_1281 = tpu.memref_slice %arg2[%dma_start3A_1279, %dma_start3A_1280] : memref<20000x128xf32, #tpu.memory_space<hbm>> -> memref<20000x128xf32, #tpu.memory_space<hbm>>
        tpu.enqueue_indirect_dma source(%dma_start3A_1281 : memref<20000x128xf32, #tpu.memory_space<hbm>>) target(%dma_start3A_1277 : memref<32x128xf32, #tpu.memory_space<vmem>>) offsets(%dma_start3A_1278 : memref<32xi32, #tpu.memory_space<vmem>>) semaphore(%arg13 : memref<!tpu.dma_semaphore, #tpu.memory_space<semaphore_mem>>)
      } else {
      }
      %mul3A_824 = arith.constant 128 : i32
      %mul3A_825 = arith.muli %add3A_811, %mul3A_824 : i32
      %add3A_826 = arith.constant 0 : i32
      %add3A_827 = arith.addi %mul3A_825, %add3A_826 : i32
      %dma_wait3A_828 = arith.constant 0 : i32
      %dma_wait3A_829 = arith.constant 0 : i32
      %dma_wait3A_830 = tpu.memref_slice %arg9[%dma_wait3A_828, %dma_wait3A_829] : memref<128x128xf32, #tpu.memory_space<vmem>> -> memref<32x128xf32, #tpu.memory_space<vmem>>
      %dma_wait3A_831 = tpu.memref_slice %arg6[%add3A_827] : memref<10240xi32, #tpu.memory_space<vmem>> -> memref<32xi32, #tpu.memory_space<vmem>>
      %dma_wait3A_832 = arith.constant 0 : i32
      %dma_wait3A_833 = arith.constant 0 : i32
      %dma_wait3A_834 = tpu.memref_slice %arg2[%dma_wait3A_832, %dma_wait3A_833] : memref<20000x128xf32, #tpu.memory_space<hbm>> -> memref<20000x128xf32, #tpu.memory_space<hbm>>
      tpu.wait_indirect_dma semaphore(%arg12 : memref<!tpu.dma_semaphore, #tpu.memory_space<semaphore_mem>>) src(%dma_wait3A_834 : memref<20000x128xf32, #tpu.memory_space<hbm>>) dst(%dma_wait3A_830 : memref<32x128xf32, #tpu.memory_space<vmem>>)
      %mul3A_835 = arith.constant 128 : i32
      %mul3A_836 = arith.muli %add3A_811, %mul3A_835 : i32
      %add3A_837 = arith.constant 32 : i32
      %add3A_838 = arith.addi %mul3A_836, %add3A_837 : i32
      %dma_wait3A_839 = arith.constant 32 : i32
      %dma_wait3A_840 = arith.constant 0 : i32
      %dma_wait3A_841 = tpu.memref_slice %arg9[%dma_wait3A_839, %dma_wait3A_840] : memref<128x128xf32, #tpu.memory_space<vmem>> -> memref<32x128xf32, #tpu.memory_space<vmem>>
      %dma_wait3A_842 = tpu.memref_slice %arg6[%add3A_838] : memref<10240xi32, #tpu.memory_space<vmem>> -> memref<32xi32, #tpu.memory_space<vmem>>
      %dma_wait3A_843 = arith.constant 0 : i32
      %dma_wait3A_844 = arith.constant 0 : i32
      %dma_wait3A_845 = tpu.memref_slice %arg2[%dma_wait3A_843, %dma_wait3A_844] : memref<20000x128xf32, #tpu.memory_space<hbm>> -> memref<20000x128xf32, #tpu.memory_space<hbm>>
      tpu.wait_indirect_dma semaphore(%arg12 : memref<!tpu.dma_semaphore, #tpu.memory_space<semaphore_mem>>) src(%dma_wait3A_845 : memref<20000x128xf32, #tpu.memory_space<hbm>>) dst(%dma_wait3A_841 : memref<32x128xf32, #tpu.memory_space<vmem>>)
      %mul3A_846 = arith.constant 128 : i32
      %mul3A_847 = arith.muli %add3A_811, %mul3A_846 : i32
      %add3A_848 = arith.constant 64 : i32
      %add3A_849 = arith.addi %mul3A_847, %add3A_848 : i32
      %dma_wait3A_850 = arith.constant 64 : i32
      %dma_wait3A_851 = arith.constant 0 : i32
      %dma_wait3A_852 = tpu.memref_slice %arg9[%dma_wait3A_850, %dma_wait3A_851] : memref<128x128xf32, #tpu.memory_space<vmem>> -> memref<32x128xf32, #tpu.memory_space<vmem>>
      %dma_wait3A_853 = tpu.memref_slice %arg6[%add3A_849] : memref<10240xi32, #tpu.memory_space<vmem>> -> memref<32xi32, #tpu.memory_space<vmem>>
      %dma_wait3A_854 = arith.constant 0 : i32
      %dma_wait3A_855 = arith.constant 0 : i32
      %dma_wait3A_856 = tpu.memref_slice %arg2[%dma_wait3A_854, %dma_wait3A_855] : memref<20000x128xf32, #tpu.memory_space<hbm>> -> memref<20000x128xf32, #tpu.memory_space<hbm>>
      tpu.wait_indirect_dma semaphore(%arg12 : memref<!tpu.dma_semaphore, #tpu.memory_space<semaphore_mem>>) src(%dma_wait3A_856 : memref<20000x128xf32, #tpu.memory_space<hbm>>) dst(%dma_wait3A_852 : memref<32x128xf32, #tpu.memory_space<vmem>>)
      %mul3A_857 = arith.constant 128 : i32
      %mul3A_858 = arith.muli %add3A_811, %mul3A_857 : i32
      %add3A_859 = arith.constant 96 : i32
      %add3A_860 = arith.addi %mul3A_858, %add3A_859 : i32
      %dma_wait3A_861 = arith.constant 96 : i32
      %dma_wait3A_862 = arith.constant 0 : i32
      %dma_wait3A_863 = tpu.memref_slice %arg9[%dma_wait3A_861, %dma_wait3A_862] : memref<128x128xf32, #tpu.memory_space<vmem>> -> memref<32x128xf32, #tpu.memory_space<vmem>>
      %dma_wait3A_864 = tpu.memref_slice %arg6[%add3A_860] : memref<10240xi32, #tpu.memory_space<vmem>> -> memref<32xi32, #tpu.memory_space<vmem>>
      %dma_wait3A_865 = arith.constant 0 : i32
      %dma_wait3A_866 = arith.constant 0 : i32
      %dma_wait3A_867 = tpu.memref_slice %arg2[%dma_wait3A_865, %dma_wait3A_866] : memref<20000x128xf32, #tpu.memory_space<hbm>> -> memref<20000x128xf32, #tpu.memory_space<hbm>>
      tpu.wait_indirect_dma semaphore(%arg12 : memref<!tpu.dma_semaphore, #tpu.memory_space<semaphore_mem>>) src(%dma_wait3A_867 : memref<20000x128xf32, #tpu.memory_space<hbm>>) dst(%dma_wait3A_863 : memref<32x128xf32, #tpu.memory_space<vmem>>)
      %dma_start3A_868 = arith.constant 2 : i32
      %dma_start3A_869 = arith.constant 0 : i32
      %dma_start3A_870 = tpu.memref_slice %arg8[%dma_start3A_868, %dma_start3A_869] : memref<8x128xi32, #tpu.memory_space<vmem>> -> memref<1x128xi32, #tpu.memory_space<vmem>>
      %dma_start3A_871 = tpu.memref_squeeze %dma_start3A_870 : memref<1x128xi32, #tpu.memory_space<vmem>> -> memref<128xi32, #tpu.memory_space<vmem>>
      %dma_start3A_872 = arith.constant 0 : i32
      %dma_start3A_873 = arith.constant 0 : i32
      %dma_start3A_874 = tpu.memref_slice %arg11[%dma_start3A_872, %dma_start3A_873] : memref<10112x128xf32, #tpu.memory_space<vmem_shared>> -> memref<10112x128xf32, #tpu.memory_space<vmem_shared>>
      tpu.enqueue_indirect_dma source(%arg9 : memref<128x128xf32, #tpu.memory_space<vmem>>) target(%dma_start3A_874 : memref<10112x128xf32, #tpu.memory_space<vmem_shared>>) offsets(%dma_start3A_871 : memref<128xi32, #tpu.memory_space<vmem>>) semaphore(%arg14 : memref<!tpu.dma_semaphore, #tpu.memory_space<semaphore_mem>>) {add = true}
      %mul3A_875 = arith.constant 2 : i32
      %mul3A_876 = arith.muli %add3A_63, %mul3A_875 : i32
      %add3A_877 = arith.constant 1 : i32
      %add3A_878 = arith.addi %mul3A_876, %add3A_877 : i32
      %mul3A_879 = arith.constant 8 : i32
      %mul3A_880 = arith.muli %add3A_878, %mul3A_879 : i32
      %add3A_881 = arith.constant 3 : i32
      %add3A_882 = arith.addi %mul3A_880, %add3A_881 : i32
      %ge3A_883 = arith.constant 1 : i32
      %ge3A_884 = arith.cmpi sge, %add3A_882, %ge3A_883 : i32
      %convert_element_type3A_885 = arith.extui %ge3A_884 : i1 to i32
      %cond3A_886 = arith.constant 0 : i32
      %cond3A_887 = arith.cmpi ne, %convert_element_type3A_885, %cond3A_886 : i32
      scf.if %cond3A_887 {
        %dma_wait3A_1230 = arith.constant 0 : i32
        %dma_wait3A_1231 = arith.constant 0 : i32
        %dma_wait3A_1232 = tpu.memref_slice %arg8[%dma_wait3A_1230, %dma_wait3A_1231] : memref<8x128xi32, #tpu.memory_space<vmem>> -> memref<1x128xi32, #tpu.memory_space<vmem>>
        %dma_wait3A_1233 = tpu.memref_squeeze %dma_wait3A_1232 : memref<1x128xi32, #tpu.memory_space<vmem>> -> memref<128xi32, #tpu.memory_space<vmem>>
        %dma_wait3A_1234 = arith.constant 0 : i32
        %dma_wait3A_1235 = arith.constant 0 : i32
        %dma_wait3A_1236 = tpu.memref_slice %arg11[%dma_wait3A_1234, %dma_wait3A_1235] : memref<10112x128xf32, #tpu.memory_space<vmem_shared>> -> memref<10112x128xf32, #tpu.memory_space<vmem_shared>>
        tpu.wait_indirect_dma semaphore(%arg14 : memref<!tpu.dma_semaphore, #tpu.memory_space<semaphore_mem>>) src(%arg9 : memref<128x128xf32, #tpu.memory_space<vmem>>) dst(%dma_wait3A_1236 : memref<10112x128xf32, #tpu.memory_space<vmem_shared>>)
      } else {
      }
      %add3A_888 = arith.constant 1 : i32
      %add3A_889 = arith.addi %add3A_882, %add3A_888 : i32
      %lt3A_890 = arith.constant 80 : i32
      %lt3A_891 = arith.cmpi slt, %add3A_889, %lt3A_890 : i32
      %convert_element_type3A_892 = arith.extui %lt3A_891 : i1 to i32
      %cond3A_893 = arith.constant 0 : i32
      %cond3A_894 = arith.cmpi ne, %convert_element_type3A_892, %cond3A_893 : i32
      scf.if %cond3A_894 {
        %add3A_1230 = arith.constant 1 : i32
        %add3A_1231 = arith.addi %add3A_882, %add3A_1230 : i32
        %mul3A_1232 = arith.constant 128 : i32
        %mul3A_1233 = arith.muli %add3A_1231, %mul3A_1232 : i32
        %add3A_1234 = arith.constant 0 : i32
        %add3A_1235 = arith.addi %mul3A_1233, %add3A_1234 : i32
        %dma_start3A_1236 = arith.constant 0 : i32
        %dma_start3A_1237 = arith.constant 0 : i32
        %dma_start3A_1238 = tpu.memref_slice %arg9[%dma_start3A_1236, %dma_start3A_1237] : memref<128x128xf32, #tpu.memory_space<vmem>> -> memref<32x128xf32, #tpu.memory_space<vmem>>
        %dma_start3A_1239 = tpu.memref_slice %arg6[%add3A_1235] : memref<10240xi32, #tpu.memory_space<vmem>> -> memref<32xi32, #tpu.memory_space<vmem>>
        %dma_start3A_1240 = arith.constant 0 : i32
        %dma_start3A_1241 = arith.constant 0 : i32
        %dma_start3A_1242 = tpu.memref_slice %arg2[%dma_start3A_1240, %dma_start3A_1241] : memref<20000x128xf32, #tpu.memory_space<hbm>> -> memref<20000x128xf32, #tpu.memory_space<hbm>>
        tpu.enqueue_indirect_dma source(%dma_start3A_1242 : memref<20000x128xf32, #tpu.memory_space<hbm>>) target(%dma_start3A_1238 : memref<32x128xf32, #tpu.memory_space<vmem>>) offsets(%dma_start3A_1239 : memref<32xi32, #tpu.memory_space<vmem>>) semaphore(%arg12 : memref<!tpu.dma_semaphore, #tpu.memory_space<semaphore_mem>>)
        %add3A_1243 = arith.constant 1 : i32
        %add3A_1244 = arith.addi %add3A_882, %add3A_1243 : i32
        %mul3A_1245 = arith.constant 128 : i32
        %mul3A_1246 = arith.muli %add3A_1244, %mul3A_1245 : i32
        %add3A_1247 = arith.constant 32 : i32
        %add3A_1248 = arith.addi %mul3A_1246, %add3A_1247 : i32
        %dma_start3A_1249 = arith.constant 32 : i32
        %dma_start3A_1250 = arith.constant 0 : i32
        %dma_start3A_1251 = tpu.memref_slice %arg9[%dma_start3A_1249, %dma_start3A_1250] : memref<128x128xf32, #tpu.memory_space<vmem>> -> memref<32x128xf32, #tpu.memory_space<vmem>>
        %dma_start3A_1252 = tpu.memref_slice %arg6[%add3A_1248] : memref<10240xi32, #tpu.memory_space<vmem>> -> memref<32xi32, #tpu.memory_space<vmem>>
        %dma_start3A_1253 = arith.constant 0 : i32
        %dma_start3A_1254 = arith.constant 0 : i32
        %dma_start3A_1255 = tpu.memref_slice %arg2[%dma_start3A_1253, %dma_start3A_1254] : memref<20000x128xf32, #tpu.memory_space<hbm>> -> memref<20000x128xf32, #tpu.memory_space<hbm>>
        tpu.enqueue_indirect_dma source(%dma_start3A_1255 : memref<20000x128xf32, #tpu.memory_space<hbm>>) target(%dma_start3A_1251 : memref<32x128xf32, #tpu.memory_space<vmem>>) offsets(%dma_start3A_1252 : memref<32xi32, #tpu.memory_space<vmem>>) semaphore(%arg12 : memref<!tpu.dma_semaphore, #tpu.memory_space<semaphore_mem>>)
        %add3A_1256 = arith.constant 1 : i32
        %add3A_1257 = arith.addi %add3A_882, %add3A_1256 : i32
        %mul3A_1258 = arith.constant 128 : i32
        %mul3A_1259 = arith.muli %add3A_1257, %mul3A_1258 : i32
        %add3A_1260 = arith.constant 64 : i32
        %add3A_1261 = arith.addi %mul3A_1259, %add3A_1260 : i32
        %dma_start3A_1262 = arith.constant 64 : i32
        %dma_start3A_1263 = arith.constant 0 : i32
        %dma_start3A_1264 = tpu.memref_slice %arg9[%dma_start3A_1262, %dma_start3A_1263] : memref<128x128xf32, #tpu.memory_space<vmem>> -> memref<32x128xf32, #tpu.memory_space<vmem>>
        %dma_start3A_1265 = tpu.memref_slice %arg6[%add3A_1261] : memref<10240xi32, #tpu.memory_space<vmem>> -> memref<32xi32, #tpu.memory_space<vmem>>
        %dma_start3A_1266 = arith.constant 0 : i32
        %dma_start3A_1267 = arith.constant 0 : i32
        %dma_start3A_1268 = tpu.memref_slice %arg2[%dma_start3A_1266, %dma_start3A_1267] : memref<20000x128xf32, #tpu.memory_space<hbm>> -> memref<20000x128xf32, #tpu.memory_space<hbm>>
        tpu.enqueue_indirect_dma source(%dma_start3A_1268 : memref<20000x128xf32, #tpu.memory_space<hbm>>) target(%dma_start3A_1264 : memref<32x128xf32, #tpu.memory_space<vmem>>) offsets(%dma_start3A_1265 : memref<32xi32, #tpu.memory_space<vmem>>) semaphore(%arg12 : memref<!tpu.dma_semaphore, #tpu.memory_space<semaphore_mem>>)
        %add3A_1269 = arith.constant 1 : i32
        %add3A_1270 = arith.addi %add3A_882, %add3A_1269 : i32
        %mul3A_1271 = arith.constant 128 : i32
        %mul3A_1272 = arith.muli %add3A_1270, %mul3A_1271 : i32
        %add3A_1273 = arith.constant 96 : i32
        %add3A_1274 = arith.addi %mul3A_1272, %add3A_1273 : i32
        %dma_start3A_1275 = arith.constant 96 : i32
        %dma_start3A_1276 = arith.constant 0 : i32
        %dma_start3A_1277 = tpu.memref_slice %arg9[%dma_start3A_1275, %dma_start3A_1276] : memref<128x128xf32, #tpu.memory_space<vmem>> -> memref<32x128xf32, #tpu.memory_space<vmem>>
        %dma_start3A_1278 = tpu.memref_slice %arg6[%add3A_1274] : memref<10240xi32, #tpu.memory_space<vmem>> -> memref<32xi32, #tpu.memory_space<vmem>>
        %dma_start3A_1279 = arith.constant 0 : i32
        %dma_start3A_1280 = arith.constant 0 : i32
        %dma_start3A_1281 = tpu.memref_slice %arg2[%dma_start3A_1279, %dma_start3A_1280] : memref<20000x128xf32, #tpu.memory_space<hbm>> -> memref<20000x128xf32, #tpu.memory_space<hbm>>
        tpu.enqueue_indirect_dma source(%dma_start3A_1281 : memref<20000x128xf32, #tpu.memory_space<hbm>>) target(%dma_start3A_1277 : memref<32x128xf32, #tpu.memory_space<vmem>>) offsets(%dma_start3A_1278 : memref<32xi32, #tpu.memory_space<vmem>>) semaphore(%arg12 : memref<!tpu.dma_semaphore, #tpu.memory_space<semaphore_mem>>)
      } else {
      }
      %mul3A_895 = arith.constant 128 : i32
      %mul3A_896 = arith.muli %add3A_882, %mul3A_895 : i32
      %add3A_897 = arith.constant 0 : i32
      %add3A_898 = arith.addi %mul3A_896, %add3A_897 : i32
      %dma_wait3A_899 = arith.constant 0 : i32
      %dma_wait3A_900 = arith.constant 0 : i32
      %dma_wait3A_901 = tpu.memref_slice %arg10[%dma_wait3A_899, %dma_wait3A_900] : memref<128x128xf32, #tpu.memory_space<vmem>> -> memref<32x128xf32, #tpu.memory_space<vmem>>
      %dma_wait3A_902 = tpu.memref_slice %arg6[%add3A_898] : memref<10240xi32, #tpu.memory_space<vmem>> -> memref<32xi32, #tpu.memory_space<vmem>>
      %dma_wait3A_903 = arith.constant 0 : i32
      %dma_wait3A_904 = arith.constant 0 : i32
      %dma_wait3A_905 = tpu.memref_slice %arg2[%dma_wait3A_903, %dma_wait3A_904] : memref<20000x128xf32, #tpu.memory_space<hbm>> -> memref<20000x128xf32, #tpu.memory_space<hbm>>
      tpu.wait_indirect_dma semaphore(%arg13 : memref<!tpu.dma_semaphore, #tpu.memory_space<semaphore_mem>>) src(%dma_wait3A_905 : memref<20000x128xf32, #tpu.memory_space<hbm>>) dst(%dma_wait3A_901 : memref<32x128xf32, #tpu.memory_space<vmem>>)
      %mul3A_906 = arith.constant 128 : i32
      %mul3A_907 = arith.muli %add3A_882, %mul3A_906 : i32
      %add3A_908 = arith.constant 32 : i32
      %add3A_909 = arith.addi %mul3A_907, %add3A_908 : i32
      %dma_wait3A_910 = arith.constant 32 : i32
      %dma_wait3A_911 = arith.constant 0 : i32
      %dma_wait3A_912 = tpu.memref_slice %arg10[%dma_wait3A_910, %dma_wait3A_911] : memref<128x128xf32, #tpu.memory_space<vmem>> -> memref<32x128xf32, #tpu.memory_space<vmem>>
      %dma_wait3A_913 = tpu.memref_slice %arg6[%add3A_909] : memref<10240xi32, #tpu.memory_space<vmem>> -> memref<32xi32, #tpu.memory_space<vmem>>
      %dma_wait3A_914 = arith.constant 0 : i32
      %dma_wait3A_915 = arith.constant 0 : i32
      %dma_wait3A_916 = tpu.memref_slice %arg2[%dma_wait3A_914, %dma_wait3A_915] : memref<20000x128xf32, #tpu.memory_space<hbm>> -> memref<20000x128xf32, #tpu.memory_space<hbm>>
      tpu.wait_indirect_dma semaphore(%arg13 : memref<!tpu.dma_semaphore, #tpu.memory_space<semaphore_mem>>) src(%dma_wait3A_916 : memref<20000x128xf32, #tpu.memory_space<hbm>>) dst(%dma_wait3A_912 : memref<32x128xf32, #tpu.memory_space<vmem>>)
      %mul3A_917 = arith.constant 128 : i32
      %mul3A_918 = arith.muli %add3A_882, %mul3A_917 : i32
      %add3A_919 = arith.constant 64 : i32
      %add3A_920 = arith.addi %mul3A_918, %add3A_919 : i32
      %dma_wait3A_921 = arith.constant 64 : i32
      %dma_wait3A_922 = arith.constant 0 : i32
      %dma_wait3A_923 = tpu.memref_slice %arg10[%dma_wait3A_921, %dma_wait3A_922] : memref<128x128xf32, #tpu.memory_space<vmem>> -> memref<32x128xf32, #tpu.memory_space<vmem>>
      %dma_wait3A_924 = tpu.memref_slice %arg6[%add3A_920] : memref<10240xi32, #tpu.memory_space<vmem>> -> memref<32xi32, #tpu.memory_space<vmem>>
      %dma_wait3A_925 = arith.constant 0 : i32
      %dma_wait3A_926 = arith.constant 0 : i32
      %dma_wait3A_927 = tpu.memref_slice %arg2[%dma_wait3A_925, %dma_wait3A_926] : memref<20000x128xf32, #tpu.memory_space<hbm>> -> memref<20000x128xf32, #tpu.memory_space<hbm>>
      tpu.wait_indirect_dma semaphore(%arg13 : memref<!tpu.dma_semaphore, #tpu.memory_space<semaphore_mem>>) src(%dma_wait3A_927 : memref<20000x128xf32, #tpu.memory_space<hbm>>) dst(%dma_wait3A_923 : memref<32x128xf32, #tpu.memory_space<vmem>>)
      %mul3A_928 = arith.constant 128 : i32
      %mul3A_929 = arith.muli %add3A_882, %mul3A_928 : i32
      %add3A_930 = arith.constant 96 : i32
      %add3A_931 = arith.addi %mul3A_929, %add3A_930 : i32
      %dma_wait3A_932 = arith.constant 96 : i32
      %dma_wait3A_933 = arith.constant 0 : i32
      %dma_wait3A_934 = tpu.memref_slice %arg10[%dma_wait3A_932, %dma_wait3A_933] : memref<128x128xf32, #tpu.memory_space<vmem>> -> memref<32x128xf32, #tpu.memory_space<vmem>>
      %dma_wait3A_935 = tpu.memref_slice %arg6[%add3A_931] : memref<10240xi32, #tpu.memory_space<vmem>> -> memref<32xi32, #tpu.memory_space<vmem>>
      %dma_wait3A_936 = arith.constant 0 : i32
      %dma_wait3A_937 = arith.constant 0 : i32
      %dma_wait3A_938 = tpu.memref_slice %arg2[%dma_wait3A_936, %dma_wait3A_937] : memref<20000x128xf32, #tpu.memory_space<hbm>> -> memref<20000x128xf32, #tpu.memory_space<hbm>>
      tpu.wait_indirect_dma semaphore(%arg13 : memref<!tpu.dma_semaphore, #tpu.memory_space<semaphore_mem>>) src(%dma_wait3A_938 : memref<20000x128xf32, #tpu.memory_space<hbm>>) dst(%dma_wait3A_934 : memref<32x128xf32, #tpu.memory_space<vmem>>)
      %dma_start3A_939 = arith.constant 3 : i32
      %dma_start3A_940 = arith.constant 0 : i32
      %dma_start3A_941 = tpu.memref_slice %arg8[%dma_start3A_939, %dma_start3A_940] : memref<8x128xi32, #tpu.memory_space<vmem>> -> memref<1x128xi32, #tpu.memory_space<vmem>>
      %dma_start3A_942 = tpu.memref_squeeze %dma_start3A_941 : memref<1x128xi32, #tpu.memory_space<vmem>> -> memref<128xi32, #tpu.memory_space<vmem>>
      %dma_start3A_943 = arith.constant 0 : i32
      %dma_start3A_944 = arith.constant 0 : i32
      %dma_start3A_945 = tpu.memref_slice %arg11[%dma_start3A_943, %dma_start3A_944] : memref<10112x128xf32, #tpu.memory_space<vmem_shared>> -> memref<10112x128xf32, #tpu.memory_space<vmem_shared>>
      tpu.enqueue_indirect_dma source(%arg10 : memref<128x128xf32, #tpu.memory_space<vmem>>) target(%dma_start3A_945 : memref<10112x128xf32, #tpu.memory_space<vmem_shared>>) offsets(%dma_start3A_942 : memref<128xi32, #tpu.memory_space<vmem>>) semaphore(%arg15 : memref<!tpu.dma_semaphore, #tpu.memory_space<semaphore_mem>>) {add = true}
      %mul3A_946 = arith.constant 2 : i32
      %mul3A_947 = arith.muli %add3A_63, %mul3A_946 : i32
      %add3A_948 = arith.constant 1 : i32
      %add3A_949 = arith.addi %mul3A_947, %add3A_948 : i32
      %mul3A_950 = arith.constant 8 : i32
      %mul3A_951 = arith.muli %add3A_949, %mul3A_950 : i32
      %add3A_952 = arith.constant 4 : i32
      %add3A_953 = arith.addi %mul3A_951, %add3A_952 : i32
      %ge3A_954 = arith.constant 1 : i32
      %ge3A_955 = arith.cmpi sge, %add3A_953, %ge3A_954 : i32
      %convert_element_type3A_956 = arith.extui %ge3A_955 : i1 to i32
      %cond3A_957 = arith.constant 0 : i32
      %cond3A_958 = arith.cmpi ne, %convert_element_type3A_956, %cond3A_957 : i32
      scf.if %cond3A_958 {
        %dma_wait3A_1230 = arith.constant 0 : i32
        %dma_wait3A_1231 = arith.constant 0 : i32
        %dma_wait3A_1232 = tpu.memref_slice %arg8[%dma_wait3A_1230, %dma_wait3A_1231] : memref<8x128xi32, #tpu.memory_space<vmem>> -> memref<1x128xi32, #tpu.memory_space<vmem>>
        %dma_wait3A_1233 = tpu.memref_squeeze %dma_wait3A_1232 : memref<1x128xi32, #tpu.memory_space<vmem>> -> memref<128xi32, #tpu.memory_space<vmem>>
        %dma_wait3A_1234 = arith.constant 0 : i32
        %dma_wait3A_1235 = arith.constant 0 : i32
        %dma_wait3A_1236 = tpu.memref_slice %arg11[%dma_wait3A_1234, %dma_wait3A_1235] : memref<10112x128xf32, #tpu.memory_space<vmem_shared>> -> memref<10112x128xf32, #tpu.memory_space<vmem_shared>>
        tpu.wait_indirect_dma semaphore(%arg15 : memref<!tpu.dma_semaphore, #tpu.memory_space<semaphore_mem>>) src(%arg10 : memref<128x128xf32, #tpu.memory_space<vmem>>) dst(%dma_wait3A_1236 : memref<10112x128xf32, #tpu.memory_space<vmem_shared>>)
      } else {
      }
      %add3A_959 = arith.constant 1 : i32
      %add3A_960 = arith.addi %add3A_953, %add3A_959 : i32
      %lt3A_961 = arith.constant 80 : i32
      %lt3A_962 = arith.cmpi slt, %add3A_960, %lt3A_961 : i32
      %convert_element_type3A_963 = arith.extui %lt3A_962 : i1 to i32
      %cond3A_964 = arith.constant 0 : i32
      %cond3A_965 = arith.cmpi ne, %convert_element_type3A_963, %cond3A_964 : i32
      scf.if %cond3A_965 {
        %add3A_1230 = arith.constant 1 : i32
        %add3A_1231 = arith.addi %add3A_953, %add3A_1230 : i32
        %mul3A_1232 = arith.constant 128 : i32
        %mul3A_1233 = arith.muli %add3A_1231, %mul3A_1232 : i32
        %add3A_1234 = arith.constant 0 : i32
        %add3A_1235 = arith.addi %mul3A_1233, %add3A_1234 : i32
        %dma_start3A_1236 = arith.constant 0 : i32
        %dma_start3A_1237 = arith.constant 0 : i32
        %dma_start3A_1238 = tpu.memref_slice %arg10[%dma_start3A_1236, %dma_start3A_1237] : memref<128x128xf32, #tpu.memory_space<vmem>> -> memref<32x128xf32, #tpu.memory_space<vmem>>
        %dma_start3A_1239 = tpu.memref_slice %arg6[%add3A_1235] : memref<10240xi32, #tpu.memory_space<vmem>> -> memref<32xi32, #tpu.memory_space<vmem>>
        %dma_start3A_1240 = arith.constant 0 : i32
        %dma_start3A_1241 = arith.constant 0 : i32
        %dma_start3A_1242 = tpu.memref_slice %arg2[%dma_start3A_1240, %dma_start3A_1241] : memref<20000x128xf32, #tpu.memory_space<hbm>> -> memref<20000x128xf32, #tpu.memory_space<hbm>>
        tpu.enqueue_indirect_dma source(%dma_start3A_1242 : memref<20000x128xf32, #tpu.memory_space<hbm>>) target(%dma_start3A_1238 : memref<32x128xf32, #tpu.memory_space<vmem>>) offsets(%dma_start3A_1239 : memref<32xi32, #tpu.memory_space<vmem>>) semaphore(%arg13 : memref<!tpu.dma_semaphore, #tpu.memory_space<semaphore_mem>>)
        %add3A_1243 = arith.constant 1 : i32
        %add3A_1244 = arith.addi %add3A_953, %add3A_1243 : i32
        %mul3A_1245 = arith.constant 128 : i32
        %mul3A_1246 = arith.muli %add3A_1244, %mul3A_1245 : i32
        %add3A_1247 = arith.constant 32 : i32
        %add3A_1248 = arith.addi %mul3A_1246, %add3A_1247 : i32
        %dma_start3A_1249 = arith.constant 32 : i32
        %dma_start3A_1250 = arith.constant 0 : i32
        %dma_start3A_1251 = tpu.memref_slice %arg10[%dma_start3A_1249, %dma_start3A_1250] : memref<128x128xf32, #tpu.memory_space<vmem>> -> memref<32x128xf32, #tpu.memory_space<vmem>>
        %dma_start3A_1252 = tpu.memref_slice %arg6[%add3A_1248] : memref<10240xi32, #tpu.memory_space<vmem>> -> memref<32xi32, #tpu.memory_space<vmem>>
        %dma_start3A_1253 = arith.constant 0 : i32
        %dma_start3A_1254 = arith.constant 0 : i32
        %dma_start3A_1255 = tpu.memref_slice %arg2[%dma_start3A_1253, %dma_start3A_1254] : memref<20000x128xf32, #tpu.memory_space<hbm>> -> memref<20000x128xf32, #tpu.memory_space<hbm>>
        tpu.enqueue_indirect_dma source(%dma_start3A_1255 : memref<20000x128xf32, #tpu.memory_space<hbm>>) target(%dma_start3A_1251 : memref<32x128xf32, #tpu.memory_space<vmem>>) offsets(%dma_start3A_1252 : memref<32xi32, #tpu.memory_space<vmem>>) semaphore(%arg13 : memref<!tpu.dma_semaphore, #tpu.memory_space<semaphore_mem>>)
        %add3A_1256 = arith.constant 1 : i32
        %add3A_1257 = arith.addi %add3A_953, %add3A_1256 : i32
        %mul3A_1258 = arith.constant 128 : i32
        %mul3A_1259 = arith.muli %add3A_1257, %mul3A_1258 : i32
        %add3A_1260 = arith.constant 64 : i32
        %add3A_1261 = arith.addi %mul3A_1259, %add3A_1260 : i32
        %dma_start3A_1262 = arith.constant 64 : i32
        %dma_start3A_1263 = arith.constant 0 : i32
        %dma_start3A_1264 = tpu.memref_slice %arg10[%dma_start3A_1262, %dma_start3A_1263] : memref<128x128xf32, #tpu.memory_space<vmem>> -> memref<32x128xf32, #tpu.memory_space<vmem>>
        %dma_start3A_1265 = tpu.memref_slice %arg6[%add3A_1261] : memref<10240xi32, #tpu.memory_space<vmem>> -> memref<32xi32, #tpu.memory_space<vmem>>
        %dma_start3A_1266 = arith.constant 0 : i32
        %dma_start3A_1267 = arith.constant 0 : i32
        %dma_start3A_1268 = tpu.memref_slice %arg2[%dma_start3A_1266, %dma_start3A_1267] : memref<20000x128xf32, #tpu.memory_space<hbm>> -> memref<20000x128xf32, #tpu.memory_space<hbm>>
        tpu.enqueue_indirect_dma source(%dma_start3A_1268 : memref<20000x128xf32, #tpu.memory_space<hbm>>) target(%dma_start3A_1264 : memref<32x128xf32, #tpu.memory_space<vmem>>) offsets(%dma_start3A_1265 : memref<32xi32, #tpu.memory_space<vmem>>) semaphore(%arg13 : memref<!tpu.dma_semaphore, #tpu.memory_space<semaphore_mem>>)
        %add3A_1269 = arith.constant 1 : i32
        %add3A_1270 = arith.addi %add3A_953, %add3A_1269 : i32
        %mul3A_1271 = arith.constant 128 : i32
        %mul3A_1272 = arith.muli %add3A_1270, %mul3A_1271 : i32
        %add3A_1273 = arith.constant 96 : i32
        %add3A_1274 = arith.addi %mul3A_1272, %add3A_1273 : i32
        %dma_start3A_1275 = arith.constant 96 : i32
        %dma_start3A_1276 = arith.constant 0 : i32
        %dma_start3A_1277 = tpu.memref_slice %arg10[%dma_start3A_1275, %dma_start3A_1276] : memref<128x128xf32, #tpu.memory_space<vmem>> -> memref<32x128xf32, #tpu.memory_space<vmem>>
        %dma_start3A_1278 = tpu.memref_slice %arg6[%add3A_1274] : memref<10240xi32, #tpu.memory_space<vmem>> -> memref<32xi32, #tpu.memory_space<vmem>>
        %dma_start3A_1279 = arith.constant 0 : i32
        %dma_start3A_1280 = arith.constant 0 : i32
        %dma_start3A_1281 = tpu.memref_slice %arg2[%dma_start3A_1279, %dma_start3A_1280] : memref<20000x128xf32, #tpu.memory_space<hbm>> -> memref<20000x128xf32, #tpu.memory_space<hbm>>
        tpu.enqueue_indirect_dma source(%dma_start3A_1281 : memref<20000x128xf32, #tpu.memory_space<hbm>>) target(%dma_start3A_1277 : memref<32x128xf32, #tpu.memory_space<vmem>>) offsets(%dma_start3A_1278 : memref<32xi32, #tpu.memory_space<vmem>>) semaphore(%arg13 : memref<!tpu.dma_semaphore, #tpu.memory_space<semaphore_mem>>)
      } else {
      }
      %mul3A_966 = arith.constant 128 : i32
      %mul3A_967 = arith.muli %add3A_953, %mul3A_966 : i32
      %add3A_968 = arith.constant 0 : i32
      %add3A_969 = arith.addi %mul3A_967, %add3A_968 : i32
      %dma_wait3A_970 = arith.constant 0 : i32
      %dma_wait3A_971 = arith.constant 0 : i32
      %dma_wait3A_972 = tpu.memref_slice %arg9[%dma_wait3A_970, %dma_wait3A_971] : memref<128x128xf32, #tpu.memory_space<vmem>> -> memref<32x128xf32, #tpu.memory_space<vmem>>
      %dma_wait3A_973 = tpu.memref_slice %arg6[%add3A_969] : memref<10240xi32, #tpu.memory_space<vmem>> -> memref<32xi32, #tpu.memory_space<vmem>>
      %dma_wait3A_974 = arith.constant 0 : i32
      %dma_wait3A_975 = arith.constant 0 : i32
      %dma_wait3A_976 = tpu.memref_slice %arg2[%dma_wait3A_974, %dma_wait3A_975] : memref<20000x128xf32, #tpu.memory_space<hbm>> -> memref<20000x128xf32, #tpu.memory_space<hbm>>
      tpu.wait_indirect_dma semaphore(%arg12 : memref<!tpu.dma_semaphore, #tpu.memory_space<semaphore_mem>>) src(%dma_wait3A_976 : memref<20000x128xf32, #tpu.memory_space<hbm>>) dst(%dma_wait3A_972 : memref<32x128xf32, #tpu.memory_space<vmem>>)
      %mul3A_977 = arith.constant 128 : i32
      %mul3A_978 = arith.muli %add3A_953, %mul3A_977 : i32
      %add3A_979 = arith.constant 32 : i32
      %add3A_980 = arith.addi %mul3A_978, %add3A_979 : i32
      %dma_wait3A_981 = arith.constant 32 : i32
      %dma_wait3A_982 = arith.constant 0 : i32
      %dma_wait3A_983 = tpu.memref_slice %arg9[%dma_wait3A_981, %dma_wait3A_982] : memref<128x128xf32, #tpu.memory_space<vmem>> -> memref<32x128xf32, #tpu.memory_space<vmem>>
      %dma_wait3A_984 = tpu.memref_slice %arg6[%add3A_980] : memref<10240xi32, #tpu.memory_space<vmem>> -> memref<32xi32, #tpu.memory_space<vmem>>
      %dma_wait3A_985 = arith.constant 0 : i32
      %dma_wait3A_986 = arith.constant 0 : i32
      %dma_wait3A_987 = tpu.memref_slice %arg2[%dma_wait3A_985, %dma_wait3A_986] : memref<20000x128xf32, #tpu.memory_space<hbm>> -> memref<20000x128xf32, #tpu.memory_space<hbm>>
      tpu.wait_indirect_dma semaphore(%arg12 : memref<!tpu.dma_semaphore, #tpu.memory_space<semaphore_mem>>) src(%dma_wait3A_987 : memref<20000x128xf32, #tpu.memory_space<hbm>>) dst(%dma_wait3A_983 : memref<32x128xf32, #tpu.memory_space<vmem>>)
      %mul3A_988 = arith.constant 128 : i32
      %mul3A_989 = arith.muli %add3A_953, %mul3A_988 : i32
      %add3A_990 = arith.constant 64 : i32
      %add3A_991 = arith.addi %mul3A_989, %add3A_990 : i32
      %dma_wait3A_992 = arith.constant 64 : i32
      %dma_wait3A_993 = arith.constant 0 : i32
      %dma_wait3A_994 = tpu.memref_slice %arg9[%dma_wait3A_992, %dma_wait3A_993] : memref<128x128xf32, #tpu.memory_space<vmem>> -> memref<32x128xf32, #tpu.memory_space<vmem>>
      %dma_wait3A_995 = tpu.memref_slice %arg6[%add3A_991] : memref<10240xi32, #tpu.memory_space<vmem>> -> memref<32xi32, #tpu.memory_space<vmem>>
      %dma_wait3A_996 = arith.constant 0 : i32
      %dma_wait3A_997 = arith.constant 0 : i32
      %dma_wait3A_998 = tpu.memref_slice %arg2[%dma_wait3A_996, %dma_wait3A_997] : memref<20000x128xf32, #tpu.memory_space<hbm>> -> memref<20000x128xf32, #tpu.memory_space<hbm>>
      tpu.wait_indirect_dma semaphore(%arg12 : memref<!tpu.dma_semaphore, #tpu.memory_space<semaphore_mem>>) src(%dma_wait3A_998 : memref<20000x128xf32, #tpu.memory_space<hbm>>) dst(%dma_wait3A_994 : memref<32x128xf32, #tpu.memory_space<vmem>>)
      %mul3A_999 = arith.constant 128 : i32
      %mul3A_1000 = arith.muli %add3A_953, %mul3A_999 : i32
      %add3A_1001 = arith.constant 96 : i32
      %add3A_1002 = arith.addi %mul3A_1000, %add3A_1001 : i32
      %dma_wait3A_1003 = arith.constant 96 : i32
      %dma_wait3A_1004 = arith.constant 0 : i32
      %dma_wait3A_1005 = tpu.memref_slice %arg9[%dma_wait3A_1003, %dma_wait3A_1004] : memref<128x128xf32, #tpu.memory_space<vmem>> -> memref<32x128xf32, #tpu.memory_space<vmem>>
      %dma_wait3A_1006 = tpu.memref_slice %arg6[%add3A_1002] : memref<10240xi32, #tpu.memory_space<vmem>> -> memref<32xi32, #tpu.memory_space<vmem>>
      %dma_wait3A_1007 = arith.constant 0 : i32
      %dma_wait3A_1008 = arith.constant 0 : i32
      %dma_wait3A_1009 = tpu.memref_slice %arg2[%dma_wait3A_1007, %dma_wait3A_1008] : memref<20000x128xf32, #tpu.memory_space<hbm>> -> memref<20000x128xf32, #tpu.memory_space<hbm>>
      tpu.wait_indirect_dma semaphore(%arg12 : memref<!tpu.dma_semaphore, #tpu.memory_space<semaphore_mem>>) src(%dma_wait3A_1009 : memref<20000x128xf32, #tpu.memory_space<hbm>>) dst(%dma_wait3A_1005 : memref<32x128xf32, #tpu.memory_space<vmem>>)
      %dma_start3A_1010 = arith.constant 4 : i32
      %dma_start3A_1011 = arith.constant 0 : i32
      %dma_start3A_1012 = tpu.memref_slice %arg8[%dma_start3A_1010, %dma_start3A_1011] : memref<8x128xi32, #tpu.memory_space<vmem>> -> memref<1x128xi32, #tpu.memory_space<vmem>>
      %dma_start3A_1013 = tpu.memref_squeeze %dma_start3A_1012 : memref<1x128xi32, #tpu.memory_space<vmem>> -> memref<128xi32, #tpu.memory_space<vmem>>
      %dma_start3A_1014 = arith.constant 0 : i32
      %dma_start3A_1015 = arith.constant 0 : i32
      %dma_start3A_1016 = tpu.memref_slice %arg11[%dma_start3A_1014, %dma_start3A_1015] : memref<10112x128xf32, #tpu.memory_space<vmem_shared>> -> memref<10112x128xf32, #tpu.memory_space<vmem_shared>>
      tpu.enqueue_indirect_dma source(%arg9 : memref<128x128xf32, #tpu.memory_space<vmem>>) target(%dma_start3A_1016 : memref<10112x128xf32, #tpu.memory_space<vmem_shared>>) offsets(%dma_start3A_1013 : memref<128xi32, #tpu.memory_space<vmem>>) semaphore(%arg14 : memref<!tpu.dma_semaphore, #tpu.memory_space<semaphore_mem>>) {add = true}
      %mul3A_1017 = arith.constant 2 : i32
      %mul3A_1018 = arith.muli %add3A_63, %mul3A_1017 : i32
      %add3A_1019 = arith.constant 1 : i32
      %add3A_1020 = arith.addi %mul3A_1018, %add3A_1019 : i32
      %mul3A_1021 = arith.constant 8 : i32
      %mul3A_1022 = arith.muli %add3A_1020, %mul3A_1021 : i32
      %add3A_1023 = arith.constant 5 : i32
      %add3A_1024 = arith.addi %mul3A_1022, %add3A_1023 : i32
      %ge3A_1025 = arith.constant 1 : i32
      %ge3A_1026 = arith.cmpi sge, %add3A_1024, %ge3A_1025 : i32
      %convert_element_type3A_1027 = arith.extui %ge3A_1026 : i1 to i32
      %cond3A_1028 = arith.constant 0 : i32
      %cond3A_1029 = arith.cmpi ne, %convert_element_type3A_1027, %cond3A_1028 : i32
      scf.if %cond3A_1029 {
        %dma_wait3A_1230 = arith.constant 0 : i32
        %dma_wait3A_1231 = arith.constant 0 : i32
        %dma_wait3A_1232 = tpu.memref_slice %arg8[%dma_wait3A_1230, %dma_wait3A_1231] : memref<8x128xi32, #tpu.memory_space<vmem>> -> memref<1x128xi32, #tpu.memory_space<vmem>>
        %dma_wait3A_1233 = tpu.memref_squeeze %dma_wait3A_1232 : memref<1x128xi32, #tpu.memory_space<vmem>> -> memref<128xi32, #tpu.memory_space<vmem>>
        %dma_wait3A_1234 = arith.constant 0 : i32
        %dma_wait3A_1235 = arith.constant 0 : i32
        %dma_wait3A_1236 = tpu.memref_slice %arg11[%dma_wait3A_1234, %dma_wait3A_1235] : memref<10112x128xf32, #tpu.memory_space<vmem_shared>> -> memref<10112x128xf32, #tpu.memory_space<vmem_shared>>
        tpu.wait_indirect_dma semaphore(%arg14 : memref<!tpu.dma_semaphore, #tpu.memory_space<semaphore_mem>>) src(%arg9 : memref<128x128xf32, #tpu.memory_space<vmem>>) dst(%dma_wait3A_1236 : memref<10112x128xf32, #tpu.memory_space<vmem_shared>>)
      } else {
      }
      %add3A_1030 = arith.constant 1 : i32
      %add3A_1031 = arith.addi %add3A_1024, %add3A_1030 : i32
      %lt3A_1032 = arith.constant 80 : i32
      %lt3A_1033 = arith.cmpi slt, %add3A_1031, %lt3A_1032 : i32
      %convert_element_type3A_1034 = arith.extui %lt3A_1033 : i1 to i32
      %cond3A_1035 = arith.constant 0 : i32
      %cond3A_1036 = arith.cmpi ne, %convert_element_type3A_1034, %cond3A_1035 : i32
      scf.if %cond3A_1036 {
        %add3A_1230 = arith.constant 1 : i32
        %add3A_1231 = arith.addi %add3A_1024, %add3A_1230 : i32
        %mul3A_1232 = arith.constant 128 : i32
        %mul3A_1233 = arith.muli %add3A_1231, %mul3A_1232 : i32
        %add3A_1234 = arith.constant 0 : i32
        %add3A_1235 = arith.addi %mul3A_1233, %add3A_1234 : i32
        %dma_start3A_1236 = arith.constant 0 : i32
        %dma_start3A_1237 = arith.constant 0 : i32
        %dma_start3A_1238 = tpu.memref_slice %arg9[%dma_start3A_1236, %dma_start3A_1237] : memref<128x128xf32, #tpu.memory_space<vmem>> -> memref<32x128xf32, #tpu.memory_space<vmem>>
        %dma_start3A_1239 = tpu.memref_slice %arg6[%add3A_1235] : memref<10240xi32, #tpu.memory_space<vmem>> -> memref<32xi32, #tpu.memory_space<vmem>>
        %dma_start3A_1240 = arith.constant 0 : i32
        %dma_start3A_1241 = arith.constant 0 : i32
        %dma_start3A_1242 = tpu.memref_slice %arg2[%dma_start3A_1240, %dma_start3A_1241] : memref<20000x128xf32, #tpu.memory_space<hbm>> -> memref<20000x128xf32, #tpu.memory_space<hbm>>
        tpu.enqueue_indirect_dma source(%dma_start3A_1242 : memref<20000x128xf32, #tpu.memory_space<hbm>>) target(%dma_start3A_1238 : memref<32x128xf32, #tpu.memory_space<vmem>>) offsets(%dma_start3A_1239 : memref<32xi32, #tpu.memory_space<vmem>>) semaphore(%arg12 : memref<!tpu.dma_semaphore, #tpu.memory_space<semaphore_mem>>)
        %add3A_1243 = arith.constant 1 : i32
        %add3A_1244 = arith.addi %add3A_1024, %add3A_1243 : i32
        %mul3A_1245 = arith.constant 128 : i32
        %mul3A_1246 = arith.muli %add3A_1244, %mul3A_1245 : i32
        %add3A_1247 = arith.constant 32 : i32
        %add3A_1248 = arith.addi %mul3A_1246, %add3A_1247 : i32
        %dma_start3A_1249 = arith.constant 32 : i32
        %dma_start3A_1250 = arith.constant 0 : i32
        %dma_start3A_1251 = tpu.memref_slice %arg9[%dma_start3A_1249, %dma_start3A_1250] : memref<128x128xf32, #tpu.memory_space<vmem>> -> memref<32x128xf32, #tpu.memory_space<vmem>>
        %dma_start3A_1252 = tpu.memref_slice %arg6[%add3A_1248] : memref<10240xi32, #tpu.memory_space<vmem>> -> memref<32xi32, #tpu.memory_space<vmem>>
        %dma_start3A_1253 = arith.constant 0 : i32
        %dma_start3A_1254 = arith.constant 0 : i32
        %dma_start3A_1255 = tpu.memref_slice %arg2[%dma_start3A_1253, %dma_start3A_1254] : memref<20000x128xf32, #tpu.memory_space<hbm>> -> memref<20000x128xf32, #tpu.memory_space<hbm>>
        tpu.enqueue_indirect_dma source(%dma_start3A_1255 : memref<20000x128xf32, #tpu.memory_space<hbm>>) target(%dma_start3A_1251 : memref<32x128xf32, #tpu.memory_space<vmem>>) offsets(%dma_start3A_1252 : memref<32xi32, #tpu.memory_space<vmem>>) semaphore(%arg12 : memref<!tpu.dma_semaphore, #tpu.memory_space<semaphore_mem>>)
        %add3A_1256 = arith.constant 1 : i32
        %add3A_1257 = arith.addi %add3A_1024, %add3A_1256 : i32
        %mul3A_1258 = arith.constant 128 : i32
        %mul3A_1259 = arith.muli %add3A_1257, %mul3A_1258 : i32
        %add3A_1260 = arith.constant 64 : i32
        %add3A_1261 = arith.addi %mul3A_1259, %add3A_1260 : i32
        %dma_start3A_1262 = arith.constant 64 : i32
        %dma_start3A_1263 = arith.constant 0 : i32
        %dma_start3A_1264 = tpu.memref_slice %arg9[%dma_start3A_1262, %dma_start3A_1263] : memref<128x128xf32, #tpu.memory_space<vmem>> -> memref<32x128xf32, #tpu.memory_space<vmem>>
        %dma_start3A_1265 = tpu.memref_slice %arg6[%add3A_1261] : memref<10240xi32, #tpu.memory_space<vmem>> -> memref<32xi32, #tpu.memory_space<vmem>>
        %dma_start3A_1266 = arith.constant 0 : i32
        %dma_start3A_1267 = arith.constant 0 : i32
        %dma_start3A_1268 = tpu.memref_slice %arg2[%dma_start3A_1266, %dma_start3A_1267] : memref<20000x128xf32, #tpu.memory_space<hbm>> -> memref<20000x128xf32, #tpu.memory_space<hbm>>
        tpu.enqueue_indirect_dma source(%dma_start3A_1268 : memref<20000x128xf32, #tpu.memory_space<hbm>>) target(%dma_start3A_1264 : memref<32x128xf32, #tpu.memory_space<vmem>>) offsets(%dma_start3A_1265 : memref<32xi32, #tpu.memory_space<vmem>>) semaphore(%arg12 : memref<!tpu.dma_semaphore, #tpu.memory_space<semaphore_mem>>)
        %add3A_1269 = arith.constant 1 : i32
        %add3A_1270 = arith.addi %add3A_1024, %add3A_1269 : i32
        %mul3A_1271 = arith.constant 128 : i32
        %mul3A_1272 = arith.muli %add3A_1270, %mul3A_1271 : i32
        %add3A_1273 = arith.constant 96 : i32
        %add3A_1274 = arith.addi %mul3A_1272, %add3A_1273 : i32
        %dma_start3A_1275 = arith.constant 96 : i32
        %dma_start3A_1276 = arith.constant 0 : i32
        %dma_start3A_1277 = tpu.memref_slice %arg9[%dma_start3A_1275, %dma_start3A_1276] : memref<128x128xf32, #tpu.memory_space<vmem>> -> memref<32x128xf32, #tpu.memory_space<vmem>>
        %dma_start3A_1278 = tpu.memref_slice %arg6[%add3A_1274] : memref<10240xi32, #tpu.memory_space<vmem>> -> memref<32xi32, #tpu.memory_space<vmem>>
        %dma_start3A_1279 = arith.constant 0 : i32
        %dma_start3A_1280 = arith.constant 0 : i32
        %dma_start3A_1281 = tpu.memref_slice %arg2[%dma_start3A_1279, %dma_start3A_1280] : memref<20000x128xf32, #tpu.memory_space<hbm>> -> memref<20000x128xf32, #tpu.memory_space<hbm>>
        tpu.enqueue_indirect_dma source(%dma_start3A_1281 : memref<20000x128xf32, #tpu.memory_space<hbm>>) target(%dma_start3A_1277 : memref<32x128xf32, #tpu.memory_space<vmem>>) offsets(%dma_start3A_1278 : memref<32xi32, #tpu.memory_space<vmem>>) semaphore(%arg12 : memref<!tpu.dma_semaphore, #tpu.memory_space<semaphore_mem>>)
      } else {
      }
      %mul3A_1037 = arith.constant 128 : i32
      %mul3A_1038 = arith.muli %add3A_1024, %mul3A_1037 : i32
      %add3A_1039 = arith.constant 0 : i32
      %add3A_1040 = arith.addi %mul3A_1038, %add3A_1039 : i32
      %dma_wait3A_1041 = arith.constant 0 : i32
      %dma_wait3A_1042 = arith.constant 0 : i32
      %dma_wait3A_1043 = tpu.memref_slice %arg10[%dma_wait3A_1041, %dma_wait3A_1042] : memref<128x128xf32, #tpu.memory_space<vmem>> -> memref<32x128xf32, #tpu.memory_space<vmem>>
      %dma_wait3A_1044 = tpu.memref_slice %arg6[%add3A_1040] : memref<10240xi32, #tpu.memory_space<vmem>> -> memref<32xi32, #tpu.memory_space<vmem>>
      %dma_wait3A_1045 = arith.constant 0 : i32
      %dma_wait3A_1046 = arith.constant 0 : i32
      %dma_wait3A_1047 = tpu.memref_slice %arg2[%dma_wait3A_1045, %dma_wait3A_1046] : memref<20000x128xf32, #tpu.memory_space<hbm>> -> memref<20000x128xf32, #tpu.memory_space<hbm>>
      tpu.wait_indirect_dma semaphore(%arg13 : memref<!tpu.dma_semaphore, #tpu.memory_space<semaphore_mem>>) src(%dma_wait3A_1047 : memref<20000x128xf32, #tpu.memory_space<hbm>>) dst(%dma_wait3A_1043 : memref<32x128xf32, #tpu.memory_space<vmem>>)
      %mul3A_1048 = arith.constant 128 : i32
      %mul3A_1049 = arith.muli %add3A_1024, %mul3A_1048 : i32
      %add3A_1050 = arith.constant 32 : i32
      %add3A_1051 = arith.addi %mul3A_1049, %add3A_1050 : i32
      %dma_wait3A_1052 = arith.constant 32 : i32
      %dma_wait3A_1053 = arith.constant 0 : i32
      %dma_wait3A_1054 = tpu.memref_slice %arg10[%dma_wait3A_1052, %dma_wait3A_1053] : memref<128x128xf32, #tpu.memory_space<vmem>> -> memref<32x128xf32, #tpu.memory_space<vmem>>
      %dma_wait3A_1055 = tpu.memref_slice %arg6[%add3A_1051] : memref<10240xi32, #tpu.memory_space<vmem>> -> memref<32xi32, #tpu.memory_space<vmem>>
      %dma_wait3A_1056 = arith.constant 0 : i32
      %dma_wait3A_1057 = arith.constant 0 : i32
      %dma_wait3A_1058 = tpu.memref_slice %arg2[%dma_wait3A_1056, %dma_wait3A_1057] : memref<20000x128xf32, #tpu.memory_space<hbm>> -> memref<20000x128xf32, #tpu.memory_space<hbm>>
      tpu.wait_indirect_dma semaphore(%arg13 : memref<!tpu.dma_semaphore, #tpu.memory_space<semaphore_mem>>) src(%dma_wait3A_1058 : memref<20000x128xf32, #tpu.memory_space<hbm>>) dst(%dma_wait3A_1054 : memref<32x128xf32, #tpu.memory_space<vmem>>)
      %mul3A_1059 = arith.constant 128 : i32
      %mul3A_1060 = arith.muli %add3A_1024, %mul3A_1059 : i32
      %add3A_1061 = arith.constant 64 : i32
      %add3A_1062 = arith.addi %mul3A_1060, %add3A_1061 : i32
      %dma_wait3A_1063 = arith.constant 64 : i32
      %dma_wait3A_1064 = arith.constant 0 : i32
      %dma_wait3A_1065 = tpu.memref_slice %arg10[%dma_wait3A_1063, %dma_wait3A_1064] : memref<128x128xf32, #tpu.memory_space<vmem>> -> memref<32x128xf32, #tpu.memory_space<vmem>>
      %dma_wait3A_1066 = tpu.memref_slice %arg6[%add3A_1062] : memref<10240xi32, #tpu.memory_space<vmem>> -> memref<32xi32, #tpu.memory_space<vmem>>
      %dma_wait3A_1067 = arith.constant 0 : i32
      %dma_wait3A_1068 = arith.constant 0 : i32
      %dma_wait3A_1069 = tpu.memref_slice %arg2[%dma_wait3A_1067, %dma_wait3A_1068] : memref<20000x128xf32, #tpu.memory_space<hbm>> -> memref<20000x128xf32, #tpu.memory_space<hbm>>
      tpu.wait_indirect_dma semaphore(%arg13 : memref<!tpu.dma_semaphore, #tpu.memory_space<semaphore_mem>>) src(%dma_wait3A_1069 : memref<20000x128xf32, #tpu.memory_space<hbm>>) dst(%dma_wait3A_1065 : memref<32x128xf32, #tpu.memory_space<vmem>>)
      %mul3A_1070 = arith.constant 128 : i32
      %mul3A_1071 = arith.muli %add3A_1024, %mul3A_1070 : i32
      %add3A_1072 = arith.constant 96 : i32
      %add3A_1073 = arith.addi %mul3A_1071, %add3A_1072 : i32
      %dma_wait3A_1074 = arith.constant 96 : i32
      %dma_wait3A_1075 = arith.constant 0 : i32
      %dma_wait3A_1076 = tpu.memref_slice %arg10[%dma_wait3A_1074, %dma_wait3A_1075] : memref<128x128xf32, #tpu.memory_space<vmem>> -> memref<32x128xf32, #tpu.memory_space<vmem>>
      %dma_wait3A_1077 = tpu.memref_slice %arg6[%add3A_1073] : memref<10240xi32, #tpu.memory_space<vmem>> -> memref<32xi32, #tpu.memory_space<vmem>>
      %dma_wait3A_1078 = arith.constant 0 : i32
      %dma_wait3A_1079 = arith.constant 0 : i32
      %dma_wait3A_1080 = tpu.memref_slice %arg2[%dma_wait3A_1078, %dma_wait3A_1079] : memref<20000x128xf32, #tpu.memory_space<hbm>> -> memref<20000x128xf32, #tpu.memory_space<hbm>>
      tpu.wait_indirect_dma semaphore(%arg13 : memref<!tpu.dma_semaphore, #tpu.memory_space<semaphore_mem>>) src(%dma_wait3A_1080 : memref<20000x128xf32, #tpu.memory_space<hbm>>) dst(%dma_wait3A_1076 : memref<32x128xf32, #tpu.memory_space<vmem>>)
      %dma_start3A_1081 = arith.constant 5 : i32
      %dma_start3A_1082 = arith.constant 0 : i32
      %dma_start3A_1083 = tpu.memref_slice %arg8[%dma_start3A_1081, %dma_start3A_1082] : memref<8x128xi32, #tpu.memory_space<vmem>> -> memref<1x128xi32, #tpu.memory_space<vmem>>
      %dma_start3A_1084 = tpu.memref_squeeze %dma_start3A_1083 : memref<1x128xi32, #tpu.memory_space<vmem>> -> memref<128xi32, #tpu.memory_space<vmem>>
      %dma_start3A_1085 = arith.constant 0 : i32
      %dma_start3A_1086 = arith.constant 0 : i32
      %dma_start3A_1087 = tpu.memref_slice %arg11[%dma_start3A_1085, %dma_start3A_1086] : memref<10112x128xf32, #tpu.memory_space<vmem_shared>> -> memref<10112x128xf32, #tpu.memory_space<vmem_shared>>
      tpu.enqueue_indirect_dma source(%arg10 : memref<128x128xf32, #tpu.memory_space<vmem>>) target(%dma_start3A_1087 : memref<10112x128xf32, #tpu.memory_space<vmem_shared>>) offsets(%dma_start3A_1084 : memref<128xi32, #tpu.memory_space<vmem>>) semaphore(%arg15 : memref<!tpu.dma_semaphore, #tpu.memory_space<semaphore_mem>>) {add = true}
      %mul3A_1088 = arith.constant 2 : i32
      %mul3A_1089 = arith.muli %add3A_63, %mul3A_1088 : i32
      %add3A_1090 = arith.constant 1 : i32
      %add3A_1091 = arith.addi %mul3A_1089, %add3A_1090 : i32
      %mul3A_1092 = arith.constant 8 : i32
      %mul3A_1093 = arith.muli %add3A_1091, %mul3A_1092 : i32
      %add3A_1094 = arith.constant 6 : i32
      %add3A_1095 = arith.addi %mul3A_1093, %add3A_1094 : i32
      %ge3A_1096 = arith.constant 1 : i32
      %ge3A_1097 = arith.cmpi sge, %add3A_1095, %ge3A_1096 : i32
      %convert_element_type3A_1098 = arith.extui %ge3A_1097 : i1 to i32
      %cond3A_1099 = arith.constant 0 : i32
      %cond3A_1100 = arith.cmpi ne, %convert_element_type3A_1098, %cond3A_1099 : i32
      scf.if %cond3A_1100 {
        %dma_wait3A_1230 = arith.constant 0 : i32
        %dma_wait3A_1231 = arith.constant 0 : i32
        %dma_wait3A_1232 = tpu.memref_slice %arg8[%dma_wait3A_1230, %dma_wait3A_1231] : memref<8x128xi32, #tpu.memory_space<vmem>> -> memref<1x128xi32, #tpu.memory_space<vmem>>
        %dma_wait3A_1233 = tpu.memref_squeeze %dma_wait3A_1232 : memref<1x128xi32, #tpu.memory_space<vmem>> -> memref<128xi32, #tpu.memory_space<vmem>>
        %dma_wait3A_1234 = arith.constant 0 : i32
        %dma_wait3A_1235 = arith.constant 0 : i32
        %dma_wait3A_1236 = tpu.memref_slice %arg11[%dma_wait3A_1234, %dma_wait3A_1235] : memref<10112x128xf32, #tpu.memory_space<vmem_shared>> -> memref<10112x128xf32, #tpu.memory_space<vmem_shared>>
        tpu.wait_indirect_dma semaphore(%arg15 : memref<!tpu.dma_semaphore, #tpu.memory_space<semaphore_mem>>) src(%arg10 : memref<128x128xf32, #tpu.memory_space<vmem>>) dst(%dma_wait3A_1236 : memref<10112x128xf32, #tpu.memory_space<vmem_shared>>)
      } else {
      }
      %add3A_1101 = arith.constant 1 : i32
      %add3A_1102 = arith.addi %add3A_1095, %add3A_1101 : i32
      %lt3A_1103 = arith.constant 80 : i32
      %lt3A_1104 = arith.cmpi slt, %add3A_1102, %lt3A_1103 : i32
      %convert_element_type3A_1105 = arith.extui %lt3A_1104 : i1 to i32
      %cond3A_1106 = arith.constant 0 : i32
      %cond3A_1107 = arith.cmpi ne, %convert_element_type3A_1105, %cond3A_1106 : i32
      scf.if %cond3A_1107 {
        %add3A_1230 = arith.constant 1 : i32
        %add3A_1231 = arith.addi %add3A_1095, %add3A_1230 : i32
        %mul3A_1232 = arith.constant 128 : i32
        %mul3A_1233 = arith.muli %add3A_1231, %mul3A_1232 : i32
        %add3A_1234 = arith.constant 0 : i32
        %add3A_1235 = arith.addi %mul3A_1233, %add3A_1234 : i32
        %dma_start3A_1236 = arith.constant 0 : i32
        %dma_start3A_1237 = arith.constant 0 : i32
        %dma_start3A_1238 = tpu.memref_slice %arg10[%dma_start3A_1236, %dma_start3A_1237] : memref<128x128xf32, #tpu.memory_space<vmem>> -> memref<32x128xf32, #tpu.memory_space<vmem>>
        %dma_start3A_1239 = tpu.memref_slice %arg6[%add3A_1235] : memref<10240xi32, #tpu.memory_space<vmem>> -> memref<32xi32, #tpu.memory_space<vmem>>
        %dma_start3A_1240 = arith.constant 0 : i32
        %dma_start3A_1241 = arith.constant 0 : i32
        %dma_start3A_1242 = tpu.memref_slice %arg2[%dma_start3A_1240, %dma_start3A_1241] : memref<20000x128xf32, #tpu.memory_space<hbm>> -> memref<20000x128xf32, #tpu.memory_space<hbm>>
        tpu.enqueue_indirect_dma source(%dma_start3A_1242 : memref<20000x128xf32, #tpu.memory_space<hbm>>) target(%dma_start3A_1238 : memref<32x128xf32, #tpu.memory_space<vmem>>) offsets(%dma_start3A_1239 : memref<32xi32, #tpu.memory_space<vmem>>) semaphore(%arg13 : memref<!tpu.dma_semaphore, #tpu.memory_space<semaphore_mem>>)
        %add3A_1243 = arith.constant 1 : i32
        %add3A_1244 = arith.addi %add3A_1095, %add3A_1243 : i32
        %mul3A_1245 = arith.constant 128 : i32
        %mul3A_1246 = arith.muli %add3A_1244, %mul3A_1245 : i32
        %add3A_1247 = arith.constant 32 : i32
        %add3A_1248 = arith.addi %mul3A_1246, %add3A_1247 : i32
        %dma_start3A_1249 = arith.constant 32 : i32
        %dma_start3A_1250 = arith.constant 0 : i32
        %dma_start3A_1251 = tpu.memref_slice %arg10[%dma_start3A_1249, %dma_start3A_1250] : memref<128x128xf32, #tpu.memory_space<vmem>> -> memref<32x128xf32, #tpu.memory_space<vmem>>
        %dma_start3A_1252 = tpu.memref_slice %arg6[%add3A_1248] : memref<10240xi32, #tpu.memory_space<vmem>> -> memref<32xi32, #tpu.memory_space<vmem>>
        %dma_start3A_1253 = arith.constant 0 : i32
        %dma_start3A_1254 = arith.constant 0 : i32
        %dma_start3A_1255 = tpu.memref_slice %arg2[%dma_start3A_1253, %dma_start3A_1254] : memref<20000x128xf32, #tpu.memory_space<hbm>> -> memref<20000x128xf32, #tpu.memory_space<hbm>>
        tpu.enqueue_indirect_dma source(%dma_start3A_1255 : memref<20000x128xf32, #tpu.memory_space<hbm>>) target(%dma_start3A_1251 : memref<32x128xf32, #tpu.memory_space<vmem>>) offsets(%dma_start3A_1252 : memref<32xi32, #tpu.memory_space<vmem>>) semaphore(%arg13 : memref<!tpu.dma_semaphore, #tpu.memory_space<semaphore_mem>>)
        %add3A_1256 = arith.constant 1 : i32
        %add3A_1257 = arith.addi %add3A_1095, %add3A_1256 : i32
        %mul3A_1258 = arith.constant 128 : i32
        %mul3A_1259 = arith.muli %add3A_1257, %mul3A_1258 : i32
        %add3A_1260 = arith.constant 64 : i32
        %add3A_1261 = arith.addi %mul3A_1259, %add3A_1260 : i32
        %dma_start3A_1262 = arith.constant 64 : i32
        %dma_start3A_1263 = arith.constant 0 : i32
        %dma_start3A_1264 = tpu.memref_slice %arg10[%dma_start3A_1262, %dma_start3A_1263] : memref<128x128xf32, #tpu.memory_space<vmem>> -> memref<32x128xf32, #tpu.memory_space<vmem>>
        %dma_start3A_1265 = tpu.memref_slice %arg6[%add3A_1261] : memref<10240xi32, #tpu.memory_space<vmem>> -> memref<32xi32, #tpu.memory_space<vmem>>
        %dma_start3A_1266 = arith.constant 0 : i32
        %dma_start3A_1267 = arith.constant 0 : i32
        %dma_start3A_1268 = tpu.memref_slice %arg2[%dma_start3A_1266, %dma_start3A_1267] : memref<20000x128xf32, #tpu.memory_space<hbm>> -> memref<20000x128xf32, #tpu.memory_space<hbm>>
        tpu.enqueue_indirect_dma source(%dma_start3A_1268 : memref<20000x128xf32, #tpu.memory_space<hbm>>) target(%dma_start3A_1264 : memref<32x128xf32, #tpu.memory_space<vmem>>) offsets(%dma_start3A_1265 : memref<32xi32, #tpu.memory_space<vmem>>) semaphore(%arg13 : memref<!tpu.dma_semaphore, #tpu.memory_space<semaphore_mem>>)
        %add3A_1269 = arith.constant 1 : i32
        %add3A_1270 = arith.addi %add3A_1095, %add3A_1269 : i32
        %mul3A_1271 = arith.constant 128 : i32
        %mul3A_1272 = arith.muli %add3A_1270, %mul3A_1271 : i32
        %add3A_1273 = arith.constant 96 : i32
        %add3A_1274 = arith.addi %mul3A_1272, %add3A_1273 : i32
        %dma_start3A_1275 = arith.constant 96 : i32
        %dma_start3A_1276 = arith.constant 0 : i32
        %dma_start3A_1277 = tpu.memref_slice %arg10[%dma_start3A_1275, %dma_start3A_1276] : memref<128x128xf32, #tpu.memory_space<vmem>> -> memref<32x128xf32, #tpu.memory_space<vmem>>
        %dma_start3A_1278 = tpu.memref_slice %arg6[%add3A_1274] : memref<10240xi32, #tpu.memory_space<vmem>> -> memref<32xi32, #tpu.memory_space<vmem>>
        %dma_start3A_1279 = arith.constant 0 : i32
        %dma_start3A_1280 = arith.constant 0 : i32
        %dma_start3A_1281 = tpu.memref_slice %arg2[%dma_start3A_1279, %dma_start3A_1280] : memref<20000x128xf32, #tpu.memory_space<hbm>> -> memref<20000x128xf32, #tpu.memory_space<hbm>>
        tpu.enqueue_indirect_dma source(%dma_start3A_1281 : memref<20000x128xf32, #tpu.memory_space<hbm>>) target(%dma_start3A_1277 : memref<32x128xf32, #tpu.memory_space<vmem>>) offsets(%dma_start3A_1278 : memref<32xi32, #tpu.memory_space<vmem>>) semaphore(%arg13 : memref<!tpu.dma_semaphore, #tpu.memory_space<semaphore_mem>>)
      } else {
      }
      %mul3A_1108 = arith.constant 128 : i32
      %mul3A_1109 = arith.muli %add3A_1095, %mul3A_1108 : i32
      %add3A_1110 = arith.constant 0 : i32
      %add3A_1111 = arith.addi %mul3A_1109, %add3A_1110 : i32
      %dma_wait3A_1112 = arith.constant 0 : i32
      %dma_wait3A_1113 = arith.constant 0 : i32
      %dma_wait3A_1114 = tpu.memref_slice %arg9[%dma_wait3A_1112, %dma_wait3A_1113] : memref<128x128xf32, #tpu.memory_space<vmem>> -> memref<32x128xf32, #tpu.memory_space<vmem>>
      %dma_wait3A_1115 = tpu.memref_slice %arg6[%add3A_1111] : memref<10240xi32, #tpu.memory_space<vmem>> -> memref<32xi32, #tpu.memory_space<vmem>>
      %dma_wait3A_1116 = arith.constant 0 : i32
      %dma_wait3A_1117 = arith.constant 0 : i32
      %dma_wait3A_1118 = tpu.memref_slice %arg2[%dma_wait3A_1116, %dma_wait3A_1117] : memref<20000x128xf32, #tpu.memory_space<hbm>> -> memref<20000x128xf32, #tpu.memory_space<hbm>>
      tpu.wait_indirect_dma semaphore(%arg12 : memref<!tpu.dma_semaphore, #tpu.memory_space<semaphore_mem>>) src(%dma_wait3A_1118 : memref<20000x128xf32, #tpu.memory_space<hbm>>) dst(%dma_wait3A_1114 : memref<32x128xf32, #tpu.memory_space<vmem>>)
      %mul3A_1119 = arith.constant 128 : i32
      %mul3A_1120 = arith.muli %add3A_1095, %mul3A_1119 : i32
      %add3A_1121 = arith.constant 32 : i32
      %add3A_1122 = arith.addi %mul3A_1120, %add3A_1121 : i32
      %dma_wait3A_1123 = arith.constant 32 : i32
      %dma_wait3A_1124 = arith.constant 0 : i32
      %dma_wait3A_1125 = tpu.memref_slice %arg9[%dma_wait3A_1123, %dma_wait3A_1124] : memref<128x128xf32, #tpu.memory_space<vmem>> -> memref<32x128xf32, #tpu.memory_space<vmem>>
      %dma_wait3A_1126 = tpu.memref_slice %arg6[%add3A_1122] : memref<10240xi32, #tpu.memory_space<vmem>> -> memref<32xi32, #tpu.memory_space<vmem>>
      %dma_wait3A_1127 = arith.constant 0 : i32
      %dma_wait3A_1128 = arith.constant 0 : i32
      %dma_wait3A_1129 = tpu.memref_slice %arg2[%dma_wait3A_1127, %dma_wait3A_1128] : memref<20000x128xf32, #tpu.memory_space<hbm>> -> memref<20000x128xf32, #tpu.memory_space<hbm>>
      tpu.wait_indirect_dma semaphore(%arg12 : memref<!tpu.dma_semaphore, #tpu.memory_space<semaphore_mem>>) src(%dma_wait3A_1129 : memref<20000x128xf32, #tpu.memory_space<hbm>>) dst(%dma_wait3A_1125 : memref<32x128xf32, #tpu.memory_space<vmem>>)
      %mul3A_1130 = arith.constant 128 : i32
      %mul3A_1131 = arith.muli %add3A_1095, %mul3A_1130 : i32
      %add3A_1132 = arith.constant 64 : i32
      %add3A_1133 = arith.addi %mul3A_1131, %add3A_1132 : i32
      %dma_wait3A_1134 = arith.constant 64 : i32
      %dma_wait3A_1135 = arith.constant 0 : i32
      %dma_wait3A_1136 = tpu.memref_slice %arg9[%dma_wait3A_1134, %dma_wait3A_1135] : memref<128x128xf32, #tpu.memory_space<vmem>> -> memref<32x128xf32, #tpu.memory_space<vmem>>
      %dma_wait3A_1137 = tpu.memref_slice %arg6[%add3A_1133] : memref<10240xi32, #tpu.memory_space<vmem>> -> memref<32xi32, #tpu.memory_space<vmem>>
      %dma_wait3A_1138 = arith.constant 0 : i32
      %dma_wait3A_1139 = arith.constant 0 : i32
      %dma_wait3A_1140 = tpu.memref_slice %arg2[%dma_wait3A_1138, %dma_wait3A_1139] : memref<20000x128xf32, #tpu.memory_space<hbm>> -> memref<20000x128xf32, #tpu.memory_space<hbm>>
      tpu.wait_indirect_dma semaphore(%arg12 : memref<!tpu.dma_semaphore, #tpu.memory_space<semaphore_mem>>) src(%dma_wait3A_1140 : memref<20000x128xf32, #tpu.memory_space<hbm>>) dst(%dma_wait3A_1136 : memref<32x128xf32, #tpu.memory_space<vmem>>)
      %mul3A_1141 = arith.constant 128 : i32
      %mul3A_1142 = arith.muli %add3A_1095, %mul3A_1141 : i32
      %add3A_1143 = arith.constant 96 : i32
      %add3A_1144 = arith.addi %mul3A_1142, %add3A_1143 : i32
      %dma_wait3A_1145 = arith.constant 96 : i32
      %dma_wait3A_1146 = arith.constant 0 : i32
      %dma_wait3A_1147 = tpu.memref_slice %arg9[%dma_wait3A_1145, %dma_wait3A_1146] : memref<128x128xf32, #tpu.memory_space<vmem>> -> memref<32x128xf32, #tpu.memory_space<vmem>>
      %dma_wait3A_1148 = tpu.memref_slice %arg6[%add3A_1144] : memref<10240xi32, #tpu.memory_space<vmem>> -> memref<32xi32, #tpu.memory_space<vmem>>
      %dma_wait3A_1149 = arith.constant 0 : i32
      %dma_wait3A_1150 = arith.constant 0 : i32
      %dma_wait3A_1151 = tpu.memref_slice %arg2[%dma_wait3A_1149, %dma_wait3A_1150] : memref<20000x128xf32, #tpu.memory_space<hbm>> -> memref<20000x128xf32, #tpu.memory_space<hbm>>
      tpu.wait_indirect_dma semaphore(%arg12 : memref<!tpu.dma_semaphore, #tpu.memory_space<semaphore_mem>>) src(%dma_wait3A_1151 : memref<20000x128xf32, #tpu.memory_space<hbm>>) dst(%dma_wait3A_1147 : memref<32x128xf32, #tpu.memory_space<vmem>>)
      %dma_start3A_1152 = arith.constant 6 : i32
      %dma_start3A_1153 = arith.constant 0 : i32
      %dma_start3A_1154 = tpu.memref_slice %arg8[%dma_start3A_1152, %dma_start3A_1153] : memref<8x128xi32, #tpu.memory_space<vmem>> -> memref<1x128xi32, #tpu.memory_space<vmem>>
      %dma_start3A_1155 = tpu.memref_squeeze %dma_start3A_1154 : memref<1x128xi32, #tpu.memory_space<vmem>> -> memref<128xi32, #tpu.memory_space<vmem>>
      %dma_start3A_1156 = arith.constant 0 : i32
      %dma_start3A_1157 = arith.constant 0 : i32
      %dma_start3A_1158 = tpu.memref_slice %arg11[%dma_start3A_1156, %dma_start3A_1157] : memref<10112x128xf32, #tpu.memory_space<vmem_shared>> -> memref<10112x128xf32, #tpu.memory_space<vmem_shared>>
      tpu.enqueue_indirect_dma source(%arg9 : memref<128x128xf32, #tpu.memory_space<vmem>>) target(%dma_start3A_1158 : memref<10112x128xf32, #tpu.memory_space<vmem_shared>>) offsets(%dma_start3A_1155 : memref<128xi32, #tpu.memory_space<vmem>>) semaphore(%arg14 : memref<!tpu.dma_semaphore, #tpu.memory_space<semaphore_mem>>) {add = true}
      %mul3A_1159 = arith.constant 2 : i32
      %mul3A_1160 = arith.muli %add3A_63, %mul3A_1159 : i32
      %add3A_1161 = arith.constant 1 : i32
      %add3A_1162 = arith.addi %mul3A_1160, %add3A_1161 : i32
      %mul3A_1163 = arith.constant 8 : i32
      %mul3A_1164 = arith.muli %add3A_1162, %mul3A_1163 : i32
      %add3A_1165 = arith.constant 7 : i32
      %add3A_1166 = arith.addi %mul3A_1164, %add3A_1165 : i32
      %ge3A_1167 = arith.constant 1 : i32
      %ge3A_1168 = arith.cmpi sge, %add3A_1166, %ge3A_1167 : i32
      %convert_element_type3A_1169 = arith.extui %ge3A_1168 : i1 to i32
      %cond3A_1170 = arith.constant 0 : i32
      %cond3A_1171 = arith.cmpi ne, %convert_element_type3A_1169, %cond3A_1170 : i32
      scf.if %cond3A_1171 {
        %dma_wait3A_1230 = arith.constant 0 : i32
        %dma_wait3A_1231 = arith.constant 0 : i32
        %dma_wait3A_1232 = tpu.memref_slice %arg8[%dma_wait3A_1230, %dma_wait3A_1231] : memref<8x128xi32, #tpu.memory_space<vmem>> -> memref<1x128xi32, #tpu.memory_space<vmem>>
        %dma_wait3A_1233 = tpu.memref_squeeze %dma_wait3A_1232 : memref<1x128xi32, #tpu.memory_space<vmem>> -> memref<128xi32, #tpu.memory_space<vmem>>
        %dma_wait3A_1234 = arith.constant 0 : i32
        %dma_wait3A_1235 = arith.constant 0 : i32
        %dma_wait3A_1236 = tpu.memref_slice %arg11[%dma_wait3A_1234, %dma_wait3A_1235] : memref<10112x128xf32, #tpu.memory_space<vmem_shared>> -> memref<10112x128xf32, #tpu.memory_space<vmem_shared>>
        tpu.wait_indirect_dma semaphore(%arg14 : memref<!tpu.dma_semaphore, #tpu.memory_space<semaphore_mem>>) src(%arg9 : memref<128x128xf32, #tpu.memory_space<vmem>>) dst(%dma_wait3A_1236 : memref<10112x128xf32, #tpu.memory_space<vmem_shared>>)
      } else {
      }
      %add3A_1172 = arith.constant 1 : i32
      %add3A_1173 = arith.addi %add3A_1166, %add3A_1172 : i32
      %lt3A_1174 = arith.constant 80 : i32
      %lt3A_1175 = arith.cmpi slt, %add3A_1173, %lt3A_1174 : i32
      %convert_element_type3A_1176 = arith.extui %lt3A_1175 : i1 to i32
      %cond3A_1177 = arith.constant 0 : i32
      %cond3A_1178 = arith.cmpi ne, %convert_element_type3A_1176, %cond3A_1177 : i32
      scf.if %cond3A_1178 {
        %add3A_1230 = arith.constant 1 : i32
        %add3A_1231 = arith.addi %add3A_1166, %add3A_1230 : i32
        %mul3A_1232 = arith.constant 128 : i32
        %mul3A_1233 = arith.muli %add3A_1231, %mul3A_1232 : i32
        %add3A_1234 = arith.constant 0 : i32
        %add3A_1235 = arith.addi %mul3A_1233, %add3A_1234 : i32
        %dma_start3A_1236 = arith.constant 0 : i32
        %dma_start3A_1237 = arith.constant 0 : i32
        %dma_start3A_1238 = tpu.memref_slice %arg9[%dma_start3A_1236, %dma_start3A_1237] : memref<128x128xf32, #tpu.memory_space<vmem>> -> memref<32x128xf32, #tpu.memory_space<vmem>>
        %dma_start3A_1239 = tpu.memref_slice %arg6[%add3A_1235] : memref<10240xi32, #tpu.memory_space<vmem>> -> memref<32xi32, #tpu.memory_space<vmem>>
        %dma_start3A_1240 = arith.constant 0 : i32
        %dma_start3A_1241 = arith.constant 0 : i32
        %dma_start3A_1242 = tpu.memref_slice %arg2[%dma_start3A_1240, %dma_start3A_1241] : memref<20000x128xf32, #tpu.memory_space<hbm>> -> memref<20000x128xf32, #tpu.memory_space<hbm>>
        tpu.enqueue_indirect_dma source(%dma_start3A_1242 : memref<20000x128xf32, #tpu.memory_space<hbm>>) target(%dma_start3A_1238 : memref<32x128xf32, #tpu.memory_space<vmem>>) offsets(%dma_start3A_1239 : memref<32xi32, #tpu.memory_space<vmem>>) semaphore(%arg12 : memref<!tpu.dma_semaphore, #tpu.memory_space<semaphore_mem>>)
        %add3A_1243 = arith.constant 1 : i32
        %add3A_1244 = arith.addi %add3A_1166, %add3A_1243 : i32
        %mul3A_1245 = arith.constant 128 : i32
        %mul3A_1246 = arith.muli %add3A_1244, %mul3A_1245 : i32
        %add3A_1247 = arith.constant 32 : i32
        %add3A_1248 = arith.addi %mul3A_1246, %add3A_1247 : i32
        %dma_start3A_1249 = arith.constant 32 : i32
        %dma_start3A_1250 = arith.constant 0 : i32
        %dma_start3A_1251 = tpu.memref_slice %arg9[%dma_start3A_1249, %dma_start3A_1250] : memref<128x128xf32, #tpu.memory_space<vmem>> -> memref<32x128xf32, #tpu.memory_space<vmem>>
        %dma_start3A_1252 = tpu.memref_slice %arg6[%add3A_1248] : memref<10240xi32, #tpu.memory_space<vmem>> -> memref<32xi32, #tpu.memory_space<vmem>>
        %dma_start3A_1253 = arith.constant 0 : i32
        %dma_start3A_1254 = arith.constant 0 : i32
        %dma_start3A_1255 = tpu.memref_slice %arg2[%dma_start3A_1253, %dma_start3A_1254] : memref<20000x128xf32, #tpu.memory_space<hbm>> -> memref<20000x128xf32, #tpu.memory_space<hbm>>
        tpu.enqueue_indirect_dma source(%dma_start3A_1255 : memref<20000x128xf32, #tpu.memory_space<hbm>>) target(%dma_start3A_1251 : memref<32x128xf32, #tpu.memory_space<vmem>>) offsets(%dma_start3A_1252 : memref<32xi32, #tpu.memory_space<vmem>>) semaphore(%arg12 : memref<!tpu.dma_semaphore, #tpu.memory_space<semaphore_mem>>)
        %add3A_1256 = arith.constant 1 : i32
        %add3A_1257 = arith.addi %add3A_1166, %add3A_1256 : i32
        %mul3A_1258 = arith.constant 128 : i32
        %mul3A_1259 = arith.muli %add3A_1257, %mul3A_1258 : i32
        %add3A_1260 = arith.constant 64 : i32
        %add3A_1261 = arith.addi %mul3A_1259, %add3A_1260 : i32
        %dma_start3A_1262 = arith.constant 64 : i32
        %dma_start3A_1263 = arith.constant 0 : i32
        %dma_start3A_1264 = tpu.memref_slice %arg9[%dma_start3A_1262, %dma_start3A_1263] : memref<128x128xf32, #tpu.memory_space<vmem>> -> memref<32x128xf32, #tpu.memory_space<vmem>>
        %dma_start3A_1265 = tpu.memref_slice %arg6[%add3A_1261] : memref<10240xi32, #tpu.memory_space<vmem>> -> memref<32xi32, #tpu.memory_space<vmem>>
        %dma_start3A_1266 = arith.constant 0 : i32
        %dma_start3A_1267 = arith.constant 0 : i32
        %dma_start3A_1268 = tpu.memref_slice %arg2[%dma_start3A_1266, %dma_start3A_1267] : memref<20000x128xf32, #tpu.memory_space<hbm>> -> memref<20000x128xf32, #tpu.memory_space<hbm>>
        tpu.enqueue_indirect_dma source(%dma_start3A_1268 : memref<20000x128xf32, #tpu.memory_space<hbm>>) target(%dma_start3A_1264 : memref<32x128xf32, #tpu.memory_space<vmem>>) offsets(%dma_start3A_1265 : memref<32xi32, #tpu.memory_space<vmem>>) semaphore(%arg12 : memref<!tpu.dma_semaphore, #tpu.memory_space<semaphore_mem>>)
        %add3A_1269 = arith.constant 1 : i32
        %add3A_1270 = arith.addi %add3A_1166, %add3A_1269 : i32
        %mul3A_1271 = arith.constant 128 : i32
        %mul3A_1272 = arith.muli %add3A_1270, %mul3A_1271 : i32
        %add3A_1273 = arith.constant 96 : i32
        %add3A_1274 = arith.addi %mul3A_1272, %add3A_1273 : i32
        %dma_start3A_1275 = arith.constant 96 : i32
        %dma_start3A_1276 = arith.constant 0 : i32
        %dma_start3A_1277 = tpu.memref_slice %arg9[%dma_start3A_1275, %dma_start3A_1276] : memref<128x128xf32, #tpu.memory_space<vmem>> -> memref<32x128xf32, #tpu.memory_space<vmem>>
        %dma_start3A_1278 = tpu.memref_slice %arg6[%add3A_1274] : memref<10240xi32, #tpu.memory_space<vmem>> -> memref<32xi32, #tpu.memory_space<vmem>>
        %dma_start3A_1279 = arith.constant 0 : i32
        %dma_start3A_1280 = arith.constant 0 : i32
        %dma_start3A_1281 = tpu.memref_slice %arg2[%dma_start3A_1279, %dma_start3A_1280] : memref<20000x128xf32, #tpu.memory_space<hbm>> -> memref<20000x128xf32, #tpu.memory_space<hbm>>
        tpu.enqueue_indirect_dma source(%dma_start3A_1281 : memref<20000x128xf32, #tpu.memory_space<hbm>>) target(%dma_start3A_1277 : memref<32x128xf32, #tpu.memory_space<vmem>>) offsets(%dma_start3A_1278 : memref<32xi32, #tpu.memory_space<vmem>>) semaphore(%arg12 : memref<!tpu.dma_semaphore, #tpu.memory_space<semaphore_mem>>)
      } else {
      }
      %mul3A_1179 = arith.constant 128 : i32
      %mul3A_1180 = arith.muli %add3A_1166, %mul3A_1179 : i32
      %add3A_1181 = arith.constant 0 : i32
      %add3A_1182 = arith.addi %mul3A_1180, %add3A_1181 : i32
      %dma_wait3A_1183 = arith.constant 0 : i32
      %dma_wait3A_1184 = arith.constant 0 : i32
      %dma_wait3A_1185 = tpu.memref_slice %arg10[%dma_wait3A_1183, %dma_wait3A_1184] : memref<128x128xf32, #tpu.memory_space<vmem>> -> memref<32x128xf32, #tpu.memory_space<vmem>>
      %dma_wait3A_1186 = tpu.memref_slice %arg6[%add3A_1182] : memref<10240xi32, #tpu.memory_space<vmem>> -> memref<32xi32, #tpu.memory_space<vmem>>
      %dma_wait3A_1187 = arith.constant 0 : i32
      %dma_wait3A_1188 = arith.constant 0 : i32
      %dma_wait3A_1189 = tpu.memref_slice %arg2[%dma_wait3A_1187, %dma_wait3A_1188] : memref<20000x128xf32, #tpu.memory_space<hbm>> -> memref<20000x128xf32, #tpu.memory_space<hbm>>
      tpu.wait_indirect_dma semaphore(%arg13 : memref<!tpu.dma_semaphore, #tpu.memory_space<semaphore_mem>>) src(%dma_wait3A_1189 : memref<20000x128xf32, #tpu.memory_space<hbm>>) dst(%dma_wait3A_1185 : memref<32x128xf32, #tpu.memory_space<vmem>>)
      %mul3A_1190 = arith.constant 128 : i32
      %mul3A_1191 = arith.muli %add3A_1166, %mul3A_1190 : i32
      %add3A_1192 = arith.constant 32 : i32
      %add3A_1193 = arith.addi %mul3A_1191, %add3A_1192 : i32
      %dma_wait3A_1194 = arith.constant 32 : i32
      %dma_wait3A_1195 = arith.constant 0 : i32
      %dma_wait3A_1196 = tpu.memref_slice %arg10[%dma_wait3A_1194, %dma_wait3A_1195] : memref<128x128xf32, #tpu.memory_space<vmem>> -> memref<32x128xf32, #tpu.memory_space<vmem>>
      %dma_wait3A_1197 = tpu.memref_slice %arg6[%add3A_1193] : memref<10240xi32, #tpu.memory_space<vmem>> -> memref<32xi32, #tpu.memory_space<vmem>>
      %dma_wait3A_1198 = arith.constant 0 : i32
      %dma_wait3A_1199 = arith.constant 0 : i32
      %dma_wait3A_1200 = tpu.memref_slice %arg2[%dma_wait3A_1198, %dma_wait3A_1199] : memref<20000x128xf32, #tpu.memory_space<hbm>> -> memref<20000x128xf32, #tpu.memory_space<hbm>>
      tpu.wait_indirect_dma semaphore(%arg13 : memref<!tpu.dma_semaphore, #tpu.memory_space<semaphore_mem>>) src(%dma_wait3A_1200 : memref<20000x128xf32, #tpu.memory_space<hbm>>) dst(%dma_wait3A_1196 : memref<32x128xf32, #tpu.memory_space<vmem>>)
      %mul3A_1201 = arith.constant 128 : i32
      %mul3A_1202 = arith.muli %add3A_1166, %mul3A_1201 : i32
      %add3A_1203 = arith.constant 64 : i32
      %add3A_1204 = arith.addi %mul3A_1202, %add3A_1203 : i32
      %dma_wait3A_1205 = arith.constant 64 : i32
      %dma_wait3A_1206 = arith.constant 0 : i32
      %dma_wait3A_1207 = tpu.memref_slice %arg10[%dma_wait3A_1205, %dma_wait3A_1206] : memref<128x128xf32, #tpu.memory_space<vmem>> -> memref<32x128xf32, #tpu.memory_space<vmem>>
      %dma_wait3A_1208 = tpu.memref_slice %arg6[%add3A_1204] : memref<10240xi32, #tpu.memory_space<vmem>> -> memref<32xi32, #tpu.memory_space<vmem>>
      %dma_wait3A_1209 = arith.constant 0 : i32
      %dma_wait3A_1210 = arith.constant 0 : i32
      %dma_wait3A_1211 = tpu.memref_slice %arg2[%dma_wait3A_1209, %dma_wait3A_1210] : memref<20000x128xf32, #tpu.memory_space<hbm>> -> memref<20000x128xf32, #tpu.memory_space<hbm>>
      tpu.wait_indirect_dma semaphore(%arg13 : memref<!tpu.dma_semaphore, #tpu.memory_space<semaphore_mem>>) src(%dma_wait3A_1211 : memref<20000x128xf32, #tpu.memory_space<hbm>>) dst(%dma_wait3A_1207 : memref<32x128xf32, #tpu.memory_space<vmem>>)
      %mul3A_1212 = arith.constant 128 : i32
      %mul3A_1213 = arith.muli %add3A_1166, %mul3A_1212 : i32
      %add3A_1214 = arith.constant 96 : i32
      %add3A_1215 = arith.addi %mul3A_1213, %add3A_1214 : i32
      %dma_wait3A_1216 = arith.constant 96 : i32
      %dma_wait3A_1217 = arith.constant 0 : i32
      %dma_wait3A_1218 = tpu.memref_slice %arg10[%dma_wait3A_1216, %dma_wait3A_1217] : memref<128x128xf32, #tpu.memory_space<vmem>> -> memref<32x128xf32, #tpu.memory_space<vmem>>
      %dma_wait3A_1219 = tpu.memref_slice %arg6[%add3A_1215] : memref<10240xi32, #tpu.memory_space<vmem>> -> memref<32xi32, #tpu.memory_space<vmem>>
      %dma_wait3A_1220 = arith.constant 0 : i32
      %dma_wait3A_1221 = arith.constant 0 : i32
      %dma_wait3A_1222 = tpu.memref_slice %arg2[%dma_wait3A_1220, %dma_wait3A_1221] : memref<20000x128xf32, #tpu.memory_space<hbm>> -> memref<20000x128xf32, #tpu.memory_space<hbm>>
      tpu.wait_indirect_dma semaphore(%arg13 : memref<!tpu.dma_semaphore, #tpu.memory_space<semaphore_mem>>) src(%dma_wait3A_1222 : memref<20000x128xf32, #tpu.memory_space<hbm>>) dst(%dma_wait3A_1218 : memref<32x128xf32, #tpu.memory_space<vmem>>)
      %dma_start3A_1223 = arith.constant 7 : i32
      %dma_start3A_1224 = arith.constant 0 : i32
      %dma_start3A_1225 = tpu.memref_slice %arg8[%dma_start3A_1223, %dma_start3A_1224] : memref<8x128xi32, #tpu.memory_space<vmem>> -> memref<1x128xi32, #tpu.memory_space<vmem>>
      %dma_start3A_1226 = tpu.memref_squeeze %dma_start3A_1225 : memref<1x128xi32, #tpu.memory_space<vmem>> -> memref<128xi32, #tpu.memory_space<vmem>>
      %dma_start3A_1227 = arith.constant 0 : i32
      %dma_start3A_1228 = arith.constant 0 : i32
      %dma_start3A_1229 = tpu.memref_slice %arg11[%dma_start3A_1227, %dma_start3A_1228] : memref<10112x128xf32, #tpu.memory_space<vmem_shared>> -> memref<10112x128xf32, #tpu.memory_space<vmem_shared>>
      tpu.enqueue_indirect_dma source(%arg10 : memref<128x128xf32, #tpu.memory_space<vmem>>) target(%dma_start3A_1229 : memref<10112x128xf32, #tpu.memory_space<vmem_shared>>) offsets(%dma_start3A_1226 : memref<128xi32, #tpu.memory_space<vmem>>) semaphore(%arg15 : memref<!tpu.dma_semaphore, #tpu.memory_space<semaphore_mem>>) {add = true}
    }
    %scan3A_46 = arith.constant 5 : i32
    %dma_wait3A_47 = arith.constant 7 : i32
    %dma_wait3A_48 = arith.constant 0 : i32
    %dma_wait3A_49 = tpu.memref_slice %arg8[%dma_wait3A_47, %dma_wait3A_48] : memref<8x128xi32, #tpu.memory_space<vmem>> -> memref<1x128xi32, #tpu.memory_space<vmem>>
    %dma_wait3A_50 = tpu.memref_squeeze %dma_wait3A_49 : memref<1x128xi32, #tpu.memory_space<vmem>> -> memref<128xi32, #tpu.memory_space<vmem>>
    %dma_wait3A_51 = arith.constant 0 : i32
    %dma_wait3A_52 = arith.constant 0 : i32
    %dma_wait3A_53 = tpu.memref_slice %arg11[%dma_wait3A_51, %dma_wait3A_52] : memref<10112x128xf32, #tpu.memory_space<vmem_shared>> -> memref<10112x128xf32, #tpu.memory_space<vmem_shared>>
    tpu.wait_indirect_dma semaphore(%arg15 : memref<!tpu.dma_semaphore, #tpu.memory_space<semaphore_mem>>) src(%arg10 : memref<128x128xf32, #tpu.memory_space<vmem>>) dst(%dma_wait3A_53 : memref<10112x128xf32, #tpu.memory_space<vmem_shared>>)
    %barrier3A_54 = arith.constant 0 : index
    tpu.barrier barrier_id(%barrier3A_54)
    %mul3A_55 = arith.constant 632 : i32
    %mul3A_56 = arith.muli %arg1, %mul3A_55 : i32
    %mul3A_57 = arith.constant 632 : i32
    %mul3A_58 = arith.muli %arg1, %mul3A_57 : i32
    "tpu.region"() ({
      %run_scoped3A = tpu.sem_alloc : memref<!tpu.dma_semaphore, #tpu.memory_space<semaphore_mem>>
      %dma_start3A_59 = arith.constant 0 : i32
      %dma_start3A_60 = tpu.memref_slice %arg5[%arg0, %mul3A_58, %dma_start3A_59] : memref<2x10112x128xf32, #tpu.memory_space<hbm>> -> memref<1x632x128xf32, #tpu.memory_space<hbm>>
      %dma_start3A_61 = tpu.memref_squeeze %dma_start3A_60 : memref<1x632x128xf32, #tpu.memory_space<hbm>> -> memref<632x128xf32, #tpu.memory_space<hbm>>
      %dma_start3A_62 = arith.constant 0 : i32
      %dma_start3A_63 = tpu.memref_slice %arg11[%mul3A_56, %dma_start3A_62] : memref<10112x128xf32, #tpu.memory_space<vmem_shared>> -> memref<632x128xf32, #tpu.memory_space<vmem_shared>>
      tpu.enqueue_dma source(%dma_start3A_63 : memref<632x128xf32, #tpu.memory_space<vmem_shared>>) target(%dma_start3A_61 : memref<632x128xf32, #tpu.memory_space<hbm>>) target_semaphore(%run_scoped3A : memref<!tpu.dma_semaphore, #tpu.memory_space<semaphore_mem>>)
      %dma_wait3A_64 = arith.constant 0 : i32
      %dma_wait3A_65 = tpu.memref_slice %arg5[%arg0, %mul3A_58, %dma_wait3A_64] : memref<2x10112x128xf32, #tpu.memory_space<hbm>> -> memref<1x632x128xf32, #tpu.memory_space<hbm>>
      %dma_wait3A_66 = tpu.memref_squeeze %dma_wait3A_65 : memref<1x632x128xf32, #tpu.memory_space<hbm>> -> memref<632x128xf32, #tpu.memory_space<hbm>>
      %dma_wait3A_67 = arith.constant 0 : i32
      %dma_wait3A_68 = tpu.memref_slice %arg11[%mul3A_56, %dma_wait3A_67] : memref<10112x128xf32, #tpu.memory_space<vmem_shared>> -> memref<632x128xf32, #tpu.memory_space<vmem_shared>>
      tpu.wait_dma2 semaphore(%run_scoped3A : memref<!tpu.dma_semaphore, #tpu.memory_space<semaphore_mem>>) src(%dma_wait3A_68 : memref<632x128xf32, #tpu.memory_space<vmem_shared>>) dst(%dma_wait3A_66 : memref<632x128xf32, #tpu.memory_space<hbm>>)
      tpu.yield
    }) : () -> ()
    return
  }
}

module attributes {stable_mosaic.version = 14 : i64} {
  func.func @body(%arg0: i32, %arg1: memref<1x400x128xf32, #tpu.memory_space<vmem>>, %arg2: memref<1x400x128xf32, #tpu.memory_space<vmem>>, %arg3: memref<256x256xf32, #tpu.memory_space<vmem>>, %arg4: memref<1x256xf32, #tpu.memory_space<vmem>>, %arg5: memref<400x256xf32, #tpu.memory_space<vmem>>) attributes {dimension_semantics = [#tpu.dimension_semantics<arbitrary>], iteration_bounds = array<i64: 25>, scalar_prefetch = 0 : i64, scratch_operands = 0 : i64, tpu.core_type = #tpu.core_type<tc>, window_params = [{transform_indices = @transform_0, window_bounds = array<i64: 1, 400, 128>}, {transform_indices = @transform_1, window_bounds = array<i64: 1, 400, 128>}, {pipeline_mode = #tpu.pipeline_mode<synchronous>, transform_indices = @transform_2, window_bounds = array<i64: 256, 256>}, {pipeline_mode = #tpu.pipeline_mode<synchronous>, transform_indices = @transform_3, window_bounds = array<i64: 1, 256>}, {transform_indices = @transform_4, window_bounds = array<i64: 400, 256>}]} {
    %get3A = arith.constant 0 : index
    %get3A_0 = arith.constant 0 : index
    %get3A_1 = arith.constant 0 : index
    %get3A_2 = vector.load %arg1[%get3A, %get3A_0, %get3A_1] : memref<1x400x128xf32, #tpu.memory_space<vmem>>, vector<1x400x128xf32>
    %get3A_3 = vector.shape_cast %get3A_2 : vector<1x400x128xf32> to vector<400x128xf32>
    %get3A_4 = arith.constant 0 : index
    %get3A_5 = arith.constant 0 : index
    %get3A_6 = vector.load %arg3[%get3A_4, %get3A_5] : memref<256x256xf32, #tpu.memory_space<vmem>>, vector<128x256xf32>
    %dot_general3A = arith.constant dense<0.000000e+00> : vector<400x256xf32>
    %dot_general3A_7 = tpu.matmul %get3A_3, %get3A_6, %dot_general3A {dimension_numbers = #tpu.dot_dimension_numbers<[1], [0], [0], [1], [0, 0, 1, 1], [], []>, transpose_lhs_hint = false} : vector<400x128xf32>, vector<128x256xf32>, vector<400x256xf32> -> vector<400x256xf32>
    %get3A_8 = arith.constant 0 : index
    %get3A_9 = arith.constant 0 : index
    %get3A_10 = arith.constant 0 : index
    %get3A_11 = vector.load %arg2[%get3A_8, %get3A_9, %get3A_10] : memref<1x400x128xf32, #tpu.memory_space<vmem>>, vector<1x400x128xf32>
    %get3A_12 = vector.shape_cast %get3A_11 : vector<1x400x128xf32> to vector<400x128xf32>
    %get3A_13 = arith.constant 128 : index
    %get3A_14 = arith.constant 0 : index
    %get3A_15 = vector.load %arg3[%get3A_13, %get3A_14] : memref<256x256xf32, #tpu.memory_space<vmem>>, vector<128x256xf32>
    %dot_general3A_16 = arith.constant dense<0.000000e+00> : vector<400x256xf32>
    %dot_general3A_17 = tpu.matmul %get3A_12, %get3A_15, %dot_general3A_16 {dimension_numbers = #tpu.dot_dimension_numbers<[1], [0], [0], [1], [0, 0, 1, 1], [], []>, transpose_lhs_hint = false} : vector<400x128xf32>, vector<128x256xf32>, vector<400x256xf32> -> vector<400x256xf32>
    %add3A = arith.addf %dot_general3A_7, %dot_general3A_17 : vector<400x256xf32>
    %get3A_18 = arith.constant 0 : index
    %get3A_19 = arith.constant 0 : index
    %get3A_20 = vector.load %arg4[%get3A_18, %get3A_19] : memref<1x256xf32, #tpu.memory_space<vmem>>, vector<1x256xf32>
    %add3A_21 = vector.broadcast %get3A_20 : vector<1x256xf32> to vector<400x256xf32>
    %add3A_22 = arith.addf %add3A, %add3A_21 : vector<400x256xf32>
    %max3A = arith.constant 0.000000e+00 : f32
    %max3A_23 = vector.broadcast %max3A : f32 to vector<400x256xf32>
    %max3A_24 = arith.maximumf %add3A_22, %max3A_23 : vector<400x256xf32>
    %swap3A = arith.constant 0 : index
    %swap3A_25 = arith.constant 0 : index
    %swap3A_26 = vector.load %arg5[%swap3A, %swap3A_25] : memref<400x256xf32, #tpu.memory_space<vmem>>, vector<400x256xf32>
    tpu.vector_store %arg5[%swap3A, %swap3A_25], %max3A_24 {strides = array<i32>} : memref<400x256xf32, #tpu.memory_space<vmem>>, vector<400x256xf32>,
    return
  }
  func.func @transform_0(%arg0: i32) -> (i32, i32, i32) {
    %c0_i32 = arith.constant 0 : i32
    %c0_i32_0 = arith.constant 0 : i32
    %c0_i32_1 = arith.constant 0 : i32
    return %c0_i32, %arg0, %c0_i32_0 : i32, i32, i32
  }
  func.func @transform_1(%arg0: i32) -> (i32, i32, i32) {
    %c1_i32 = arith.constant 1 : i32
    %c0_i32 = arith.constant 0 : i32
    %c0_i32_0 = arith.constant 0 : i32
    return %c1_i32, %arg0, %c0_i32 : i32, i32, i32
  }
  func.func @transform_2(%arg0: i32) -> (i32, i32) {
    %c0_i32 = arith.constant 0 : i32
    %c0_i32_0 = arith.constant 0 : i32
    %c0_i32_1 = arith.constant 0 : i32
    return %c0_i32, %c0_i32_0 : i32, i32
  }
  func.func @transform_3(%arg0: i32) -> (i32, i32) {
    %c0_i32 = arith.constant 0 : i32
    %c0_i32_0 = arith.constant 0 : i32
    %c0_i32_1 = arith.constant 0 : i32
    return %c0_i32, %c0_i32_0 : i32, i32
  }
  func.func @transform_4(%arg0: i32) -> (i32, i32) {
    %c0_i32 = arith.constant 0 : i32
    %c0_i32_0 = arith.constant 0 : i32
    return %arg0, %c0_i32 : i32, i32
  }
}

</mosaic_0001>

<sc_bundles>
// kernel: kernel.4.cloned.1.call-start
scs
__scs_entry_jumppad:
0x0: {  	(pc) =	sbr.rel $0x88, $3  }
0x1: {  	(tag) =	ssettag $0x0;
	lr =	simm.s32 $0x1  }
0x2: {  	[smem:$0x3F9D] =	sst lr;
	_ =	strace $0xD0000000  }
0x3: {  	_ = 	snop  }
0x4: {  	_ = 	snop  }
0x5: {  	_ = 	snop  }
0x6: {  	_ = 	snop  }
0x7: {  	_ = 	snop  }
__scs_overlays_trampoline_lowered:
0x8: {  	[smem:$0x3FAC] =	sst s0  }
0x9: {  	[smem:$0x3FAD] =	sst s1  }
0xa: {  	[smem:$0x3FAE] =	sst s2  }
0xb: {  	[smem:$0x3FAF] =	sst s3  }
0xc: {  	[smem:$0x3FB0] =	sst s4  }
0xd: {  	[smem:$0x3FB1] =	sst s5  }
0xe: {  	[smem:$0x3FB2] =	sst s6  }
0xf: {  	[smem:$0x3FB3] =	sst s7  }
0x10: {  	[smem:$0x3FB4] =	sst s8  }
0x11: {  	[smem:$0x3FB5] =	sst s9;
	s0 =	simm.s32 @!p0 $0x0  }
0x12: {  	s1 =	sld [smem:$0x3F9B];
	s0 =	simm.s32 @p0 $0x1  }
0x13: {  	[smem:$0x3FB6] =	sst s0;
	s0 =	simm.s32 @!p1 $0x0  }
0x14: {  	s2 =	sld [smem:$0x3F9A];
	s0 =	simm.s32 @p1 $0x1  }
0x15: {  	[smem:$0x3FB7] =	sst s0;
	s0 =	simm.s32 @!p2 $0x0  }
0x16: {  	s3 =	sld [smem:$0x3FDB];
	s0 =	simm.s32 @p2 $0x1  }
0x17: {  	s4 =	simm.s32 $0x1BF5;
	[smem:$0x3FB9] =	sst s0  }
0x18: {  	s0 =	sld [smem:$0x3F9C];
	_ =	swait.ge [sflag:s4], $0x0  }
0x19: {  	s7 =	sld [smem:$0x3F9D]  }
0x1a: {  	s8 =	sadd.s32 $0xFFFFE003, lr  }
0x1b: {  	s9 =	sadd.s32 $0xFFFFFEF7, lr;
	s5 =	simm.s32 $0xFFFFFFFF;
	p2 =	slt.u32 s8, $0xFFFFF086  }
0x1c: {  	p1 =	slt.u32 s9, $0xF7A;
	s5 =	simm.s32 @!p2 $0x0  }
0x1d: {  	s5 =	simm.s32 @p1 $0x1;
	p0 =	seq.s32 s7, s2  }
0x1e: {  	s7 =	smul.u32 @!p0 $0xF7A, s2;
	p2 =	seq.s32 @!p0 s5, $0x0  }
0x1f: {  	s9 =	smul.u32 $0xF7A, s1;
	s8 =	simm.s32 @!p0 $0x1BF5;
	p2 =	por !p2, p0  }
0x20: {  	[sflag:s8] =	ssyncset.s32 @!p0 $0xFFFFF086;
	s6 =	sadd.s32 @!p0 s3, s7;
	s7 =	simm.s32 @!p0 $0x108  }
0x21: {  	s3 =	sadd.s32 s3, s9;
	s6 =	sadd.s32 @!p0 $0x88, s6;
	s7 =	simm.s32 @p2 $0x1082  }
0x22: {  	[simem:s7], [sflag:s8] =	dma.local @!p0 [hbm:s6], $0xF7A  }
0x23: {  	s9 =	sor.u32 $0xD0000000, s2;
	s6 =	simm.s32 $0x108;
	_ =	swait.ge @!p0 [sflag:s8], $0x0  }
0x24: {  	s3 =	sadd.s32 $0x88, s3;
	s6 =	simm.s32 @!p1 $0x1082;
	[sflag:s4] =	ssyncset.s32 $0xFFFFF086  }
0x25: {  	[simem:s6], [sflag:s4] =	dma.local [hbm:s3], $0xF7A  }
0x26: {  	[smem:$0x3F9D] =	sst s1;
	(tag) =	ssettag s2;
	_ =	strace s9  }
0x27: {  	s1 =	sld [smem:$0x3FAD]  }
0x28: {  	s2 =	sld [smem:$0x3FAE]  }
0x29: {  	s4 =	sld [smem:$0x3FB0]  }
0x2a: {  	p0 =	seq.s32 s5, $0x0;
	s5 =	sld [smem:$0x3FB1]  }
0x2b: {  	s6 =	sld [smem:$0x3FB2]  }
0x2c: {  	s7 =	sld [smem:$0x3FB3]  }
0x2d: {  	s3 =	simm.s32 $0x108;
	s8 =	sld [smem:$0x3FB4]  }
0x2e: {  	s3 =	simm.s32 @!p0 $0x1082;
	s9 =	sld [smem:$0x3FB5]  }
0x2f: {  	lr =	sadd.s32 s0, s3;
	s0 =	sld [smem:$0x3FAC]  }
0x30: {  	s3 =	sld [smem:$0x3FAF]  }
0x31: {  	[smem:$0x3FB8] =	sst s10  }
0x32: {  	s10 =	sld [smem:$0x3FB6];
	_ =	sdelay $0x3  }
0x33: {  	p0 =	seq.s32 s10, $0x1;
	s10 =	sld [smem:$0x3FB8];
	_ =	sdelay $0x3  }
0x34: {  	[smem:$0x3FB8] =	sst s10  }
0x35: {  	s10 =	sld [smem:$0x3FB7];
	_ =	sdelay $0x3  }
0x36: {  	p1 =	seq.s32 s10, $0x1;
	s10 =	sld [smem:$0x3FB8];
	_ =	sdelay $0x3  }
0x37: {  	[smem:$0x3FB8] =	sst s10  }
0x38: {  	s10 =	sld [smem:$0x3FB9]  }
0x39: {  	_ = 	snop;
	(pc) =	sbr.ind lr, $3  }
0x3a: {  	_ = 	snop  }
0x3b: {  	_ = 	snop  }
0x3c: {  	p2 =	seq.s32 s10, $0x1;
	s10 =	sld [smem:$0x3FB8]  }
0x3d: {  	_ =	shalt  }
0x3e: {  	_ =	shalt  }
0x3f: {  	_ =	shalt  }
0x40: {  	_ =	shalt  }
0x41: {  	_ =	shalt  }
0x42: {  	_ =	shalt  }
0x43: {  	_ =	shalt  }
0x44: {  	_ =	shalt  }
0x45: {  	_ =	shalt  }
0x46: {  	_ =	shalt  }
0x47: {  	_ =	shalt  }
0x48: {  	_ =	shalt  }
0x49: {  	_ =	shalt  }
0x4a: {  	_ =	shalt  }
0x4b: {  	_ =	shalt  }
0x4c: {  	_ =	shalt  }
0x4d: {  	_ =	shalt  }
0x4e: {  	_ =	shalt  }
0x4f: {  	_ =	shalt  }
0x50: {  	_ =	shalt  }
0x51: {  	_ =	shalt  }
0x52: {  	_ =	shalt  }
0x53: {  	_ =	shalt  }
0x54: {  	_ =	shalt  }
0x55: {  	_ =	shalt  }
0x56: {  	_ =	shalt  }
0x57: {  	_ =	shalt  }
0x58: {  	_ =	shalt  }
0x59: {  	_ =	shalt  }
0x5a: {  	_ =	shalt  }
0x5b: {  	_ =	shalt  }
0x5c: {  	_ =	shalt  }
0x5d: {  	_ =	shalt  }
0x5e: {  	_ =	shalt  }
0x5f: {  	_ =	shalt  }
0x60: {  	_ =	shalt  }
0x61: {  	_ =	shalt  }
0x62: {  	_ =	shalt  }
0x63: {  	_ =	shalt  }
0x64: {  	_ =	shalt  }
0x65: {  	_ =	shalt  }
0x66: {  	_ =	shalt  }
0x67: {  	_ =	shalt  }
0x68: {  	_ =	shalt  }
0x69: {  	_ =	shalt  }
0x6a: {  	_ =	shalt  }
0x6b: {  	_ =	shalt  }
0x6c: {  	_ =	shalt  }
0x6d: {  	_ =	shalt  }
0x6e: {  	_ =	shalt  }
0x6f: {  	_ =	shalt  }
0x70: {  	_ =	shalt  }
0x71: {  	_ =	shalt  }
0x72: {  	_ =	shalt  }
0x73: {  	_ =	shalt  }
0x74: {  	_ =	shalt  }
0x75: {  	_ =	shalt  }
0x76: {  	_ =	shalt  }
0x77: {  	_ =	shalt  }
0x78: {  	_ =	shalt  }
0x79: {  	_ =	shalt  }
0x7a: {  	_ =	shalt  }
0x7b: {  	_ =	shalt  }
0x7c: {  	_ =	shalt  }
0x7d: {  	_ =	shalt  }
0x7e: {  	_ =	shalt  }
0x7f: {  	_ =	shalt  }
0x80: {  	_ =	shalt  }
0x81: {  	_ =	shalt  }
0x82: {  	_ =	shalt  }
0x83: {  	_ =	shalt  }
0x84: {  	_ =	shalt  }
0x85: {  	_ =	shalt  }
0x86: {  	_ =	shalt  }
0x87: {  	_ =	shalt  }
.Lfunc_end0:
.L_simem_size_0:
called_computation_lowered:
.L_overlay_start_0:
0x88: {  	s2 =	sld [smem:$0x3FD9]  }
0x89: {  	s3 =	sld [smem:$0x3FFE];
	_ =	sdelay $0x1  }
0x8a: {  	s1 =	srdreg.scid  }
0x8b: {  	s0 =	sand.u32 $0x1, s1  }
0x8c: {  	s17 =	sshll.u32 s0, $0xA;
	s2 =	sadd.s32 s3, s2  }
0x8d: {  	s2 =	sadd.s32 s2, s17  }
0x8e: {  	[smem:$0x3FC4] =	sst s2  }
0x8f: {  	_ = 	snop  }
0x90: {  	s2 =	sld [smem:$0x3FD0];
	(tm) =	ssettm $0x1  }
0x91: {  	s18 =	sld [smem:$0x3FFB];
	_ =	sdelay $0x3  }
0x92: {  	_ =	strace s18  }
0x93: {  	s3 =	sld [smem:$0x3FFC];
	_ =	sdelay $0x3  }
0x94: {  	_ =	strace s3  }
0x95: {  	s3 =	sld [smem:$0x3FFD];
	_ =	sdelay $0x3  }
0x96: {  	_ =	strace s3  }
0x97: {  	_ =	strace $0x8FFFFFFF  }
0x98: {  	s19 =	sld [smem:$0x3FDB];
	_ =	sdelay $0x1  }
0x99: {  	s4 =	simm.s32 $_scs_section_size  }
0x9a: {  	s5 =	simm.s32 $_size__tile_overlayer_lowered;
	s6 =	simm.s32 $_tile_overlayer_lowered  }
0x9b: {  	s22 =	simm.s32 $0x1BFF;
	s21 =	sshll.u32 s6, $0x1;
	s3 =	sadd.s32 s4, s19  }
0x9c: {  	s7 =	simm.s32 $0x0;
	s20 =	sshll.u32 s5, $0x1;
	s5 =	sadd.s32 s21, s3  }
0x9d: {  	[timem:s7], [sflag:s22] =	dma.local [hbm:s5], s20  }
0x9e: {  	_ =	swait.ge [sflag:s22], s20  }
0x9f: {  	s4 =	ssub.s32 $0x0, s20;
	[sflag:s22] =	ssyncset.done $0x0  }
0xa0: {  	[sflag:s22] =	ssyncadd.s32 s4;
	_ =	sdelay $0x1  }
0xa1: {  	s23 =	simm.s32 $0x1B8B  }
0xa2: {  	_ =	swait.ge [sflag:s23], $0x1  }
0xa3: {  	[sflag:s23] =	ssyncset.done $0x0  }
0xa4: {  	s25 =	simm.s32 $0x1B8E;
	s24 =	sld [smem:$0x3FFE];
	[sflag:s23] =	ssyncadd.s32 $0xFFFFFFFF  }
0xa5: {  	s26 =	simm.s32 $execute0_lowered;
	[smem:$0x3FD2] =	sst s25  }
0xa6: {  	s5 =	sshll.u32 s26, $0x1;
	_ =	strace $0x80000046;
	[dreg:$0x1] =	wrdreg $0xFFFFFFFF  }
0xa7: {  	s28 =	simm.s32 $_size_execute0_lowered;
	s3 =	sadd.s32 s3, s5;
	[dreg:$0x0] =	wrdreg $0x0  }
0xa8: {  	s5 =	sshll.u32 s28, $0x1;
	[dreg:$0x2] =	wrdreg s3  }
0xa9: {  	[dreg:$0x3] =	wrdreg s5  }
0xaa: {  	[dreg:$0x4] =	wrdreg $0xC0  }
0xab: {  	_ =	task [dreg:s7], $0x5FFFF  }
0xac: {  	[dreg:$0x1] =	wrdreg $0xFFFFFFFF  }
0xad: {  	[dreg:$0x0] =	wrdreg $0x60  }
0xae: {  	[dreg:$0x2] =	wrdreg s2  }
0xaf: {  	[dreg:$0x3] =	wrdreg s24  }
0xb0: {  	[dreg:$0x4] =	wrdreg $0xB0000  }
0xb1: {  	[dreg:$0x5] =	wrdreg $0x9  }
0xb2: {  	_ =	task.clear_ibuf [dreg:s7], $0x6FFFF;
	_ =	strace $0x90000046  }
0xb3: {  	s29 =	simm.s32 $0x9;
	_ =	strace $0x80000048  }
0xb4: {  	_ =	swait.ge [sflag:s29], $0x1  }
0xb5: {  	[sflag:s29] =	ssyncadd.s32 $0xFFFFFFFF  }
0xb6: {  	_ =	strace $0x90000048  }
0xb7: {  	_ =	sfence  }
0xb8: {  	s30 =	sld [smem:$0x0];
	_ =	sdelay $0x2  }
0xb9: {  	s31 =	sshll.u32 s1, $0xD;
	s1 =	sshrl.u32 s1, $0x2  }
0xba: {  	s3 =	sand.u32 $0x4000, s31;
	s1 =	sadd.s32 s1, s30  }
0xbb: {  	s0 =	sor.u32 s3, s0;
	s1 =	sshll.u32 s1, $0x11  }
0xbc: {  	s0 =	sor.u32 s1, s0  }
0xbd: {  	s0 =	sadd.s32 $0x8F2B, s0  }
0xbe: {  	[sflag:s0] =	ssyncadd.remote.s32 $0x1  }
0xbf: {  	_ =	sfence.sel $0xFFFF  }
0xc0: {  	[dreg:$0x0] =	wrdreg $0xFFFFFFFF;
	(pc) =	sbr.abs _section_cstart, $3  }
0xc1: {  	[dreg:$0x1] =	wrdreg $0xFFFFFFFF  }
0xc2: {  	_ =	task.clear_ibuf [dreg:s7], $0x2FFFF;
	_ =	strace $0x9FFFFFFF  }
0xc3: {  	(tm) =	ssettm $0x7FFFFFFF  }
tec
execute0_lowered:
.L_overlay_start_1:
0x0: {  	(tag) =	ssettag $0x1  }
0x1: {  	s1 =	rddreg [dreg:$0x0]  }
0x2: {  	s0 =	rddreg [dreg:$0x1]  }
0x3: {  	s2 =	srdreg.scid;
	s9 =	stileid.u32  }
0x4: {  	s3 =	rddreg [dreg:$0x2];
	s4 =	simm.s32 $0x0;
	s10 =	simm.s32 $0x2880  }
0x5: {  	s12 =	simm.s32 $0x2900;
	s14 =	simm.s32 $0x2980;
	s15 =	simm.s32 $0x2A00  }
0x6: {  	s16 =	simm.s32 $0x2A80;
	s18 =	simm.s32 $0x2B00;
	[smem:$0x7FF] =	sst s4  }
0x7: {  	s19 =	simm.s32 $0x2B80;
	_ =	strace $0x80000047;
	[dreg:$0x4] =	wrdreg s10  }
0x8: {  	s20 =	simm.s32 $0x2C80;
	s21 =	simm.s32 $0x2D00;
	[dreg:$0x5] =	wrdreg s12  }
0x9: {  	s28 =	simm.s32 $0xA000;
	s29 =	simm.s32 $0x1;
	[dreg:$0x6] =	wrdreg s14  }
0xa: {  	s30 =	simm.s32 $0x3;
	s5 =	smul.u32 $0x5000, s9;
	[dreg:$0x7] =	wrdreg s15  }
0xb: {  	s31 =	simm.s32 $0x4000;
	s7 =	smul.u32 $0x13C00, s9;
	[dreg:$0x8] =	wrdreg s16  }
0xc: {  	s2 =	sand.u32 $0x1, s2;
	s8 =	smul.u32 $0x500, s9;
	[dreg:$0x9] =	wrdreg s18  }
0xd: {  	s23 =	smul.u32 $0x4F000, s9;
	s6 =	sshll.u32 s2, $0x7;
	[dreg:$0xa] =	wrdreg s19  }
0xe: {  	s22 =	smul.u32 $0x13C000, s2;
	s2 =	ssub.s32 $0x2, s2;
	[dreg:$0xb] =	wrdreg s20  }
0xf: {  	s15 =	simm.s32 $0x80;
	s18 =	simm.s32 $0x3000;
	[dreg:$0xc] =	wrdreg s21  }
0x10: {  	s19 =	simm.s32 $0x8;
	s21 =	simm.s32 $0x5;
	s16 =	simm.s32 $0x6000  }
0x11: {  	s5 =	sor.u32 s6, s5;
	s8 =	sadd.s32 s8, s0;
	s24 =	sshrl.u32 s2, $0x1  }
0x12: {  	s25 =	sshrl.u32 s23, $0x2;
	s23 =	simm.s32 $0x2E00;
	s5 =	sshrl.u32 s5, $0x3  }
0x13: {  	s6 =	sadd.s32 s7, s22;
	s26 =	sadd.s32 $0x400, s8;
	[dreg:$0xe] =	wrdreg s23  }
0x14: {  	s2 =	ssub.s32 s2, s24;
	s17 =	sadd.s32 $0x500, s8;
	[dreg:$0x13] =	wrdreg s26  }
0x15: {  	s11 =	sadd.s32 s25, s3;
	s22 =	simm.s32 $0x2D80;
	[dreg:$0x1b] =	wrdreg s17  }
0x16: {  	s24 =	simm.s32 $0x2E80;
	s25 =	simm.s32 $0x2F00;
	[dreg:$0xd] =	wrdreg s22  }
0x17: {  	s23 =	simm.s32 $0x20;
	s8 =	simm.s32 $0x0;
	[dreg:$0xf] =	wrdreg s24  }
0x18: {  	s5 =	sadd.s32 s5, s0;
	s6 =	sshrl.u32 s6, $0x3;
	[dreg:$0x10] =	wrdreg s25  }
0x19: {  	s7 =	sadd.s32 $0x4000, s11;
	s9 =	sadd.s32 $0x8000, s11;
	[dreg:$0x14] =	wrdreg s11  }
0x1a: {  	s13 =	sadd.s32 $0x10000, s11;
	s2 =	smax.u32 s2, $0x1;
	[dreg:$0x15] =	wrdreg s7  }
0x1b: {  	s17 =	simm.s32 $0x2800;
	s22 =	simm.s32 $0x2C00;
	[dreg:$0x16] =	wrdreg s9  }
0x1c: {  	s26 =	simm.s32 $0x2F80;
	s24 =	simm.s32 $0x7000;
	[dreg:$0x18] =	wrdreg s13  }
0x1d: {  	s25 =	simm.s32 $0x8000;
	s0 =	sadd.s32 s6, s0;
	[dreg:$0x1a] =	wrdreg s2  }
0x1e: {  	s5 =	sadd.s32 $0x5400, s5;
	s6 =	sadd.s32 $0xC000, s11;
	[dreg:$0x11] =	wrdreg s26  }
0x1f: {  	s26 =	simm.s32 $0x9000;
	s2 =	simm.s32 $0x5000;
	[dreg:$0x12] =	wrdreg s5  }
0x20: {  	[dreg:$0x17] =	wrdreg s6;
	s0 =	sadd.s32 $0xF400, s0;
	s5 =	simm.s32 $0x4  }
0x21: {  	v0 =	vimm.f32 $0.0e+00;
	s6 =	simm.s32 $0x6;
	[dreg:$0x19] =	wrdreg s0;
	s0 =	simm.s32 $0x2  }
.LBB2_1:
0x22: {  	[dreg:$0x1c] =	wrdreg s8  }
0x23: {  	s7 =	rddreg [dreg:$0x12];
	s14 =	simm.s32 $0x100  }
0x24: {  	[tilespmem:s4], [sflag:$0x7] =	stream.strided.gather [hbm4b:s7+s15], $0x2800, s14, s15, $0x38;
	[tilespmem:$0x1EC00] =	vst v63  }
0x25: {  	s20 =	rddreg [dreg:$0x13];
	s9 =	simm.s32 $0x0;
	s10 =	simm.s32 $0x200  }
0x26: {  	[tilespmem:s17], [sflag:$0x5] =	stream.linear.gather [hbm4b:s20+s4], $0x400, $0x38;
	[tilespmem:$0x1EC00] =	vst v63  }
.LBB2_2:
0x27: {  	p0 =	sne.s32 s10, $0xFE00;
	[tilespmem:s9+$0x3070] =	vst v0  }
0x28: {  	[tilespmem:s9+$0x3000] =	vst v0  }
0x29: {  	[tilespmem:s9+$0x3010] =	vst v0  }
.Ltmp0:
0x2a: {  	[tilespmem:s9+$0x3020] =	vst v0;
	(pc) =	sbr.rel @p0 .LBB2_2-.Ltmp0, $4  }
0x2b: {  	[tilespmem:s9+$0x3030] =	vst v0  }
0x2c: {  	[tilespmem:s9+$0x3040] =	vst v0  }
0x2d: {  	[tilespmem:s9+$0x3050] =	vst v0  }
0x2e: {  	[tilespmem:s9+$0x3060] =	vst v0;
	s9 =	sshra.s32 s10, $0x2;
	s10 =	sadd.s32 $0x200, s10  }
0x2f: {  	[tilespmem:s9+$0x3070] =	vst v0  }
0x30: {  	[tilespmem:s9+$0x3000] =	vst v0  }
0x31: {  	[tilespmem:s9+$0x3010] =	vst v0  }
0x32: {  	[tilespmem:s9+$0x3020] =	vst v0  }
0x33: {  	[tilespmem:s9+$0x3030] =	vst v0  }
0x34: {  	[tilespmem:s9+$0x3040] =	vst v0  }
0x35: {  	[tilespmem:s9+$0x3050] =	vst v0  }
0x36: {  	[tilespmem:s9+$0x3060] =	vst v0  }
0x37: {  	[spmem:s11] =	stream.linear.scatter [tilespmem:s18], [sflag:$0x8], $0x4000, $0x38;
	[tilespmem:$0x1EC00] =	vst v63  }
0x38: {  	_ =	swait.ge [sflag:s19], $0x4000  }
0x39: {  	[sflag:s19] =	ssyncset.done $0x0  }
0x3a: {  	s7 =	rddreg [dreg:$0x15];
	[sflag:s19] =	ssyncadd.s32 $0xFFFFC000  }
0x3b: {  	[spmem:s7] =	stream.linear.scatter [tilespmem:s18], [sflag:$0x8], $0x4000, $0x38;
	[tilespmem:$0x1EC00] =	vst v63  }
0x3c: {  	_ =	swait.ge [sflag:s19], $0x4000  }
0x3d: {  	[sflag:s19] =	ssyncset.done $0x0  }
0x3e: {  	s14 =	rddreg [dreg:$0x16];
	[sflag:s19] =	ssyncadd.s32 $0xFFFFC000  }
0x3f: {  	[spmem:s14] =	stream.linear.scatter [tilespmem:s18], [sflag:$0x8], $0x4000, $0x38;
	[tilespmem:$0x1EC00] =	vst v63  }
0x40: {  	_ =	swait.ge [sflag:s19], $0x4000  }
0x41: {  	[sflag:s19] =	ssyncset.done $0x0  }
0x42: {  	s20 =	rddreg [dreg:$0x17];
	[sflag:s19] =	ssyncadd.s32 $0xFFFFC000  }
0x43: {  	[spmem:s20] =	stream.linear.scatter [tilespmem:s18], [sflag:$0x8], $0x4000, $0x38;
	[tilespmem:$0x1EC00] =	vst v63  }
0x44: {  	_ =	swait.ge [sflag:s19], $0x4000  }
0x45: {  	[sflag:s19] =	ssyncset.done $0x0  }
0x46: {  	s8 =	rddreg [dreg:$0x18];
	[sflag:s19] =	ssyncadd.s32 $0xFFFFC000  }
0x47: {  	[spmem:s8] =	stream.linear.scatter [tilespmem:s18], [sflag:$0x8], $0x3C00, $0x38;
	[tilespmem:$0x1EC00] =	vst v63  }
0x48: {  	_ =	swait.ge [sflag:s19], $0x3C00  }
0x49: {  	[sflag:s19] =	ssyncset.done $0x0  }
0x4a: {  	s9 =	simm.s32 $0x7;
	[sflag:s19] =	ssyncadd.s32 $0xFFFFC400  }
0x4b: {  	_ =	swait.ge [sflag:s9], $0x2800  }
0x4c: {  	[sflag:s9] =	ssyncset.done $0x0  }
0x4d: {  	p0 =	por $0x1, $0x1;
	[sflag:s9] =	ssyncadd.s32 $0xFFFFD800  }
0x4e: {  	s10 =	simm.s32 $0x0;
	s9 =	simm.s32 @!p0 $0x4;
	[bflag:$0x0] =	sbarrier.arrive $0xFFFF  }
0x4f: {  	[tilespmem:s18], [sflag:$0x1] =	stream.indirect.gather [hbm4b:s1+s15], $0x80, s10, s15, $0xb8;
	[tilespmem:$0x1EC00] =	vst v63  }
0x50: {  	_ =	swait.ge @!p0 [sflag:s9], $0x4000  }
0x51: {  	[sflag:s9] =	ssyncset.done @!p0 $0x0  }
0x52: {  	[sflag:s9] =	ssyncadd.s32 @!p0 $0xFFFFC000  }
0x53: {  	_ =	swait.ge [sflag:s21], $0x400  }
0x54: {  	[sflag:s21] =	ssyncset.done $0x0;
	s14 =	rddreg [dreg:$0x1b]  }
0x55: {  	[sflag:s21] =	ssyncadd.s32 $0xFFFFFC00;
	s11 =	sadd.s32 $0xFFFFFF80, s14  }
0x56: {  	[tilespmem:s22], [sflag:$0x6] =	stream.linear.gather [hbm4b:s11+s4], $0x400, $0x38;
	[tilespmem:$0x1EC00] =	vst v63  }
0x57: {  	s12 =	simm.s32 $0x80  }
0x58: {  	[tilespmem:s24], [sflag:$0x2] =	stream.indirect.gather [hbm4b:s1+s23], $0x80, s12, s23, $0xb8;
	[tilespmem:$0x1EC00] =	vst v63  }
0x59: {  	s13 =	simm.s32 $0xA0  }
0x5a: {  	[tilespmem:s25], [sflag:$0x2] =	stream.indirect.gather [hbm4b:s1+s23], $0x80, s13, s23, $0xb8;
	[tilespmem:$0x1EC00] =	vst v63  }
0x5b: {  	s20 =	simm.s32 $0xC0  }
0x5c: {  	[tilespmem:s26], [sflag:$0x2] =	stream.indirect.gather [hbm4b:s1+s23], $0x80, s20, s23, $0xb8;
	[tilespmem:$0x1EC00] =	vst v63  }
0x5d: {  	s7 =	simm.s32 $0xE0  }
0x5e: {  	[tilespmem:s28], [sflag:$0x2] =	stream.indirect.gather [hbm4b:s1+s23], $0x80, s7, s23, $0xb8;
	[tilespmem:$0x1EC00] =	vst v63  }
0x5f: {  	_ =	swait.ge [sflag:s29], $0x1000  }
0x60: {  	[sflag:s29] =	ssyncset.done $0x0  }
0x61: {  	[sflag:s29] =	ssyncadd.s32 $0xFFFFF000  }
0x62: {  	_ =	swait.ge [sflag:s29], $0x1000  }
0x63: {  	[sflag:s29] =	ssyncset.done $0x0  }
0x64: {  	[sflag:s29] =	ssyncadd.s32 $0xFFFFF000  }
0x65: {  	_ =	swait.ge [sflag:s29], $0x1000  }
0x66: {  	[sflag:s29] =	ssyncset.done $0x0  }
0x67: {  	[sflag:s29] =	ssyncadd.s32 $0xFFFFF000  }
0x68: {  	_ =	swait.ge [sflag:s29], $0x1000  }
0x69: {  	[sflag:s29] =	ssyncset.done $0x0  }
0x6a: {  	[sflag:s29] =	ssyncadd.s32 $0xFFFFF000  }
0x6b: {  	[spmem:s3] =	stream.indirect.scatter.add.f32 [tilespmem:s18], [sflag:$0x3], $0x80, s17, s15, $0xb8;
	[tilespmem:$0x1EC00] =	vst v63  }
0x6c: {  	_ =	swait.ge [sflag:s30], $0x4000  }
0x6d: {  	[sflag:s30] =	ssyncset.done $0x0  }
0x6e: {  	s8 =	simm.s32 $0x100;
	[sflag:s30] =	ssyncadd.s32 $0xFFFFC000  }
0x6f: {  	[tilespmem:s18], [sflag:$0x1] =	stream.indirect.gather [hbm4b:s1+s23], $0x80, s8, s23, $0xb8;
	[tilespmem:$0x1EC00] =	vst v63  }
0x70: {  	s10 =	simm.s32 $0x120  }
0x71: {  	[tilespmem:s31], [sflag:$0x1] =	stream.indirect.gather [hbm4b:s1+s23], $0x80, s10, s23, $0xb8;
	[tilespmem:$0x1EC00] =	vst v63  }
0x72: {  	s11 =	simm.s32 $0x140  }
0x73: {  	[tilespmem:s2], [sflag:$0x1] =	stream.indirect.gather [hbm4b:s1+s23], $0x80, s11, s23, $0xb8;
	[tilespmem:$0x1EC00] =	vst v63  }
0x74: {  	s12 =	simm.s32 $0x160  }
0x75: {  	[tilespmem:s16], [sflag:$0x1] =	stream.indirect.gather [hbm4b:s1+s23], $0x80, s12, s23, $0xb8;
	[tilespmem:$0x1EC00] =	vst v63  }
0x76: {  	_ =	swait.ge [sflag:s0], $0x1000  }
0x77: {  	[sflag:s0] =	ssyncset.done $0x0  }
0x78: {  	[sflag:s0] =	ssyncadd.s32 $0xFFFFF000  }
0x79: {  	_ =	swait.ge [sflag:s0], $0x1000  }
0x7a: {  	[sflag:s0] =	ssyncset.done $0x0  }
0x7b: {  	[sflag:s0] =	ssyncadd.s32 $0xFFFFF000  }
0x7c: {  	_ =	swait.ge [sflag:s0], $0x1000  }
0x7d: {  	[sflag:s0] =	ssyncset.done $0x0  }
0x7e: {  	[sflag:s0] =	ssyncadd.s32 $0xFFFFF000  }
0x7f: {  	_ =	swait.ge [sflag:s0], $0x1000  }
0x80: {  	[sflag:s0] =	ssyncset.done $0x0  }
0x81: {  	s13 =	rddreg [dreg:$0x4];
	[sflag:s0] =	ssyncadd.s32 $0xFFFFF000  }
0x82: {  	[spmem:s3] =	stream.indirect.scatter.add.f32 [tilespmem:s24], [sflag:$0x4], $0x80, s13, s15, $0xb8;
	[tilespmem:$0x1EC00] =	vst v63  }
0x83: {  	_ =	swait.ge [sflag:s5], $0x4000  }
0x84: {  	[sflag:s5] =	ssyncset.done $0x0  }
0x85: {  	s20 =	simm.s32 $0x180;
	[sflag:s5] =	ssyncadd.s32 $0xFFFFC000  }
0x86: {  	[tilespmem:s24], [sflag:$0x2] =	stream.indirect.gather [hbm4b:s1+s23], $0x80, s20, s23, $0xb8;
	[tilespmem:$0x1EC00] =	vst v63  }
0x87: {  	s7 =	simm.s32 $0x1A0  }
0x88: {  	[tilespmem:s25], [sflag:$0x2] =	stream.indirect.gather [hbm4b:s1+s23], $0x80, s7, s23, $0xb8;
	[tilespmem:$0x1EC00] =	vst v63  }
0x89: {  	s8 =	simm.s32 $0x1C0  }
0x8a: {  	[tilespmem:s26], [sflag:$0x2] =	stream.indirect.gather [hbm4b:s1+s23], $0x80, s8, s23, $0xb8;
	[tilespmem:$0x1EC00] =	vst v63  }
0x8b: {  	s10 =	simm.s32 $0x1E0  }
0x8c: {  	[tilespmem:s28], [sflag:$0x2] =	stream.indirect.gather [hbm4b:s1+s23], $0x80, s10, s23, $0xb8;
	[tilespmem:$0x1EC00] =	vst v63  }
0x8d: {  	_ =	swait.ge [sflag:s29], $0x1000  }
0x8e: {  	[sflag:s29] =	ssyncset.done $0x0  }
0x8f: {  	[sflag:s29] =	ssyncadd.s32 $0xFFFFF000  }
0x90: {  	_ =	swait.ge [sflag:s29], $0x1000  }
0x91: {  	[sflag:s29] =	ssyncset.done $0x0  }
0x92: {  	[sflag:s29] =	ssyncadd.s32 $0xFFFFF000  }
0x93: {  	_ =	swait.ge [sflag:s29], $0x1000  }
0x94: {  	[sflag:s29] =	ssyncset.done $0x0  }
0x95: {  	[sflag:s29] =	ssyncadd.s32 $0xFFFFF000  }
0x96: {  	_ =	swait.ge [sflag:s29], $0x1000  }
0x97: {  	[sflag:s29] =	ssyncset.done $0x0  }
0x98: {  	s11 =	rddreg [dreg:$0x5];
	[sflag:s29] =	ssyncadd.s32 $0xFFFFF000  }
0x99: {  	[spmem:s3] =	stream.indirect.scatter.add.f32 [tilespmem:s18], [sflag:$0x3], $0x80, s11, s15, $0xb8;
	[tilespmem:$0x1EC00] =	vst v63  }
0x9a: {  	_ =	swait.ge [sflag:s30], $0x4000  }
0x9b: {  	[sflag:s30] =	ssyncset.done $0x0  }
0x9c: {  	s12 =	simm.s32 $0x200;
	[sflag:s30] =	ssyncadd.s32 $0xFFFFC000  }
0x9d: {  	[tilespmem:s18], [sflag:$0x1] =	stream.indirect.gather [hbm4b:s1+s23], $0x80, s12, s23, $0xb8;
	[tilespmem:$0x1EC00] =	vst v63  }
0x9e: {  	s13 =	simm.s32 $0x220  }
0x9f: {  	[tilespmem:s31], [sflag:$0x1] =	stream.indirect.gather [hbm4b:s1+s23], $0x80, s13, s23, $0xb8;
	[tilespmem:$0x1EC00] =	vst v63  }
0xa0: {  	s20 =	simm.s32 $0x240  }
0xa1: {  	[tilespmem:s2], [sflag:$0x1] =	stream.indirect.gather [hbm4b:s1+s23], $0x80, s20, s23, $0xb8;
	[tilespmem:$0x1EC00] =	vst v63  }
0xa2: {  	s7 =	simm.s32 $0x260  }
0xa3: {  	[tilespmem:s16], [sflag:$0x1] =	stream.indirect.gather [hbm4b:s1+s23], $0x80, s7, s23, $0xb8;
	[tilespmem:$0x1EC00] =	vst v63  }
0xa4: {  	_ =	swait.ge [sflag:s0], $0x1000  }
0xa5: {  	[sflag:s0] =	ssyncset.done $0x0  }
0xa6: {  	[sflag:s0] =	ssyncadd.s32 $0xFFFFF000  }
0xa7: {  	_ =	swait.ge [sflag:s0], $0x1000  }
0xa8: {  	[sflag:s0] =	ssyncset.done $0x0  }
0xa9: {  	[sflag:s0] =	ssyncadd.s32 $0xFFFFF000  }
0xaa: {  	_ =	swait.ge [sflag:s0], $0x1000  }
0xab: {  	[sflag:s0] =	ssyncset.done $0x0  }
0xac: {  	[sflag:s0] =	ssyncadd.s32 $0xFFFFF000  }
0xad: {  	_ =	swait.ge [sflag:s0], $0x1000  }
0xae: {  	[sflag:s0] =	ssyncset.done $0x0  }
0xaf: {  	s8 =	rddreg [dreg:$0x6];
	[sflag:s0] =	ssyncadd.s32 $0xFFFFF000  }
0xb0: {  	[spmem:s3] =	stream.indirect.scatter.add.f32 [tilespmem:s24], [sflag:$0x4], $0x80, s8, s15, $0xb8;
	[tilespmem:$0x1EC00] =	vst v63  }
0xb1: {  	_ =	swait.ge [sflag:s5], $0x4000  }
0xb2: {  	[sflag:s5] =	ssyncset.done $0x0  }
0xb3: {  	s10 =	simm.s32 $0x280;
	[sflag:s5] =	ssyncadd.s32 $0xFFFFC000  }
0xb4: {  	[tilespmem:s24], [sflag:$0x2] =	stream.indirect.gather [hbm4b:s1+s23], $0x80, s10, s23, $0xb8;
	[tilespmem:$0x1EC00] =	vst v63  }
0xb5: {  	s11 =	simm.s32 $0x2A0  }
0xb6: {  	[tilespmem:s25], [sflag:$0x2] =	stream.indirect.gather [hbm4b:s1+s23], $0x80, s11, s23, $0xb8;
	[tilespmem:$0x1EC00] =	vst v63  }
0xb7: {  	s12 =	simm.s32 $0x2C0  }
0xb8: {  	[tilespmem:s26], [sflag:$0x2] =	stream.indirect.gather [hbm4b:s1+s23], $0x80, s12, s23, $0xb8;
	[tilespmem:$0x1EC00] =	vst v63  }
0xb9: {  	s13 =	simm.s32 $0x2E0  }
0xba: {  	[tilespmem:s28], [sflag:$0x2] =	stream.indirect.gather [hbm4b:s1+s23], $0x80, s13, s23, $0xb8;
	[tilespmem:$0x1EC00] =	vst v63  }
0xbb: {  	_ =	swait.ge [sflag:s29], $0x1000  }
0xbc: {  	[sflag:s29] =	ssyncset.done $0x0  }
0xbd: {  	[sflag:s29] =	ssyncadd.s32 $0xFFFFF000  }
0xbe: {  	_ =	swait.ge [sflag:s29], $0x1000  }
0xbf: {  	[sflag:s29] =	ssyncset.done $0x0  }
0xc0: {  	[sflag:s29] =	ssyncadd.s32 $0xFFFFF000  }
0xc1: {  	_ =	swait.ge [sflag:s29], $0x1000  }
0xc2: {  	[sflag:s29] =	ssyncset.done $0x0  }
0xc3: {  	[sflag:s29] =	ssyncadd.s32 $0xFFFFF000  }
0xc4: {  	_ =	swait.ge [sflag:s29], $0x1000  }
0xc5: {  	[sflag:s29] =	ssyncset.done $0x0  }
0xc6: {  	s20 =	rddreg [dreg:$0x7];
	[sflag:s29] =	ssyncadd.s32 $0xFFFFF000  }
0xc7: {  	[spmem:s3] =	stream.indirect.scatter.add.f32 [tilespmem:s18], [sflag:$0x3], $0x80, s20, s15, $0xb8;
	[tilespmem:$0x1EC00] =	vst v63  }
0xc8: {  	_ =	swait.ge [sflag:s30], $0x4000  }
0xc9: {  	[sflag:s30] =	ssyncset.done $0x0  }
0xca: {  	s7 =	simm.s32 $0x300;
	[sflag:s30] =	ssyncadd.s32 $0xFFFFC000  }
0xcb: {  	[tilespmem:s18], [sflag:$0x1] =	stream.indirect.gather [hbm4b:s1+s23], $0x80, s7, s23, $0xb8;
	[tilespmem:$0x1EC00] =	vst v63  }
0xcc: {  	s8 =	simm.s32 $0x320  }
0xcd: {  	[tilespmem:s31], [sflag:$0x1] =	stream.indirect.gather [hbm4b:s1+s23], $0x80, s8, s23, $0xb8;
	[tilespmem:$0x1EC00] =	vst v63  }
0xce: {  	s10 =	simm.s32 $0x340  }
0xcf: {  	[tilespmem:s2], [sflag:$0x1] =	stream.indirect.gather [hbm4b:s1+s23], $0x80, s10, s23, $0xb8;
	[tilespmem:$0x1EC00] =	vst v63  }
0xd0: {  	s11 =	simm.s32 $0x360  }
0xd1: {  	[tilespmem:s16], [sflag:$0x1] =	stream.indirect.gather [hbm4b:s1+s23], $0x80, s11, s23, $0xb8;
	[tilespmem:$0x1EC00] =	vst v63  }
0xd2: {  	_ =	swait.ge [sflag:s0], $0x1000  }
0xd3: {  	[sflag:s0] =	ssyncset.done $0x0  }
0xd4: {  	[sflag:s0] =	ssyncadd.s32 $0xFFFFF000  }
0xd5: {  	_ =	swait.ge [sflag:s0], $0x1000  }
0xd6: {  	[sflag:s0] =	ssyncset.done $0x0  }
0xd7: {  	[sflag:s0] =	ssyncadd.s32 $0xFFFFF000  }
0xd8: {  	_ =	swait.ge [sflag:s0], $0x1000  }
0xd9: {  	[sflag:s0] =	ssyncset.done $0x0  }
0xda: {  	[sflag:s0] =	ssyncadd.s32 $0xFFFFF000  }
0xdb: {  	_ =	swait.ge [sflag:s0], $0x1000  }
0xdc: {  	[sflag:s0] =	ssyncset.done $0x0  }
0xdd: {  	s12 =	rddreg [dreg:$0x8];
	[sflag:s0] =	ssyncadd.s32 $0xFFFFF000  }
0xde: {  	[spmem:s3] =	stream.indirect.scatter.add.f32 [tilespmem:s24], [sflag:$0x4], $0x80, s12, s15, $0xb8;
	[tilespmem:$0x1EC00] =	vst v63  }
0xdf: {  	_ =	swait.ge [sflag:s5], $0x4000  }
0xe0: {  	[sflag:s5] =	ssyncset.done $0x0  }
0xe1: {  	s13 =	simm.s32 $0x380;
	[sflag:s5] =	ssyncadd.s32 $0xFFFFC000  }
0xe2: {  	[tilespmem:s24], [sflag:$0x2] =	stream.indirect.gather [hbm4b:s1+s23], $0x80, s13, s23, $0xb8;
	[tilespmem:$0x1EC00] =	vst v63  }
0xe3: {  	s20 =	simm.s32 $0x3A0  }
0xe4: {  	[tilespmem:s25], [sflag:$0x2] =	stream.indirect.gather [hbm4b:s1+s23], $0x80, s20, s23, $0xb8;
	[tilespmem:$0x1EC00] =	vst v63  }
0xe5: {  	s7 =	simm.s32 $0x3C0  }
0xe6: {  	[tilespmem:s26], [sflag:$0x2] =	stream.indirect.gather [hbm4b:s1+s23], $0x80, s7, s23, $0xb8;
	[tilespmem:$0x1EC00] =	vst v63  }
0xe7: {  	s8 =	simm.s32 $0x3E0  }
0xe8: {  	[tilespmem:s28], [sflag:$0x2] =	stream.indirect.gather [hbm4b:s1+s23], $0x80, s8, s23, $0xb8;
	[tilespmem:$0x1EC00] =	vst v63  }
0xe9: {  	_ =	swait.ge [sflag:s29], $0x1000  }
0xea: {  	[sflag:s29] =	ssyncset.done $0x0  }
0xeb: {  	[sflag:s29] =	ssyncadd.s32 $0xFFFFF000  }
0xec: {  	_ =	swait.ge [sflag:s29], $0x1000  }
0xed: {  	[sflag:s29] =	ssyncset.done $0x0  }
0xee: {  	[sflag:s29] =	ssyncadd.s32 $0xFFFFF000  }
0xef: {  	_ =	swait.ge [sflag:s29], $0x1000  }
0xf0: {  	[sflag:s29] =	ssyncset.done $0x0  }
0xf1: {  	[sflag:s29] =	ssyncadd.s32 $0xFFFFF000  }
0xf2: {  	_ =	swait.ge [sflag:s29], $0x1000  }
0xf3: {  	[sflag:s29] =	ssyncset.done $0x0  }
0xf4: {  	s10 =	rddreg [dreg:$0x9];
	[sflag:s29] =	ssyncadd.s32 $0xFFFFF000  }
0xf5: {  	[spmem:s3] =	stream.indirect.scatter.add.f32 [tilespmem:s18], [sflag:$0x3], $0x80, s10, s15, $0xb8;
	[tilespmem:$0x1EC00] =	vst v63  }
0xf6: {  	_ =	swait.ge [sflag:s30], $0x4000  }
0xf7: {  	[sflag:s30] =	ssyncset.done $0x0  }
0xf8: {  	s11 =	simm.s32 $0x400;
	[sflag:s30] =	ssyncadd.s32 $0xFFFFC000  }
0xf9: {  	[tilespmem:s18], [sflag:$0x1] =	stream.indirect.gather [hbm4b:s1+s23], $0x80, s11, s23, $0xb8;
	[tilespmem:$0x1EC00] =	vst v63  }
0xfa: {  	s12 =	simm.s32 $0x420  }
0xfb: {  	[tilespmem:s31], [sflag:$0x1] =	stream.indirect.gather [hbm4b:s1+s23], $0x80, s12, s23, $0xb8;
	[tilespmem:$0x1EC00] =	vst v63  }
0xfc: {  	s13 =	simm.s32 $0x440  }
0xfd: {  	[tilespmem:s2], [sflag:$0x1] =	stream.indirect.gather [hbm4b:s1+s23], $0x80, s13, s23, $0xb8;
	[tilespmem:$0x1EC00] =	vst v63  }
0xfe: {  	s20 =	simm.s32 $0x460  }
0xff: {  	[tilespmem:s16], [sflag:$0x1] =	stream.indirect.gather [hbm4b:s1+s23], $0x80, s20, s23, $0xb8;
	[tilespmem:$0x1EC00] =	vst v63  }
0x100: {  	_ =	swait.ge [sflag:s0], $0x1000  }
0x101: {  	[sflag:s0] =	ssyncset.done $0x0  }
0x102: {  	[sflag:s0] =	ssyncadd.s32 $0xFFFFF000  }
0x103: {  	_ =	swait.ge [sflag:s0], $0x1000  }
0x104: {  	[sflag:s0] =	ssyncset.done $0x0  }
0x105: {  	[sflag:s0] =	ssyncadd.s32 $0xFFFFF000  }
0x106: {  	_ =	swait.ge [sflag:s0], $0x1000  }
0x107: {  	[sflag:s0] =	ssyncset.done $0x0  }
0x108: {  	[sflag:s0] =	ssyncadd.s32 $0xFFFFF000  }
0x109: {  	_ =	swait.ge [sflag:s0], $0x1000  }
0x10a: {  	[sflag:s0] =	ssyncset.done $0x0  }
0x10b: {  	s7 =	rddreg [dreg:$0xa];
	[sflag:s0] =	ssyncadd.s32 $0xFFFFF000  }
0x10c: {  	[spmem:s3] =	stream.indirect.scatter.add.f32 [tilespmem:s24], [sflag:$0x4], $0x80, s7, s15, $0xb8;
	[tilespmem:$0x1EC00] =	vst v63  }
0x10d: {  	_ =	swait.ge [sflag:s5], $0x4000  }
0x10e: {  	[sflag:s5] =	ssyncset.done $0x0  }
0x10f: {  	[sflag:s5] =	ssyncadd.s32 $0xFFFFC000  }
0x110: {  	_ =	swait.ge [sflag:s6], $0x400  }
0x111: {  	p0 =	por $0x0, $0x0;
	[sflag:s6] =	ssyncset.done $0x0  }
0x112: {  	s9 =	simm.s32 @!p0 $0x0;
	s10 =	simm.s32 @!p0 $0x2800;
	[sflag:s6] =	ssyncadd.s32 $0xFFFFFC00  }
0x113: {  	[tilespmem:s10], [sflag:$0x5] =	stream.linear.gather @!p0 [hbm4b:s14+s9], $0x400, $0x38;
	[tilespmem:$0x1EC00] =	vst v63  }
0x114: {  	s8 =	simm.s32 $0x480  }
0x115: {  	[tilespmem:s24], [sflag:$0x2] =	stream.indirect.gather [hbm4b:s1+s23], $0x80, s8, s23, $0xb8;
	[tilespmem:$0x1EC00] =	vst v63  }
0x116: {  	s10 =	simm.s32 $0x4A0  }
0x117: {  	[tilespmem:s25], [sflag:$0x2] =	stream.indirect.gather [hbm4b:s1+s23], $0x80, s10, s23, $0xb8;
	[tilespmem:$0x1EC00] =	vst v63  }
0x118: {  	s11 =	simm.s32 $0x4C0  }
0x119: {  	[tilespmem:s26], [sflag:$0x2] =	stream.indirect.gather [hbm4b:s1+s23], $0x80, s11, s23, $0xb8;
	[tilespmem:$0x1EC00] =	vst v63  }
0x11a: {  	s12 =	simm.s32 $0x4E0  }
0x11b: {  	[tilespmem:s28], [sflag:$0x2] =	stream.indirect.gather [hbm4b:s1+s23], $0x80, s12, s23, $0xb8;
	[tilespmem:$0x1EC00] =	vst v63  }
0x11c: {  	_ =	swait.ge [sflag:s29], $0x1000  }
0x11d: {  	[sflag:s29] =	ssyncset.done $0x0  }
0x11e: {  	[sflag:s29] =	ssyncadd.s32 $0xFFFFF000  }
0x11f: {  	_ =	swait.ge [sflag:s29], $0x1000  }
0x120: {  	[sflag:s29] =	ssyncset.done $0x0  }
0x121: {  	[sflag:s29] =	ssyncadd.s32 $0xFFFFF000  }
0x122: {  	_ =	swait.ge [sflag:s29], $0x1000  }
0x123: {  	[sflag:s29] =	ssyncset.done $0x0  }
0x124: {  	[sflag:s29] =	ssyncadd.s32 $0xFFFFF000  }
0x125: {  	_ =	swait.ge [sflag:s29], $0x1000  }
0x126: {  	[sflag:s29] =	ssyncset.done $0x0  }
0x127: {  	[sflag:s29] =	ssyncadd.s32 $0xFFFFF000  }
0x128: {  	[spmem:s3] =	stream.indirect.scatter.add.f32 [tilespmem:s18], [sflag:$0x3], $0x80, s22, s15, $0xb8;
	[tilespmem:$0x1EC00] =	vst v63  }
0x129: {  	_ =	swait.ge [sflag:s30], $0x4000  }
0x12a: {  	[sflag:s30] =	ssyncset.done $0x0  }
0x12b: {  	s13 =	simm.s32 $0x500;
	[sflag:s30] =	ssyncadd.s32 $0xFFFFC000  }
0x12c: {  	[tilespmem:s18], [sflag:$0x1] =	stream.indirect.gather [hbm4b:s1+s23], $0x80, s13, s23, $0xb8;
	[tilespmem:$0x1EC00] =	vst v63  }
0x12d: {  	s20 =	simm.s32 $0x520  }
0x12e: {  	[tilespmem:s31], [sflag:$0x1] =	stream.indirect.gather [hbm4b:s1+s23], $0x80, s20, s23, $0xb8;
	[tilespmem:$0x1EC00] =	vst v63  }
0x12f: {  	s7 =	simm.s32 $0x540  }
0x130: {  	[tilespmem:s2], [sflag:$0x1] =	stream.indirect.gather [hbm4b:s1+s23], $0x80, s7, s23, $0xb8;
	[tilespmem:$0x1EC00] =	vst v63  }
0x131: {  	s8 =	simm.s32 $0x560  }
0x132: {  	[tilespmem:s16], [sflag:$0x1] =	stream.indirect.gather [hbm4b:s1+s23], $0x80, s8, s23, $0xb8;
	[tilespmem:$0x1EC00] =	vst v63  }
0x133: {  	_ =	swait.ge [sflag:s0], $0x1000  }
0x134: {  	[sflag:s0] =	ssyncset.done $0x0  }
0x135: {  	[sflag:s0] =	ssyncadd.s32 $0xFFFFF000  }
0x136: {  	_ =	swait.ge [sflag:s0], $0x1000  }
0x137: {  	[sflag:s0] =	ssyncset.done $0x0  }
0x138: {  	[sflag:s0] =	ssyncadd.s32 $0xFFFFF000  }
0x139: {  	_ =	swait.ge [sflag:s0], $0x1000  }
0x13a: {  	[sflag:s0] =	ssyncset.done $0x0  }
0x13b: {  	[sflag:s0] =	ssyncadd.s32 $0xFFFFF000  }
0x13c: {  	_ =	swait.ge [sflag:s0], $0x1000  }
0x13d: {  	[sflag:s0] =	ssyncset.done $0x0  }
0x13e: {  	s10 =	rddreg [dreg:$0xb];
	[sflag:s0] =	ssyncadd.s32 $0xFFFFF000  }
0x13f: {  	[spmem:s3] =	stream.indirect.scatter.add.f32 [tilespmem:s24], [sflag:$0x4], $0x80, s10, s15, $0xb8;
	[tilespmem:$0x1EC00] =	vst v63  }
0x140: {  	_ =	swait.ge [sflag:s5], $0x4000  }
0x141: {  	[sflag:s5] =	ssyncset.done $0x0  }
0x142: {  	s11 =	simm.s32 $0x580;
	[sflag:s5] =	ssyncadd.s32 $0xFFFFC000  }
0x143: {  	[tilespmem:s24], [sflag:$0x2] =	stream.indirect.gather [hbm4b:s1+s23], $0x80, s11, s23, $0xb8;
	[tilespmem:$0x1EC00] =	vst v63  }
0x144: {  	s12 =	simm.s32 $0x5A0  }
0x145: {  	[tilespmem:s25], [sflag:$0x2] =	stream.indirect.gather [hbm4b:s1+s23], $0x80, s12, s23, $0xb8;
	[tilespmem:$0x1EC00] =	vst v63  }
0x146: {  	s13 =	simm.s32 $0x5C0  }
0x147: {  	[tilespmem:s26], [sflag:$0x2] =	stream.indirect.gather [hbm4b:s1+s23], $0x80, s13, s23, $0xb8;
	[tilespmem:$0x1EC00] =	vst v63  }
0x148: {  	s20 =	simm.s32 $0x5E0  }
0x149: {  	[tilespmem:s28], [sflag:$0x2] =	stream.indirect.gather [hbm4b:s1+s23], $0x80, s20, s23, $0xb8;
	[tilespmem:$0x1EC00] =	vst v63  }
0x14a: {  	_ =	swait.ge [sflag:s29], $0x1000  }
0x14b: {  	[sflag:s29] =	ssyncset.done $0x0  }
0x14c: {  	[sflag:s29] =	ssyncadd.s32 $0xFFFFF000  }
0x14d: {  	_ =	swait.ge [sflag:s29], $0x1000  }
0x14e: {  	[sflag:s29] =	ssyncset.done $0x0  }
0x14f: {  	[sflag:s29] =	ssyncadd.s32 $0xFFFFF000  }
0x150: {  	_ =	swait.ge [sflag:s29], $0x1000  }
0x151: {  	[sflag:s29] =	ssyncset.done $0x0  }
0x152: {  	[sflag:s29] =	ssyncadd.s32 $0xFFFFF000  }
0x153: {  	_ =	swait.ge [sflag:s29], $0x1000  }
0x154: {  	[sflag:s29] =	ssyncset.done $0x0  }
0x155: {  	s7 =	rddreg [dreg:$0xc];
	[sflag:s29] =	ssyncadd.s32 $0xFFFFF000  }
0x156: {  	[spmem:s3] =	stream.indirect.scatter.add.f32 [tilespmem:s18], [sflag:$0x3], $0x80, s7, s15, $0xb8;
	[tilespmem:$0x1EC00] =	vst v63  }
0x157: {  	_ =	swait.ge [sflag:s30], $0x4000  }
0x158: {  	[sflag:s30] =	ssyncset.done $0x0  }
0x159: {  	s8 =	simm.s32 $0x600;
	[sflag:s30] =	ssyncadd.s32 $0xFFFFC000  }
0x15a: {  	[tilespmem:s18], [sflag:$0x1] =	stream.indirect.gather [hbm4b:s1+s23], $0x80, s8, s23, $0xb8;
	[tilespmem:$0x1EC00] =	vst v63  }
0x15b: {  	s10 =	simm.s32 $0x620  }
0x15c: {  	[tilespmem:s31], [sflag:$0x1] =	stream.indirect.gather [hbm4b:s1+s23], $0x80, s10, s23, $0xb8;
	[tilespmem:$0x1EC00] =	vst v63  }
0x15d: {  	s11 =	simm.s32 $0x640  }
0x15e: {  	[tilespmem:s2], [sflag:$0x1] =	stream.indirect.gather [hbm4b:s1+s23], $0x80, s11, s23, $0xb8;
	[tilespmem:$0x1EC00] =	vst v63  }
0x15f: {  	s12 =	simm.s32 $0x660  }
0x160: {  	[tilespmem:s16], [sflag:$0x1] =	stream.indirect.gather [hbm4b:s1+s23], $0x80, s12, s23, $0xb8;
	[tilespmem:$0x1EC00] =	vst v63  }
0x161: {  	_ =	swait.ge [sflag:s0], $0x1000  }
0x162: {  	[sflag:s0] =	ssyncset.done $0x0  }
0x163: {  	[sflag:s0] =	ssyncadd.s32 $0xFFFFF000  }
0x164: {  	_ =	swait.ge [sflag:s0], $0x1000  }
0x165: {  	[sflag:s0] =	ssyncset.done $0x0  }
0x166: {  	[sflag:s0] =	ssyncadd.s32 $0xFFFFF000  }
0x167: {  	_ =	swait.ge [sflag:s0], $0x1000  }
0x168: {  	[sflag:s0] =	ssyncset.done $0x0  }
0x169: {  	[sflag:s0] =	ssyncadd.s32 $0xFFFFF000  }
0x16a: {  	_ =	swait.ge [sflag:s0], $0x1000  }
0x16b: {  	[sflag:s0] =	ssyncset.done $0x0  }
0x16c: {  	s13 =	rddreg [dreg:$0xd];
	[sflag:s0] =	ssyncadd.s32 $0xFFFFF000  }
0x16d: {  	[spmem:s3] =	stream.indirect.scatter.add.f32 [tilespmem:s24], [sflag:$0x4], $0x80, s13, s15, $0xb8;
	[tilespmem:$0x1EC00] =	vst v63  }
0x16e: {  	_ =	swait.ge [sflag:s5], $0x4000  }
0x16f: {  	[sflag:s5] =	ssyncset.done $0x0  }
0x170: {  	s20 =	simm.s32 $0x680;
	[sflag:s5] =	ssyncadd.s32 $0xFFFFC000  }
0x171: {  	[tilespmem:s24], [sflag:$0x2] =	stream.indirect.gather [hbm4b:s1+s23], $0x80, s20, s23, $0xb8;
	[tilespmem:$0x1EC00] =	vst v63  }
0x172: {  	s7 =	simm.s32 $0x6A0  }
0x173: {  	[tilespmem:s25], [sflag:$0x2] =	stream.indirect.gather [hbm4b:s1+s23], $0x80, s7, s23, $0xb8;
	[tilespmem:$0x1EC00] =	vst v63  }
0x174: {  	s8 =	simm.s32 $0x6C0  }
0x175: {  	[tilespmem:s26], [sflag:$0x2] =	stream.indirect.gather [hbm4b:s1+s23], $0x80, s8, s23, $0xb8;
	[tilespmem:$0x1EC00] =	vst v63  }
0x176: {  	s10 =	simm.s32 $0x6E0  }
0x177: {  	[tilespmem:s28], [sflag:$0x2] =	stream.indirect.gather [hbm4b:s1+s23], $0x80, s10, s23, $0xb8;
	[tilespmem:$0x1EC00] =	vst v63  }
0x178: {  	_ =	swait.ge [sflag:s29], $0x1000  }
0x179: {  	[sflag:s29] =	ssyncset.done $0x0  }
0x17a: {  	[sflag:s29] =	ssyncadd.s32 $0xFFFFF000  }
0x17b: {  	_ =	swait.ge [sflag:s29], $0x1000  }
0x17c: {  	[sflag:s29] =	ssyncset.done $0x0  }
0x17d: {  	[sflag:s29] =	ssyncadd.s32 $0xFFFFF000  }
0x17e: {  	_ =	swait.ge [sflag:s29], $0x1000  }
0x17f: {  	[sflag:s29] =	ssyncset.done $0x0  }
0x180: {  	[sflag:s29] =	ssyncadd.s32 $0xFFFFF000  }
0x181: {  	_ =	swait.ge [sflag:s29], $0x1000  }
0x182: {  	[sflag:s29] =	ssyncset.done $0x0  }
0x183: {  	s11 =	rddreg [dreg:$0xe];
	[sflag:s29] =	ssyncadd.s32 $0xFFFFF000  }
0x184: {  	[spmem:s3] =	stream.indirect.scatter.add.f32 [tilespmem:s18], [sflag:$0x3], $0x80, s11, s15, $0xb8;
	[tilespmem:$0x1EC00] =	vst v63  }
0x185: {  	_ =	swait.ge [sflag:s30], $0x4000  }
0x186: {  	[sflag:s30] =	ssyncset.done $0x0  }
0x187: {  	s12 =	simm.s32 $0x700;
	[sflag:s30] =	ssyncadd.s32 $0xFFFFC000  }
0x188: {  	[tilespmem:s18], [sflag:$0x1] =	stream.indirect.gather [hbm4b:s1+s23], $0x80, s12, s23, $0xb8;
	[tilespmem:$0x1EC00] =	vst v63  }
0x189: {  	s13 =	simm.s32 $0x720  }
0x18a: {  	[tilespmem:s31], [sflag:$0x1] =	stream.indirect.gather [hbm4b:s1+s23], $0x80, s13, s23, $0xb8;
	[tilespmem:$0x1EC00] =	vst v63  }
0x18b: {  	s20 =	simm.s32 $0x740  }
0x18c: {  	[tilespmem:s2], [sflag:$0x1] =	stream.indirect.gather [hbm4b:s1+s23], $0x80, s20, s23, $0xb8;
	[tilespmem:$0x1EC00] =	vst v63  }
0x18d: {  	s7 =	simm.s32 $0x760  }
0x18e: {  	[tilespmem:s16], [sflag:$0x1] =	stream.indirect.gather [hbm4b:s1+s23], $0x80, s7, s23, $0xb8;
	[tilespmem:$0x1EC00] =	vst v63  }
0x18f: {  	_ =	swait.ge [sflag:s0], $0x1000  }
0x190: {  	[sflag:s0] =	ssyncset.done $0x0  }
0x191: {  	[sflag:s0] =	ssyncadd.s32 $0xFFFFF000  }
0x192: {  	_ =	swait.ge [sflag:s0], $0x1000  }
0x193: {  	[sflag:s0] =	ssyncset.done $0x0  }
0x194: {  	[sflag:s0] =	ssyncadd.s32 $0xFFFFF000  }
0x195: {  	_ =	swait.ge [sflag:s0], $0x1000  }
0x196: {  	[sflag:s0] =	ssyncset.done $0x0  }
0x197: {  	[sflag:s0] =	ssyncadd.s32 $0xFFFFF000  }
0x198: {  	_ =	swait.ge [sflag:s0], $0x1000  }
0x199: {  	[sflag:s0] =	ssyncset.done $0x0  }
0x19a: {  	s8 =	rddreg [dreg:$0xf];
	[sflag:s0] =	ssyncadd.s32 $0xFFFFF000  }
0x19b: {  	[spmem:s3] =	stream.indirect.scatter.add.f32 [tilespmem:s24], [sflag:$0x4], $0x80, s8, s15, $0xb8;
	[tilespmem:$0x1EC00] =	vst v63  }
0x19c: {  	_ =	swait.ge [sflag:s5], $0x4000  }
0x19d: {  	[sflag:s5] =	ssyncset.done $0x0  }
0x19e: {  	s10 =	simm.s32 $0x780;
	[sflag:s5] =	ssyncadd.s32 $0xFFFFC000  }
0x19f: {  	[tilespmem:s24], [sflag:$0x2] =	stream.indirect.gather [hbm4b:s1+s23], $0x80, s10, s23, $0xb8;
	[tilespmem:$0x1EC00] =	vst v63  }
0x1a0: {  	s11 =	simm.s32 $0x7A0  }
0x1a1: {  	[tilespmem:s25], [sflag:$0x2] =	stream.indirect.gather [hbm4b:s1+s23], $0x80, s11, s23, $0xb8;
	[tilespmem:$0x1EC00] =	vst v63  }
0x1a2: {  	s12 =	simm.s32 $0x7C0  }
0x1a3: {  	[tilespmem:s26], [sflag:$0x2] =	stream.indirect.gather [hbm4b:s1+s23], $0x80, s12, s23, $0xb8;
	[tilespmem:$0x1EC00] =	vst v63  }
0x1a4: {  	s13 =	simm.s32 $0x7E0  }
0x1a5: {  	[tilespmem:s28], [sflag:$0x2] =	stream.indirect.gather [hbm4b:s1+s23], $0x80, s13, s23, $0xb8;
	[tilespmem:$0x1EC00] =	vst v63  }
0x1a6: {  	_ =	swait.ge [sflag:s29], $0x1000  }
0x1a7: {  	[sflag:s29] =	ssyncset.done $0x0  }
0x1a8: {  	[sflag:s29] =	ssyncadd.s32 $0xFFFFF000  }
0x1a9: {  	_ =	swait.ge [sflag:s29], $0x1000  }
0x1aa: {  	[sflag:s29] =	ssyncset.done $0x0  }
0x1ab: {  	[sflag:s29] =	ssyncadd.s32 $0xFFFFF000  }
0x1ac: {  	_ =	swait.ge [sflag:s29], $0x1000  }
0x1ad: {  	[sflag:s29] =	ssyncset.done $0x0  }
0x1ae: {  	[sflag:s29] =	ssyncadd.s32 $0xFFFFF000  }
0x1af: {  	_ =	swait.ge [sflag:s29], $0x1000  }
0x1b0: {  	[sflag:s29] =	ssyncset.done $0x0  }
0x1b1: {  	s20 =	rddreg [dreg:$0x10];
	[sflag:s29] =	ssyncadd.s32 $0xFFFFF000  }
0x1b2: {  	[spmem:s3] =	stream.indirect.scatter.add.f32 [tilespmem:s18], [sflag:$0x3], $0x80, s20, s15, $0xb8;
	[tilespmem:$0x1EC00] =	vst v63  }
0x1b3: {  	p0 =	por $0x0, $0x0;
	_ =	swait.ge [sflag:s30], $0x4000  }
0x1b4: {  	s9 =	simm.s32 @!p0 $0x3000;
	[sflag:s30] =	ssyncset.done $0x0  }
0x1b5: {  	s10 =	simm.s32 @!p0 $0x800;
	s12 =	simm.s32 @!p0 $0x20;
	[sflag:s30] =	ssyncadd.s32 $0xFFFFC000  }
0x1b6: {  	[tilespmem:s9], [sflag:$0x1] =	stream.indirect.gather @!p0 [hbm4b:s1+s12], $0x80, s10, s12, $0xb8;
	[tilespmem:$0x1EC00] =	vst v63  }
0x1b7: {  	s9 =	simm.s32 @!p0 $0x820;
	s10 =	simm.s32 @!p0 $0x4000  }
0x1b8: {  	[tilespmem:s10], [sflag:$0x1] =	stream.indirect.gather @!p0 [hbm4b:s1+s12], $0x80, s9, s12, $0xb8;
	[tilespmem:$0x1EC00] =	vst v63  }
0x1b9: {  	s9 =	simm.s32 @!p0 $0x840;
	s10 =	simm.s32 @!p0 $0x5000  }
0x1ba: {  	[tilespmem:s10], [sflag:$0x1] =	stream.indirect.gather @!p0 [hbm4b:s1+s12], $0x80, s9, s12, $0xb8;
	[tilespmem:$0x1EC00] =	vst v63  }
0x1bb: {  	s9 =	simm.s32 @!p0 $0x860;
	s10 =	simm.s32 @!p0 $0x6000  }
0x1bc: {  	[tilespmem:s10], [sflag:$0x1] =	stream.indirect.gather @!p0 [hbm4b:s1+s12], $0x80, s9, s12, $0xb8;
	[tilespmem:$0x1EC00] =	vst v63  }
0x1bd: {  	_ =	swait.ge [sflag:s0], $0x1000  }
0x1be: {  	[sflag:s0] =	ssyncset.done $0x0  }
0x1bf: {  	[sflag:s0] =	ssyncadd.s32 $0xFFFFF000  }
0x1c0: {  	_ =	swait.ge [sflag:s0], $0x1000  }
0x1c1: {  	[sflag:s0] =	ssyncset.done $0x0  }
0x1c2: {  	[sflag:s0] =	ssyncadd.s32 $0xFFFFF000  }
0x1c3: {  	_ =	swait.ge [sflag:s0], $0x1000  }
0x1c4: {  	[sflag:s0] =	ssyncset.done $0x0  }
0x1c5: {  	[sflag:s0] =	ssyncadd.s32 $0xFFFFF000  }
0x1c6: {  	p1 =	por $0x0, $0x0;
	_ =	swait.ge [sflag:s0], $0x1000  }
0x1c7: {  	s10 =	simm.s32 $0x2000;
	s12 =	simm.s32 $0x4000;
	[sflag:s0] =	ssyncset.done $0x0  }
0x1c8: {  	s9 =	simm.s32 $0x3;
	s20 =	rddreg [dreg:$0x11];
	[sflag:s0] =	ssyncadd.s32 $0xFFFFF000  }
.LBB2_4:
0x1c9: {  	s7 =	simm.s32 @!p1 $0x4  }
0x1ca: {  	[spmem:s3] =	stream.indirect.scatter.add.f32 [tilespmem:s24], [sflag:$0x4], $0x80, s20, s15, $0xb8;
	[tilespmem:$0x1EC00] =	vst v63  }
0x1cb: {  	_ =	swait.ge @!p1 [sflag:s7], $0x4000  }
0x1cc: {  	[sflag:s7] =	ssyncset.done @!p1 $0x0  }
0x1cd: {  	[sflag:s7] =	ssyncadd.s32 @!p1 $0xFFFFC000  }
0x1ce: {  	_ =	swait.ge [sflag:s21], $0x400  }
0x1cf: {  	s14 =	sadd.s32 $0x100, s14;
	[sflag:s21] =	ssyncset.done $0x0  }
0x1d0: {  	s20 =	sshra.s32 s10, $0x2;
	s11 =	sadd.s32 $0xFFFFFF80, s14;
	[sflag:s21] =	ssyncadd.s32 $0xFFFFFC00  }
0x1d1: {  	[tilespmem:s22], [sflag:$0x6] =	stream.linear.gather [hbm4b:s11+s4], $0x400, $0x38;
	[tilespmem:$0x1EC00] =	vst v63  }
0x1d2: {  	s8 =	sadd.s32 $0x80, s20  }
0x1d3: {  	[tilespmem:s24], [sflag:$0x2] =	stream.indirect.gather [hbm4b:s1+s23], $0x80, s8, s23, $0xb8;
	[tilespmem:$0x1EC00] =	vst v63  }
0x1d4: {  	s11 =	sadd.s32 $0xA0, s20  }
0x1d5: {  	[tilespmem:s25], [sflag:$0x2] =	stream.indirect.gather [hbm4b:s1+s23], $0x80, s11, s23, $0xb8;
	[tilespmem:$0x1EC00] =	vst v63  }
0x1d6: {  	s8 =	sadd.s32 $0xC0, s20  }
0x1d7: {  	[tilespmem:s26], [sflag:$0x2] =	stream.indirect.gather [hbm4b:s1+s23], $0x80, s8, s23, $0xb8;
	[tilespmem:$0x1EC00] =	vst v63  }
0x1d8: {  	s11 =	sadd.s32 $0xE0, s20  }
0x1d9: {  	[tilespmem:s28], [sflag:$0x2] =	stream.indirect.gather [hbm4b:s1+s23], $0x80, s11, s23, $0xb8;
	[tilespmem:$0x1EC00] =	vst v63  }
0x1da: {  	_ =	swait.ge [sflag:s29], $0x1000  }
0x1db: {  	[sflag:s29] =	ssyncset.done $0x0  }
0x1dc: {  	[sflag:s29] =	ssyncadd.s32 $0xFFFFF000  }
0x1dd: {  	_ =	swait.ge [sflag:s29], $0x1000  }
0x1de: {  	[sflag:s29] =	ssyncset.done $0x0  }
0x1df: {  	[sflag:s29] =	ssyncadd.s32 $0xFFFFF000  }
0x1e0: {  	_ =	swait.ge [sflag:s29], $0x1000  }
0x1e1: {  	[sflag:s29] =	ssyncset.done $0x0  }
0x1e2: {  	[sflag:s29] =	ssyncadd.s32 $0xFFFFF000  }
0x1e3: {  	_ =	swait.ge [sflag:s29], $0x1000  }
0x1e4: {  	[sflag:s29] =	ssyncset.done $0x0  }
0x1e5: {  	[sflag:s29] =	ssyncadd.s32 $0xFFFFF000  }
0x1e6: {  	[spmem:s3] =	stream.indirect.scatter.add.f32 [tilespmem:s18], [sflag:$0x3], $0x80, s17, s15, $0xb8;
	[tilespmem:$0x1EC00] =	vst v63  }
0x1e7: {  	_ =	swait.ge [sflag:s30], $0x4000  }
0x1e8: {  	[sflag:s30] =	ssyncset.done $0x0  }
0x1e9: {  	s8 =	sadd.s32 $0x100, s20;
	[sflag:s30] =	ssyncadd.s32 $0xFFFFC000  }
0x1ea: {  	[tilespmem:s18], [sflag:$0x1] =	stream.indirect.gather [hbm4b:s1+s23], $0x80, s8, s23, $0xb8;
	[tilespmem:$0x1EC00] =	vst v63  }
0x1eb: {  	s11 =	sadd.s32 $0x120, s20  }
0x1ec: {  	[tilespmem:s31], [sflag:$0x1] =	stream.indirect.gather [hbm4b:s1+s23], $0x80, s11, s23, $0xb8;
	[tilespmem:$0x1EC00] =	vst v63  }
0x1ed: {  	s8 =	sadd.s32 $0x140, s20  }
0x1ee: {  	[tilespmem:s2], [sflag:$0x1] =	stream.indirect.gather [hbm4b:s1+s23], $0x80, s8, s23, $0xb8;
	[tilespmem:$0x1EC00] =	vst v63  }
0x1ef: {  	s11 =	sadd.s32 $0x160, s20  }
0x1f0: {  	[tilespmem:s16], [sflag:$0x1] =	stream.indirect.gather [hbm4b:s1+s23], $0x80, s11, s23, $0xb8;
	[tilespmem:$0x1EC00] =	vst v63  }
0x1f1: {  	_ =	swait.ge [sflag:s0], $0x1000  }
0x1f2: {  	[sflag:s0] =	ssyncset.done $0x0  }
0x1f3: {  	[sflag:s0] =	ssyncadd.s32 $0xFFFFF000  }
0x1f4: {  	_ =	swait.ge [sflag:s0], $0x1000  }
0x1f5: {  	[sflag:s0] =	ssyncset.done $0x0  }
0x1f6: {  	[sflag:s0] =	ssyncadd.s32 $0xFFFFF000  }
0x1f7: {  	_ =	swait.ge [sflag:s0], $0x1000  }
0x1f8: {  	[sflag:s0] =	ssyncset.done $0x0  }
0x1f9: {  	[sflag:s0] =	ssyncadd.s32 $0xFFFFF000  }
0x1fa: {  	_ =	swait.ge [sflag:s0], $0x1000  }
0x1fb: {  	[sflag:s0] =	ssyncset.done $0x0  }
0x1fc: {  	s8 =	rddreg [dreg:$0x4];
	[sflag:s0] =	ssyncadd.s32 $0xFFFFF000  }
0x1fd: {  	[spmem:s3] =	stream.indirect.scatter.add.f32 [tilespmem:s24], [sflag:$0x4], $0x80, s8, s15, $0xb8;
	[tilespmem:$0x1EC00] =	vst v63  }
0x1fe: {  	_ =	swait.ge [sflag:s5], $0x4000  }
0x1ff: {  	[sflag:s5] =	ssyncset.done $0x0  }
0x200: {  	s11 =	sadd.s32 $0x180, s20;
	[sflag:s5] =	ssyncadd.s32 $0xFFFFC000  }
0x201: {  	[tilespmem:s24], [sflag:$0x2] =	stream.indirect.gather [hbm4b:s1+s23], $0x80, s11, s23, $0xb8;
	[tilespmem:$0x1EC00] =	vst v63  }
0x202: {  	s8 =	sadd.s32 $0x1A0, s20  }
0x203: {  	[tilespmem:s25], [sflag:$0x2] =	stream.indirect.gather [hbm4b:s1+s23], $0x80, s8, s23, $0xb8;
	[tilespmem:$0x1EC00] =	vst v63  }
0x204: {  	s11 =	sadd.s32 $0x1C0, s20  }
0x205: {  	[tilespmem:s26], [sflag:$0x2] =	stream.indirect.gather [hbm4b:s1+s23], $0x80, s11, s23, $0xb8;
	[tilespmem:$0x1EC00] =	vst v63  }
0x206: {  	s8 =	sadd.s32 $0x1E0, s20  }
0x207: {  	[tilespmem:s28], [sflag:$0x2] =	stream.indirect.gather [hbm4b:s1+s23], $0x80, s8, s23, $0xb8;
	[tilespmem:$0x1EC00] =	vst v63  }
0x208: {  	_ =	swait.ge [sflag:s29], $0x1000  }
0x209: {  	[sflag:s29] =	ssyncset.done $0x0  }
0x20a: {  	[sflag:s29] =	ssyncadd.s32 $0xFFFFF000  }
0x20b: {  	_ =	swait.ge [sflag:s29], $0x1000  }
0x20c: {  	[sflag:s29] =	ssyncset.done $0x0  }
0x20d: {  	[sflag:s29] =	ssyncadd.s32 $0xFFFFF000  }
0x20e: {  	_ =	swait.ge [sflag:s29], $0x1000  }
0x20f: {  	[sflag:s29] =	ssyncset.done $0x0  }
0x210: {  	[sflag:s29] =	ssyncadd.s32 $0xFFFFF000  }
0x211: {  	_ =	swait.ge [sflag:s29], $0x1000  }
0x212: {  	[sflag:s29] =	ssyncset.done $0x0  }
0x213: {  	s11 =	rddreg [dreg:$0x5];
	[sflag:s29] =	ssyncadd.s32 $0xFFFFF000  }
0x214: {  	[spmem:s3] =	stream.indirect.scatter.add.f32 [tilespmem:s18], [sflag:$0x3], $0x80, s11, s15, $0xb8;
	[tilespmem:$0x1EC00] =	vst v63  }
0x215: {  	_ =	swait.ge [sflag:s30], $0x4000  }
0x216: {  	[sflag:s30] =	ssyncset.done $0x0  }
0x217: {  	s8 =	sadd.s32 $0x200, s20;
	[sflag:s30] =	ssyncadd.s32 $0xFFFFC000  }
0x218: {  	[tilespmem:s18], [sflag:$0x1] =	stream.indirect.gather [hbm4b:s1+s23], $0x80, s8, s23, $0xb8;
	[tilespmem:$0x1EC00] =	vst v63  }
0x219: {  	s11 =	sadd.s32 $0x220, s20  }
0x21a: {  	[tilespmem:s31], [sflag:$0x1] =	stream.indirect.gather [hbm4b:s1+s23], $0x80, s11, s23, $0xb8;
	[tilespmem:$0x1EC00] =	vst v63  }
0x21b: {  	s8 =	sadd.s32 $0x240, s20  }
0x21c: {  	[tilespmem:s2], [sflag:$0x1] =	stream.indirect.gather [hbm4b:s1+s23], $0x80, s8, s23, $0xb8;
	[tilespmem:$0x1EC00] =	vst v63  }
0x21d: {  	s11 =	sadd.s32 $0x260, s20  }
0x21e: {  	[tilespmem:s16], [sflag:$0x1] =	stream.indirect.gather [hbm4b:s1+s23], $0x80, s11, s23, $0xb8;
	[tilespmem:$0x1EC00] =	vst v63  }
0x21f: {  	_ =	swait.ge [sflag:s0], $0x1000  }
0x220: {  	[sflag:s0] =	ssyncset.done $0x0  }
0x221: {  	[sflag:s0] =	ssyncadd.s32 $0xFFFFF000  }
0x222: {  	_ =	swait.ge [sflag:s0], $0x1000  }
0x223: {  	[sflag:s0] =	ssyncset.done $0x0  }
0x224: {  	[sflag:s0] =	ssyncadd.s32 $0xFFFFF000  }
0x225: {  	_ =	swait.ge [sflag:s0], $0x1000  }
0x226: {  	[sflag:s0] =	ssyncset.done $0x0  }
0x227: {  	[sflag:s0] =	ssyncadd.s32 $0xFFFFF000  }
0x228: {  	_ =	swait.ge [sflag:s0], $0x1000  }
0x229: {  	[sflag:s0] =	ssyncset.done $0x0  }
0x22a: {  	s8 =	rddreg [dreg:$0x6];
	[sflag:s0] =	ssyncadd.s32 $0xFFFFF000  }
0x22b: {  	[spmem:s3] =	stream.indirect.scatter.add.f32 [tilespmem:s24], [sflag:$0x4], $0x80, s8, s15, $0xb8;
	[tilespmem:$0x1EC00] =	vst v63  }
0x22c: {  	_ =	swait.ge [sflag:s5], $0x4000  }
0x22d: {  	[sflag:s5] =	ssyncset.done $0x0  }
0x22e: {  	s11 =	sadd.s32 $0x280, s20;
	[sflag:s5] =	ssyncadd.s32 $0xFFFFC000  }
0x22f: {  	[tilespmem:s24], [sflag:$0x2] =	stream.indirect.gather [hbm4b:s1+s23], $0x80, s11, s23, $0xb8;
	[tilespmem:$0x1EC00] =	vst v63  }
0x230: {  	s8 =	sadd.s32 $0x2A0, s20  }
0x231: {  	[tilespmem:s25], [sflag:$0x2] =	stream.indirect.gather [hbm4b:s1+s23], $0x80, s8, s23, $0xb8;
	[tilespmem:$0x1EC00] =	vst v63  }
0x232: {  	s11 =	sadd.s32 $0x2C0, s20  }
0x233: {  	[tilespmem:s26], [sflag:$0x2] =	stream.indirect.gather [hbm4b:s1+s23], $0x80, s11, s23, $0xb8;
	[tilespmem:$0x1EC00] =	vst v63  }
0x234: {  	s8 =	sadd.s32 $0x2E0, s20  }
0x235: {  	[tilespmem:s28], [sflag:$0x2] =	stream.indirect.gather [hbm4b:s1+s23], $0x80, s8, s23, $0xb8;
	[tilespmem:$0x1EC00] =	vst v63  }
0x236: {  	_ =	swait.ge [sflag:s29], $0x1000  }
0x237: {  	[sflag:s29] =	ssyncset.done $0x0  }
0x238: {  	[sflag:s29] =	ssyncadd.s32 $0xFFFFF000  }
0x239: {  	_ =	swait.ge [sflag:s29], $0x1000  }
0x23a: {  	[sflag:s29] =	ssyncset.done $0x0  }
0x23b: {  	[sflag:s29] =	ssyncadd.s32 $0xFFFFF000  }
0x23c: {  	_ =	swait.ge [sflag:s29], $0x1000  }
0x23d: {  	[sflag:s29] =	ssyncset.done $0x0  }
0x23e: {  	[sflag:s29] =	ssyncadd.s32 $0xFFFFF000  }
0x23f: {  	_ =	swait.ge [sflag:s29], $0x1000  }
0x240: {  	[sflag:s29] =	ssyncset.done $0x0  }
0x241: {  	s11 =	rddreg [dreg:$0x7];
	[sflag:s29] =	ssyncadd.s32 $0xFFFFF000  }
0x242: {  	[spmem:s3] =	stream.indirect.scatter.add.f32 [tilespmem:s18], [sflag:$0x3], $0x80, s11, s15, $0xb8;
	[tilespmem:$0x1EC00] =	vst v63  }
0x243: {  	_ =	swait.ge [sflag:s30], $0x4000  }
0x244: {  	[sflag:s30] =	ssyncset.done $0x0  }
0x245: {  	s8 =	sadd.s32 $0x300, s20;
	[sflag:s30] =	ssyncadd.s32 $0xFFFFC000  }
0x246: {  	[tilespmem:s18], [sflag:$0x1] =	stream.indirect.gather [hbm4b:s1+s23], $0x80, s8, s23, $0xb8;
	[tilespmem:$0x1EC00] =	vst v63  }
0x247: {  	s11 =	sadd.s32 $0x320, s20  }
0x248: {  	[tilespmem:s31], [sflag:$0x1] =	stream.indirect.gather [hbm4b:s1+s23], $0x80, s11, s23, $0xb8;
	[tilespmem:$0x1EC00] =	vst v63  }
0x249: {  	s8 =	sadd.s32 $0x340, s20  }
0x24a: {  	[tilespmem:s2], [sflag:$0x1] =	stream.indirect.gather [hbm4b:s1+s23], $0x80, s8, s23, $0xb8;
	[tilespmem:$0x1EC00] =	vst v63  }
0x24b: {  	s11 =	sadd.s32 $0x360, s20  }
0x24c: {  	[tilespmem:s16], [sflag:$0x1] =	stream.indirect.gather [hbm4b:s1+s23], $0x80, s11, s23, $0xb8;
	[tilespmem:$0x1EC00] =	vst v63  }
0x24d: {  	_ =	swait.ge [sflag:s0], $0x1000  }
0x24e: {  	[sflag:s0] =	ssyncset.done $0x0  }
0x24f: {  	[sflag:s0] =	ssyncadd.s32 $0xFFFFF000  }
0x250: {  	_ =	swait.ge [sflag:s0], $0x1000  }
0x251: {  	[sflag:s0] =	ssyncset.done $0x0  }
0x252: {  	[sflag:s0] =	ssyncadd.s32 $0xFFFFF000  }
0x253: {  	_ =	swait.ge [sflag:s0], $0x1000  }
0x254: {  	[sflag:s0] =	ssyncset.done $0x0  }
0x255: {  	[sflag:s0] =	ssyncadd.s32 $0xFFFFF000  }
0x256: {  	_ =	swait.ge [sflag:s0], $0x1000  }
0x257: {  	[sflag:s0] =	ssyncset.done $0x0  }
0x258: {  	s8 =	rddreg [dreg:$0x8];
	[sflag:s0] =	ssyncadd.s32 $0xFFFFF000  }
0x259: {  	[spmem:s3] =	stream.indirect.scatter.add.f32 [tilespmem:s24], [sflag:$0x4], $0x80, s8, s15, $0xb8;
	[tilespmem:$0x1EC00] =	vst v63  }
0x25a: {  	_ =	swait.ge [sflag:s5], $0x4000  }
0x25b: {  	[sflag:s5] =	ssyncset.done $0x0  }
0x25c: {  	s11 =	sadd.s32 $0x380, s20;
	[sflag:s5] =	ssyncadd.s32 $0xFFFFC000  }
0x25d: {  	[tilespmem:s24], [sflag:$0x2] =	stream.indirect.gather [hbm4b:s1+s23], $0x80, s11, s23, $0xb8;
	[tilespmem:$0x1EC00] =	vst v63  }
0x25e: {  	s8 =	sadd.s32 $0x3A0, s20  }
0x25f: {  	[tilespmem:s25], [sflag:$0x2] =	stream.indirect.gather [hbm4b:s1+s23], $0x80, s8, s23, $0xb8;
	[tilespmem:$0x1EC00] =	vst v63  }
0x260: {  	s11 =	sadd.s32 $0x3C0, s20  }
0x261: {  	[tilespmem:s26], [sflag:$0x2] =	stream.indirect.gather [hbm4b:s1+s23], $0x80, s11, s23, $0xb8;
	[tilespmem:$0x1EC00] =	vst v63  }
0x262: {  	s8 =	sadd.s32 $0x3E0, s20  }
0x263: {  	[tilespmem:s28], [sflag:$0x2] =	stream.indirect.gather [hbm4b:s1+s23], $0x80, s8, s23, $0xb8;
	[tilespmem:$0x1EC00] =	vst v63  }
0x264: {  	_ =	swait.ge [sflag:s29], $0x1000  }
0x265: {  	[sflag:s29] =	ssyncset.done $0x0  }
0x266: {  	[sflag:s29] =	ssyncadd.s32 $0xFFFFF000  }
0x267: {  	_ =	swait.ge [sflag:s29], $0x1000  }
0x268: {  	[sflag:s29] =	ssyncset.done $0x0  }
0x269: {  	[sflag:s29] =	ssyncadd.s32 $0xFFFFF000  }
0x26a: {  	_ =	swait.ge [sflag:s29], $0x1000  }
0x26b: {  	[sflag:s29] =	ssyncset.done $0x0  }
0x26c: {  	[sflag:s29] =	ssyncadd.s32 $0xFFFFF000  }
0x26d: {  	_ =	swait.ge [sflag:s29], $0x1000  }
0x26e: {  	[sflag:s29] =	ssyncset.done $0x0  }
0x26f: {  	s11 =	rddreg [dreg:$0x9];
	[sflag:s29] =	ssyncadd.s32 $0xFFFFF000  }
0x270: {  	[spmem:s3] =	stream.indirect.scatter.add.f32 [tilespmem:s18], [sflag:$0x3], $0x80, s11, s15, $0xb8;
	[tilespmem:$0x1EC00] =	vst v63  }
0x271: {  	_ =	swait.ge [sflag:s30], $0x4000  }
0x272: {  	[sflag:s30] =	ssyncset.done $0x0  }
0x273: {  	s8 =	sadd.s32 $0x400, s20;
	[sflag:s30] =	ssyncadd.s32 $0xFFFFC000  }
0x274: {  	[tilespmem:s18], [sflag:$0x1] =	stream.indirect.gather [hbm4b:s1+s23], $0x80, s8, s23, $0xb8;
	[tilespmem:$0x1EC00] =	vst v63  }
0x275: {  	s11 =	sadd.s32 $0x420, s20  }
0x276: {  	[tilespmem:s31], [sflag:$0x1] =	stream.indirect.gather [hbm4b:s1+s23], $0x80, s11, s23, $0xb8;
	[tilespmem:$0x1EC00] =	vst v63  }
0x277: {  	s8 =	sadd.s32 $0x440, s20  }
0x278: {  	[tilespmem:s2], [sflag:$0x1] =	stream.indirect.gather [hbm4b:s1+s23], $0x80, s8, s23, $0xb8;
	[tilespmem:$0x1EC00] =	vst v63  }
0x279: {  	s11 =	sadd.s32 $0x460, s20  }
0x27a: {  	[tilespmem:s16], [sflag:$0x1] =	stream.indirect.gather [hbm4b:s1+s23], $0x80, s11, s23, $0xb8;
	[tilespmem:$0x1EC00] =	vst v63  }
0x27b: {  	_ =	swait.ge [sflag:s0], $0x1000  }
0x27c: {  	[sflag:s0] =	ssyncset.done $0x0  }
0x27d: {  	[sflag:s0] =	ssyncadd.s32 $0xFFFFF000  }
0x27e: {  	_ =	swait.ge [sflag:s0], $0x1000  }
0x27f: {  	[sflag:s0] =	ssyncset.done $0x0  }
0x280: {  	[sflag:s0] =	ssyncadd.s32 $0xFFFFF000  }
0x281: {  	_ =	swait.ge [sflag:s0], $0x1000  }
0x282: {  	[sflag:s0] =	ssyncset.done $0x0  }
0x283: {  	[sflag:s0] =	ssyncadd.s32 $0xFFFFF000  }
0x284: {  	_ =	swait.ge [sflag:s0], $0x1000  }
0x285: {  	[sflag:s0] =	ssyncset.done $0x0  }
0x286: {  	s8 =	rddreg [dreg:$0xa];
	[sflag:s0] =	ssyncadd.s32 $0xFFFFF000  }
0x287: {  	[spmem:s3] =	stream.indirect.scatter.add.f32 [tilespmem:s24], [sflag:$0x4], $0x80, s8, s15, $0xb8;
	[tilespmem:$0x1EC00] =	vst v63  }
0x288: {  	_ =	swait.ge [sflag:s5], $0x4000  }
0x289: {  	[sflag:s5] =	ssyncset.done $0x0  }
0x28a: {  	[sflag:s5] =	ssyncadd.s32 $0xFFFFC000  }
0x28b: {  	_ =	swait.ge [sflag:s6], $0x400  }
0x28c: {  	p1 =	seq.s32 s10, $0x8000;
	[sflag:s6] =	ssyncset.done $0x0  }
0x28d: {  	s7 =	simm.s32 @!p1 $0x0;
	s11 =	simm.s32 @!p1 $0x2800;
	[sflag:s6] =	ssyncadd.s32 $0xFFFFFC00  }
0x28e: {  	[tilespmem:s11], [sflag:$0x5] =	stream.linear.gather @!p1 [hbm4b:s14+s7], $0x400, $0x38;
	[tilespmem:$0x1EC00] =	vst v63  }
0x28f: {  	s11 =	sadd.s32 $0x480, s20  }
0x290: {  	[tilespmem:s24], [sflag:$0x2] =	stream.indirect.gather [hbm4b:s1+s23], $0x80, s11, s23, $0xb8;
	[tilespmem:$0x1EC00] =	vst v63  }
0x291: {  	s8 =	sadd.s32 $0x4A0, s20  }
0x292: {  	[tilespmem:s25], [sflag:$0x2] =	stream.indirect.gather [hbm4b:s1+s23], $0x80, s8, s23, $0xb8;
	[tilespmem:$0x1EC00] =	vst v63  }
0x293: {  	s11 =	sadd.s32 $0x4C0, s20  }
0x294: {  	[tilespmem:s26], [sflag:$0x2] =	stream.indirect.gather [hbm4b:s1+s23], $0x80, s11, s23, $0xb8;
	[tilespmem:$0x1EC00] =	vst v63  }
0x295: {  	s8 =	sadd.s32 $0x4E0, s20  }
0x296: {  	[tilespmem:s28], [sflag:$0x2] =	stream.indirect.gather [hbm4b:s1+s23], $0x80, s8, s23, $0xb8;
	[tilespmem:$0x1EC00] =	vst v63  }
0x297: {  	_ =	swait.ge [sflag:s29], $0x1000  }
0x298: {  	[sflag:s29] =	ssyncset.done $0x0  }
0x299: {  	[sflag:s29] =	ssyncadd.s32 $0xFFFFF000  }
0x29a: {  	_ =	swait.ge [sflag:s29], $0x1000  }
0x29b: {  	[sflag:s29] =	ssyncset.done $0x0  }
0x29c: {  	[sflag:s29] =	ssyncadd.s32 $0xFFFFF000  }
0x29d: {  	_ =	swait.ge [sflag:s29], $0x1000  }
0x29e: {  	[sflag:s29] =	ssyncset.done $0x0  }
0x29f: {  	[sflag:s29] =	ssyncadd.s32 $0xFFFFF000  }
0x2a0: {  	_ =	swait.ge [sflag:s29], $0x1000  }
0x2a1: {  	[sflag:s29] =	ssyncset.done $0x0  }
0x2a2: {  	[sflag:s29] =	ssyncadd.s32 $0xFFFFF000  }
0x2a3: {  	[spmem:s3] =	stream.indirect.scatter.add.f32 [tilespmem:s18], [sflag:$0x3], $0x80, s22, s15, $0xb8;
	[tilespmem:$0x1EC00] =	vst v63  }
0x2a4: {  	_ =	swait.ge [sflag:s30], $0x4000  }
0x2a5: {  	[sflag:s30] =	ssyncset.done $0x0  }
0x2a6: {  	s11 =	sadd.s32 $0x500, s20;
	[sflag:s30] =	ssyncadd.s32 $0xFFFFC000  }
0x2a7: {  	[tilespmem:s18], [sflag:$0x1] =	stream.indirect.gather [hbm4b:s1+s23], $0x80, s11, s23, $0xb8;
	[tilespmem:$0x1EC00] =	vst v63  }
0x2a8: {  	s8 =	sadd.s32 $0x520, s20  }
0x2a9: {  	[tilespmem:s31], [sflag:$0x1] =	stream.indirect.gather [hbm4b:s1+s23], $0x80, s8, s23, $0xb8;
	[tilespmem:$0x1EC00] =	vst v63  }
0x2aa: {  	s11 =	sadd.s32 $0x540, s20  }
0x2ab: {  	[tilespmem:s2], [sflag:$0x1] =	stream.indirect.gather [hbm4b:s1+s23], $0x80, s11, s23, $0xb8;
	[tilespmem:$0x1EC00] =	vst v63  }
0x2ac: {  	s8 =	sadd.s32 $0x560, s20  }
0x2ad: {  	[tilespmem:s16], [sflag:$0x1] =	stream.indirect.gather [hbm4b:s1+s23], $0x80, s8, s23, $0xb8;
	[tilespmem:$0x1EC00] =	vst v63  }
0x2ae: {  	_ =	swait.ge [sflag:s0], $0x1000  }
0x2af: {  	[sflag:s0] =	ssyncset.done $0x0  }
0x2b0: {  	[sflag:s0] =	ssyncadd.s32 $0xFFFFF000  }
0x2b1: {  	_ =	swait.ge [sflag:s0], $0x1000  }
0x2b2: {  	[sflag:s0] =	ssyncset.done $0x0  }
0x2b3: {  	[sflag:s0] =	ssyncadd.s32 $0xFFFFF000  }
0x2b4: {  	_ =	swait.ge [sflag:s0], $0x1000  }
0x2b5: {  	[sflag:s0] =	ssyncset.done $0x0  }
0x2b6: {  	[sflag:s0] =	ssyncadd.s32 $0xFFFFF000  }
0x2b7: {  	_ =	swait.ge [sflag:s0], $0x1000  }
0x2b8: {  	[sflag:s0] =	ssyncset.done $0x0  }
0x2b9: {  	s11 =	rddreg [dreg:$0xb];
	[sflag:s0] =	ssyncadd.s32 $0xFFFFF000  }
0x2ba: {  	[spmem:s3] =	stream.indirect.scatter.add.f32 [tilespmem:s24], [sflag:$0x4], $0x80, s11, s15, $0xb8;
	[tilespmem:$0x1EC00] =	vst v63  }
0x2bb: {  	_ =	swait.ge [sflag:s5], $0x4000  }
0x2bc: {  	[sflag:s5] =	ssyncset.done $0x0  }
0x2bd: {  	s8 =	sadd.s32 $0x580, s20;
	[sflag:s5] =	ssyncadd.s32 $0xFFFFC000  }
0x2be: {  	[tilespmem:s24], [sflag:$0x2] =	stream.indirect.gather [hbm4b:s1+s23], $0x80, s8, s23, $0xb8;
	[tilespmem:$0x1EC00] =	vst v63  }
0x2bf: {  	s11 =	sadd.s32 $0x5A0, s20  }
0x2c0: {  	[tilespmem:s25], [sflag:$0x2] =	stream.indirect.gather [hbm4b:s1+s23], $0x80, s11, s23, $0xb8;
	[tilespmem:$0x1EC00] =	vst v63  }
0x2c1: {  	s8 =	sadd.s32 $0x5C0, s20  }
0x2c2: {  	[tilespmem:s26], [sflag:$0x2] =	stream.indirect.gather [hbm4b:s1+s23], $0x80, s8, s23, $0xb8;
	[tilespmem:$0x1EC00] =	vst v63  }
0x2c3: {  	s11 =	sadd.s32 $0x5E0, s20  }
0x2c4: {  	[tilespmem:s28], [sflag:$0x2] =	stream.indirect.gather [hbm4b:s1+s23], $0x80, s11, s23, $0xb8;
	[tilespmem:$0x1EC00] =	vst v63  }
0x2c5: {  	_ =	swait.ge [sflag:s29], $0x1000  }
0x2c6: {  	[sflag:s29] =	ssyncset.done $0x0  }
0x2c7: {  	[sflag:s29] =	ssyncadd.s32 $0xFFFFF000  }
0x2c8: {  	_ =	swait.ge [sflag:s29], $0x1000  }
0x2c9: {  	[sflag:s29] =	ssyncset.done $0x0  }
0x2ca: {  	[sflag:s29] =	ssyncadd.s32 $0xFFFFF000  }
0x2cb: {  	_ =	swait.ge [sflag:s29], $0x1000  }
0x2cc: {  	[sflag:s29] =	ssyncset.done $0x0  }
0x2cd: {  	[sflag:s29] =	ssyncadd.s32 $0xFFFFF000  }
0x2ce: {  	_ =	swait.ge [sflag:s29], $0x1000  }
0x2cf: {  	[sflag:s29] =	ssyncset.done $0x0  }
0x2d0: {  	s8 =	rddreg [dreg:$0xc];
	[sflag:s29] =	ssyncadd.s32 $0xFFFFF000  }
0x2d1: {  	[spmem:s3] =	stream.indirect.scatter.add.f32 [tilespmem:s18], [sflag:$0x3], $0x80, s8, s15, $0xb8;
	[tilespmem:$0x1EC00] =	vst v63  }
0x2d2: {  	_ =	swait.ge [sflag:s30], $0x4000  }
0x2d3: {  	[sflag:s30] =	ssyncset.done $0x0  }
0x2d4: {  	s11 =	sadd.s32 $0x600, s20;
	[sflag:s30] =	ssyncadd.s32 $0xFFFFC000  }
0x2d5: {  	[tilespmem:s18], [sflag:$0x1] =	stream.indirect.gather [hbm4b:s1+s23], $0x80, s11, s23, $0xb8;
	[tilespmem:$0x1EC00] =	vst v63  }
0x2d6: {  	s8 =	sadd.s32 $0x620, s20  }
0x2d7: {  	[tilespmem:s31], [sflag:$0x1] =	stream.indirect.gather [hbm4b:s1+s23], $0x80, s8, s23, $0xb8;
	[tilespmem:$0x1EC00] =	vst v63  }
0x2d8: {  	s11 =	sadd.s32 $0x640, s20  }
0x2d9: {  	[tilespmem:s2], [sflag:$0x1] =	stream.indirect.gather [hbm4b:s1+s23], $0x80, s11, s23, $0xb8;
	[tilespmem:$0x1EC00] =	vst v63  }
0x2da: {  	s8 =	sadd.s32 $0x660, s20  }
0x2db: {  	[tilespmem:s16], [sflag:$0x1] =	stream.indirect.gather [hbm4b:s1+s23], $0x80, s8, s23, $0xb8;
	[tilespmem:$0x1EC00] =	vst v63  }
0x2dc: {  	_ =	swait.ge [sflag:s0], $0x1000  }
0x2dd: {  	[sflag:s0] =	ssyncset.done $0x0  }
0x2de: {  	[sflag:s0] =	ssyncadd.s32 $0xFFFFF000  }
0x2df: {  	_ =	swait.ge [sflag:s0], $0x1000  }
0x2e0: {  	[sflag:s0] =	ssyncset.done $0x0  }
0x2e1: {  	[sflag:s0] =	ssyncadd.s32 $0xFFFFF000  }
0x2e2: {  	_ =	swait.ge [sflag:s0], $0x1000  }
0x2e3: {  	[sflag:s0] =	ssyncset.done $0x0  }
0x2e4: {  	[sflag:s0] =	ssyncadd.s32 $0xFFFFF000  }
0x2e5: {  	_ =	swait.ge [sflag:s0], $0x1000  }
0x2e6: {  	[sflag:s0] =	ssyncset.done $0x0  }
0x2e7: {  	s11 =	rddreg [dreg:$0xd];
	[sflag:s0] =	ssyncadd.s32 $0xFFFFF000  }
0x2e8: {  	[spmem:s3] =	stream.indirect.scatter.add.f32 [tilespmem:s24], [sflag:$0x4], $0x80, s11, s15, $0xb8;
	[tilespmem:$0x1EC00] =	vst v63  }
0x2e9: {  	_ =	swait.ge [sflag:s5], $0x4000  }
0x2ea: {  	[sflag:s5] =	ssyncset.done $0x0  }
0x2eb: {  	s8 =	sadd.s32 $0x680, s20;
	[sflag:s5] =	ssyncadd.s32 $0xFFFFC000  }
0x2ec: {  	[tilespmem:s24], [sflag:$0x2] =	stream.indirect.gather [hbm4b:s1+s23], $0x80, s8, s23, $0xb8;
	[tilespmem:$0x1EC00] =	vst v63  }
0x2ed: {  	s11 =	sadd.s32 $0x6A0, s20  }
0x2ee: {  	[tilespmem:s25], [sflag:$0x2] =	stream.indirect.gather [hbm4b:s1+s23], $0x80, s11, s23, $0xb8;
	[tilespmem:$0x1EC00] =	vst v63  }
0x2ef: {  	s8 =	sadd.s32 $0x6C0, s20  }
0x2f0: {  	[tilespmem:s26], [sflag:$0x2] =	stream.indirect.gather [hbm4b:s1+s23], $0x80, s8, s23, $0xb8;
	[tilespmem:$0x1EC00] =	vst v63  }
0x2f1: {  	s11 =	sadd.s32 $0x6E0, s20  }
0x2f2: {  	[tilespmem:s28], [sflag:$0x2] =	stream.indirect.gather [hbm4b:s1+s23], $0x80, s11, s23, $0xb8;
	[tilespmem:$0x1EC00] =	vst v63  }
0x2f3: {  	_ =	swait.ge [sflag:s29], $0x1000  }
0x2f4: {  	[sflag:s29] =	ssyncset.done $0x0  }
0x2f5: {  	[sflag:s29] =	ssyncadd.s32 $0xFFFFF000  }
0x2f6: {  	_ =	swait.ge [sflag:s29], $0x1000  }
0x2f7: {  	[sflag:s29] =	ssyncset.done $0x0  }
0x2f8: {  	[sflag:s29] =	ssyncadd.s32 $0xFFFFF000  }
0x2f9: {  	_ =	swait.ge [sflag:s29], $0x1000  }
0x2fa: {  	[sflag:s29] =	ssyncset.done $0x0  }
0x2fb: {  	[sflag:s29] =	ssyncadd.s32 $0xFFFFF000  }
0x2fc: {  	_ =	swait.ge [sflag:s29], $0x1000  }
0x2fd: {  	[sflag:s29] =	ssyncset.done $0x0  }
0x2fe: {  	s8 =	rddreg [dreg:$0xe];
	[sflag:s29] =	ssyncadd.s32 $0xFFFFF000  }
0x2ff: {  	[spmem:s3] =	stream.indirect.scatter.add.f32 [tilespmem:s18], [sflag:$0x3], $0x80, s8, s15, $0xb8;
	[tilespmem:$0x1EC00] =	vst v63  }
0x300: {  	_ =	swait.ge [sflag:s30], $0x4000  }
0x301: {  	[sflag:s30] =	ssyncset.done $0x0  }
0x302: {  	s11 =	sadd.s32 $0x700, s20;
	[sflag:s30] =	ssyncadd.s32 $0xFFFFC000  }
0x303: {  	[tilespmem:s18], [sflag:$0x1] =	stream.indirect.gather [hbm4b:s1+s23], $0x80, s11, s23, $0xb8;
	[tilespmem:$0x1EC00] =	vst v63  }
0x304: {  	s8 =	sadd.s32 $0x720, s20  }
0x305: {  	[tilespmem:s31], [sflag:$0x1] =	stream.indirect.gather [hbm4b:s1+s23], $0x80, s8, s23, $0xb8;
	[tilespmem:$0x1EC00] =	vst v63  }
0x306: {  	s11 =	sadd.s32 $0x740, s20  }
0x307: {  	[tilespmem:s2], [sflag:$0x1] =	stream.indirect.gather [hbm4b:s1+s23], $0x80, s11, s23, $0xb8;
	[tilespmem:$0x1EC00] =	vst v63  }
0x308: {  	s8 =	sadd.s32 $0x760, s20  }
0x309: {  	[tilespmem:s16], [sflag:$0x1] =	stream.indirect.gather [hbm4b:s1+s23], $0x80, s8, s23, $0xb8;
	[tilespmem:$0x1EC00] =	vst v63  }
0x30a: {  	_ =	swait.ge [sflag:s0], $0x1000  }
0x30b: {  	[sflag:s0] =	ssyncset.done $0x0  }
0x30c: {  	[sflag:s0] =	ssyncadd.s32 $0xFFFFF000  }
0x30d: {  	_ =	swait.ge [sflag:s0], $0x1000  }
0x30e: {  	[sflag:s0] =	ssyncset.done $0x0  }
0x30f: {  	[sflag:s0] =	ssyncadd.s32 $0xFFFFF000  }
0x310: {  	_ =	swait.ge [sflag:s0], $0x1000  }
0x311: {  	[sflag:s0] =	ssyncset.done $0x0  }
0x312: {  	[sflag:s0] =	ssyncadd.s32 $0xFFFFF000  }
0x313: {  	_ =	swait.ge [sflag:s0], $0x1000  }
0x314: {  	[sflag:s0] =	ssyncset.done $0x0  }
0x315: {  	s11 =	rddreg [dreg:$0xf];
	[sflag:s0] =	ssyncadd.s32 $0xFFFFF000  }
0x316: {  	[spmem:s3] =	stream.indirect.scatter.add.f32 [tilespmem:s24], [sflag:$0x4], $0x80, s11, s15, $0xb8;
	[tilespmem:$0x1EC00] =	vst v63  }
0x317: {  	_ =	swait.ge [sflag:s5], $0x4000  }
0x318: {  	[sflag:s5] =	ssyncset.done $0x0  }
0x319: {  	s8 =	sadd.s32 $0x780, s20;
	[sflag:s5] =	ssyncadd.s32 $0xFFFFC000  }
0x31a: {  	[tilespmem:s24], [sflag:$0x2] =	stream.indirect.gather [hbm4b:s1+s23], $0x80, s8, s23, $0xb8;
	[tilespmem:$0x1EC00] =	vst v63  }
0x31b: {  	s11 =	sadd.s32 $0x7A0, s20  }
0x31c: {  	[tilespmem:s25], [sflag:$0x2] =	stream.indirect.gather [hbm4b:s1+s23], $0x80, s11, s23, $0xb8;
	[tilespmem:$0x1EC00] =	vst v63  }
0x31d: {  	s8 =	sadd.s32 $0x7C0, s20  }
0x31e: {  	[tilespmem:s26], [sflag:$0x2] =	stream.indirect.gather [hbm4b:s1+s23], $0x80, s8, s23, $0xb8;
	[tilespmem:$0x1EC00] =	vst v63  }
0x31f: {  	s11 =	sadd.s32 $0x7E0, s20  }
0x320: {  	[tilespmem:s28], [sflag:$0x2] =	stream.indirect.gather [hbm4b:s1+s23], $0x80, s11, s23, $0xb8;
	[tilespmem:$0x1EC00] =	vst v63  }
0x321: {  	_ =	swait.ge [sflag:s29], $0x1000  }
0x322: {  	[sflag:s29] =	ssyncset.done $0x0  }
0x323: {  	[sflag:s29] =	ssyncadd.s32 $0xFFFFF000  }
0x324: {  	_ =	swait.ge [sflag:s29], $0x1000  }
0x325: {  	[sflag:s29] =	ssyncset.done $0x0  }
0x326: {  	[sflag:s29] =	ssyncadd.s32 $0xFFFFF000  }
0x327: {  	_ =	swait.ge [sflag:s29], $0x1000  }
0x328: {  	[sflag:s29] =	ssyncset.done $0x0  }
0x329: {  	[sflag:s29] =	ssyncadd.s32 $0xFFFFF000  }
0x32a: {  	_ =	swait.ge [sflag:s29], $0x1000  }
0x32b: {  	[sflag:s29] =	ssyncset.done $0x0  }
0x32c: {  	s20 =	rddreg [dreg:$0x10];
	[sflag:s29] =	ssyncadd.s32 $0xFFFFF000  }
0x32d: {  	[spmem:s3] =	stream.indirect.scatter.add.f32 [tilespmem:s18], [sflag:$0x3], $0x80, s20, s15, $0xb8;
	[tilespmem:$0x1EC00] =	vst v63  }
0x32e: {  	p1 =	sgt.u32 s9, $0x8;
	_ =	swait.ge [sflag:s30], $0x4000  }
0x32f: {  	s7 =	sshra.s32 @!p1 s10, $0x2;
	s10 =	simm.s32 @!p1 $0x3000;
	[sflag:s30] =	ssyncset.done $0x0  }
0x330: {  	s11 =	sadd.s32 @!p1 $0x800, s7;
	s20 =	simm.s32 @!p1 $0x20;
	[sflag:s30] =	ssyncadd.s32 $0xFFFFC000  }
0x331: {  	[tilespmem:s10], [sflag:$0x1] =	stream.indirect.gather @!p1 [hbm4b:s1+s20], $0x80, s11, s20, $0xb8;
	[tilespmem:$0x1EC00] =	vst v63  }
0x332: {  	s10 =	sadd.s32 @!p1 $0x820, s7;
	s11 =	simm.s32 @!p1 $0x4000  }
0x333: {  	[tilespmem:s11], [sflag:$0x1] =	stream.indirect.gather @!p1 [hbm4b:s1+s20], $0x80, s10, s20, $0xb8;
	[tilespmem:$0x1EC00] =	vst v63  }
0x334: {  	s8 =	sadd.s32 @!p1 $0x840, s7;
	s11 =	simm.s32 @!p1 $0x5000  }
0x335: {  	[tilespmem:s11], [sflag:$0x1] =	stream.indirect.gather @!p1 [hbm4b:s1+s20], $0x80, s8, s20, $0xb8;
	[tilespmem:$0x1EC00] =	vst v63  }
0x336: {  	s7 =	sadd.s32 @!p1 $0x860, s7;
	s8 =	simm.s32 @!p1 $0x6000  }
0x337: {  	[tilespmem:s8], [sflag:$0x1] =	stream.indirect.gather @!p1 [hbm4b:s1+s20], $0x80, s7, s20, $0xb8;
	[tilespmem:$0x1EC00] =	vst v63  }
0x338: {  	_ =	swait.ge [sflag:s0], $0x1000  }
0x339: {  	[sflag:s0] =	ssyncset.done $0x0  }
0x33a: {  	[sflag:s0] =	ssyncadd.s32 $0xFFFFF000  }
0x33b: {  	_ =	swait.ge [sflag:s0], $0x1000  }
0x33c: {  	[sflag:s0] =	ssyncset.done $0x0  }
0x33d: {  	s13 =	smov.u32 s12;
	s12 =	sadd.s32 $0x2000, s12;
	[sflag:s0] =	ssyncadd.s32 $0xFFFFF000  }
0x33e: {  	p0 =	sne.s32 s12, $0xA000;
	_ =	swait.ge [sflag:s0], $0x1000  }
.Ltmp1:
0x33f: {  	[sflag:s0] =	ssyncset.done $0x0;
	(pc) =	sbr.rel @p0 .LBB2_4-.Ltmp1, $4  }
0x340: {  	[sflag:s0] =	ssyncadd.s32 $0xFFFFF000  }
0x341: {  	_ =	swait.ge [sflag:s0], $0x1000  }
0x342: {  	s9 =	sadd.s32 $0x2, s9;
	s10 =	smov.u32 s13;
	[sflag:s0] =	ssyncset.done $0x0  }
0x343: {  	p1 =	seq.s32 s10, $0x0;
	s20 =	rddreg [dreg:$0x11];
	[sflag:s0] =	ssyncadd.s32 $0xFFFFF000  }
0x344: {  	s7 =	simm.s32 @!p1 $0x4  }
0x345: {  	[spmem:s3] =	stream.indirect.scatter.add.f32 [tilespmem:s24], [sflag:$0x4], $0x80, s20, s15, $0xb8;
	[tilespmem:$0x1EC00] =	vst v63  }
0x346: {  	_ =	swait.ge @!p1 [sflag:s7], $0x4000  }
0x347: {  	[sflag:s7] =	ssyncset.done @!p1 $0x0  }
0x348: {  	[sflag:s7] =	ssyncadd.s32 @!p1 $0xFFFFC000  }
0x349: {  	_ =	swait.ge [sflag:s21], $0x400  }
0x34a: {  	s13 =	sadd.s32 $0x100, s14;
	[sflag:s21] =	ssyncset.done $0x0  }
0x34b: {  	s12 =	sshra.s32 s10, $0x2;
	s14 =	sadd.s32 $0xFFFFFF80, s13;
	[sflag:s21] =	ssyncadd.s32 $0xFFFFFC00  }
0x34c: {  	[tilespmem:s22], [sflag:$0x6] =	stream.linear.gather [hbm4b:s14+s4], $0x400, $0x38;
	[tilespmem:$0x1EC00] =	vst v63  }
0x34d: {  	s20 =	sadd.s32 $0x80, s12  }
0x34e: {  	[tilespmem:s24], [sflag:$0x2] =	stream.indirect.gather [hbm4b:s1+s23], $0x80, s20, s23, $0xb8;
	[tilespmem:$0x1EC00] =	vst v63  }
0x34f: {  	s8 =	sadd.s32 $0xA0, s12  }
0x350: {  	[tilespmem:s25], [sflag:$0x2] =	stream.indirect.gather [hbm4b:s1+s23], $0x80, s8, s23, $0xb8;
	[tilespmem:$0x1EC00] =	vst v63  }
0x351: {  	s11 =	sadd.s32 $0xC0, s12  }
0x352: {  	[tilespmem:s26], [sflag:$0x2] =	stream.indirect.gather [hbm4b:s1+s23], $0x80, s11, s23, $0xb8;
	[tilespmem:$0x1EC00] =	vst v63  }
0x353: {  	s14 =	sadd.s32 $0xE0, s12  }
0x354: {  	[tilespmem:s28], [sflag:$0x2] =	stream.indirect.gather [hbm4b:s1+s23], $0x80, s14, s23, $0xb8;
	[tilespmem:$0x1EC00] =	vst v63  }
0x355: {  	_ =	swait.ge [sflag:s29], $0x1000  }
0x356: {  	[sflag:s29] =	ssyncset.done $0x0  }
0x357: {  	[sflag:s29] =	ssyncadd.s32 $0xFFFFF000  }
0x358: {  	_ =	swait.ge [sflag:s29], $0x1000  }
0x359: {  	[sflag:s29] =	ssyncset.done $0x0  }
0x35a: {  	[sflag:s29] =	ssyncadd.s32 $0xFFFFF000  }
0x35b: {  	_ =	swait.ge [sflag:s29], $0x1000  }
0x35c: {  	[sflag:s29] =	ssyncset.done $0x0  }
0x35d: {  	[sflag:s29] =	ssyncadd.s32 $0xFFFFF000  }
0x35e: {  	_ =	swait.ge [sflag:s29], $0x1000  }
0x35f: {  	[sflag:s29] =	ssyncset.done $0x0  }
0x360: {  	[sflag:s29] =	ssyncadd.s32 $0xFFFFF000  }
0x361: {  	[spmem:s3] =	stream.indirect.scatter.add.f32 [tilespmem:s18], [sflag:$0x3], $0x80, s17, s15, $0xb8;
	[tilespmem:$0x1EC00] =	vst v63  }
0x362: {  	_ =	swait.ge [sflag:s30], $0x4000  }
0x363: {  	[sflag:s30] =	ssyncset.done $0x0  }
0x364: {  	s20 =	sadd.s32 $0x100, s12;
	[sflag:s30] =	ssyncadd.s32 $0xFFFFC000  }
0x365: {  	[tilespmem:s18], [sflag:$0x1] =	stream.indirect.gather [hbm4b:s1+s23], $0x80, s20, s23, $0xb8;
	[tilespmem:$0x1EC00] =	vst v63  }
0x366: {  	s8 =	sadd.s32 $0x120, s12  }
0x367: {  	[tilespmem:s31], [sflag:$0x1] =	stream.indirect.gather [hbm4b:s1+s23], $0x80, s8, s23, $0xb8;
	[tilespmem:$0x1EC00] =	vst v63  }
0x368: {  	s11 =	sadd.s32 $0x140, s12  }
0x369: {  	[tilespmem:s2], [sflag:$0x1] =	stream.indirect.gather [hbm4b:s1+s23], $0x80, s11, s23, $0xb8;
	[tilespmem:$0x1EC00] =	vst v63  }
0x36a: {  	s14 =	sadd.s32 $0x160, s12  }
0x36b: {  	[tilespmem:s16], [sflag:$0x1] =	stream.indirect.gather [hbm4b:s1+s23], $0x80, s14, s23, $0xb8;
	[tilespmem:$0x1EC00] =	vst v63  }
0x36c: {  	_ =	swait.ge [sflag:s0], $0x1000  }
0x36d: {  	[sflag:s0] =	ssyncset.done $0x0  }
0x36e: {  	[sflag:s0] =	ssyncadd.s32 $0xFFFFF000  }
0x36f: {  	_ =	swait.ge [sflag:s0], $0x1000  }
0x370: {  	[sflag:s0] =	ssyncset.done $0x0  }
0x371: {  	[sflag:s0] =	ssyncadd.s32 $0xFFFFF000  }
0x372: {  	_ =	swait.ge [sflag:s0], $0x1000  }
0x373: {  	[sflag:s0] =	ssyncset.done $0x0  }
0x374: {  	[sflag:s0] =	ssyncadd.s32 $0xFFFFF000  }
0x375: {  	_ =	swait.ge [sflag:s0], $0x1000  }
0x376: {  	[sflag:s0] =	ssyncset.done $0x0  }
0x377: {  	s20 =	rddreg [dreg:$0x4];
	[sflag:s0] =	ssyncadd.s32 $0xFFFFF000  }
0x378: {  	[spmem:s3] =	stream.indirect.scatter.add.f32 [tilespmem:s24], [sflag:$0x4], $0x80, s20, s15, $0xb8;
	[tilespmem:$0x1EC00] =	vst v63  }
0x379: {  	_ =	swait.ge [sflag:s5], $0x4000  }
0x37a: {  	[sflag:s5] =	ssyncset.done $0x0  }
0x37b: {  	s8 =	sadd.s32 $0x180, s12;
	[sflag:s5] =	ssyncadd.s32 $0xFFFFC000  }
0x37c: {  	[tilespmem:s24], [sflag:$0x2] =	stream.indirect.gather [hbm4b:s1+s23], $0x80, s8, s23, $0xb8;
	[tilespmem:$0x1EC00] =	vst v63  }
0x37d: {  	s11 =	sadd.s32 $0x1A0, s12  }
0x37e: {  	[tilespmem:s25], [sflag:$0x2] =	stream.indirect.gather [hbm4b:s1+s23], $0x80, s11, s23, $0xb8;
	[tilespmem:$0x1EC00] =	vst v63  }
0x37f: {  	s14 =	sadd.s32 $0x1C0, s12  }
0x380: {  	[tilespmem:s26], [sflag:$0x2] =	stream.indirect.gather [hbm4b:s1+s23], $0x80, s14, s23, $0xb8;
	[tilespmem:$0x1EC00] =	vst v63  }
0x381: {  	s20 =	sadd.s32 $0x1E0, s12  }
0x382: {  	[tilespmem:s28], [sflag:$0x2] =	stream.indirect.gather [hbm4b:s1+s23], $0x80, s20, s23, $0xb8;
	[tilespmem:$0x1EC00] =	vst v63  }
0x383: {  	_ =	swait.ge [sflag:s29], $0x1000  }
0x384: {  	[sflag:s29] =	ssyncset.done $0x0  }
0x385: {  	[sflag:s29] =	ssyncadd.s32 $0xFFFFF000  }
0x386: {  	_ =	swait.ge [sflag:s29], $0x1000  }
0x387: {  	[sflag:s29] =	ssyncset.done $0x0  }
0x388: {  	[sflag:s29] =	ssyncadd.s32 $0xFFFFF000  }
0x389: {  	_ =	swait.ge [sflag:s29], $0x1000  }
0x38a: {  	[sflag:s29] =	ssyncset.done $0x0  }
0x38b: {  	[sflag:s29] =	ssyncadd.s32 $0xFFFFF000  }
0x38c: {  	_ =	swait.ge [sflag:s29], $0x1000  }
0x38d: {  	[sflag:s29] =	ssyncset.done $0x0  }
0x38e: {  	s8 =	rddreg [dreg:$0x5];
	[sflag:s29] =	ssyncadd.s32 $0xFFFFF000  }
0x38f: {  	[spmem:s3] =	stream.indirect.scatter.add.f32 [tilespmem:s18], [sflag:$0x3], $0x80, s8, s15, $0xb8;
	[tilespmem:$0x1EC00] =	vst v63  }
0x390: {  	_ =	swait.ge [sflag:s30], $0x4000  }
0x391: {  	[sflag:s30] =	ssyncset.done $0x0  }
0x392: {  	s11 =	sadd.s32 $0x200, s12;
	[sflag:s30] =	ssyncadd.s32 $0xFFFFC000  }
0x393: {  	[tilespmem:s18], [sflag:$0x1] =	stream.indirect.gather [hbm4b:s1+s23], $0x80, s11, s23, $0xb8;
	[tilespmem:$0x1EC00] =	vst v63  }
0x394: {  	s14 =	sadd.s32 $0x220, s12  }
0x395: {  	[tilespmem:s31], [sflag:$0x1] =	stream.indirect.gather [hbm4b:s1+s23], $0x80, s14, s23, $0xb8;
	[tilespmem:$0x1EC00] =	vst v63  }
0x396: {  	s20 =	sadd.s32 $0x240, s12  }
0x397: {  	[tilespmem:s2], [sflag:$0x1] =	stream.indirect.gather [hbm4b:s1+s23], $0x80, s20, s23, $0xb8;
	[tilespmem:$0x1EC00] =	vst v63  }
0x398: {  	s8 =	sadd.s32 $0x260, s12  }
0x399: {  	[tilespmem:s16], [sflag:$0x1] =	stream.indirect.gather [hbm4b:s1+s23], $0x80, s8, s23, $0xb8;
	[tilespmem:$0x1EC00] =	vst v63  }
0x39a: {  	_ =	swait.ge [sflag:s0], $0x1000  }
0x39b: {  	[sflag:s0] =	ssyncset.done $0x0  }
0x39c: {  	[sflag:s0] =	ssyncadd.s32 $0xFFFFF000  }
0x39d: {  	_ =	swait.ge [sflag:s0], $0x1000  }
0x39e: {  	[sflag:s0] =	ssyncset.done $0x0  }
0x39f: {  	[sflag:s0] =	ssyncadd.s32 $0xFFFFF000  }
0x3a0: {  	_ =	swait.ge [sflag:s0], $0x1000  }
0x3a1: {  	[sflag:s0] =	ssyncset.done $0x0  }
0x3a2: {  	[sflag:s0] =	ssyncadd.s32 $0xFFFFF000  }
0x3a3: {  	_ =	swait.ge [sflag:s0], $0x1000  }
0x3a4: {  	[sflag:s0] =	ssyncset.done $0x0  }
0x3a5: {  	s11 =	rddreg [dreg:$0x6];
	[sflag:s0] =	ssyncadd.s32 $0xFFFFF000  }
0x3a6: {  	[spmem:s3] =	stream.indirect.scatter.add.f32 [tilespmem:s24], [sflag:$0x4], $0x80, s11, s15, $0xb8;
	[tilespmem:$0x1EC00] =	vst v63  }
0x3a7: {  	_ =	swait.ge [sflag:s5], $0x4000  }
0x3a8: {  	[sflag:s5] =	ssyncset.done $0x0  }
0x3a9: {  	s14 =	sadd.s32 $0x280, s12;
	[sflag:s5] =	ssyncadd.s32 $0xFFFFC000  }
0x3aa: {  	[tilespmem:s24], [sflag:$0x2] =	stream.indirect.gather [hbm4b:s1+s23], $0x80, s14, s23, $0xb8;
	[tilespmem:$0x1EC00] =	vst v63  }
0x3ab: {  	s20 =	sadd.s32 $0x2A0, s12  }
0x3ac: {  	[tilespmem:s25], [sflag:$0x2] =	stream.indirect.gather [hbm4b:s1+s23], $0x80, s20, s23, $0xb8;
	[tilespmem:$0x1EC00] =	vst v63  }
0x3ad: {  	s8 =	sadd.s32 $0x2C0, s12  }
0x3ae: {  	[tilespmem:s26], [sflag:$0x2] =	stream.indirect.gather [hbm4b:s1+s23], $0x80, s8, s23, $0xb8;
	[tilespmem:$0x1EC00] =	vst v63  }
0x3af: {  	s11 =	sadd.s32 $0x2E0, s12  }
0x3b0: {  	[tilespmem:s28], [sflag:$0x2] =	stream.indirect.gather [hbm4b:s1+s23], $0x80, s11, s23, $0xb8;
	[tilespmem:$0x1EC00] =	vst v63  }
0x3b1: {  	_ =	swait.ge [sflag:s29], $0x1000  }
0x3b2: {  	[sflag:s29] =	ssyncset.done $0x0  }
0x3b3: {  	[sflag:s29] =	ssyncadd.s32 $0xFFFFF000  }
0x3b4: {  	_ =	swait.ge [sflag:s29], $0x1000  }
0x3b5: {  	[sflag:s29] =	ssyncset.done $0x0  }
0x3b6: {  	[sflag:s29] =	ssyncadd.s32 $0xFFFFF000  }
0x3b7: {  	_ =	swait.ge [sflag:s29], $0x1000  }
0x3b8: {  	[sflag:s29] =	ssyncset.done $0x0  }
0x3b9: {  	[sflag:s29] =	ssyncadd.s32 $0xFFFFF000  }
0x3ba: {  	_ =	swait.ge [sflag:s29], $0x1000  }
0x3bb: {  	[sflag:s29] =	ssyncset.done $0x0  }
0x3bc: {  	s14 =	rddreg [dreg:$0x7];
	[sflag:s29] =	ssyncadd.s32 $0xFFFFF000  }
0x3bd: {  	[spmem:s3] =	stream.indirect.scatter.add.f32 [tilespmem:s18], [sflag:$0x3], $0x80, s14, s15, $0xb8;
	[tilespmem:$0x1EC00] =	vst v63  }
0x3be: {  	_ =	swait.ge [sflag:s30], $0x4000  }
0x3bf: {  	[sflag:s30] =	ssyncset.done $0x0  }
0x3c0: {  	s20 =	sadd.s32 $0x300, s12;
	[sflag:s30] =	ssyncadd.s32 $0xFFFFC000  }
0x3c1: {  	[tilespmem:s18], [sflag:$0x1] =	stream.indirect.gather [hbm4b:s1+s23], $0x80, s20, s23, $0xb8;
	[tilespmem:$0x1EC00] =	vst v63  }
0x3c2: {  	s8 =	sadd.s32 $0x320, s12  }
0x3c3: {  	[tilespmem:s31], [sflag:$0x1] =	stream.indirect.gather [hbm4b:s1+s23], $0x80, s8, s23, $0xb8;
	[tilespmem:$0x1EC00] =	vst v63  }
0x3c4: {  	s11 =	sadd.s32 $0x340, s12  }
0x3c5: {  	[tilespmem:s2], [sflag:$0x1] =	stream.indirect.gather [hbm4b:s1+s23], $0x80, s11, s23, $0xb8;
	[tilespmem:$0x1EC00] =	vst v63  }
0x3c6: {  	s14 =	sadd.s32 $0x360, s12  }
0x3c7: {  	[tilespmem:s16], [sflag:$0x1] =	stream.indirect.gather [hbm4b:s1+s23], $0x80, s14, s23, $0xb8;
	[tilespmem:$0x1EC00] =	vst v63  }
0x3c8: {  	_ =	swait.ge [sflag:s0], $0x1000  }
0x3c9: {  	[sflag:s0] =	ssyncset.done $0x0  }
0x3ca: {  	[sflag:s0] =	ssyncadd.s32 $0xFFFFF000  }
0x3cb: {  	_ =	swait.ge [sflag:s0], $0x1000  }
0x3cc: {  	[sflag:s0] =	ssyncset.done $0x0  }
0x3cd: {  	[sflag:s0] =	ssyncadd.s32 $0xFFFFF000  }
0x3ce: {  	_ =	swait.ge [sflag:s0], $0x1000  }
0x3cf: {  	[sflag:s0] =	ssyncset.done $0x0  }
0x3d0: {  	[sflag:s0] =	ssyncadd.s32 $0xFFFFF000  }
0x3d1: {  	_ =	swait.ge [sflag:s0], $0x1000  }
0x3d2: {  	[sflag:s0] =	ssyncset.done $0x0  }
0x3d3: {  	s20 =	rddreg [dreg:$0x8];
	[sflag:s0] =	ssyncadd.s32 $0xFFFFF000  }
0x3d4: {  	[spmem:s3] =	stream.indirect.scatter.add.f32 [tilespmem:s24], [sflag:$0x4], $0x80, s20, s15, $0xb8;
	[tilespmem:$0x1EC00] =	vst v63  }
0x3d5: {  	_ =	swait.ge [sflag:s5], $0x4000  }
0x3d6: {  	[sflag:s5] =	ssyncset.done $0x0  }
0x3d7: {  	s8 =	sadd.s32 $0x380, s12;
	[sflag:s5] =	ssyncadd.s32 $0xFFFFC000  }
0x3d8: {  	[tilespmem:s24], [sflag:$0x2] =	stream.indirect.gather [hbm4b:s1+s23], $0x80, s8, s23, $0xb8;
	[tilespmem:$0x1EC00] =	vst v63  }
0x3d9: {  	s11 =	sadd.s32 $0x3A0, s12  }
0x3da: {  	[tilespmem:s25], [sflag:$0x2] =	stream.indirect.gather [hbm4b:s1+s23], $0x80, s11, s23, $0xb8;
	[tilespmem:$0x1EC00] =	vst v63  }
0x3db: {  	s14 =	sadd.s32 $0x3C0, s12  }
0x3dc: {  	[tilespmem:s26], [sflag:$0x2] =	stream.indirect.gather [hbm4b:s1+s23], $0x80, s14, s23, $0xb8;
	[tilespmem:$0x1EC00] =	vst v63  }
0x3dd: {  	s20 =	sadd.s32 $0x3E0, s12  }
0x3de: {  	[tilespmem:s28], [sflag:$0x2] =	stream.indirect.gather [hbm4b:s1+s23], $0x80, s20, s23, $0xb8;
	[tilespmem:$0x1EC00] =	vst v63  }
0x3df: {  	_ =	swait.ge [sflag:s29], $0x1000  }
0x3e0: {  	[sflag:s29] =	ssyncset.done $0x0  }
0x3e1: {  	[sflag:s29] =	ssyncadd.s32 $0xFFFFF000  }
0x3e2: {  	_ =	swait.ge [sflag:s29], $0x1000  }
0x3e3: {  	[sflag:s29] =	ssyncset.done $0x0  }
0x3e4: {  	[sflag:s29] =	ssyncadd.s32 $0xFFFFF000  }
0x3e5: {  	_ =	swait.ge [sflag:s29], $0x1000  }
0x3e6: {  	[sflag:s29] =	ssyncset.done $0x0  }
0x3e7: {  	[sflag:s29] =	ssyncadd.s32 $0xFFFFF000  }
0x3e8: {  	_ =	swait.ge [sflag:s29], $0x1000  }
0x3e9: {  	[sflag:s29] =	ssyncset.done $0x0  }
0x3ea: {  	s8 =	rddreg [dreg:$0x9];
	[sflag:s29] =	ssyncadd.s32 $0xFFFFF000  }
0x3eb: {  	[spmem:s3] =	stream.indirect.scatter.add.f32 [tilespmem:s18], [sflag:$0x3], $0x80, s8, s15, $0xb8;
	[tilespmem:$0x1EC00] =	vst v63  }
0x3ec: {  	_ =	swait.ge [sflag:s30], $0x4000  }
0x3ed: {  	[sflag:s30] =	ssyncset.done $0x0  }
0x3ee: {  	s11 =	sadd.s32 $0x400, s12;
	[sflag:s30] =	ssyncadd.s32 $0xFFFFC000  }
0x3ef: {  	[tilespmem:s18], [sflag:$0x1] =	stream.indirect.gather [hbm4b:s1+s23], $0x80, s11, s23, $0xb8;
	[tilespmem:$0x1EC00] =	vst v63  }
0x3f0: {  	s14 =	sadd.s32 $0x420, s12  }
0x3f1: {  	[tilespmem:s31], [sflag:$0x1] =	stream.indirect.gather [hbm4b:s1+s23], $0x80, s14, s23, $0xb8;
	[tilespmem:$0x1EC00] =	vst v63  }
0x3f2: {  	s20 =	sadd.s32 $0x440, s12  }
0x3f3: {  	[tilespmem:s2], [sflag:$0x1] =	stream.indirect.gather [hbm4b:s1+s23], $0x80, s20, s23, $0xb8;
	[tilespmem:$0x1EC00] =	vst v63  }
0x3f4: {  	s8 =	sadd.s32 $0x460, s12  }
0x3f5: {  	[tilespmem:s16], [sflag:$0x1] =	stream.indirect.gather [hbm4b:s1+s23], $0x80, s8, s23, $0xb8;
	[tilespmem:$0x1EC00] =	vst v63  }
0x3f6: {  	_ =	swait.ge [sflag:s0], $0x1000  }
0x3f7: {  	[sflag:s0] =	ssyncset.done $0x0  }
0x3f8: {  	[sflag:s0] =	ssyncadd.s32 $0xFFFFF000  }
0x3f9: {  	_ =	swait.ge [sflag:s0], $0x1000  }
0x3fa: {  	[sflag:s0] =	ssyncset.done $0x0  }
0x3fb: {  	[sflag:s0] =	ssyncadd.s32 $0xFFFFF000  }
0x3fc: {  	_ =	swait.ge [sflag:s0], $0x1000  }
0x3fd: {  	[sflag:s0] =	ssyncset.done $0x0  }
0x3fe: {  	[sflag:s0] =	ssyncadd.s32 $0xFFFFF000  }
0x3ff: {  	_ =	swait.ge [sflag:s0], $0x1000  }
0x400: {  	[sflag:s0] =	ssyncset.done $0x0  }
0x401: {  	s11 =	rddreg [dreg:$0xa];
	[sflag:s0] =	ssyncadd.s32 $0xFFFFF000  }
0x402: {  	[spmem:s3] =	stream.indirect.scatter.add.f32 [tilespmem:s24], [sflag:$0x4], $0x80, s11, s15, $0xb8;
	[tilespmem:$0x1EC00] =	vst v63  }
0x403: {  	_ =	swait.ge [sflag:s5], $0x4000  }
0x404: {  	[sflag:s5] =	ssyncset.done $0x0  }
0x405: {  	[sflag:s5] =	ssyncadd.s32 $0xFFFFC000  }
0x406: {  	_ =	swait.ge [sflag:s6], $0x400  }
0x407: {  	p0 =	seq.s32 s10, $0x8000;
	[sflag:s6] =	ssyncset.done $0x0  }
0x408: {  	s7 =	simm.s32 @!p0 $0x0;
	s8 =	simm.s32 @!p0 $0x2800;
	[sflag:s6] =	ssyncadd.s32 $0xFFFFFC00  }
0x409: {  	[tilespmem:s8], [sflag:$0x5] =	stream.linear.gather @!p0 [hbm4b:s13+s7], $0x400, $0x38;
	[tilespmem:$0x1EC00] =	vst v63  }
0x40a: {  	s13 =	sadd.s32 $0x480, s12  }
0x40b: {  	[tilespmem:s24], [sflag:$0x2] =	stream.indirect.gather [hbm4b:s1+s23], $0x80, s13, s23, $0xb8;
	[tilespmem:$0x1EC00] =	vst v63  }
0x40c: {  	s14 =	sadd.s32 $0x4A0, s12  }
0x40d: {  	[tilespmem:s25], [sflag:$0x2] =	stream.indirect.gather [hbm4b:s1+s23], $0x80, s14, s23, $0xb8;
	[tilespmem:$0x1EC00] =	vst v63  }
0x40e: {  	s20 =	sadd.s32 $0x4C0, s12  }
0x40f: {  	[tilespmem:s26], [sflag:$0x2] =	stream.indirect.gather [hbm4b:s1+s23], $0x80, s20, s23, $0xb8;
	[tilespmem:$0x1EC00] =	vst v63  }
0x410: {  	s8 =	sadd.s32 $0x4E0, s12  }
0x411: {  	[tilespmem:s28], [sflag:$0x2] =	stream.indirect.gather [hbm4b:s1+s23], $0x80, s8, s23, $0xb8;
	[tilespmem:$0x1EC00] =	vst v63  }
0x412: {  	_ =	swait.ge [sflag:s29], $0x1000  }
0x413: {  	[sflag:s29] =	ssyncset.done $0x0  }
0x414: {  	[sflag:s29] =	ssyncadd.s32 $0xFFFFF000  }
0x415: {  	_ =	swait.ge [sflag:s29], $0x1000  }
0x416: {  	[sflag:s29] =	ssyncset.done $0x0  }
0x417: {  	[sflag:s29] =	ssyncadd.s32 $0xFFFFF000  }
0x418: {  	_ =	swait.ge [sflag:s29], $0x1000  }
0x419: {  	[sflag:s29] =	ssyncset.done $0x0  }
0x41a: {  	[sflag:s29] =	ssyncadd.s32 $0xFFFFF000  }
0x41b: {  	_ =	swait.ge [sflag:s29], $0x1000  }
0x41c: {  	[sflag:s29] =	ssyncset.done $0x0  }
0x41d: {  	[sflag:s29] =	ssyncadd.s32 $0xFFFFF000  }
0x41e: {  	[spmem:s3] =	stream.indirect.scatter.add.f32 [tilespmem:s18], [sflag:$0x3], $0x80, s22, s15, $0xb8;
	[tilespmem:$0x1EC00] =	vst v63  }
0x41f: {  	_ =	swait.ge [sflag:s30], $0x4000  }
0x420: {  	[sflag:s30] =	ssyncset.done $0x0  }
0x421: {  	s11 =	sadd.s32 $0x500, s12;
	[sflag:s30] =	ssyncadd.s32 $0xFFFFC000  }
0x422: {  	[tilespmem:s18], [sflag:$0x1] =	stream.indirect.gather [hbm4b:s1+s23], $0x80, s11, s23, $0xb8;
	[tilespmem:$0x1EC00] =	vst v63  }
0x423: {  	s13 =	sadd.s32 $0x520, s12  }
0x424: {  	[tilespmem:s31], [sflag:$0x1] =	stream.indirect.gather [hbm4b:s1+s23], $0x80, s13, s23, $0xb8;
	[tilespmem:$0x1EC00] =	vst v63  }
0x425: {  	s14 =	sadd.s32 $0x540, s12  }
0x426: {  	[tilespmem:s2], [sflag:$0x1] =	stream.indirect.gather [hbm4b:s1+s23], $0x80, s14, s23, $0xb8;
	[tilespmem:$0x1EC00] =	vst v63  }
0x427: {  	s20 =	sadd.s32 $0x560, s12  }
0x428: {  	[tilespmem:s16], [sflag:$0x1] =	stream.indirect.gather [hbm4b:s1+s23], $0x80, s20, s23, $0xb8;
	[tilespmem:$0x1EC00] =	vst v63  }
0x429: {  	_ =	swait.ge [sflag:s0], $0x1000  }
0x42a: {  	[sflag:s0] =	ssyncset.done $0x0  }
0x42b: {  	[sflag:s0] =	ssyncadd.s32 $0xFFFFF000  }
0x42c: {  	_ =	swait.ge [sflag:s0], $0x1000  }
0x42d: {  	[sflag:s0] =	ssyncset.done $0x0  }
0x42e: {  	[sflag:s0] =	ssyncadd.s32 $0xFFFFF000  }
0x42f: {  	_ =	swait.ge [sflag:s0], $0x1000  }
0x430: {  	[sflag:s0] =	ssyncset.done $0x0  }
0x431: {  	[sflag:s0] =	ssyncadd.s32 $0xFFFFF000  }
0x432: {  	_ =	swait.ge [sflag:s0], $0x1000  }
0x433: {  	[sflag:s0] =	ssyncset.done $0x0  }
0x434: {  	s8 =	rddreg [dreg:$0xb];
	[sflag:s0] =	ssyncadd.s32 $0xFFFFF000  }
0x435: {  	[spmem:s3] =	stream.indirect.scatter.add.f32 [tilespmem:s24], [sflag:$0x4], $0x80, s8, s15, $0xb8;
	[tilespmem:$0x1EC00] =	vst v63  }
0x436: {  	_ =	swait.ge [sflag:s5], $0x4000  }
0x437: {  	[sflag:s5] =	ssyncset.done $0x0  }
0x438: {  	s11 =	sadd.s32 $0x580, s12;
	[sflag:s5] =	ssyncadd.s32 $0xFFFFC000  }
0x439: {  	[tilespmem:s24], [sflag:$0x2] =	stream.indirect.gather [hbm4b:s1+s23], $0x80, s11, s23, $0xb8;
	[tilespmem:$0x1EC00] =	vst v63  }
0x43a: {  	s13 =	sadd.s32 $0x5A0, s12  }
0x43b: {  	[tilespmem:s25], [sflag:$0x2] =	stream.indirect.gather [hbm4b:s1+s23], $0x80, s13, s23, $0xb8;
	[tilespmem:$0x1EC00] =	vst v63  }
0x43c: {  	s14 =	sadd.s32 $0x5C0, s12  }
0x43d: {  	[tilespmem:s26], [sflag:$0x2] =	stream.indirect.gather [hbm4b:s1+s23], $0x80, s14, s23, $0xb8;
	[tilespmem:$0x1EC00] =	vst v63  }
0x43e: {  	s20 =	sadd.s32 $0x5E0, s12  }
0x43f: {  	[tilespmem:s28], [sflag:$0x2] =	stream.indirect.gather [hbm4b:s1+s23], $0x80, s20, s23, $0xb8;
	[tilespmem:$0x1EC00] =	vst v63  }
0x440: {  	_ =	swait.ge [sflag:s29], $0x1000  }
0x441: {  	[sflag:s29] =	ssyncset.done $0x0  }
0x442: {  	[sflag:s29] =	ssyncadd.s32 $0xFFFFF000  }
0x443: {  	_ =	swait.ge [sflag:s29], $0x1000  }
0x444: {  	[sflag:s29] =	ssyncset.done $0x0  }
0x445: {  	[sflag:s29] =	ssyncadd.s32 $0xFFFFF000  }
0x446: {  	_ =	swait.ge [sflag:s29], $0x1000  }
0x447: {  	[sflag:s29] =	ssyncset.done $0x0  }
0x448: {  	[sflag:s29] =	ssyncadd.s32 $0xFFFFF000  }
0x449: {  	_ =	swait.ge [sflag:s29], $0x1000  }
0x44a: {  	[sflag:s29] =	ssyncset.done $0x0  }
0x44b: {  	s8 =	rddreg [dreg:$0xc];
	[sflag:s29] =	ssyncadd.s32 $0xFFFFF000  }
0x44c: {  	[spmem:s3] =	stream.indirect.scatter.add.f32 [tilespmem:s18], [sflag:$0x3], $0x80, s8, s15, $0xb8;
	[tilespmem:$0x1EC00] =	vst v63  }
0x44d: {  	_ =	swait.ge [sflag:s30], $0x4000  }
0x44e: {  	[sflag:s30] =	ssyncset.done $0x0  }
0x44f: {  	s11 =	sadd.s32 $0x600, s12;
	[sflag:s30] =	ssyncadd.s32 $0xFFFFC000  }
0x450: {  	[tilespmem:s18], [sflag:$0x1] =	stream.indirect.gather [hbm4b:s1+s23], $0x80, s11, s23, $0xb8;
	[tilespmem:$0x1EC00] =	vst v63  }
0x451: {  	s13 =	sadd.s32 $0x620, s12  }
0x452: {  	[tilespmem:s31], [sflag:$0x1] =	stream.indirect.gather [hbm4b:s1+s23], $0x80, s13, s23, $0xb8;
	[tilespmem:$0x1EC00] =	vst v63  }
0x453: {  	s14 =	sadd.s32 $0x640, s12  }
0x454: {  	[tilespmem:s2], [sflag:$0x1] =	stream.indirect.gather [hbm4b:s1+s23], $0x80, s14, s23, $0xb8;
	[tilespmem:$0x1EC00] =	vst v63  }
0x455: {  	s20 =	sadd.s32 $0x660, s12  }
0x456: {  	[tilespmem:s16], [sflag:$0x1] =	stream.indirect.gather [hbm4b:s1+s23], $0x80, s20, s23, $0xb8;
	[tilespmem:$0x1EC00] =	vst v63  }
0x457: {  	_ =	swait.ge [sflag:s0], $0x1000  }
0x458: {  	[sflag:s0] =	ssyncset.done $0x0  }
0x459: {  	[sflag:s0] =	ssyncadd.s32 $0xFFFFF000  }
0x45a: {  	_ =	swait.ge [sflag:s0], $0x1000  }
0x45b: {  	[sflag:s0] =	ssyncset.done $0x0  }
0x45c: {  	[sflag:s0] =	ssyncadd.s32 $0xFFFFF000  }
0x45d: {  	_ =	swait.ge [sflag:s0], $0x1000  }
0x45e: {  	[sflag:s0] =	ssyncset.done $0x0  }
0x45f: {  	[sflag:s0] =	ssyncadd.s32 $0xFFFFF000  }
0x460: {  	_ =	swait.ge [sflag:s0], $0x1000  }
0x461: {  	[sflag:s0] =	ssyncset.done $0x0  }
0x462: {  	s8 =	rddreg [dreg:$0xd];
	[sflag:s0] =	ssyncadd.s32 $0xFFFFF000  }
0x463: {  	[spmem:s3] =	stream.indirect.scatter.add.f32 [tilespmem:s24], [sflag:$0x4], $0x80, s8, s15, $0xb8;
	[tilespmem:$0x1EC00] =	vst v63  }
0x464: {  	_ =	swait.ge [sflag:s5], $0x4000  }
0x465: {  	[sflag:s5] =	ssyncset.done $0x0  }
0x466: {  	s11 =	sadd.s32 $0x680, s12;
	[sflag:s5] =	ssyncadd.s32 $0xFFFFC000  }
0x467: {  	[tilespmem:s24], [sflag:$0x2] =	stream.indirect.gather [hbm4b:s1+s23], $0x80, s11, s23, $0xb8;
	[tilespmem:$0x1EC00] =	vst v63  }
0x468: {  	s13 =	sadd.s32 $0x6A0, s12  }
0x469: {  	[tilespmem:s25], [sflag:$0x2] =	stream.indirect.gather [hbm4b:s1+s23], $0x80, s13, s23, $0xb8;
	[tilespmem:$0x1EC00] =	vst v63  }
0x46a: {  	s14 =	sadd.s32 $0x6C0, s12  }
0x46b: {  	[tilespmem:s26], [sflag:$0x2] =	stream.indirect.gather [hbm4b:s1+s23], $0x80, s14, s23, $0xb8;
	[tilespmem:$0x1EC00] =	vst v63  }
0x46c: {  	s20 =	sadd.s32 $0x6E0, s12  }
0x46d: {  	[tilespmem:s28], [sflag:$0x2] =	stream.indirect.gather [hbm4b:s1+s23], $0x80, s20, s23, $0xb8;
	[tilespmem:$0x1EC00] =	vst v63  }
0x46e: {  	_ =	swait.ge [sflag:s29], $0x1000  }
0x46f: {  	[sflag:s29] =	ssyncset.done $0x0  }
0x470: {  	[sflag:s29] =	ssyncadd.s32 $0xFFFFF000  }
0x471: {  	_ =	swait.ge [sflag:s29], $0x1000  }
0x472: {  	[sflag:s29] =	ssyncset.done $0x0  }
0x473: {  	[sflag:s29] =	ssyncadd.s32 $0xFFFFF000  }
0x474: {  	_ =	swait.ge [sflag:s29], $0x1000  }
0x475: {  	[sflag:s29] =	ssyncset.done $0x0  }
0x476: {  	[sflag:s29] =	ssyncadd.s32 $0xFFFFF000  }
0x477: {  	_ =	swait.ge [sflag:s29], $0x1000  }
0x478: {  	[sflag:s29] =	ssyncset.done $0x0  }
0x479: {  	s8 =	rddreg [dreg:$0xe];
	[sflag:s29] =	ssyncadd.s32 $0xFFFFF000  }
0x47a: {  	[spmem:s3] =	stream.indirect.scatter.add.f32 [tilespmem:s18], [sflag:$0x3], $0x80, s8, s15, $0xb8;
	[tilespmem:$0x1EC00] =	vst v63  }
0x47b: {  	_ =	swait.ge [sflag:s30], $0x4000  }
0x47c: {  	[sflag:s30] =	ssyncset.done $0x0  }
0x47d: {  	s11 =	sadd.s32 $0x700, s12;
	[sflag:s30] =	ssyncadd.s32 $0xFFFFC000  }
0x47e: {  	[tilespmem:s18], [sflag:$0x1] =	stream.indirect.gather [hbm4b:s1+s23], $0x80, s11, s23, $0xb8;
	[tilespmem:$0x1EC00] =	vst v63  }
0x47f: {  	s13 =	sadd.s32 $0x720, s12  }
0x480: {  	[tilespmem:s31], [sflag:$0x1] =	stream.indirect.gather [hbm4b:s1+s23], $0x80, s13, s23, $0xb8;
	[tilespmem:$0x1EC00] =	vst v63  }
0x481: {  	s14 =	sadd.s32 $0x740, s12  }
0x482: {  	[tilespmem:s2], [sflag:$0x1] =	stream.indirect.gather [hbm4b:s1+s23], $0x80, s14, s23, $0xb8;
	[tilespmem:$0x1EC00] =	vst v63  }
0x483: {  	s20 =	sadd.s32 $0x760, s12  }
0x484: {  	[tilespmem:s16], [sflag:$0x1] =	stream.indirect.gather [hbm4b:s1+s23], $0x80, s20, s23, $0xb8;
	[tilespmem:$0x1EC00] =	vst v63  }
0x485: {  	_ =	swait.ge [sflag:s0], $0x1000  }
0x486: {  	[sflag:s0] =	ssyncset.done $0x0  }
0x487: {  	[sflag:s0] =	ssyncadd.s32 $0xFFFFF000  }
0x488: {  	_ =	swait.ge [sflag:s0], $0x1000  }
0x489: {  	[sflag:s0] =	ssyncset.done $0x0  }
0x48a: {  	[sflag:s0] =	ssyncadd.s32 $0xFFFFF000  }
0x48b: {  	_ =	swait.ge [sflag:s0], $0x1000  }
0x48c: {  	[sflag:s0] =	ssyncset.done $0x0  }
0x48d: {  	[sflag:s0] =	ssyncadd.s32 $0xFFFFF000  }
0x48e: {  	_ =	swait.ge [sflag:s0], $0x1000  }
0x48f: {  	[sflag:s0] =	ssyncset.done $0x0  }
0x490: {  	s8 =	rddreg [dreg:$0xf];
	[sflag:s0] =	ssyncadd.s32 $0xFFFFF000  }
0x491: {  	[spmem:s3] =	stream.indirect.scatter.add.f32 [tilespmem:s24], [sflag:$0x4], $0x80, s8, s15, $0xb8;
	[tilespmem:$0x1EC00] =	vst v63  }
0x492: {  	_ =	swait.ge [sflag:s5], $0x4000  }
0x493: {  	[sflag:s5] =	ssyncset.done $0x0  }
0x494: {  	s11 =	sadd.s32 $0x780, s12;
	[sflag:s5] =	ssyncadd.s32 $0xFFFFC000  }
0x495: {  	[tilespmem:s24], [sflag:$0x2] =	stream.indirect.gather [hbm4b:s1+s23], $0x80, s11, s23, $0xb8;
	[tilespmem:$0x1EC00] =	vst v63  }
0x496: {  	s13 =	sadd.s32 $0x7A0, s12  }
0x497: {  	[tilespmem:s25], [sflag:$0x2] =	stream.indirect.gather [hbm4b:s1+s23], $0x80, s13, s23, $0xb8;
	[tilespmem:$0x1EC00] =	vst v63  }
0x498: {  	s14 =	sadd.s32 $0x7C0, s12  }
0x499: {  	[tilespmem:s26], [sflag:$0x2] =	stream.indirect.gather [hbm4b:s1+s23], $0x80, s14, s23, $0xb8;
	[tilespmem:$0x1EC00] =	vst v63  }
0x49a: {  	s20 =	sadd.s32 $0x7E0, s12  }
0x49b: {  	[tilespmem:s28], [sflag:$0x2] =	stream.indirect.gather [hbm4b:s1+s23], $0x80, s20, s23, $0xb8;
	[tilespmem:$0x1EC00] =	vst v63  }
0x49c: {  	_ =	swait.ge [sflag:s29], $0x1000  }
0x49d: {  	[sflag:s29] =	ssyncset.done $0x0  }
0x49e: {  	[sflag:s29] =	ssyncadd.s32 $0xFFFFF000  }
0x49f: {  	_ =	swait.ge [sflag:s29], $0x1000  }
0x4a0: {  	[sflag:s29] =	ssyncset.done $0x0  }
0x4a1: {  	[sflag:s29] =	ssyncadd.s32 $0xFFFFF000  }
0x4a2: {  	_ =	swait.ge [sflag:s29], $0x1000  }
0x4a3: {  	[sflag:s29] =	ssyncset.done $0x0  }
0x4a4: {  	[sflag:s29] =	ssyncadd.s32 $0xFFFFF000  }
0x4a5: {  	_ =	swait.ge [sflag:s29], $0x1000  }
0x4a6: {  	[sflag:s29] =	ssyncset.done $0x0  }
0x4a7: {  	s8 =	rddreg [dreg:$0x10];
	[sflag:s29] =	ssyncadd.s32 $0xFFFFF000  }
0x4a8: {  	[spmem:s3] =	stream.indirect.scatter.add.f32 [tilespmem:s18], [sflag:$0x3], $0x80, s8, s15, $0xb8;
	[tilespmem:$0x1EC00] =	vst v63  }
0x4a9: {  	p0 =	sgt.u32 s9, $0x8;
	_ =	swait.ge [sflag:s30], $0x4000  }
0x4aa: {  	s7 =	sshra.s32 @!p0 s10, $0x2;
	s10 =	simm.s32 @!p0 $0x20;
	[sflag:s30] =	ssyncset.done $0x0  }
0x4ab: {  	s9 =	sadd.s32 @!p0 $0x800, s7;
	s8 =	simm.s32 @!p0 $0x3000;
	[sflag:s30] =	ssyncadd.s32 $0xFFFFC000  }
0x4ac: {  	[tilespmem:s8], [sflag:$0x1] =	stream.indirect.gather @!p0 [hbm4b:s1+s10], $0x80, s9, s10, $0xb8;
	[tilespmem:$0x1EC00] =	vst v63  }
0x4ad: {  	s8 =	sadd.s32 @!p0 $0x820, s7;
	s9 =	simm.s32 @!p0 $0x4000  }
0x4ae: {  	[tilespmem:s9], [sflag:$0x1] =	stream.indirect.gather @!p0 [hbm4b:s1+s10], $0x80, s8, s10, $0xb8;
	[tilespmem:$0x1EC00] =	vst v63  }
0x4af: {  	s8 =	sadd.s32 @!p0 $0x840, s7;
	s9 =	simm.s32 @!p0 $0x5000  }
0x4b0: {  	[tilespmem:s9], [sflag:$0x1] =	stream.indirect.gather @!p0 [hbm4b:s1+s10], $0x80, s8, s10, $0xb8;
	[tilespmem:$0x1EC00] =	vst v63  }
0x4b1: {  	s7 =	sadd.s32 @!p0 $0x860, s7;
	s8 =	simm.s32 @!p0 $0x6000  }
0x4b2: {  	[tilespmem:s8], [sflag:$0x1] =	stream.indirect.gather @!p0 [hbm4b:s1+s10], $0x80, s7, s10, $0xb8;
	[tilespmem:$0x1EC00] =	vst v63  }
0x4b3: {  	_ =	swait.ge [sflag:s0], $0x1000  }
0x4b4: {  	[sflag:s0] =	ssyncset.done $0x0  }
0x4b5: {  	[sflag:s0] =	ssyncadd.s32 $0xFFFFF000  }
0x4b6: {  	_ =	swait.ge [sflag:s0], $0x1000  }
0x4b7: {  	[sflag:s0] =	ssyncset.done $0x0  }
0x4b8: {  	[sflag:s0] =	ssyncadd.s32 $0xFFFFF000  }
0x4b9: {  	_ =	swait.ge [sflag:s0], $0x1000  }
0x4ba: {  	[sflag:s0] =	ssyncset.done $0x0  }
0x4bb: {  	[sflag:s0] =	ssyncadd.s32 $0xFFFFF000  }
0x4bc: {  	_ =	swait.ge [sflag:s0], $0x1000  }
0x4bd: {  	[sflag:s0] =	ssyncset.done $0x0  }
0x4be: {  	s10 =	rddreg [dreg:$0x11];
	[sflag:s0] =	ssyncadd.s32 $0xFFFFF000  }
0x4bf: {  	[spmem:s3] =	stream.indirect.scatter.add.f32 [tilespmem:s24], [sflag:$0x4], $0x80, s10, s15, $0xb8;
	[tilespmem:$0x1EC00] =	vst v63  }
0x4c0: {  	_ =	swait.ge [sflag:s5], $0x4000  }
0x4c1: {  	[sflag:s5] =	ssyncset.done $0x0  }
0x4c2: {  	[sflag:s5] =	ssyncadd.s32 $0xFFFFC000  }
0x4c3: {  	s11 =	stileid.u32;
	[bflag:$0x0] =	sbarrier.arrive $0xFFFF  }
0x4c4: {  	s7 =	sshll.u32 s11, $0x6;
	s11 =	rddreg [dreg:$0x14]  }
0x4c5: {  	s7 =	sor.u32 $0x1C08, s7;
	s13 =	rddreg [dreg:$0x19];
	s12 =	sshrl.u32 s11, $0x3  }
0x4c6: {  	[hbm:s13], [sflag:s7] =	dma.local [spmem:s12], $0x2780  }
0x4c7: {  	_ =	swait.ge [sflag:s19], $0x2780  }
0x4c8: {  	s14 =	rddreg [dreg:$0x1c]  }
0x4c9: {  	s20 =	rddreg [dreg:$0x1a];
	s8 =	sadd.s32 $0x1, s14  }
0x4ca: {  	p0 =	sne.s32 s8, s20  }
.Ltmp2:
0x4cb: {  	_ = 	snop;
	(pc) =	sbr.rel @p0 .LBB2_1-.Ltmp2, $3  }
0x4cc: {  	_ =	sdelay $0x1  }
0x4cd: {  	[sflag:s19] =	ssyncset.done $0x0  }
0x4ce: {  	[sflag:s19] =	ssyncadd.s32 $0xFFFFD880  }
0x4cf: {  	_ =	sfence.sel $0x180000  }
0x4d0: {  	[bflag:$0x0] =	sbarrier.arrive $0xFFFF  }
0x4d1: {  	_ =	strace $0x90000047  }
0x4d2: {  	s0 =	stileid.u32;
	[bflag:$0x2] =	sbarrier.arrive $0xFFFF  }
0x4d3: {  	p0 =	sne.s32 s0, $0x0;
	s0 =	rddreg [dreg:$0x3]  }
0x4d4: {  	s0 =	sadd.s32 @!p0 $0x100000, s0  }
0x4d5: {  	[sflag:s0] =	ssyncadd.tile.s32 @!p0 $0x1;
	_ =	shalt  }
.Lfunc_end2:
_tile_overlayer_lowered:
.L_overlay_start_2:
0x4d6: {  	(tag) =	ssettag $0x2  }
0x4d7: {  	s0 =	rddreg [dreg:$0x0];
	s2 =	stileid.u32  }
0x4d8: {  	s1 =	rddreg [dreg:$0x1];
	p0 =	sne.s32 s2, $0x0  }
0x4d9: {  	s3 =	rddreg [dreg:$0x2];
	[bflag:$0x3] =	sbarrier.arrive $0xFFFF;
	s2 =	simm.s32 @!p0 $0x1C08  }
0x4da: {  	[timem:s3], [sflag:s2] =	dma.local @!p0 [hbm:s0], s1  }
0x4db: {  	s0 =	simm.s32 @!p0 $0x8  }
0x4dc: {  	_ =	swait.ge @!p0 [sflag:s0], s1  }
0x4dd: {  	s1 =	ssub.s32 @!p0 $0x0, s1;
	[sflag:s0] =	ssyncset.done @!p0 $0x0  }
0x4de: {  	[sflag:s0] =	ssyncadd.s32 @!p0 s1  }
0x4df: {  	[bflag:$0x3] =	sbarrier.arrive $0xFFFF  }
0x4e0: {  	_ =	shalt  }

</sc_bundles>
